<compile_context>
chip_gen: v7x
topology: tpu7x:2x2x1
jax: 0.10.2.dev20260603
libtpu: 0.0.44.dev20260713+nightly
codegen_flags: <defaults>
</compile_context>

<pallas_src>
import functools

import jax
import jax.numpy as jnp
from jax import lax
from jax.experimental import pallas as pl
from jax.experimental.pallas import tpu as pltpu
from jax.experimental.pallas import tpu_sc as plsc

N = 10000
E = 320000
D = 128
H = 8
C = 16
DFF = 256
DE = 16
L = 2

ROWS = 1000
HP = jax.lax.Precision.HIGHEST

NC = 2
NS = 16
LANES = 16
HC = H // NC
CH = 32
EPS = E // NS
NCH = EPS // CH
RSTEP = 624
RWIN = 640
AW = 128
DNR = 640
GW = 16


def _ln(x, g, b):
    mu = jnp.mean(x, axis=-1, keepdims=True)
    var = jnp.mean((x - mu) ** 2, axis=-1, keepdims=True)
    return (x - mu) / jnp.sqrt(var + 1e-5) * g + b



def _proj_body(a_ref, b_ref, Wa_ref, ba_ref, Wb_ref, bb_ref, inp_ref, x0_ref):
    inp_ref[...] = jnp.dot(a_ref[...], Wa_ref[...],
                           preferred_element_type=jnp.float32,
                           precision=HP) + ba_ref[...]
    x0_ref[...] = jnp.dot(b_ref[...], Wb_ref[...],
                          preferred_element_type=jnp.float32,
                          precision=HP) + bb_ref[...]


def _proj(input, embedding, W_in, b_in, W_emb, b_emb):
    row = pl.BlockSpec((ROWS, D), lambda i: (i, 0))
    full = lambda s: pl.BlockSpec(s, lambda i: (0,) * len(s))
    return pl.pallas_call(
        _proj_body,
        grid=(N // ROWS,),
        in_specs=[row, row, full((D, D)), full((D,)), full((D, D)), full((D,))],
        out_specs=[row, row],
        out_shape=[jax.ShapeDtypeStruct((N, D), jnp.float32),
                   jax.ShapeDtypeStruct((N, D), jnp.float32)],
    )(input, embedding, W_in, b_in, W_emb, b_emb)



def _tables_body(x_ref, inp_ref, Wcat_ref, bcat_ref, y_ref, qq_ref, kv_ref):
    y = x_ref[...] + inp_ref[...]
    y_ref[...] = y
    T = jnp.dot(y, Wcat_ref[...], preferred_element_type=jnp.float32,
                precision=HP) + bcat_ref[...]
    qq_ref[0] = T[:, 0:128]
    qq_ref[1] = T[:, 128:256]
    kv_ref[0] = T[:, 256:384]
    kv_ref[1] = T[:, 384:512]


def _tables(x, inp, Wcat, bcat):
    row = pl.BlockSpec((ROWS, D), lambda i: (i, 0))
    out2 = pl.BlockSpec((2, ROWS, D), lambda i: (0, i, 0))
    full = lambda s: pl.BlockSpec(s, lambda i: (0,) * len(s))
    return pl.pallas_call(
        _tables_body,
        grid=(N // ROWS,),
        in_specs=[row, row, full((D, 4 * D)), full((4 * D,))],
        out_specs=[row, out2, out2],
        out_shape=[jax.ShapeDtypeStruct((N, D), jnp.float32),
                   jax.ShapeDtypeStruct((2, N, D), jnp.float32),
                   jax.ShapeDtypeStruct((2, N, D), jnp.float32)],
    )(x, inp, Wcat, bcat)



def _edge_body(qq_hbm, kv_hbm, src_hbm, dst_hbm, ea_hbm, out_hbm, den_hbm,
               dstb0, srcb0, qqib0, kvib0, dnib0,
               dstb1, srcb1, qqib1, kvib1, dnib1,
               eab0, eab1, qqr0, qqr1, kvr0, kvr1, sb2,
               acc, dacc, sq0, sk0, sq1, sk1, si0, si1):
    c = lax.axis_index("c")
    s = lax.axis_index("s")
    cN = (c * N).astype(jnp.int32)
    zv = jnp.zeros((LANES,), jnp.float32)
    lane = lax.iota(jnp.int32, LANES)
    i32 = jnp.int32

    dstbs = (dstb0, dstb1)
    srcbs = (srcb0, srcb1)
    qqibs = (qqib0, qqib1)
    kvibs = (kvib0, kvib1)
    dnibs = (dnib0, dnib1)
    eabs = (eab0, eab1)
    qqrs = (qqr0, qqr1)
    kvrs = (kvr0, kvr1)
    sqs = (sq0, sq1)
    sks = (sk0, sk1)
    sis = (si0, si1)

    def zrow(i, _):
        for j in range(AW // LANES):
            kvr0[i, pl.ds(j * LANES, LANES)] = zv
            sb2[i, pl.ds(j * LANES, LANES)] = zv
        return 0
    lax.fori_loop(0, CH, zrow, 0)
    rbase = s * RSTEP
    for t in range(RWIN // CH):
        pltpu.sync_copy(kvr0, acc.at[pl.ds(rbase + t * CH, CH)])
    dbase = s * (DNR // NS)
    pltpu.sync_copy(kvr0, dacc.at[pl.ds(dbase, CH)])
    pltpu.sync_copy(kvr0.at[pl.ds(0, DNR // NS - CH)],
                    dacc.at[pl.ds(dbase + CH, DNR // NS - CH)])
    plsc.subcore_barrier()

    ebase = s * EPS
    p1 = lane ^ 1
    p2 = lane ^ 2
    p4 = lane ^ 4
    p8 = lane ^ 8

    def stage_a(j, b):
        pass

    def stage_b(j, b):
        off = ebase + j * CH
        for t in range(CH // LANES):
            sl = pl.ds(t * LANES, LANES)
            qqibs[b][sl] = dstbs[b][sl] + cN
            kvibs[b][sl] = srcbs[b][sl] + cN
            dnibs[b][sl] = lax.shift_right_logical(dstbs[b][sl], 4)
        pass

    def stage_c(b):
        qqr, kvr, eab, db = qqrs[b], kvrs[b], eabs[b], dstbs[b]
        dgs = [db[pl.ds(g * LANES, LANES)] for g in range(CH // LANES)]

        @plsc.parallel_loop(0, 1, unroll=1)
        def edge(e):
            ea_v = eab[e, :]
            dv = dgs[0] if len(dgs) == 1 else jnp.where(e < LANES, *dgs)
            pos = jnp.broadcast_to(e & (LANES - 1), (LANES,))
            de_vec = jnp.take_along_axis(dv, pos, axis=0)
            par8 = (de_vec & 1) * 8
            slot = (lax.shift_right_logical(de_vec, 1) & 7) * LANES
            den = zv
            for h in range(HC):
                qv = qqr[e, pl.ds(h * LANES, LANES)]
                qev = qqr[e, pl.ds(64 + h * LANES, LANES)]
                kvv = kvr[e, pl.ds(h * LANES, LANES)]
                vv = kvr[e, pl.ds(64 + h * LANES, LANES)]
                t_ = qv * kvv + qev * ea_v
                t_ = t_ + jnp.take_along_axis(t_, p1, axis=0)
                t_ = t_ + jnp.take_along_axis(t_, p2, axis=0)
                t_ = t_ + jnp.take_along_axis(t_, p4, axis=0)
                t_ = t_ + jnp.take_along_axis(t_, p8, axis=0)
                s_vec = jnp.exp(t_)
                kvr[e, pl.ds(h * LANES, LANES)] = s_vec * vv
                kvr[e, pl.ds(64 + h * LANES, LANES)] = s_vec * ea_v
                den = jnp.where(lane == h + par8, s_vec, den)
            row = jnp.broadcast_to(e, (LANES,))
            plsc.store_scatter(sb2, [row, slot + lane], den)
        pass

        @plsc.parallel_loop(0, 1, unroll=1)
        def rezero(e):
            dv = dgs[0] if len(dgs) == 1 else jnp.where(e < LANES, *dgs)
            pos = jnp.broadcast_to(e & (LANES - 1), (LANES,))
            de_vec = jnp.take_along_axis(dv, pos, axis=0)
            slot = (lax.shift_right_logical(de_vec, 1) & 7) * LANES
            row = jnp.broadcast_to(e, (LANES,))
            plsc.store_scatter(sb2, [row, slot + lane], zv)

    stage_a(0, 0)
    stage_b(0, 0)
    stage_a(1, 1)

    def body(t, _):
        j0 = 2 * t
        j1 = 2 * t + 1

        @pl.when(j1 < NCH)
        def _():
            stage_b(j1, 1)
        stage_c(0)

        @pl.when(j1 + 1 < NCH)
        def _():
            stage_a(j1 + 1, 0)
            stage_b(j1 + 1, 0)

        @pl.when(j1 < NCH)
        def _():
            stage_c(1)

        @pl.when(j1 + 2 < NCH)
        def _():
            stage_a(j1 + 2, 1)
        return 0
    lax.fori_loop(0, (NCH + 1) // 2, body, 0)

    plsc.subcore_barrier()
    pltpu.sync_copy(acc.at[pl.ds(rbase, RWIN)],
                    out_hbm.at[c, pl.ds(rbase, RWIN)])
    pltpu.sync_copy(dacc.at[pl.ds(dbase, DNR // NS)],
                    den_hbm.at[c, pl.ds(dbase, DNR // NS)])


def _edge_phase(qq, kv, src, dst, edge_attr):
    mesh = plsc.VectorSubcoreMesh(core_axis_name="c", subcore_axis_name="s")
    idx = lambda: pltpu.VMEM((CH,), jnp.int32)
    f = functools.partial(
        pl.kernel,
        mesh=mesh,
        compiler_params=pltpu.CompilerParams(needs_layout_passes=False),
        out_type=[jax.ShapeDtypeStruct((2, N, AW), jnp.float32),
                  jax.ShapeDtypeStruct((2, DNR, AW), jnp.float32)],
        scratch_types=[
            idx(), idx(), idx(), idx(), idx(),
            idx(), idx(), idx(), idx(), idx(),
            pltpu.VMEM((CH, DE), jnp.float32),
            pltpu.VMEM((CH, DE), jnp.float32),
            pltpu.VMEM((CH, D), jnp.float32),
            pltpu.VMEM((CH, D), jnp.float32),
            pltpu.VMEM((CH, D), jnp.float32),
            pltpu.VMEM((CH, D), jnp.float32),
            pltpu.VMEM((CH, AW), jnp.float32),
            pltpu.VMEM_SHARED((N, AW), jnp.float32),
            pltpu.VMEM_SHARED((DNR, AW), jnp.float32),
            pltpu.SemaphoreType.DMA,
            pltpu.SemaphoreType.DMA,
            pltpu.SemaphoreType.DMA,
            pltpu.SemaphoreType.DMA,
            pltpu.SemaphoreType.DMA,
            pltpu.SemaphoreType.DMA,
        ],
    )(_edge_body)
    return f(qq, kv, src, dst, edge_attr)



def _post_body(acc_ref, den_ref, y_ref, Wz_ref, S_ref, bev_ref, Ws_ref, bs_ref,
               W1_ref, b1_ref, W2_ref, b2_ref, g1_ref, be1_ref, g2_ref,
               be2_ref, o_ref):
    acc0 = acc_ref[0]
    acc1 = acc_ref[1]
    outv = jnp.concatenate([acc0[:, 0:64], acc1[:, 0:64]], axis=1)
    z = jnp.concatenate([acc0[:, 64:128], acc1[:, 64:128]], axis=1)
    den_rep = jnp.dot(den_ref[...], S_ref[...],
                      preferred_element_type=jnp.float32, precision=HP)
    num = outv + jnp.dot(z, Wz_ref[...], preferred_element_type=jnp.float32,
                         precision=HP) + den_rep * bev_ref[...]
    attn = num / (den_rep + 1e-16)
    y = y_ref[...]
    x2 = attn + jnp.dot(y, Ws_ref[...], preferred_element_type=jnp.float32,
                        precision=HP) + bs_ref[...]
    xa = _ln(y + x2, g1_ref[...], be1_ref[...])
    hdn = jnp.maximum(
        jnp.dot(xa, W1_ref[...], preferred_element_type=jnp.float32,
                precision=HP) + b1_ref[...], 0.0)
    hdn = jnp.dot(hdn, W2_ref[...], preferred_element_type=jnp.float32,
                  precision=HP) + b2_ref[...]
    o_ref[...] = _ln(xa + hdn, g2_ref[...], be2_ref[...])


def _post(acc, den, y, Wz, S, bev, Ws_l, bs_l, W1_l, b1_l, W2_l, b2_l,
          g1_l, be1_l, g2_l, be2_l):
    row = pl.BlockSpec((ROWS, D), lambda i: (i, 0))
    den_spec = pl.BlockSpec((ROWS, H), lambda i: (i, 0))
    acc_spec = pl.BlockSpec((2, ROWS, AW), lambda i: (0, i, 0))
    full = lambda s: pl.BlockSpec(s, lambda i: (0,) * len(s))
    return pl.pallas_call(
        _post_body,
        grid=(N // ROWS,),
        in_specs=[acc_spec, den_spec, row, full((D, D)), full((H, D)),
                  full((D,)), full((D, D)), full((D,)), full((D, DFF)),
                  full((DFF,)), full((DFF, D)), full((D,)), full((D,)),
                  full((D,)), full((D,)), full((D,))],
        out_specs=row,
        out_shape=jax.ShapeDtypeStruct((N, D), jnp.float32),
    )(acc, den, y, Wz, S, bev, Ws_l, bs_l, W1_l, b1_l, W2_l, b2_l,
      g1_l, be1_l, g2_l, be2_l)



def _prep_layer(l, Wq, bq, Wk, bk, Wv, bv, We, be):
    Wq4 = (Wq[l] / 4.0).reshape(D, H, C)
    bq4 = (bq[l] / 4.0).reshape(H, C)
    Wer = We[l].reshape(DE, H, C)
    Wqe = jnp.einsum('ihc,dhc->ihd', Wq4, Wer, precision=HP)
    bqe = jnp.einsum('hc,dhc->hd', bq4, Wer, precision=HP)
    Wkr = Wk[l].reshape(D, H, C)
    Wvr = Wv[l].reshape(D, H, C)
    bkr = bk[l].reshape(H, C)
    bvr = bv[l].reshape(H, C)

    def cat(w4, b4):
        cols = []
        bs = []
        for c in range(NC):
            cols.append(w4[:, c * HC:(c + 1) * HC].reshape(D, HC * C))
            bs.append(b4[c * HC:(c + 1) * HC].reshape(HC * C))
        return cols, bs

    qc, qb = cat(Wq4, bq4)
    qec, qeb = cat(jnp.moveaxis(Wqe, 0, 0), bqe)
    kc, kb = cat(Wkr, bkr)
    vc, vb = cat(Wvr, bvr)
    Wcat = jnp.concatenate(
        [qc[0], qec[0], qc[1], qec[1], kc[0], vc[0], kc[1], vc[1]], axis=1)
    bcat = jnp.concatenate(
        [qb[0], qeb[0], qb[1], qeb[1], kb[0], vb[0], kb[1], vb[1]], axis=0)
    eye = jnp.eye(H, dtype=jnp.float32)
    Wz = jnp.einsum('dhc,hg->hdgc', Wer, eye).reshape(H * DE, H * C)
    return Wcat, bcat, Wz


def kernel(input, embedding, edge_attr, edge_index, W_in, b_in, W_emb, b_emb,
           Wq, bq, Wk, bk, Wv, bv, We, be, Ws, bs, W1, b1, W2, b2, g1, be1,
           g2, be2):
    S = jnp.repeat(jnp.eye(H, dtype=jnp.float32), C, axis=1)
    src = edge_index[0]
    dst = edge_index[1]
    inp, x = _proj(input, embedding, W_in, b_in, W_emb, b_emb)
    for l in range(L):
        Wcat, bcat, Wz = _prep_layer(l, Wq, bq, Wk, bk, Wv, bv, We, be)
        y, qq, kv = _tables(x, inp, Wcat, bcat)
        acc, den_raw = _edge_phase(qq.reshape(2 * N, D), kv.reshape(2 * N, D),
                                   src, dst, edge_attr)
        dp = den_raw[:, :N // 16].reshape(2, N // 16, 8, 2, 8)[..., :HC]
        den = dp.transpose(1, 2, 3, 0, 4).reshape(N, H)
        x = _post(acc, den, y, Wz, S, be[l], Ws[l], bs[l], W1[l], b1[l],
                  W2[l], b2[l], g1[l], be1[l], g2[l], be2[l])
    return x

# --- scband reference (transcript-rebuilt; emitter-appended) ---
"""Pipeline reference for scband-actor-59365037965882 (READ-ONLY COPY).

The authoritative reference and input builder live on the scoring server;
editing this copy changes nothing except your own understanding.
"""

import jax, jax.numpy as jnp
import numpy as np

N = 10000
E = 320000
D = 128
H = 8
C = 16
DFF = 256
DE = 16
L = 2


def setup_inputs(seed: int = 0) -> dict:
    key = jax.random.key(seed)
    ks = jax.random.split(key, 16)
    s = 0.05
    inp = {}
    inp["input"] = jax.random.normal(ks[0], (N, D), jnp.float32)
    inp["embedding"] = jax.random.normal(ks[1], (N, D), jnp.float32)
    inp["edge_attr"] = jax.random.normal(ks[2], (E, DE), jnp.float32)
    inp["edge_index"] = jax.random.randint(ks[3], (2, E), 0, N, dtype=jnp.int32)
    inp["W_in"] = jax.random.normal(ks[4], (D, D), jnp.float32) * s
    inp["b_in"] = jnp.zeros((D,), jnp.float32)
    inp["W_emb"] = jax.random.normal(ks[5], (D, D), jnp.float32) * s
    inp["b_emb"] = jnp.zeros((D,), jnp.float32)
    inp["Wq"] = jax.random.normal(ks[6], (L, D, H * C), jnp.float32) * s
    inp["bq"] = jnp.zeros((L, H * C), jnp.float32)
    inp["Wk"] = jax.random.normal(ks[7], (L, D, H * C), jnp.float32) * s
    inp["bk"] = jnp.zeros((L, H * C), jnp.float32)
    inp["Wv"] = jax.random.normal(ks[8], (L, D, H * C), jnp.float32) * s
    inp["bv"] = jnp.zeros((L, H * C), jnp.float32)
    inp["We"] = jax.random.normal(ks[9], (L, DE, H * C), jnp.float32) * s
    inp["be"] = jnp.zeros((L, H * C), jnp.float32)
    inp["Ws"] = jax.random.normal(ks[10], (L, D, H * C), jnp.float32) * s
    inp["bs"] = jnp.zeros((L, H * C), jnp.float32)
    inp["W1"] = jax.random.normal(ks[11], (L, D, DFF), jnp.float32) * s
    inp["b1"] = jnp.zeros((L, DFF), jnp.float32)
    inp["W2"] = jax.random.normal(ks[12], (L, DFF, D), jnp.float32) * s
    inp["b2"] = jnp.zeros((L, D), jnp.float32)
    inp["g1"] = jnp.ones((L, D), jnp.float32)
    inp["be1"] = jnp.zeros((L, D), jnp.float32)
    inp["g2"] = jnp.ones((L, D), jnp.float32)
    inp["be2"] = jnp.zeros((L, D), jnp.float32)
    return inp


def _layer_norm(x, g, b):
    mu = jnp.mean(x, axis=-1, keepdims=True)
    var = jnp.mean((x - mu) ** 2, axis=-1, keepdims=True)
    return (x - mu) / jnp.sqrt(var + 1e-5) * g + b


def _segment_softmax(alpha, seg, n):
    amax = jax.ops.segment_max(alpha, seg, num_segments=n)
    amax = jnp.where(jnp.isfinite(amax), amax, 0.0)
    ex = jnp.exp(alpha - amax[seg])
    den = jax.ops.segment_sum(ex, seg, num_segments=n)
    return ex / (den[seg] + 1e-16)


def reference(input, embedding, edge_attr, edge_index, W_in, b_in, W_emb, b_emb, Wq, bq, Wk, bk, Wv, bv, We, be, Ws, bs, W1, b1, W2, b2, g1, be1, g2, be2):
    src = edge_index[0]
    dst = edge_index[1]
    inp = input @ W_in + b_in
    x = embedding @ W_emb + b_emb
    for l in range(L):
        x = x + inp
        # TransformerConv (PyG semantics: x_j gathered from src, aggregated at dst)
        q = (x @ Wq[l] + bq[l]).reshape(N, H, C)
        k = (x @ Wk[l] + bk[l]).reshape(N, H, C)
        v = (x @ Wv[l] + bv[l]).reshape(N, H, C)
        eemb = (edge_attr @ We[l] + be[l]).reshape(E, H, C)
        kj = k[src] + eemb
        vj = v[src] + eemb
        alpha = jnp.sum(q[dst] * kj, axis=-1) / jnp.sqrt(float(C))
        alpha = _segment_softmax(alpha, dst, N)
        out = jax.ops.segment_sum(vj * alpha[:, :, None], dst, num_segments=N).reshape(N, H * C)
        x2 = out + x @ Ws[l] + bs[l]
        x = _layer_norm(x + x2, g1[l], be1[l])
        h = jax.nn.relu(x @ W1[l] + b1[l]) @ W2[l] + b2[l]
        x = _layer_norm(x + h, g2[l], be2[l])
    return x

if __name__ == "__main__":
    import jax
    _d = setup_inputs()
    print(jax.jit(kernel)(*tuple(_d.values())))

</pallas_src>

<mosaic_0001>
#map = affine_map<(d0, d1) -> (0, 0)>
#map1 = affine_map<(d0, d1) -> (0)>
#map2 = affine_map<(d0, d1) -> (0, 0, 0)>
module attributes {stable_mosaic.version = 14 : i64} {
  func.func @_edge_body(%arg0: i32, %arg1: i32, %arg2: memref<20000x128xf32, #tpu.memory_space<hbm>>, %arg3: memref<20000x128xf32, #tpu.memory_space<hbm>>, %arg4: memref<320000xi32, #tpu.memory_space<hbm>>, %arg5: memref<320000xi32, #tpu.memory_space<hbm>>, %arg6: memref<320000x16xf32, #tpu.memory_space<hbm>>, %arg7: memref<2x10000x128xf32, #tpu.memory_space<hbm>>, %arg8: memref<2x640x128xf32, #tpu.memory_space<hbm>>, %arg9: memref<32xi32, #tpu.memory_space<vmem>>, %arg10: memref<32xi32, #tpu.memory_space<vmem>>, %arg11: memref<32xi32, #tpu.memory_space<vmem>>, %arg12: memref<32xi32, #tpu.memory_space<vmem>>, %arg13: memref<32xi32, #tpu.memory_space<vmem>>, %arg14: memref<32xi32, #tpu.memory_space<vmem>>, %arg15: memref<32xi32, #tpu.memory_space<vmem>>, %arg16: memref<32xi32, #tpu.memory_space<vmem>>, %arg17: memref<32xi32, #tpu.memory_space<vmem>>, %arg18: memref<32xi32, #tpu.memory_space<vmem>>, %arg19: memref<32x16xf32, #tpu.memory_space<vmem>>, %arg20: memref<32x16xf32, #tpu.memory_space<vmem>>, %arg21: memref<32x128xf32, #tpu.memory_space<vmem>>, %arg22: memref<32x128xf32, #tpu.memory_space<vmem>>, %arg23: memref<32x128xf32, #tpu.memory_space<vmem>>, %arg24: memref<32x128xf32, #tpu.memory_space<vmem>>, %arg25: memref<32x128xf32, #tpu.memory_space<vmem>>, %arg26: memref<10000x128xf32, #tpu.memory_space<vmem_shared>>, %arg27: memref<640x128xf32, #tpu.memory_space<vmem_shared>>, %arg28: memref<!tpu.dma_semaphore, #tpu.memory_space<semaphore_mem>>, %arg29: memref<!tpu.dma_semaphore, #tpu.memory_space<semaphore_mem>>, %arg30: memref<!tpu.dma_semaphore, #tpu.memory_space<semaphore_mem>>, %arg31: memref<!tpu.dma_semaphore, #tpu.memory_space<semaphore_mem>>, %arg32: memref<!tpu.dma_semaphore, #tpu.memory_space<semaphore_mem>>, %arg33: memref<!tpu.dma_semaphore, #tpu.memory_space<semaphore_mem>>) attributes {dimension_semantics = [#tpu.dimension_semantics<core_parallel>, #tpu.dimension_semantics<subcore_parallel>], iteration_bounds = array<i64: 2, 16>, scalar_prefetch = 0 : i64, scratch_operands = 25 : i64, tpu.core_type = #tpu.core_type<sc_vector_subcore>, window_params = [{transform_indices = #map}, {transform_indices = #map}, {transform_indices = #map1}, {transform_indices = #map1}, {transform_indices = #map}, {transform_indices = #map2}, {transform_indices = #map2}]} {
    %mul3A = arith.constant 10000 : i32
    %mul3A_0 = arith.muli %arg0, %mul3A : i32
    %broadcast_in_dim3A = arith.constant 0.000000e+00 : f32
    %broadcast_in_dim3A_1 = vector.broadcast %broadcast_in_dim3A : f32 to vector<16xf32>
    %iota3A = tpu.iota {dimensions = array<i32: 0>} : vector<16xi32>
    %scan3A = arith.constant 0 : i32
    %scan3A_2 = arith.constant 0 : i32
    %scan3A_3 = arith.constant 32 : i32
    %scan3A_4 = arith.addi %scan3A_2, %scan3A_3 : i32
    %scan3A_5 = arith.constant 1 : i32
    %scan3A_6 = scf.for %scan3A_111 = %scan3A_2 to %scan3A_4 step %scan3A_5 iter_args(%scan3A_112 = %scan3A) -> (i32)  : i32 {
      %swap3A_113 = arith.index_cast %scan3A_111 : i32 to index
      %swap3A_114 = arith.constant 0 : index
      %swap3A_115 = tpu.vector_load %arg23[%swap3A_113, %swap3A_114] {strides = array<i32>} : memref<32x128xf32, #tpu.memory_space<vmem>>, vector<16xf32>,
      tpu.vector_store %arg23[%swap3A_113, %swap3A_114], %broadcast_in_dim3A_1 {strides = array<i32>} : memref<32x128xf32, #tpu.memory_space<vmem>>, vector<16xf32>,
      %swap3A_116 = arith.index_cast %scan3A_111 : i32 to index
      %swap3A_117 = arith.constant 0 : index
      %swap3A_118 = tpu.vector_load %arg25[%swap3A_116, %swap3A_117] {strides = array<i32>} : memref<32x128xf32, #tpu.memory_space<vmem>>, vector<16xf32>,
      tpu.vector_store %arg25[%swap3A_116, %swap3A_117], %broadcast_in_dim3A_1 {strides = array<i32>} : memref<32x128xf32, #tpu.memory_space<vmem>>, vector<16xf32>,
      %swap3A_119 = arith.index_cast %scan3A_111 : i32 to index
      %swap3A_120 = arith.constant 16 : index
      %swap3A_121 = tpu.vector_load %arg23[%swap3A_119, %swap3A_120] {strides = array<i32>} : memref<32x128xf32, #tpu.memory_space<vmem>>, vector<16xf32>,
      tpu.vector_store %arg23[%swap3A_119, %swap3A_120], %broadcast_in_dim3A_1 {strides = array<i32>} : memref<32x128xf32, #tpu.memory_space<vmem>>, vector<16xf32>,
      %swap3A_122 = arith.index_cast %scan3A_111 : i32 to index
      %swap3A_123 = arith.constant 16 : index
      %swap3A_124 = tpu.vector_load %arg25[%swap3A_122, %swap3A_123] {strides = array<i32>} : memref<32x128xf32, #tpu.memory_space<vmem>>, vector<16xf32>,
      tpu.vector_store %arg25[%swap3A_122, %swap3A_123], %broadcast_in_dim3A_1 {strides = array<i32>} : memref<32x128xf32, #tpu.memory_space<vmem>>, vector<16xf32>,
      %swap3A_125 = arith.index_cast %scan3A_111 : i32 to index
      %swap3A_126 = arith.constant 32 : index
      %swap3A_127 = tpu.vector_load %arg23[%swap3A_125, %swap3A_126] {strides = array<i32>} : memref<32x128xf32, #tpu.memory_space<vmem>>, vector<16xf32>,
      tpu.vector_store %arg23[%swap3A_125, %swap3A_126], %broadcast_in_dim3A_1 {strides = array<i32>} : memref<32x128xf32, #tpu.memory_space<vmem>>, vector<16xf32>,
      %swap3A_128 = arith.index_cast %scan3A_111 : i32 to index
      %swap3A_129 = arith.constant 32 : index
      %swap3A_130 = tpu.vector_load %arg25[%swap3A_128, %swap3A_129] {strides = array<i32>} : memref<32x128xf32, #tpu.memory_space<vmem>>, vector<16xf32>,
      tpu.vector_store %arg25[%swap3A_128, %swap3A_129], %broadcast_in_dim3A_1 {strides = array<i32>} : memref<32x128xf32, #tpu.memory_space<vmem>>, vector<16xf32>,
      %swap3A_131 = arith.index_cast %scan3A_111 : i32 to index
      %swap3A_132 = arith.constant 48 : index
      %swap3A_133 = tpu.vector_load %arg23[%swap3A_131, %swap3A_132] {strides = array<i32>} : memref<32x128xf32, #tpu.memory_space<vmem>>, vector<16xf32>,
      tpu.vector_store %arg23[%swap3A_131, %swap3A_132], %broadcast_in_dim3A_1 {strides = array<i32>} : memref<32x128xf32, #tpu.memory_space<vmem>>, vector<16xf32>,
      %swap3A_134 = arith.index_cast %scan3A_111 : i32 to index
      %swap3A_135 = arith.constant 48 : index
      %swap3A_136 = tpu.vector_load %arg25[%swap3A_134, %swap3A_135] {strides = array<i32>} : memref<32x128xf32, #tpu.memory_space<vmem>>, vector<16xf32>,
      tpu.vector_store %arg25[%swap3A_134, %swap3A_135], %broadcast_in_dim3A_1 {strides = array<i32>} : memref<32x128xf32, #tpu.memory_space<vmem>>, vector<16xf32>,
      %swap3A_137 = arith.index_cast %scan3A_111 : i32 to index
      %swap3A_138 = arith.constant 64 : index
      %swap3A_139 = tpu.vector_load %arg23[%swap3A_137, %swap3A_138] {strides = array<i32>} : memref<32x128xf32, #tpu.memory_space<vmem>>, vector<16xf32>,
      tpu.vector_store %arg23[%swap3A_137, %swap3A_138], %broadcast_in_dim3A_1 {strides = array<i32>} : memref<32x128xf32, #tpu.memory_space<vmem>>, vector<16xf32>,
      %swap3A_140 = arith.index_cast %scan3A_111 : i32 to index
      %swap3A_141 = arith.constant 64 : index
      %swap3A_142 = tpu.vector_load %arg25[%swap3A_140, %swap3A_141] {strides = array<i32>} : memref<32x128xf32, #tpu.memory_space<vmem>>, vector<16xf32>,
      tpu.vector_store %arg25[%swap3A_140, %swap3A_141], %broadcast_in_dim3A_1 {strides = array<i32>} : memref<32x128xf32, #tpu.memory_space<vmem>>, vector<16xf32>,
      %swap3A_143 = arith.index_cast %scan3A_111 : i32 to index
      %swap3A_144 = arith.constant 80 : index
      %swap3A_145 = tpu.vector_load %arg23[%swap3A_143, %swap3A_144] {strides = array<i32>} : memref<32x128xf32, #tpu.memory_space<vmem>>, vector<16xf32>,
      tpu.vector_store %arg23[%swap3A_143, %swap3A_144], %broadcast_in_dim3A_1 {strides = array<i32>} : memref<32x128xf32, #tpu.memory_space<vmem>>, vector<16xf32>,
      %swap3A_146 = arith.index_cast %scan3A_111 : i32 to index
      %swap3A_147 = arith.constant 80 : index
      %swap3A_148 = tpu.vector_load %arg25[%swap3A_146, %swap3A_147] {strides = array<i32>} : memref<32x128xf32, #tpu.memory_space<vmem>>, vector<16xf32>,
      tpu.vector_store %arg25[%swap3A_146, %swap3A_147], %broadcast_in_dim3A_1 {strides = array<i32>} : memref<32x128xf32, #tpu.memory_space<vmem>>, vector<16xf32>,
      %swap3A_149 = arith.index_cast %scan3A_111 : i32 to index
      %swap3A_150 = arith.constant 96 : index
      %swap3A_151 = tpu.vector_load %arg23[%swap3A_149, %swap3A_150] {strides = array<i32>} : memref<32x128xf32, #tpu.memory_space<vmem>>, vector<16xf32>,
      tpu.vector_store %arg23[%swap3A_149, %swap3A_150], %broadcast_in_dim3A_1 {strides = array<i32>} : memref<32x128xf32, #tpu.memory_space<vmem>>, vector<16xf32>,
      %swap3A_152 = arith.index_cast %scan3A_111 : i32 to index
      %swap3A_153 = arith.constant 96 : index
      %swap3A_154 = tpu.vector_load %arg25[%swap3A_152, %swap3A_153] {strides = array<i32>} : memref<32x128xf32, #tpu.memory_space<vmem>>, vector<16xf32>,
      tpu.vector_store %arg25[%swap3A_152, %swap3A_153], %broadcast_in_dim3A_1 {strides = array<i32>} : memref<32x128xf32, #tpu.memory_space<vmem>>, vector<16xf32>,
      %swap3A_155 = arith.index_cast %scan3A_111 : i32 to index
      %swap3A_156 = arith.constant 112 : index
      %swap3A_157 = tpu.vector_load %arg23[%swap3A_155, %swap3A_156] {strides = array<i32>} : memref<32x128xf32, #tpu.memory_space<vmem>>, vector<16xf32>,
      tpu.vector_store %arg23[%swap3A_155, %swap3A_156], %broadcast_in_dim3A_1 {strides = array<i32>} : memref<32x128xf32, #tpu.memory_space<vmem>>, vector<16xf32>,
      %swap3A_158 = arith.index_cast %scan3A_111 : i32 to index
      %swap3A_159 = arith.constant 112 : index
      %swap3A_160 = tpu.vector_load %arg25[%swap3A_158, %swap3A_159] {strides = array<i32>} : memref<32x128xf32, #tpu.memory_space<vmem>>, vector<16xf32>,
      tpu.vector_store %arg25[%swap3A_158, %swap3A_159], %broadcast_in_dim3A_1 {strides = array<i32>} : memref<32x128xf32, #tpu.memory_space<vmem>>, vector<16xf32>,
      %scan3A_161 = arith.constant 0 : i32
      scf.yield %scan3A_161 : i32
    }
    %scan3A_7 = arith.constant 32 : i32
    %mul3A_8 = arith.constant 624 : i32
    %mul3A_9 = arith.muli %arg1, %mul3A_8 : i32
    %add3A = arith.constant 0 : i32
    %add3A_10 = arith.addi %mul3A_9, %add3A : i32
    "tpu.region"() ({
      %run_scoped3A = tpu.sem_alloc : memref<!tpu.dma_semaphore, #tpu.memory_space<semaphore_mem>>
      %dma_start3A = arith.constant 0 : i32
      %dma_start3A_111 = tpu.memref_slice %arg26[%add3A_10, %dma_start3A] : memref<10000x128xf32, #tpu.memory_space<vmem_shared>> -> memref<32x128xf32, #tpu.memory_space<vmem_shared>>
      %dma_start3A_112 = arith.constant 0 : i32
      %dma_start3A_113 = tpu.memref_slice %arg26[%add3A_10, %dma_start3A_112] : memref<10000x128xf32, #tpu.memory_space<vmem_shared>> -> memref<32x128xf32, #tpu.memory_space<vmem_shared>>
      tpu.enqueue_dma source(%arg23 : memref<32x128xf32, #tpu.memory_space<vmem>>) target(%dma_start3A_113 : memref<32x128xf32, #tpu.memory_space<vmem_shared>>) target_semaphore(%run_scoped3A : memref<!tpu.dma_semaphore, #tpu.memory_space<semaphore_mem>>)
      %dma_wait3A = arith.constant 0 : i32
      %dma_wait3A_114 = tpu.memref_slice %arg26[%add3A_10, %dma_wait3A] : memref<10000x128xf32, #tpu.memory_space<vmem_shared>> -> memref<32x128xf32, #tpu.memory_space<vmem_shared>>
      %dma_wait3A_115 = arith.constant 0 : i32
      %dma_wait3A_116 = tpu.memref_slice %arg26[%add3A_10, %dma_wait3A_115] : memref<10000x128xf32, #tpu.memory_space<vmem_shared>> -> memref<32x128xf32, #tpu.memory_space<vmem_shared>>
      tpu.wait_dma2 semaphore(%run_scoped3A : memref<!tpu.dma_semaphore, #tpu.memory_space<semaphore_mem>>) src(%arg23 : memref<32x128xf32, #tpu.memory_space<vmem>>) dst(%dma_wait3A_116 : memref<32x128xf32, #tpu.memory_space<vmem_shared>>)
      tpu.yield
    }) : () -> ()
    %add3A_11 = arith.constant 32 : i32
    %add3A_12 = arith.addi %mul3A_9, %add3A_11 : i32
    "tpu.region"() ({
      %run_scoped3A = tpu.sem_alloc : memref<!tpu.dma_semaphore, #tpu.memory_space<semaphore_mem>>
      %dma_start3A = arith.constant 0 : i32
      %dma_start3A_111 = tpu.memref_slice %arg26[%add3A_12, %dma_start3A] : memref<10000x128xf32, #tpu.memory_space<vmem_shared>> -> memref<32x128xf32, #tpu.memory_space<vmem_shared>>
      %dma_start3A_112 = arith.constant 0 : i32
      %dma_start3A_113 = tpu.memref_slice %arg26[%add3A_12, %dma_start3A_112] : memref<10000x128xf32, #tpu.memory_space<vmem_shared>> -> memref<32x128xf32, #tpu.memory_space<vmem_shared>>
      tpu.enqueue_dma source(%arg23 : memref<32x128xf32, #tpu.memory_space<vmem>>) target(%dma_start3A_113 : memref<32x128xf32, #tpu.memory_space<vmem_shared>>) target_semaphore(%run_scoped3A : memref<!tpu.dma_semaphore, #tpu.memory_space<semaphore_mem>>)
      %dma_wait3A = arith.constant 0 : i32
      %dma_wait3A_114 = tpu.memref_slice %arg26[%add3A_12, %dma_wait3A] : memref<10000x128xf32, #tpu.memory_space<vmem_shared>> -> memref<32x128xf32, #tpu.memory_space<vmem_shared>>
      %dma_wait3A_115 = arith.constant 0 : i32
      %dma_wait3A_116 = tpu.memref_slice %arg26[%add3A_12, %dma_wait3A_115] : memref<10000x128xf32, #tpu.memory_space<vmem_shared>> -> memref<32x128xf32, #tpu.memory_space<vmem_shared>>
      tpu.wait_dma2 semaphore(%run_scoped3A : memref<!tpu.dma_semaphore, #tpu.memory_space<semaphore_mem>>) src(%arg23 : memref<32x128xf32, #tpu.memory_space<vmem>>) dst(%dma_wait3A_116 : memref<32x128xf32, #tpu.memory_space<vmem_shared>>)
      tpu.yield
    }) : () -> ()
    %add3A_13 = arith.constant 64 : i32
    %add3A_14 = arith.addi %mul3A_9, %add3A_13 : i32
    "tpu.region"() ({
      %run_scoped3A = tpu.sem_alloc : memref<!tpu.dma_semaphore, #tpu.memory_space<semaphore_mem>>
      %dma_start3A = arith.constant 0 : i32
      %dma_start3A_111 = tpu.memref_slice %arg26[%add3A_14, %dma_start3A] : memref<10000x128xf32, #tpu.memory_space<vmem_shared>> -> memref<32x128xf32, #tpu.memory_space<vmem_shared>>
      %dma_start3A_112 = arith.constant 0 : i32
      %dma_start3A_113 = tpu.memref_slice %arg26[%add3A_14, %dma_start3A_112] : memref<10000x128xf32, #tpu.memory_space<vmem_shared>> -> memref<32x128xf32, #tpu.memory_space<vmem_shared>>
      tpu.enqueue_dma source(%arg23 : memref<32x128xf32, #tpu.memory_space<vmem>>) target(%dma_start3A_113 : memref<32x128xf32, #tpu.memory_space<vmem_shared>>) target_semaphore(%run_scoped3A : memref<!tpu.dma_semaphore, #tpu.memory_space<semaphore_mem>>)
      %dma_wait3A = arith.constant 0 : i32
      %dma_wait3A_114 = tpu.memref_slice %arg26[%add3A_14, %dma_wait3A] : memref<10000x128xf32, #tpu.memory_space<vmem_shared>> -> memref<32x128xf32, #tpu.memory_space<vmem_shared>>
      %dma_wait3A_115 = arith.constant 0 : i32
      %dma_wait3A_116 = tpu.memref_slice %arg26[%add3A_14, %dma_wait3A_115] : memref<10000x128xf32, #tpu.memory_space<vmem_shared>> -> memref<32x128xf32, #tpu.memory_space<vmem_shared>>
      tpu.wait_dma2 semaphore(%run_scoped3A : memref<!tpu.dma_semaphore, #tpu.memory_space<semaphore_mem>>) src(%arg23 : memref<32x128xf32, #tpu.memory_space<vmem>>) dst(%dma_wait3A_116 : memref<32x128xf32, #tpu.memory_space<vmem_shared>>)
      tpu.yield
    }) : () -> ()
    %add3A_15 = arith.constant 96 : i32
    %add3A_16 = arith.addi %mul3A_9, %add3A_15 : i32
    "tpu.region"() ({
      %run_scoped3A = tpu.sem_alloc : memref<!tpu.dma_semaphore, #tpu.memory_space<semaphore_mem>>
      %dma_start3A = arith.constant 0 : i32
      %dma_start3A_111 = tpu.memref_slice %arg26[%add3A_16, %dma_start3A] : memref<10000x128xf32, #tpu.memory_space<vmem_shared>> -> memref<32x128xf32, #tpu.memory_space<vmem_shared>>
      %dma_start3A_112 = arith.constant 0 : i32
      %dma_start3A_113 = tpu.memref_slice %arg26[%add3A_16, %dma_start3A_112] : memref<10000x128xf32, #tpu.memory_space<vmem_shared>> -> memref<32x128xf32, #tpu.memory_space<vmem_shared>>
      tpu.enqueue_dma source(%arg23 : memref<32x128xf32, #tpu.memory_space<vmem>>) target(%dma_start3A_113 : memref<32x128xf32, #tpu.memory_space<vmem_shared>>) target_semaphore(%run_scoped3A : memref<!tpu.dma_semaphore, #tpu.memory_space<semaphore_mem>>)
      %dma_wait3A = arith.constant 0 : i32
      %dma_wait3A_114 = tpu.memref_slice %arg26[%add3A_16, %dma_wait3A] : memref<10000x128xf32, #tpu.memory_space<vmem_shared>> -> memref<32x128xf32, #tpu.memory_space<vmem_shared>>
      %dma_wait3A_115 = arith.constant 0 : i32
      %dma_wait3A_116 = tpu.memref_slice %arg26[%add3A_16, %dma_wait3A_115] : memref<10000x128xf32, #tpu.memory_space<vmem_shared>> -> memref<32x128xf32, #tpu.memory_space<vmem_shared>>
      tpu.wait_dma2 semaphore(%run_scoped3A : memref<!tpu.dma_semaphore, #tpu.memory_space<semaphore_mem>>) src(%arg23 : memref<32x128xf32, #tpu.memory_space<vmem>>) dst(%dma_wait3A_116 : memref<32x128xf32, #tpu.memory_space<vmem_shared>>)
      tpu.yield
    }) : () -> ()
    %add3A_17 = arith.constant 128 : i32
    %add3A_18 = arith.addi %mul3A_9, %add3A_17 : i32
    "tpu.region"() ({
      %run_scoped3A = tpu.sem_alloc : memref<!tpu.dma_semaphore, #tpu.memory_space<semaphore_mem>>
      %dma_start3A = arith.constant 0 : i32
      %dma_start3A_111 = tpu.memref_slice %arg26[%add3A_18, %dma_start3A] : memref<10000x128xf32, #tpu.memory_space<vmem_shared>> -> memref<32x128xf32, #tpu.memory_space<vmem_shared>>
      %dma_start3A_112 = arith.constant 0 : i32
      %dma_start3A_113 = tpu.memref_slice %arg26[%add3A_18, %dma_start3A_112] : memref<10000x128xf32, #tpu.memory_space<vmem_shared>> -> memref<32x128xf32, #tpu.memory_space<vmem_shared>>
      tpu.enqueue_dma source(%arg23 : memref<32x128xf32, #tpu.memory_space<vmem>>) target(%dma_start3A_113 : memref<32x128xf32, #tpu.memory_space<vmem_shared>>) target_semaphore(%run_scoped3A : memref<!tpu.dma_semaphore, #tpu.memory_space<semaphore_mem>>)
      %dma_wait3A = arith.constant 0 : i32
      %dma_wait3A_114 = tpu.memref_slice %arg26[%add3A_18, %dma_wait3A] : memref<10000x128xf32, #tpu.memory_space<vmem_shared>> -> memref<32x128xf32, #tpu.memory_space<vmem_shared>>
      %dma_wait3A_115 = arith.constant 0 : i32
      %dma_wait3A_116 = tpu.memref_slice %arg26[%add3A_18, %dma_wait3A_115] : memref<10000x128xf32, #tpu.memory_space<vmem_shared>> -> memref<32x128xf32, #tpu.memory_space<vmem_shared>>
      tpu.wait_dma2 semaphore(%run_scoped3A : memref<!tpu.dma_semaphore, #tpu.memory_space<semaphore_mem>>) src(%arg23 : memref<32x128xf32, #tpu.memory_space<vmem>>) dst(%dma_wait3A_116 : memref<32x128xf32, #tpu.memory_space<vmem_shared>>)
      tpu.yield
    }) : () -> ()
    %add3A_19 = arith.constant 160 : i32
    %add3A_20 = arith.addi %mul3A_9, %add3A_19 : i32
    "tpu.region"() ({
      %run_scoped3A = tpu.sem_alloc : memref<!tpu.dma_semaphore, #tpu.memory_space<semaphore_mem>>
      %dma_start3A = arith.constant 0 : i32
      %dma_start3A_111 = tpu.memref_slice %arg26[%add3A_20, %dma_start3A] : memref<10000x128xf32, #tpu.memory_space<vmem_shared>> -> memref<32x128xf32, #tpu.memory_space<vmem_shared>>
      %dma_start3A_112 = arith.constant 0 : i32
      %dma_start3A_113 = tpu.memref_slice %arg26[%add3A_20, %dma_start3A_112] : memref<10000x128xf32, #tpu.memory_space<vmem_shared>> -> memref<32x128xf32, #tpu.memory_space<vmem_shared>>
      tpu.enqueue_dma source(%arg23 : memref<32x128xf32, #tpu.memory_space<vmem>>) target(%dma_start3A_113 : memref<32x128xf32, #tpu.memory_space<vmem_shared>>) target_semaphore(%run_scoped3A : memref<!tpu.dma_semaphore, #tpu.memory_space<semaphore_mem>>)
      %dma_wait3A = arith.constant 0 : i32
      %dma_wait3A_114 = tpu.memref_slice %arg26[%add3A_20, %dma_wait3A] : memref<10000x128xf32, #tpu.memory_space<vmem_shared>> -> memref<32x128xf32, #tpu.memory_space<vmem_shared>>
      %dma_wait3A_115 = arith.constant 0 : i32
      %dma_wait3A_116 = tpu.memref_slice %arg26[%add3A_20, %dma_wait3A_115] : memref<10000x128xf32, #tpu.memory_space<vmem_shared>> -> memref<32x128xf32, #tpu.memory_space<vmem_shared>>
      tpu.wait_dma2 semaphore(%run_scoped3A : memref<!tpu.dma_semaphore, #tpu.memory_space<semaphore_mem>>) src(%arg23 : memref<32x128xf32, #tpu.memory_space<vmem>>) dst(%dma_wait3A_116 : memref<32x128xf32, #tpu.memory_space<vmem_shared>>)
      tpu.yield
    }) : () -> ()
    %add3A_21 = arith.constant 192 : i32
    %add3A_22 = arith.addi %mul3A_9, %add3A_21 : i32
    "tpu.region"() ({
      %run_scoped3A = tpu.sem_alloc : memref<!tpu.dma_semaphore, #tpu.memory_space<semaphore_mem>>
      %dma_start3A = arith.constant 0 : i32
      %dma_start3A_111 = tpu.memref_slice %arg26[%add3A_22, %dma_start3A] : memref<10000x128xf32, #tpu.memory_space<vmem_shared>> -> memref<32x128xf32, #tpu.memory_space<vmem_shared>>
      %dma_start3A_112 = arith.constant 0 : i32
      %dma_start3A_113 = tpu.memref_slice %arg26[%add3A_22, %dma_start3A_112] : memref<10000x128xf32, #tpu.memory_space<vmem_shared>> -> memref<32x128xf32, #tpu.memory_space<vmem_shared>>
      tpu.enqueue_dma source(%arg23 : memref<32x128xf32, #tpu.memory_space<vmem>>) target(%dma_start3A_113 : memref<32x128xf32, #tpu.memory_space<vmem_shared>>) target_semaphore(%run_scoped3A : memref<!tpu.dma_semaphore, #tpu.memory_space<semaphore_mem>>)
      %dma_wait3A = arith.constant 0 : i32
      %dma_wait3A_114 = tpu.memref_slice %arg26[%add3A_22, %dma_wait3A] : memref<10000x128xf32, #tpu.memory_space<vmem_shared>> -> memref<32x128xf32, #tpu.memory_space<vmem_shared>>
      %dma_wait3A_115 = arith.constant 0 : i32
      %dma_wait3A_116 = tpu.memref_slice %arg26[%add3A_22, %dma_wait3A_115] : memref<10000x128xf32, #tpu.memory_space<vmem_shared>> -> memref<32x128xf32, #tpu.memory_space<vmem_shared>>
      tpu.wait_dma2 semaphore(%run_scoped3A : memref<!tpu.dma_semaphore, #tpu.memory_space<semaphore_mem>>) src(%arg23 : memref<32x128xf32, #tpu.memory_space<vmem>>) dst(%dma_wait3A_116 : memref<32x128xf32, #tpu.memory_space<vmem_shared>>)
      tpu.yield
    }) : () -> ()
    %add3A_23 = arith.constant 224 : i32
    %add3A_24 = arith.addi %mul3A_9, %add3A_23 : i32
    "tpu.region"() ({
      %run_scoped3A = tpu.sem_alloc : memref<!tpu.dma_semaphore, #tpu.memory_space<semaphore_mem>>
      %dma_start3A = arith.constant 0 : i32
      %dma_start3A_111 = tpu.memref_slice %arg26[%add3A_24, %dma_start3A] : memref<10000x128xf32, #tpu.memory_space<vmem_shared>> -> memref<32x128xf32, #tpu.memory_space<vmem_shared>>
      %dma_start3A_112 = arith.constant 0 : i32
      %dma_start3A_113 = tpu.memref_slice %arg26[%add3A_24, %dma_start3A_112] : memref<10000x128xf32, #tpu.memory_space<vmem_shared>> -> memref<32x128xf32, #tpu.memory_space<vmem_shared>>
      tpu.enqueue_dma source(%arg23 : memref<32x128xf32, #tpu.memory_space<vmem>>) target(%dma_start3A_113 : memref<32x128xf32, #tpu.memory_space<vmem_shared>>) target_semaphore(%run_scoped3A : memref<!tpu.dma_semaphore, #tpu.memory_space<semaphore_mem>>)
      %dma_wait3A = arith.constant 0 : i32
      %dma_wait3A_114 = tpu.memref_slice %arg26[%add3A_24, %dma_wait3A] : memref<10000x128xf32, #tpu.memory_space<vmem_shared>> -> memref<32x128xf32, #tpu.memory_space<vmem_shared>>
      %dma_wait3A_115 = arith.constant 0 : i32
      %dma_wait3A_116 = tpu.memref_slice %arg26[%add3A_24, %dma_wait3A_115] : memref<10000x128xf32, #tpu.memory_space<vmem_shared>> -> memref<32x128xf32, #tpu.memory_space<vmem_shared>>
      tpu.wait_dma2 semaphore(%run_scoped3A : memref<!tpu.dma_semaphore, #tpu.memory_space<semaphore_mem>>) src(%arg23 : memref<32x128xf32, #tpu.memory_space<vmem>>) dst(%dma_wait3A_116 : memref<32x128xf32, #tpu.memory_space<vmem_shared>>)
      tpu.yield
    }) : () -> ()
    %add3A_25 = arith.constant 256 : i32
    %add3A_26 = arith.addi %mul3A_9, %add3A_25 : i32
    "tpu.region"() ({
      %run_scoped3A = tpu.sem_alloc : memref<!tpu.dma_semaphore, #tpu.memory_space<semaphore_mem>>
      %dma_start3A = arith.constant 0 : i32
      %dma_start3A_111 = tpu.memref_slice %arg26[%add3A_26, %dma_start3A] : memref<10000x128xf32, #tpu.memory_space<vmem_shared>> -> memref<32x128xf32, #tpu.memory_space<vmem_shared>>
      %dma_start3A_112 = arith.constant 0 : i32
      %dma_start3A_113 = tpu.memref_slice %arg26[%add3A_26, %dma_start3A_112] : memref<10000x128xf32, #tpu.memory_space<vmem_shared>> -> memref<32x128xf32, #tpu.memory_space<vmem_shared>>
      tpu.enqueue_dma source(%arg23 : memref<32x128xf32, #tpu.memory_space<vmem>>) target(%dma_start3A_113 : memref<32x128xf32, #tpu.memory_space<vmem_shared>>) target_semaphore(%run_scoped3A : memref<!tpu.dma_semaphore, #tpu.memory_space<semaphore_mem>>)
      %dma_wait3A = arith.constant 0 : i32
      %dma_wait3A_114 = tpu.memref_slice %arg26[%add3A_26, %dma_wait3A] : memref<10000x128xf32, #tpu.memory_space<vmem_shared>> -> memref<32x128xf32, #tpu.memory_space<vmem_shared>>
      %dma_wait3A_115 = arith.constant 0 : i32
      %dma_wait3A_116 = tpu.memref_slice %arg26[%add3A_26, %dma_wait3A_115] : memref<10000x128xf32, #tpu.memory_space<vmem_shared>> -> memref<32x128xf32, #tpu.memory_space<vmem_shared>>
      tpu.wait_dma2 semaphore(%run_scoped3A : memref<!tpu.dma_semaphore, #tpu.memory_space<semaphore_mem>>) src(%arg23 : memref<32x128xf32, #tpu.memory_space<vmem>>) dst(%dma_wait3A_116 : memref<32x128xf32, #tpu.memory_space<vmem_shared>>)
      tpu.yield
    }) : () -> ()
    %add3A_27 = arith.constant 288 : i32
    %add3A_28 = arith.addi %mul3A_9, %add3A_27 : i32
    "tpu.region"() ({
      %run_scoped3A = tpu.sem_alloc : memref<!tpu.dma_semaphore, #tpu.memory_space<semaphore_mem>>
      %dma_start3A = arith.constant 0 : i32
      %dma_start3A_111 = tpu.memref_slice %arg26[%add3A_28, %dma_start3A] : memref<10000x128xf32, #tpu.memory_space<vmem_shared>> -> memref<32x128xf32, #tpu.memory_space<vmem_shared>>
      %dma_start3A_112 = arith.constant 0 : i32
      %dma_start3A_113 = tpu.memref_slice %arg26[%add3A_28, %dma_start3A_112] : memref<10000x128xf32, #tpu.memory_space<vmem_shared>> -> memref<32x128xf32, #tpu.memory_space<vmem_shared>>
      tpu.enqueue_dma source(%arg23 : memref<32x128xf32, #tpu.memory_space<vmem>>) target(%dma_start3A_113 : memref<32x128xf32, #tpu.memory_space<vmem_shared>>) target_semaphore(%run_scoped3A : memref<!tpu.dma_semaphore, #tpu.memory_space<semaphore_mem>>)
      %dma_wait3A = arith.constant 0 : i32
      %dma_wait3A_114 = tpu.memref_slice %arg26[%add3A_28, %dma_wait3A] : memref<10000x128xf32, #tpu.memory_space<vmem_shared>> -> memref<32x128xf32, #tpu.memory_space<vmem_shared>>
      %dma_wait3A_115 = arith.constant 0 : i32
      %dma_wait3A_116 = tpu.memref_slice %arg26[%add3A_28, %dma_wait3A_115] : memref<10000x128xf32, #tpu.memory_space<vmem_shared>> -> memref<32x128xf32, #tpu.memory_space<vmem_shared>>
      tpu.wait_dma2 semaphore(%run_scoped3A : memref<!tpu.dma_semaphore, #tpu.memory_space<semaphore_mem>>) src(%arg23 : memref<32x128xf32, #tpu.memory_space<vmem>>) dst(%dma_wait3A_116 : memref<32x128xf32, #tpu.memory_space<vmem_shared>>)
      tpu.yield
    }) : () -> ()
    %add3A_29 = arith.constant 320 : i32
    %add3A_30 = arith.addi %mul3A_9, %add3A_29 : i32
    "tpu.region"() ({
      %run_scoped3A = tpu.sem_alloc : memref<!tpu.dma_semaphore, #tpu.memory_space<semaphore_mem>>
      %dma_start3A = arith.constant 0 : i32
      %dma_start3A_111 = tpu.memref_slice %arg26[%add3A_30, %dma_start3A] : memref<10000x128xf32, #tpu.memory_space<vmem_shared>> -> memref<32x128xf32, #tpu.memory_space<vmem_shared>>
      %dma_start3A_112 = arith.constant 0 : i32
      %dma_start3A_113 = tpu.memref_slice %arg26[%add3A_30, %dma_start3A_112] : memref<10000x128xf32, #tpu.memory_space<vmem_shared>> -> memref<32x128xf32, #tpu.memory_space<vmem_shared>>
      tpu.enqueue_dma source(%arg23 : memref<32x128xf32, #tpu.memory_space<vmem>>) target(%dma_start3A_113 : memref<32x128xf32, #tpu.memory_space<vmem_shared>>) target_semaphore(%run_scoped3A : memref<!tpu.dma_semaphore, #tpu.memory_space<semaphore_mem>>)
      %dma_wait3A = arith.constant 0 : i32
      %dma_wait3A_114 = tpu.memref_slice %arg26[%add3A_30, %dma_wait3A] : memref<10000x128xf32, #tpu.memory_space<vmem_shared>> -> memref<32x128xf32, #tpu.memory_space<vmem_shared>>
      %dma_wait3A_115 = arith.constant 0 : i32
      %dma_wait3A_116 = tpu.memref_slice %arg26[%add3A_30, %dma_wait3A_115] : memref<10000x128xf32, #tpu.memory_space<vmem_shared>> -> memref<32x128xf32, #tpu.memory_space<vmem_shared>>
      tpu.wait_dma2 semaphore(%run_scoped3A : memref<!tpu.dma_semaphore, #tpu.memory_space<semaphore_mem>>) src(%arg23 : memref<32x128xf32, #tpu.memory_space<vmem>>) dst(%dma_wait3A_116 : memref<32x128xf32, #tpu.memory_space<vmem_shared>>)
      tpu.yield
    }) : () -> ()
    %add3A_31 = arith.constant 352 : i32
    %add3A_32 = arith.addi %mul3A_9, %add3A_31 : i32
    "tpu.region"() ({
      %run_scoped3A = tpu.sem_alloc : memref<!tpu.dma_semaphore, #tpu.memory_space<semaphore_mem>>
      %dma_start3A = arith.constant 0 : i32
      %dma_start3A_111 = tpu.memref_slice %arg26[%add3A_32, %dma_start3A] : memref<10000x128xf32, #tpu.memory_space<vmem_shared>> -> memref<32x128xf32, #tpu.memory_space<vmem_shared>>
      %dma_start3A_112 = arith.constant 0 : i32
      %dma_start3A_113 = tpu.memref_slice %arg26[%add3A_32, %dma_start3A_112] : memref<10000x128xf32, #tpu.memory_space<vmem_shared>> -> memref<32x128xf32, #tpu.memory_space<vmem_shared>>
      tpu.enqueue_dma source(%arg23 : memref<32x128xf32, #tpu.memory_space<vmem>>) target(%dma_start3A_113 : memref<32x128xf32, #tpu.memory_space<vmem_shared>>) target_semaphore(%run_scoped3A : memref<!tpu.dma_semaphore, #tpu.memory_space<semaphore_mem>>)
      %dma_wait3A = arith.constant 0 : i32
      %dma_wait3A_114 = tpu.memref_slice %arg26[%add3A_32, %dma_wait3A] : memref<10000x128xf32, #tpu.memory_space<vmem_shared>> -> memref<32x128xf32, #tpu.memory_space<vmem_shared>>
      %dma_wait3A_115 = arith.constant 0 : i32
      %dma_wait3A_116 = tpu.memref_slice %arg26[%add3A_32, %dma_wait3A_115] : memref<10000x128xf32, #tpu.memory_space<vmem_shared>> -> memref<32x128xf32, #tpu.memory_space<vmem_shared>>
      tpu.wait_dma2 semaphore(%run_scoped3A : memref<!tpu.dma_semaphore, #tpu.memory_space<semaphore_mem>>) src(%arg23 : memref<32x128xf32, #tpu.memory_space<vmem>>) dst(%dma_wait3A_116 : memref<32x128xf32, #tpu.memory_space<vmem_shared>>)
      tpu.yield
    }) : () -> ()
    %add3A_33 = arith.constant 384 : i32
    %add3A_34 = arith.addi %mul3A_9, %add3A_33 : i32
    "tpu.region"() ({
      %run_scoped3A = tpu.sem_alloc : memref<!tpu.dma_semaphore, #tpu.memory_space<semaphore_mem>>
      %dma_start3A = arith.constant 0 : i32
      %dma_start3A_111 = tpu.memref_slice %arg26[%add3A_34, %dma_start3A] : memref<10000x128xf32, #tpu.memory_space<vmem_shared>> -> memref<32x128xf32, #tpu.memory_space<vmem_shared>>
      %dma_start3A_112 = arith.constant 0 : i32
      %dma_start3A_113 = tpu.memref_slice %arg26[%add3A_34, %dma_start3A_112] : memref<10000x128xf32, #tpu.memory_space<vmem_shared>> -> memref<32x128xf32, #tpu.memory_space<vmem_shared>>
      tpu.enqueue_dma source(%arg23 : memref<32x128xf32, #tpu.memory_space<vmem>>) target(%dma_start3A_113 : memref<32x128xf32, #tpu.memory_space<vmem_shared>>) target_semaphore(%run_scoped3A : memref<!tpu.dma_semaphore, #tpu.memory_space<semaphore_mem>>)
      %dma_wait3A = arith.constant 0 : i32
      %dma_wait3A_114 = tpu.memref_slice %arg26[%add3A_34, %dma_wait3A] : memref<10000x128xf32, #tpu.memory_space<vmem_shared>> -> memref<32x128xf32, #tpu.memory_space<vmem_shared>>
      %dma_wait3A_115 = arith.constant 0 : i32
      %dma_wait3A_116 = tpu.memref_slice %arg26[%add3A_34, %dma_wait3A_115] : memref<10000x128xf32, #tpu.memory_space<vmem_shared>> -> memref<32x128xf32, #tpu.memory_space<vmem_shared>>
      tpu.wait_dma2 semaphore(%run_scoped3A : memref<!tpu.dma_semaphore, #tpu.memory_space<semaphore_mem>>) src(%arg23 : memref<32x128xf32, #tpu.memory_space<vmem>>) dst(%dma_wait3A_116 : memref<32x128xf32, #tpu.memory_space<vmem_shared>>)
      tpu.yield
    }) : () -> ()
    %add3A_35 = arith.constant 416 : i32
    %add3A_36 = arith.addi %mul3A_9, %add3A_35 : i32
    "tpu.region"() ({
      %run_scoped3A = tpu.sem_alloc : memref<!tpu.dma_semaphore, #tpu.memory_space<semaphore_mem>>
      %dma_start3A = arith.constant 0 : i32
      %dma_start3A_111 = tpu.memref_slice %arg26[%add3A_36, %dma_start3A] : memref<10000x128xf32, #tpu.memory_space<vmem_shared>> -> memref<32x128xf32, #tpu.memory_space<vmem_shared>>
      %dma_start3A_112 = arith.constant 0 : i32
      %dma_start3A_113 = tpu.memref_slice %arg26[%add3A_36, %dma_start3A_112] : memref<10000x128xf32, #tpu.memory_space<vmem_shared>> -> memref<32x128xf32, #tpu.memory_space<vmem_shared>>
      tpu.enqueue_dma source(%arg23 : memref<32x128xf32, #tpu.memory_space<vmem>>) target(%dma_start3A_113 : memref<32x128xf32, #tpu.memory_space<vmem_shared>>) target_semaphore(%run_scoped3A : memref<!tpu.dma_semaphore, #tpu.memory_space<semaphore_mem>>)
      %dma_wait3A = arith.constant 0 : i32
      %dma_wait3A_114 = tpu.memref_slice %arg26[%add3A_36, %dma_wait3A] : memref<10000x128xf32, #tpu.memory_space<vmem_shared>> -> memref<32x128xf32, #tpu.memory_space<vmem_shared>>
      %dma_wait3A_115 = arith.constant 0 : i32
      %dma_wait3A_116 = tpu.memref_slice %arg26[%add3A_36, %dma_wait3A_115] : memref<10000x128xf32, #tpu.memory_space<vmem_shared>> -> memref<32x128xf32, #tpu.memory_space<vmem_shared>>
      tpu.wait_dma2 semaphore(%run_scoped3A : memref<!tpu.dma_semaphore, #tpu.memory_space<semaphore_mem>>) src(%arg23 : memref<32x128xf32, #tpu.memory_space<vmem>>) dst(%dma_wait3A_116 : memref<32x128xf32, #tpu.memory_space<vmem_shared>>)
      tpu.yield
    }) : () -> ()
    %add3A_37 = arith.constant 448 : i32
    %add3A_38 = arith.addi %mul3A_9, %add3A_37 : i32
    "tpu.region"() ({
      %run_scoped3A = tpu.sem_alloc : memref<!tpu.dma_semaphore, #tpu.memory_space<semaphore_mem>>
      %dma_start3A = arith.constant 0 : i32
      %dma_start3A_111 = tpu.memref_slice %arg26[%add3A_38, %dma_start3A] : memref<10000x128xf32, #tpu.memory_space<vmem_shared>> -> memref<32x128xf32, #tpu.memory_space<vmem_shared>>
      %dma_start3A_112 = arith.constant 0 : i32
      %dma_start3A_113 = tpu.memref_slice %arg26[%add3A_38, %dma_start3A_112] : memref<10000x128xf32, #tpu.memory_space<vmem_shared>> -> memref<32x128xf32, #tpu.memory_space<vmem_shared>>
      tpu.enqueue_dma source(%arg23 : memref<32x128xf32, #tpu.memory_space<vmem>>) target(%dma_start3A_113 : memref<32x128xf32, #tpu.memory_space<vmem_shared>>) target_semaphore(%run_scoped3A : memref<!tpu.dma_semaphore, #tpu.memory_space<semaphore_mem>>)
      %dma_wait3A = arith.constant 0 : i32
      %dma_wait3A_114 = tpu.memref_slice %arg26[%add3A_38, %dma_wait3A] : memref<10000x128xf32, #tpu.memory_space<vmem_shared>> -> memref<32x128xf32, #tpu.memory_space<vmem_shared>>
      %dma_wait3A_115 = arith.constant 0 : i32
      %dma_wait3A_116 = tpu.memref_slice %arg26[%add3A_38, %dma_wait3A_115] : memref<10000x128xf32, #tpu.memory_space<vmem_shared>> -> memref<32x128xf32, #tpu.memory_space<vmem_shared>>
      tpu.wait_dma2 semaphore(%run_scoped3A : memref<!tpu.dma_semaphore, #tpu.memory_space<semaphore_mem>>) src(%arg23 : memref<32x128xf32, #tpu.memory_space<vmem>>) dst(%dma_wait3A_116 : memref<32x128xf32, #tpu.memory_space<vmem_shared>>)
      tpu.yield
    }) : () -> ()
    %add3A_39 = arith.constant 480 : i32
    %add3A_40 = arith.addi %mul3A_9, %add3A_39 : i32
    "tpu.region"() ({
      %run_scoped3A = tpu.sem_alloc : memref<!tpu.dma_semaphore, #tpu.memory_space<semaphore_mem>>
      %dma_start3A = arith.constant 0 : i32
      %dma_start3A_111 = tpu.memref_slice %arg26[%add3A_40, %dma_start3A] : memref<10000x128xf32, #tpu.memory_space<vmem_shared>> -> memref<32x128xf32, #tpu.memory_space<vmem_shared>>
      %dma_start3A_112 = arith.constant 0 : i32
      %dma_start3A_113 = tpu.memref_slice %arg26[%add3A_40, %dma_start3A_112] : memref<10000x128xf32, #tpu.memory_space<vmem_shared>> -> memref<32x128xf32, #tpu.memory_space<vmem_shared>>
      tpu.enqueue_dma source(%arg23 : memref<32x128xf32, #tpu.memory_space<vmem>>) target(%dma_start3A_113 : memref<32x128xf32, #tpu.memory_space<vmem_shared>>) target_semaphore(%run_scoped3A : memref<!tpu.dma_semaphore, #tpu.memory_space<semaphore_mem>>)
      %dma_wait3A = arith.constant 0 : i32
      %dma_wait3A_114 = tpu.memref_slice %arg26[%add3A_40, %dma_wait3A] : memref<10000x128xf32, #tpu.memory_space<vmem_shared>> -> memref<32x128xf32, #tpu.memory_space<vmem_shared>>
      %dma_wait3A_115 = arith.constant 0 : i32
      %dma_wait3A_116 = tpu.memref_slice %arg26[%add3A_40, %dma_wait3A_115] : memref<10000x128xf32, #tpu.memory_space<vmem_shared>> -> memref<32x128xf32, #tpu.memory_space<vmem_shared>>
      tpu.wait_dma2 semaphore(%run_scoped3A : memref<!tpu.dma_semaphore, #tpu.memory_space<semaphore_mem>>) src(%arg23 : memref<32x128xf32, #tpu.memory_space<vmem>>) dst(%dma_wait3A_116 : memref<32x128xf32, #tpu.memory_space<vmem_shared>>)
      tpu.yield
    }) : () -> ()
    %add3A_41 = arith.constant 512 : i32
    %add3A_42 = arith.addi %mul3A_9, %add3A_41 : i32
    "tpu.region"() ({
      %run_scoped3A = tpu.sem_alloc : memref<!tpu.dma_semaphore, #tpu.memory_space<semaphore_mem>>
      %dma_start3A = arith.constant 0 : i32
      %dma_start3A_111 = tpu.memref_slice %arg26[%add3A_42, %dma_start3A] : memref<10000x128xf32, #tpu.memory_space<vmem_shared>> -> memref<32x128xf32, #tpu.memory_space<vmem_shared>>
      %dma_start3A_112 = arith.constant 0 : i32
      %dma_start3A_113 = tpu.memref_slice %arg26[%add3A_42, %dma_start3A_112] : memref<10000x128xf32, #tpu.memory_space<vmem_shared>> -> memref<32x128xf32, #tpu.memory_space<vmem_shared>>
      tpu.enqueue_dma source(%arg23 : memref<32x128xf32, #tpu.memory_space<vmem>>) target(%dma_start3A_113 : memref<32x128xf32, #tpu.memory_space<vmem_shared>>) target_semaphore(%run_scoped3A : memref<!tpu.dma_semaphore, #tpu.memory_space<semaphore_mem>>)
      %dma_wait3A = arith.constant 0 : i32
      %dma_wait3A_114 = tpu.memref_slice %arg26[%add3A_42, %dma_wait3A] : memref<10000x128xf32, #tpu.memory_space<vmem_shared>> -> memref<32x128xf32, #tpu.memory_space<vmem_shared>>
      %dma_wait3A_115 = arith.constant 0 : i32
      %dma_wait3A_116 = tpu.memref_slice %arg26[%add3A_42, %dma_wait3A_115] : memref<10000x128xf32, #tpu.memory_space<vmem_shared>> -> memref<32x128xf32, #tpu.memory_space<vmem_shared>>
      tpu.wait_dma2 semaphore(%run_scoped3A : memref<!tpu.dma_semaphore, #tpu.memory_space<semaphore_mem>>) src(%arg23 : memref<32x128xf32, #tpu.memory_space<vmem>>) dst(%dma_wait3A_116 : memref<32x128xf32, #tpu.memory_space<vmem_shared>>)
      tpu.yield
    }) : () -> ()
    %add3A_43 = arith.constant 544 : i32
    %add3A_44 = arith.addi %mul3A_9, %add3A_43 : i32
    "tpu.region"() ({
      %run_scoped3A = tpu.sem_alloc : memref<!tpu.dma_semaphore, #tpu.memory_space<semaphore_mem>>
      %dma_start3A = arith.constant 0 : i32
      %dma_start3A_111 = tpu.memref_slice %arg26[%add3A_44, %dma_start3A] : memref<10000x128xf32, #tpu.memory_space<vmem_shared>> -> memref<32x128xf32, #tpu.memory_space<vmem_shared>>
      %dma_start3A_112 = arith.constant 0 : i32
      %dma_start3A_113 = tpu.memref_slice %arg26[%add3A_44, %dma_start3A_112] : memref<10000x128xf32, #tpu.memory_space<vmem_shared>> -> memref<32x128xf32, #tpu.memory_space<vmem_shared>>
      tpu.enqueue_dma source(%arg23 : memref<32x128xf32, #tpu.memory_space<vmem>>) target(%dma_start3A_113 : memref<32x128xf32, #tpu.memory_space<vmem_shared>>) target_semaphore(%run_scoped3A : memref<!tpu.dma_semaphore, #tpu.memory_space<semaphore_mem>>)
      %dma_wait3A = arith.constant 0 : i32
      %dma_wait3A_114 = tpu.memref_slice %arg26[%add3A_44, %dma_wait3A] : memref<10000x128xf32, #tpu.memory_space<vmem_shared>> -> memref<32x128xf32, #tpu.memory_space<vmem_shared>>
      %dma_wait3A_115 = arith.constant 0 : i32
      %dma_wait3A_116 = tpu.memref_slice %arg26[%add3A_44, %dma_wait3A_115] : memref<10000x128xf32, #tpu.memory_space<vmem_shared>> -> memref<32x128xf32, #tpu.memory_space<vmem_shared>>
      tpu.wait_dma2 semaphore(%run_scoped3A : memref<!tpu.dma_semaphore, #tpu.memory_space<semaphore_mem>>) src(%arg23 : memref<32x128xf32, #tpu.memory_space<vmem>>) dst(%dma_wait3A_116 : memref<32x128xf32, #tpu.memory_space<vmem_shared>>)
      tpu.yield
    }) : () -> ()
    %add3A_45 = arith.constant 576 : i32
    %add3A_46 = arith.addi %mul3A_9, %add3A_45 : i32
    "tpu.region"() ({
      %run_scoped3A = tpu.sem_alloc : memref<!tpu.dma_semaphore, #tpu.memory_space<semaphore_mem>>
      %dma_start3A = arith.constant 0 : i32
      %dma_start3A_111 = tpu.memref_slice %arg26[%add3A_46, %dma_start3A] : memref<10000x128xf32, #tpu.memory_space<vmem_shared>> -> memref<32x128xf32, #tpu.memory_space<vmem_shared>>
      %dma_start3A_112 = arith.constant 0 : i32
      %dma_start3A_113 = tpu.memref_slice %arg26[%add3A_46, %dma_start3A_112] : memref<10000x128xf32, #tpu.memory_space<vmem_shared>> -> memref<32x128xf32, #tpu.memory_space<vmem_shared>>
      tpu.enqueue_dma source(%arg23 : memref<32x128xf32, #tpu.memory_space<vmem>>) target(%dma_start3A_113 : memref<32x128xf32, #tpu.memory_space<vmem_shared>>) target_semaphore(%run_scoped3A : memref<!tpu.dma_semaphore, #tpu.memory_space<semaphore_mem>>)
      %dma_wait3A = arith.constant 0 : i32
      %dma_wait3A_114 = tpu.memref_slice %arg26[%add3A_46, %dma_wait3A] : memref<10000x128xf32, #tpu.memory_space<vmem_shared>> -> memref<32x128xf32, #tpu.memory_space<vmem_shared>>
      %dma_wait3A_115 = arith.constant 0 : i32
      %dma_wait3A_116 = tpu.memref_slice %arg26[%add3A_46, %dma_wait3A_115] : memref<10000x128xf32, #tpu.memory_space<vmem_shared>> -> memref<32x128xf32, #tpu.memory_space<vmem_shared>>
      tpu.wait_dma2 semaphore(%run_scoped3A : memref<!tpu.dma_semaphore, #tpu.memory_space<semaphore_mem>>) src(%arg23 : memref<32x128xf32, #tpu.memory_space<vmem>>) dst(%dma_wait3A_116 : memref<32x128xf32, #tpu.memory_space<vmem_shared>>)
      tpu.yield
    }) : () -> ()
    %add3A_47 = arith.constant 608 : i32
    %add3A_48 = arith.addi %mul3A_9, %add3A_47 : i32
    "tpu.region"() ({
      %run_scoped3A = tpu.sem_alloc : memref<!tpu.dma_semaphore, #tpu.memory_space<semaphore_mem>>
      %dma_start3A = arith.constant 0 : i32
      %dma_start3A_111 = tpu.memref_slice %arg26[%add3A_48, %dma_start3A] : memref<10000x128xf32, #tpu.memory_space<vmem_shared>> -> memref<32x128xf32, #tpu.memory_space<vmem_shared>>
      %dma_start3A_112 = arith.constant 0 : i32
      %dma_start3A_113 = tpu.memref_slice %arg26[%add3A_48, %dma_start3A_112] : memref<10000x128xf32, #tpu.memory_space<vmem_shared>> -> memref<32x128xf32, #tpu.memory_space<vmem_shared>>
      tpu.enqueue_dma source(%arg23 : memref<32x128xf32, #tpu.memory_space<vmem>>) target(%dma_start3A_113 : memref<32x128xf32, #tpu.memory_space<vmem_shared>>) target_semaphore(%run_scoped3A : memref<!tpu.dma_semaphore, #tpu.memory_space<semaphore_mem>>)
      %dma_wait3A = arith.constant 0 : i32
      %dma_wait3A_114 = tpu.memref_slice %arg26[%add3A_48, %dma_wait3A] : memref<10000x128xf32, #tpu.memory_space<vmem_shared>> -> memref<32x128xf32, #tpu.memory_space<vmem_shared>>
      %dma_wait3A_115 = arith.constant 0 : i32
      %dma_wait3A_116 = tpu.memref_slice %arg26[%add3A_48, %dma_wait3A_115] : memref<10000x128xf32, #tpu.memory_space<vmem_shared>> -> memref<32x128xf32, #tpu.memory_space<vmem_shared>>
      tpu.wait_dma2 semaphore(%run_scoped3A : memref<!tpu.dma_semaphore, #tpu.memory_space<semaphore_mem>>) src(%arg23 : memref<32x128xf32, #tpu.memory_space<vmem>>) dst(%dma_wait3A_116 : memref<32x128xf32, #tpu.memory_space<vmem_shared>>)
      tpu.yield
    }) : () -> ()
    %mul3A_49 = arith.constant 40 : i32
    %mul3A_50 = arith.muli %arg1, %mul3A_49 : i32
    "tpu.region"() ({
      %run_scoped3A = tpu.sem_alloc : memref<!tpu.dma_semaphore, #tpu.memory_space<semaphore_mem>>
      %dma_start3A = arith.constant 0 : i32
      %dma_start3A_111 = tpu.memref_slice %arg27[%mul3A_50, %dma_start3A] : memref<640x128xf32, #tpu.memory_space<vmem_shared>> -> memref<32x128xf32, #tpu.memory_space<vmem_shared>>
      %dma_start3A_112 = arith.constant 0 : i32
      %dma_start3A_113 = tpu.memref_slice %arg27[%mul3A_50, %dma_start3A_112] : memref<640x128xf32, #tpu.memory_space<vmem_shared>> -> memref<32x128xf32, #tpu.memory_space<vmem_shared>>
      tpu.enqueue_dma source(%arg23 : memref<32x128xf32, #tpu.memory_space<vmem>>) target(%dma_start3A_113 : memref<32x128xf32, #tpu.memory_space<vmem_shared>>) target_semaphore(%run_scoped3A : memref<!tpu.dma_semaphore, #tpu.memory_space<semaphore_mem>>)
      %dma_wait3A = arith.constant 0 : i32
      %dma_wait3A_114 = tpu.memref_slice %arg27[%mul3A_50, %dma_wait3A] : memref<640x128xf32, #tpu.memory_space<vmem_shared>> -> memref<32x128xf32, #tpu.memory_space<vmem_shared>>
      %dma_wait3A_115 = arith.constant 0 : i32
      %dma_wait3A_116 = tpu.memref_slice %arg27[%mul3A_50, %dma_wait3A_115] : memref<640x128xf32, #tpu.memory_space<vmem_shared>> -> memref<32x128xf32, #tpu.memory_space<vmem_shared>>
      tpu.wait_dma2 semaphore(%run_scoped3A : memref<!tpu.dma_semaphore, #tpu.memory_space<semaphore_mem>>) src(%arg23 : memref<32x128xf32, #tpu.memory_space<vmem>>) dst(%dma_wait3A_116 : memref<32x128xf32, #tpu.memory_space<vmem_shared>>)
      tpu.yield
    }) : () -> ()
    %add3A_51 = arith.constant 32 : i32
    %add3A_52 = arith.addi %mul3A_50, %add3A_51 : i32
    "tpu.region"() ({
      %run_scoped3A = tpu.sem_alloc : memref<!tpu.dma_semaphore, #tpu.memory_space<semaphore_mem>>
      %dma_start3A = arith.constant 0 : i32
      %dma_start3A_111 = arith.constant 0 : i32
      %dma_start3A_112 = tpu.memref_slice %arg23[%dma_start3A, %dma_start3A_111] : memref<32x128xf32, #tpu.memory_space<vmem>> -> memref<8x128xf32, #tpu.memory_space<vmem>>
      %dma_start3A_113 = arith.constant 0 : i32
      %dma_start3A_114 = tpu.memref_slice %arg27[%add3A_52, %dma_start3A_113] : memref<640x128xf32, #tpu.memory_space<vmem_shared>> -> memref<8x128xf32, #tpu.memory_space<vmem_shared>>
      %dma_start3A_115 = arith.constant 0 : i32
      %dma_start3A_116 = tpu.memref_slice %arg27[%add3A_52, %dma_start3A_115] : memref<640x128xf32, #tpu.memory_space<vmem_shared>> -> memref<8x128xf32, #tpu.memory_space<vmem_shared>>
      %dma_start3A_117 = arith.constant 0 : i32
      %dma_start3A_118 = arith.constant 0 : i32
      %dma_start3A_119 = tpu.memref_slice %arg23[%dma_start3A_117, %dma_start3A_118] : memref<32x128xf32, #tpu.memory_space<vmem>> -> memref<8x128xf32, #tpu.memory_space<vmem>>
      tpu.enqueue_dma source(%dma_start3A_119 : memref<8x128xf32, #tpu.memory_space<vmem>>) target(%dma_start3A_116 : memref<8x128xf32, #tpu.memory_space<vmem_shared>>) target_semaphore(%run_scoped3A : memref<!tpu.dma_semaphore, #tpu.memory_space<semaphore_mem>>)
      %dma_wait3A = arith.constant 0 : i32
      %dma_wait3A_120 = arith.constant 0 : i32
      %dma_wait3A_121 = tpu.memref_slice %arg23[%dma_wait3A, %dma_wait3A_120] : memref<32x128xf32, #tpu.memory_space<vmem>> -> memref<8x128xf32, #tpu.memory_space<vmem>>
      %dma_wait3A_122 = arith.constant 0 : i32
      %dma_wait3A_123 = tpu.memref_slice %arg27[%add3A_52, %dma_wait3A_122] : memref<640x128xf32, #tpu.memory_space<vmem_shared>> -> memref<8x128xf32, #tpu.memory_space<vmem_shared>>
      %dma_wait3A_124 = arith.constant 0 : i32
      %dma_wait3A_125 = tpu.memref_slice %arg27[%add3A_52, %dma_wait3A_124] : memref<640x128xf32, #tpu.memory_space<vmem_shared>> -> memref<8x128xf32, #tpu.memory_space<vmem_shared>>
      %dma_wait3A_126 = arith.constant 0 : i32
      %dma_wait3A_127 = arith.constant 0 : i32
      %dma_wait3A_128 = tpu.memref_slice %arg23[%dma_wait3A_126, %dma_wait3A_127] : memref<32x128xf32, #tpu.memory_space<vmem>> -> memref<8x128xf32, #tpu.memory_space<vmem>>
      tpu.wait_dma2 semaphore(%run_scoped3A : memref<!tpu.dma_semaphore, #tpu.memory_space<semaphore_mem>>) src(%dma_wait3A_128 : memref<8x128xf32, #tpu.memory_space<vmem>>) dst(%dma_wait3A_125 : memref<8x128xf32, #tpu.memory_space<vmem_shared>>)
      tpu.yield
    }) : () -> ()
    %barrier3A = arith.constant 0 : index
    tpu.barrier barrier_id(%barrier3A)
    %mul3A_53 = arith.constant 20000 : i32
    %mul3A_54 = arith.muli %arg1, %mul3A_53 : i32
    %xor3A = arith.constant 1 : i32
    %xor3A_55 = vector.broadcast %xor3A : i32 to vector<16xi32>
    %xor3A_56 = arith.xori %iota3A, %xor3A_55 : vector<16xi32>
    %xor3A_57 = arith.constant 2 : i32
    %xor3A_58 = vector.broadcast %xor3A_57 : i32 to vector<16xi32>
    %xor3A_59 = arith.xori %iota3A, %xor3A_58 : vector<16xi32>
    %xor3A_60 = arith.constant 4 : i32
    %xor3A_61 = vector.broadcast %xor3A_60 : i32 to vector<16xi32>
    %xor3A_62 = arith.xori %iota3A, %xor3A_61 : vector<16xi32>
    %xor3A_63 = arith.constant 8 : i32
    %xor3A_64 = vector.broadcast %xor3A_63 : i32 to vector<16xi32>
    %xor3A_65 = arith.xori %iota3A, %xor3A_64 : vector<16xi32>
    %add3A_66 = arith.constant 0 : i32
    %add3A_67 = arith.addi %mul3A_54, %add3A_66 : i32
    %get3A = arith.constant 0 : index
    %get3A_68 = tpu.vector_load %arg9[%get3A] {strides = array<i32>} : memref<32xi32, #tpu.memory_space<vmem>>, vector<16xi32>,
    %add3A_69 = vector.broadcast %mul3A_0 : i32 to vector<16xi32>
    %add3A_70 = arith.addi %get3A_68, %add3A_69 : vector<16xi32>
    %swap3A = arith.constant 0 : index
    %swap3A_71 = tpu.vector_load %arg11[%swap3A] {strides = array<i32>} : memref<32xi32, #tpu.memory_space<vmem>>, vector<16xi32>,
    tpu.vector_store %arg11[%swap3A], %add3A_70 {strides = array<i32>} : memref<32xi32, #tpu.memory_space<vmem>>, vector<16xi32>,
    %get3A_72 = arith.constant 0 : index
    %get3A_73 = tpu.vector_load %arg10[%get3A_72] {strides = array<i32>} : memref<32xi32, #tpu.memory_space<vmem>>, vector<16xi32>,
    %add3A_74 = vector.broadcast %mul3A_0 : i32 to vector<16xi32>
    %add3A_75 = arith.addi %get3A_73, %add3A_74 : vector<16xi32>
    %swap3A_76 = arith.constant 0 : index
    %swap3A_77 = tpu.vector_load %arg12[%swap3A_76] {strides = array<i32>} : memref<32xi32, #tpu.memory_space<vmem>>, vector<16xi32>,
    tpu.vector_store %arg12[%swap3A_76], %add3A_75 {strides = array<i32>} : memref<32xi32, #tpu.memory_space<vmem>>, vector<16xi32>,
    %get3A_78 = arith.constant 0 : index
    %get3A_79 = tpu.vector_load %arg9[%get3A_78] {strides = array<i32>} : memref<32xi32, #tpu.memory_space<vmem>>, vector<16xi32>,
    %shift_right_logical3A = arith.constant 4 : i32
    %shift_right_logical3A_80 = vector.broadcast %shift_right_logical3A : i32 to vector<16xi32>
    %shift_right_logical3A_81 = arith.shrui %get3A_79, %shift_right_logical3A_80 : vector<16xi32>
    %swap3A_82 = arith.constant 0 : index
    %swap3A_83 = tpu.vector_load %arg13[%swap3A_82] {strides = array<i32>} : memref<32xi32, #tpu.memory_space<vmem>>, vector<16xi32>,
    tpu.vector_store %arg13[%swap3A_82], %shift_right_logical3A_81 {strides = array<i32>} : memref<32xi32, #tpu.memory_space<vmem>>, vector<16xi32>,
    %get3A_84 = arith.constant 16 : index
    %get3A_85 = tpu.vector_load %arg9[%get3A_84] {strides = array<i32>} : memref<32xi32, #tpu.memory_space<vmem>>, vector<16xi32>,
    %add3A_86 = vector.broadcast %mul3A_0 : i32 to vector<16xi32>
    %add3A_87 = arith.addi %get3A_85, %add3A_86 : vector<16xi32>
    %swap3A_88 = arith.constant 16 : index
    %swap3A_89 = tpu.vector_load %arg11[%swap3A_88] {strides = array<i32>} : memref<32xi32, #tpu.memory_space<vmem>>, vector<16xi32>,
    tpu.vector_store %arg11[%swap3A_88], %add3A_87 {strides = array<i32>} : memref<32xi32, #tpu.memory_space<vmem>>, vector<16xi32>,
    %get3A_90 = arith.constant 16 : index
    %get3A_91 = tpu.vector_load %arg10[%get3A_90] {strides = array<i32>} : memref<32xi32, #tpu.memory_space<vmem>>, vector<16xi32>,
    %add3A_92 = vector.broadcast %mul3A_0 : i32 to vector<16xi32>
    %add3A_93 = arith.addi %get3A_91, %add3A_92 : vector<16xi32>
    %swap3A_94 = arith.constant 16 : index
    %swap3A_95 = tpu.vector_load %arg12[%swap3A_94] {strides = array<i32>} : memref<32xi32, #tpu.memory_space<vmem>>, vector<16xi32>,
    tpu.vector_store %arg12[%swap3A_94], %add3A_93 {strides = array<i32>} : memref<32xi32, #tpu.memory_space<vmem>>, vector<16xi32>,
    %get3A_96 = arith.constant 16 : index
    %get3A_97 = tpu.vector_load %arg9[%get3A_96] {strides = array<i32>} : memref<32xi32, #tpu.memory_space<vmem>>, vector<16xi32>,
    %shift_right_logical3A_98 = arith.constant 4 : i32
    %shift_right_logical3A_99 = vector.broadcast %shift_right_logical3A_98 : i32 to vector<16xi32>
    %shift_right_logical3A_100 = arith.shrui %get3A_97, %shift_right_logical3A_99 : vector<16xi32>
    %swap3A_101 = arith.constant 16 : index
    %swap3A_102 = tpu.vector_load %arg13[%swap3A_101] {strides = array<i32>} : memref<32xi32, #tpu.memory_space<vmem>>, vector<16xi32>,
    tpu.vector_store %arg13[%swap3A_101], %shift_right_logical3A_100 {strides = array<i32>} : memref<32xi32, #tpu.memory_space<vmem>>, vector<16xi32>,
    %scan3A_103 = arith.constant 0 : i32
    %scan3A_104 = arith.constant 0 : i32
    %scan3A_105 = arith.constant 313 : i32
    %scan3A_106 = arith.addi %scan3A_104, %scan3A_105 : i32
    %scan3A_107 = arith.constant 1 : i32
    %scan3A_108 = scf.for %scan3A_111 = %scan3A_104 to %scan3A_106 step %scan3A_107 iter_args(%scan3A_112 = %scan3A_103) -> (i32)  : i32 {
      %mul3A_113 = arith.constant 2 : i32
      %mul3A_114 = arith.muli %mul3A_113, %scan3A_111 : i32
      %mul3A_115 = arith.constant 2 : i32
      %mul3A_116 = arith.muli %mul3A_115, %scan3A_111 : i32
      %add3A_117 = arith.constant 1 : i32
      %add3A_118 = arith.addi %mul3A_116, %add3A_117 : i32
      %lt3A = arith.constant 625 : i32
      %lt3A_119 = arith.cmpi slt, %add3A_118, %lt3A : i32
      %convert_element_type3A = arith.extui %lt3A_119 : i1 to i32
      %cond3A = arith.constant 0 : i32
      %cond3A_120 = arith.cmpi ne, %convert_element_type3A, %cond3A : i32
      scf.if %cond3A_120 {
        %mul3A_150 = arith.constant 32 : i32
        %mul3A_151 = arith.muli %add3A_118, %mul3A_150 : i32
        %add3A_152 = arith.addi %mul3A_54, %mul3A_151 : i32
        %get3A_153 = arith.constant 0 : index
        %get3A_154 = tpu.vector_load %arg14[%get3A_153] {strides = array<i32>} : memref<32xi32, #tpu.memory_space<vmem>>, vector<16xi32>,
        %add3A_155 = vector.broadcast %mul3A_0 : i32 to vector<16xi32>
        %add3A_156 = arith.addi %get3A_154, %add3A_155 : vector<16xi32>
        %swap3A_157 = arith.constant 0 : index
        %swap3A_158 = tpu.vector_load %arg16[%swap3A_157] {strides = array<i32>} : memref<32xi32, #tpu.memory_space<vmem>>, vector<16xi32>,
        tpu.vector_store %arg16[%swap3A_157], %add3A_156 {strides = array<i32>} : memref<32xi32, #tpu.memory_space<vmem>>, vector<16xi32>,
        %get3A_159 = arith.constant 0 : index
        %get3A_160 = tpu.vector_load %arg15[%get3A_159] {strides = array<i32>} : memref<32xi32, #tpu.memory_space<vmem>>, vector<16xi32>,
        %add3A_161 = vector.broadcast %mul3A_0 : i32 to vector<16xi32>
        %add3A_162 = arith.addi %get3A_160, %add3A_161 : vector<16xi32>
        %swap3A_163 = arith.constant 0 : index
        %swap3A_164 = tpu.vector_load %arg17[%swap3A_163] {strides = array<i32>} : memref<32xi32, #tpu.memory_space<vmem>>, vector<16xi32>,
        tpu.vector_store %arg17[%swap3A_163], %add3A_162 {strides = array<i32>} : memref<32xi32, #tpu.memory_space<vmem>>, vector<16xi32>,
        %get3A_165 = arith.constant 0 : index
        %get3A_166 = tpu.vector_load %arg14[%get3A_165] {strides = array<i32>} : memref<32xi32, #tpu.memory_space<vmem>>, vector<16xi32>,
        %shift_right_logical3A_167 = arith.constant 4 : i32
        %shift_right_logical3A_168 = vector.broadcast %shift_right_logical3A_167 : i32 to vector<16xi32>
        %shift_right_logical3A_169 = arith.shrui %get3A_166, %shift_right_logical3A_168 : vector<16xi32>
        %swap3A_170 = arith.constant 0 : index
        %swap3A_171 = tpu.vector_load %arg18[%swap3A_170] {strides = array<i32>} : memref<32xi32, #tpu.memory_space<vmem>>, vector<16xi32>,
        tpu.vector_store %arg18[%swap3A_170], %shift_right_logical3A_169 {strides = array<i32>} : memref<32xi32, #tpu.memory_space<vmem>>, vector<16xi32>,
        %get3A_172 = arith.constant 16 : index
        %get3A_173 = tpu.vector_load %arg14[%get3A_172] {strides = array<i32>} : memref<32xi32, #tpu.memory_space<vmem>>, vector<16xi32>,
        %add3A_174 = vector.broadcast %mul3A_0 : i32 to vector<16xi32>
        %add3A_175 = arith.addi %get3A_173, %add3A_174 : vector<16xi32>
        %swap3A_176 = arith.constant 16 : index
        %swap3A_177 = tpu.vector_load %arg16[%swap3A_176] {strides = array<i32>} : memref<32xi32, #tpu.memory_space<vmem>>, vector<16xi32>,
        tpu.vector_store %arg16[%swap3A_176], %add3A_175 {strides = array<i32>} : memref<32xi32, #tpu.memory_space<vmem>>, vector<16xi32>,
        %get3A_178 = arith.constant 16 : index
        %get3A_179 = tpu.vector_load %arg15[%get3A_178] {strides = array<i32>} : memref<32xi32, #tpu.memory_space<vmem>>, vector<16xi32>,
        %add3A_180 = vector.broadcast %mul3A_0 : i32 to vector<16xi32>
        %add3A_181 = arith.addi %get3A_179, %add3A_180 : vector<16xi32>
        %swap3A_182 = arith.constant 16 : index
        %swap3A_183 = tpu.vector_load %arg17[%swap3A_182] {strides = array<i32>} : memref<32xi32, #tpu.memory_space<vmem>>, vector<16xi32>,
        tpu.vector_store %arg17[%swap3A_182], %add3A_181 {strides = array<i32>} : memref<32xi32, #tpu.memory_space<vmem>>, vector<16xi32>,
        %get3A_184 = arith.constant 16 : index
        %get3A_185 = tpu.vector_load %arg14[%get3A_184] {strides = array<i32>} : memref<32xi32, #tpu.memory_space<vmem>>, vector<16xi32>,
        %shift_right_logical3A_186 = arith.constant 4 : i32
        %shift_right_logical3A_187 = vector.broadcast %shift_right_logical3A_186 : i32 to vector<16xi32>
        %shift_right_logical3A_188 = arith.shrui %get3A_185, %shift_right_logical3A_187 : vector<16xi32>
        %swap3A_189 = arith.constant 16 : index
        %swap3A_190 = tpu.vector_load %arg18[%swap3A_189] {strides = array<i32>} : memref<32xi32, #tpu.memory_space<vmem>>, vector<16xi32>,
        tpu.vector_store %arg18[%swap3A_189], %shift_right_logical3A_188 {strides = array<i32>} : memref<32xi32, #tpu.memory_space<vmem>>, vector<16xi32>,
      } else {
      }
      %get3A_121 = arith.constant 0 : index
      %get3A_122 = tpu.vector_load %arg9[%get3A_121] {strides = array<i32>} : memref<32xi32, #tpu.memory_space<vmem>>, vector<16xi32>,
      %get3A_123 = arith.constant 16 : index
      %get3A_124 = tpu.vector_load %arg9[%get3A_123] {strides = array<i32>} : memref<32xi32, #tpu.memory_space<vmem>>, vector<16xi32>,
      %parallel_loop3A = arith.constant 0 : i32
      %parallel_loop3A_125 = arith.constant 1 : i32
      %parallel_loop3A_126 = arith.constant 1 : i32
      scf.for %parallel_loop3A_150 = %parallel_loop3A to %parallel_loop3A_125 step %parallel_loop3A_126  : i32 {
        %parallel_loop3A_151 = arith.index_cast %parallel_loop3A_150 : i32 to index
        %parallel_loop3A_152 = arith.constant 0 : index
        %parallel_loop3A_153 = tpu.vector_load %arg19[%parallel_loop3A_151, %parallel_loop3A_152] {strides = array<i32>} : memref<32x16xf32, #tpu.memory_space<vmem>>, vector<16xf32>,
        %parallel_loop3A_154 = arith.constant 16 : i32
        %parallel_loop3A_155 = arith.cmpi slt, %parallel_loop3A_150, %parallel_loop3A_154 : i32
        %parallel_loop3A_156 = arith.select %parallel_loop3A_155, %get3A_122, %get3A_124 : vector<16xi32>
        %parallel_loop3A_157 = arith.constant 15 : i32
        %parallel_loop3A_158 = arith.andi %parallel_loop3A_150, %parallel_loop3A_157 : i32
        %parallel_loop3A_159 = vector.broadcast %parallel_loop3A_158 : i32 to vector<16xi32>
        %parallel_loop3A_160 = arith.constant 0 : i32
        %parallel_loop3A_161 = vector.broadcast %parallel_loop3A_160 : i32 to vector<16xi32>
        %parallel_loop3A_162 = arith.cmpi slt, %parallel_loop3A_159, %parallel_loop3A_161 : vector<16xi32>
        %parallel_loop3A_163 = arith.constant 16 : i32
        %parallel_loop3A_164 = vector.broadcast %parallel_loop3A_163 : i32 to vector<16xi32>
        %parallel_loop3A_165 = arith.addi %parallel_loop3A_159, %parallel_loop3A_164 : vector<16xi32>
        %parallel_loop3A_166 = arith.select %parallel_loop3A_162, %parallel_loop3A_165, %parallel_loop3A_159 : vector<16xi1>, vector<16xi32>
        %parallel_loop3A_167 = vector.shape_cast %parallel_loop3A_166 : vector<16xi32> to vector<16x1xi32>
        %parallel_loop3A_168 = vector.shape_cast %parallel_loop3A_167 : vector<16x1xi32> to vector<16xi32>
        %parallel_loop3A_169 = tpu.dynamic_gather %parallel_loop3A_156[%parallel_loop3A_168] in [0] : vector<16xi32>, vector<16xi32> -> vector<16xi32>
        %parallel_loop3A_170 = arith.constant 1 : i32
        %parallel_loop3A_171 = vector.broadcast %parallel_loop3A_170 : i32 to vector<16xi32>
        %parallel_loop3A_172 = arith.andi %parallel_loop3A_169, %parallel_loop3A_171 : vector<16xi32>
        %parallel_loop3A_173 = arith.constant 8 : i32
        %parallel_loop3A_174 = vector.broadcast %parallel_loop3A_173 : i32 to vector<16xi32>
        %parallel_loop3A_175 = arith.muli %parallel_loop3A_172, %parallel_loop3A_174 : vector<16xi32>
        %parallel_loop3A_176 = arith.constant 1 : i32
        %parallel_loop3A_177 = vector.broadcast %parallel_loop3A_176 : i32 to vector<16xi32>
        %parallel_loop3A_178 = arith.shrui %parallel_loop3A_169, %parallel_loop3A_177 : vector<16xi32>
        %parallel_loop3A_179 = arith.constant 7 : i32
        %parallel_loop3A_180 = vector.broadcast %parallel_loop3A_179 : i32 to vector<16xi32>
        %parallel_loop3A_181 = arith.andi %parallel_loop3A_178, %parallel_loop3A_180 : vector<16xi32>
        %parallel_loop3A_182 = arith.constant 16 : i32
        %parallel_loop3A_183 = vector.broadcast %parallel_loop3A_182 : i32 to vector<16xi32>
        %parallel_loop3A_184 = arith.muli %parallel_loop3A_181, %parallel_loop3A_183 : vector<16xi32>
        %parallel_loop3A_185 = arith.index_cast %parallel_loop3A_150 : i32 to index
        %parallel_loop3A_186 = arith.constant 0 : index
        %parallel_loop3A_187 = tpu.vector_load %arg21[%parallel_loop3A_185, %parallel_loop3A_186] {strides = array<i32>} : memref<32x128xf32, #tpu.memory_space<vmem>>, vector<16xf32>,
        %parallel_loop3A_188 = arith.index_cast %parallel_loop3A_150 : i32 to index
        %parallel_loop3A_189 = arith.constant 64 : index
        %parallel_loop3A_190 = tpu.vector_load %arg21[%parallel_loop3A_188, %parallel_loop3A_189] {strides = array<i32>} : memref<32x128xf32, #tpu.memory_space<vmem>>, vector<16xf32>,
        %parallel_loop3A_191 = arith.index_cast %parallel_loop3A_150 : i32 to index
        %parallel_loop3A_192 = arith.constant 0 : index
        %parallel_loop3A_193 = tpu.vector_load %arg23[%parallel_loop3A_191, %parallel_loop3A_192] {strides = array<i32>} : memref<32x128xf32, #tpu.memory_space<vmem>>, vector<16xf32>,
        %parallel_loop3A_194 = arith.index_cast %parallel_loop3A_150 : i32 to index
        %parallel_loop3A_195 = arith.constant 64 : index
        %parallel_loop3A_196 = tpu.vector_load %arg23[%parallel_loop3A_194, %parallel_loop3A_195] {strides = array<i32>} : memref<32x128xf32, #tpu.memory_space<vmem>>, vector<16xf32>,
        %parallel_loop3A_197 = arith.mulf %parallel_loop3A_187, %parallel_loop3A_193 : vector<16xf32>
        %parallel_loop3A_198 = arith.mulf %parallel_loop3A_190, %parallel_loop3A_153 : vector<16xf32>
        %parallel_loop3A_199 = arith.addf %parallel_loop3A_197, %parallel_loop3A_198 : vector<16xf32>
        %parallel_loop3A_200 = arith.constant 0 : i32
        %parallel_loop3A_201 = vector.broadcast %parallel_loop3A_200 : i32 to vector<16xi32>
        %parallel_loop3A_202 = arith.cmpi slt, %xor3A_56, %parallel_loop3A_201 : vector<16xi32>
        %parallel_loop3A_203 = arith.constant 16 : i32
        %parallel_loop3A_204 = vector.broadcast %parallel_loop3A_203 : i32 to vector<16xi32>
        %parallel_loop3A_205 = arith.addi %xor3A_56, %parallel_loop3A_204 : vector<16xi32>
        %parallel_loop3A_206 = arith.select %parallel_loop3A_202, %parallel_loop3A_205, %xor3A_56 : vector<16xi1>, vector<16xi32>
        %parallel_loop3A_207 = vector.shape_cast %parallel_loop3A_206 : vector<16xi32> to vector<16x1xi32>
        %parallel_loop3A_208 = vector.shape_cast %parallel_loop3A_207 : vector<16x1xi32> to vector<16xi32>
        %parallel_loop3A_209 = tpu.dynamic_gather %parallel_loop3A_199[%parallel_loop3A_208] in [0] : vector<16xf32>, vector<16xi32> -> vector<16xf32>
        %parallel_loop3A_210 = arith.addf %parallel_loop3A_199, %parallel_loop3A_209 : vector<16xf32>
        %parallel_loop3A_211 = arith.constant 0 : i32
        %parallel_loop3A_212 = vector.broadcast %parallel_loop3A_211 : i32 to vector<16xi32>
        %parallel_loop3A_213 = arith.cmpi slt, %xor3A_59, %parallel_loop3A_212 : vector<16xi32>
        %parallel_loop3A_214 = arith.constant 16 : i32
        %parallel_loop3A_215 = vector.broadcast %parallel_loop3A_214 : i32 to vector<16xi32>
        %parallel_loop3A_216 = arith.addi %xor3A_59, %parallel_loop3A_215 : vector<16xi32>
        %parallel_loop3A_217 = arith.select %parallel_loop3A_213, %parallel_loop3A_216, %xor3A_59 : vector<16xi1>, vector<16xi32>
        %parallel_loop3A_218 = vector.shape_cast %parallel_loop3A_217 : vector<16xi32> to vector<16x1xi32>
        %parallel_loop3A_219 = vector.shape_cast %parallel_loop3A_218 : vector<16x1xi32> to vector<16xi32>
        %parallel_loop3A_220 = tpu.dynamic_gather %parallel_loop3A_210[%parallel_loop3A_219] in [0] : vector<16xf32>, vector<16xi32> -> vector<16xf32>
        %parallel_loop3A_221 = arith.addf %parallel_loop3A_210, %parallel_loop3A_220 : vector<16xf32>
        %parallel_loop3A_222 = arith.constant 0 : i32
        %parallel_loop3A_223 = vector.broadcast %parallel_loop3A_222 : i32 to vector<16xi32>
        %parallel_loop3A_224 = arith.cmpi slt, %xor3A_62, %parallel_loop3A_223 : vector<16xi32>
        %parallel_loop3A_225 = arith.constant 16 : i32
        %parallel_loop3A_226 = vector.broadcast %parallel_loop3A_225 : i32 to vector<16xi32>
        %parallel_loop3A_227 = arith.addi %xor3A_62, %parallel_loop3A_226 : vector<16xi32>
        %parallel_loop3A_228 = arith.select %parallel_loop3A_224, %parallel_loop3A_227, %xor3A_62 : vector<16xi1>, vector<16xi32>
        %parallel_loop3A_229 = vector.shape_cast %parallel_loop3A_228 : vector<16xi32> to vector<16x1xi32>
        %parallel_loop3A_230 = vector.shape_cast %parallel_loop3A_229 : vector<16x1xi32> to vector<16xi32>
        %parallel_loop3A_231 = tpu.dynamic_gather %parallel_loop3A_221[%parallel_loop3A_230] in [0] : vector<16xf32>, vector<16xi32> -> vector<16xf32>
        %parallel_loop3A_232 = arith.addf %parallel_loop3A_221, %parallel_loop3A_231 : vector<16xf32>
        %parallel_loop3A_233 = arith.constant 0 : i32
        %parallel_loop3A_234 = vector.broadcast %parallel_loop3A_233 : i32 to vector<16xi32>
        %parallel_loop3A_235 = arith.cmpi slt, %xor3A_65, %parallel_loop3A_234 : vector<16xi32>
        %parallel_loop3A_236 = arith.constant 16 : i32
        %parallel_loop3A_237 = vector.broadcast %parallel_loop3A_236 : i32 to vector<16xi32>
        %parallel_loop3A_238 = arith.addi %xor3A_65, %parallel_loop3A_237 : vector<16xi32>
        %parallel_loop3A_239 = arith.select %parallel_loop3A_235, %parallel_loop3A_238, %xor3A_65 : vector<16xi1>, vector<16xi32>
        %parallel_loop3A_240 = vector.shape_cast %parallel_loop3A_239 : vector<16xi32> to vector<16x1xi32>
        %parallel_loop3A_241 = vector.shape_cast %parallel_loop3A_240 : vector<16x1xi32> to vector<16xi32>
        %parallel_loop3A_242 = tpu.dynamic_gather %parallel_loop3A_232[%parallel_loop3A_241] in [0] : vector<16xf32>, vector<16xi32> -> vector<16xf32>
        %parallel_loop3A_243 = arith.addf %parallel_loop3A_232, %parallel_loop3A_242 : vector<16xf32>
        %parallel_loop3A_244 = math.exp %parallel_loop3A_243 : vector<16xf32>
        %parallel_loop3A_245 = arith.mulf %parallel_loop3A_244, %parallel_loop3A_196 : vector<16xf32>
        %parallel_loop3A_246 = arith.index_cast %parallel_loop3A_150 : i32 to index
        %parallel_loop3A_247 = arith.constant 0 : index
        %parallel_loop3A_248 = tpu.vector_load %arg23[%parallel_loop3A_246, %parallel_loop3A_247] {strides = array<i32>} : memref<32x128xf32, #tpu.memory_space<vmem>>, vector<16xf32>,
        tpu.vector_store %arg23[%parallel_loop3A_246, %parallel_loop3A_247], %parallel_loop3A_245 {strides = array<i32>} : memref<32x128xf32, #tpu.memory_space<vmem>>, vector<16xf32>,
        %parallel_loop3A_249 = arith.mulf %parallel_loop3A_244, %parallel_loop3A_153 : vector<16xf32>
        %parallel_loop3A_250 = arith.index_cast %parallel_loop3A_150 : i32 to index
        %parallel_loop3A_251 = arith.constant 64 : index
        %parallel_loop3A_252 = tpu.vector_load %arg23[%parallel_loop3A_250, %parallel_loop3A_251] {strides = array<i32>} : memref<32x128xf32, #tpu.memory_space<vmem>>, vector<16xf32>,
        tpu.vector_store %arg23[%parallel_loop3A_250, %parallel_loop3A_251], %parallel_loop3A_249 {strides = array<i32>} : memref<32x128xf32, #tpu.memory_space<vmem>>, vector<16xf32>,
        %parallel_loop3A_253 = arith.constant 0 : i32
        %parallel_loop3A_254 = vector.broadcast %parallel_loop3A_253 : i32 to vector<16xi32>
        %parallel_loop3A_255 = arith.addi %parallel_loop3A_254, %parallel_loop3A_175 : vector<16xi32>
        %parallel_loop3A_256 = arith.cmpi eq, %iota3A, %parallel_loop3A_255 : vector<16xi32>
        %parallel_loop3A_257 = arith.select %parallel_loop3A_256, %parallel_loop3A_244, %broadcast_in_dim3A_1 : vector<16xi1>, vector<16xf32>
        %parallel_loop3A_258 = arith.index_cast %parallel_loop3A_150 : i32 to index
        %parallel_loop3A_259 = arith.constant 16 : index
        %parallel_loop3A_260 = tpu.vector_load %arg21[%parallel_loop3A_258, %parallel_loop3A_259] {strides = array<i32>} : memref<32x128xf32, #tpu.memory_space<vmem>>, vector<16xf32>,
        %parallel_loop3A_261 = arith.index_cast %parallel_loop3A_150 : i32 to index
        %parallel_loop3A_262 = arith.constant 80 : index
        %parallel_loop3A_263 = tpu.vector_load %arg21[%parallel_loop3A_261, %parallel_loop3A_262] {strides = array<i32>} : memref<32x128xf32, #tpu.memory_space<vmem>>, vector<16xf32>,
        %parallel_loop3A_264 = arith.index_cast %parallel_loop3A_150 : i32 to index
        %parallel_loop3A_265 = arith.constant 16 : index
        %parallel_loop3A_266 = tpu.vector_load %arg23[%parallel_loop3A_264, %parallel_loop3A_265] {strides = array<i32>} : memref<32x128xf32, #tpu.memory_space<vmem>>, vector<16xf32>,
        %parallel_loop3A_267 = arith.index_cast %parallel_loop3A_150 : i32 to index
        %parallel_loop3A_268 = arith.constant 80 : index
        %parallel_loop3A_269 = tpu.vector_load %arg23[%parallel_loop3A_267, %parallel_loop3A_268] {strides = array<i32>} : memref<32x128xf32, #tpu.memory_space<vmem>>, vector<16xf32>,
        %parallel_loop3A_270 = arith.mulf %parallel_loop3A_260, %parallel_loop3A_266 : vector<16xf32>
        %parallel_loop3A_271 = arith.mulf %parallel_loop3A_263, %parallel_loop3A_153 : vector<16xf32>
        %parallel_loop3A_272 = arith.addf %parallel_loop3A_270, %parallel_loop3A_271 : vector<16xf32>
        %parallel_loop3A_273 = arith.constant 0 : i32
        %parallel_loop3A_274 = vector.broadcast %parallel_loop3A_273 : i32 to vector<16xi32>
        %parallel_loop3A_275 = arith.cmpi slt, %xor3A_56, %parallel_loop3A_274 : vector<16xi32>
        %parallel_loop3A_276 = arith.constant 16 : i32
        %parallel_loop3A_277 = vector.broadcast %parallel_loop3A_276 : i32 to vector<16xi32>
        %parallel_loop3A_278 = arith.addi %xor3A_56, %parallel_loop3A_277 : vector<16xi32>
        %parallel_loop3A_279 = arith.select %parallel_loop3A_275, %parallel_loop3A_278, %xor3A_56 : vector<16xi1>, vector<16xi32>
        %parallel_loop3A_280 = vector.shape_cast %parallel_loop3A_279 : vector<16xi32> to vector<16x1xi32>
        %parallel_loop3A_281 = vector.shape_cast %parallel_loop3A_280 : vector<16x1xi32> to vector<16xi32>
        %parallel_loop3A_282 = tpu.dynamic_gather %parallel_loop3A_272[%parallel_loop3A_281] in [0] : vector<16xf32>, vector<16xi32> -> vector<16xf32>
        %parallel_loop3A_283 = arith.addf %parallel_loop3A_272, %parallel_loop3A_282 : vector<16xf32>
        %parallel_loop3A_284 = arith.constant 0 : i32
        %parallel_loop3A_285 = vector.broadcast %parallel_loop3A_284 : i32 to vector<16xi32>
        %parallel_loop3A_286 = arith.cmpi slt, %xor3A_59, %parallel_loop3A_285 : vector<16xi32>
        %parallel_loop3A_287 = arith.constant 16 : i32
        %parallel_loop3A_288 = vector.broadcast %parallel_loop3A_287 : i32 to vector<16xi32>
        %parallel_loop3A_289 = arith.addi %xor3A_59, %parallel_loop3A_288 : vector<16xi32>
        %parallel_loop3A_290 = arith.select %parallel_loop3A_286, %parallel_loop3A_289, %xor3A_59 : vector<16xi1>, vector<16xi32>
        %parallel_loop3A_291 = vector.shape_cast %parallel_loop3A_290 : vector<16xi32> to vector<16x1xi32>
        %parallel_loop3A_292 = vector.shape_cast %parallel_loop3A_291 : vector<16x1xi32> to vector<16xi32>
        %parallel_loop3A_293 = tpu.dynamic_gather %parallel_loop3A_283[%parallel_loop3A_292] in [0] : vector<16xf32>, vector<16xi32> -> vector<16xf32>
        %parallel_loop3A_294 = arith.addf %parallel_loop3A_283, %parallel_loop3A_293 : vector<16xf32>
        %parallel_loop3A_295 = arith.constant 0 : i32
        %parallel_loop3A_296 = vector.broadcast %parallel_loop3A_295 : i32 to vector<16xi32>
        %parallel_loop3A_297 = arith.cmpi slt, %xor3A_62, %parallel_loop3A_296 : vector<16xi32>
        %parallel_loop3A_298 = arith.constant 16 : i32
        %parallel_loop3A_299 = vector.broadcast %parallel_loop3A_298 : i32 to vector<16xi32>
        %parallel_loop3A_300 = arith.addi %xor3A_62, %parallel_loop3A_299 : vector<16xi32>
        %parallel_loop3A_301 = arith.select %parallel_loop3A_297, %parallel_loop3A_300, %xor3A_62 : vector<16xi1>, vector<16xi32>
        %parallel_loop3A_302 = vector.shape_cast %parallel_loop3A_301 : vector<16xi32> to vector<16x1xi32>
        %parallel_loop3A_303 = vector.shape_cast %parallel_loop3A_302 : vector<16x1xi32> to vector<16xi32>
        %parallel_loop3A_304 = tpu.dynamic_gather %parallel_loop3A_294[%parallel_loop3A_303] in [0] : vector<16xf32>, vector<16xi32> -> vector<16xf32>
        %parallel_loop3A_305 = arith.addf %parallel_loop3A_294, %parallel_loop3A_304 : vector<16xf32>
        %parallel_loop3A_306 = arith.constant 0 : i32
        %parallel_loop3A_307 = vector.broadcast %parallel_loop3A_306 : i32 to vector<16xi32>
        %parallel_loop3A_308 = arith.cmpi slt, %xor3A_65, %parallel_loop3A_307 : vector<16xi32>
        %parallel_loop3A_309 = arith.constant 16 : i32
        %parallel_loop3A_310 = vector.broadcast %parallel_loop3A_309 : i32 to vector<16xi32>
        %parallel_loop3A_311 = arith.addi %xor3A_65, %parallel_loop3A_310 : vector<16xi32>
        %parallel_loop3A_312 = arith.select %parallel_loop3A_308, %parallel_loop3A_311, %xor3A_65 : vector<16xi1>, vector<16xi32>
        %parallel_loop3A_313 = vector.shape_cast %parallel_loop3A_312 : vector<16xi32> to vector<16x1xi32>
        %parallel_loop3A_314 = vector.shape_cast %parallel_loop3A_313 : vector<16x1xi32> to vector<16xi32>
        %parallel_loop3A_315 = tpu.dynamic_gather %parallel_loop3A_305[%parallel_loop3A_314] in [0] : vector<16xf32>, vector<16xi32> -> vector<16xf32>
        %parallel_loop3A_316 = arith.addf %parallel_loop3A_305, %parallel_loop3A_315 : vector<16xf32>
        %parallel_loop3A_317 = math.exp %parallel_loop3A_316 : vector<16xf32>
        %parallel_loop3A_318 = arith.mulf %parallel_loop3A_317, %parallel_loop3A_269 : vector<16xf32>
        %parallel_loop3A_319 = arith.index_cast %parallel_loop3A_150 : i32 to index
        %parallel_loop3A_320 = arith.constant 16 : index
        %parallel_loop3A_321 = tpu.vector_load %arg23[%parallel_loop3A_319, %parallel_loop3A_320] {strides = array<i32>} : memref<32x128xf32, #tpu.memory_space<vmem>>, vector<16xf32>,
        tpu.vector_store %arg23[%parallel_loop3A_319, %parallel_loop3A_320], %parallel_loop3A_318 {strides = array<i32>} : memref<32x128xf32, #tpu.memory_space<vmem>>, vector<16xf32>,
        %parallel_loop3A_322 = arith.mulf %parallel_loop3A_317, %parallel_loop3A_153 : vector<16xf32>
        %parallel_loop3A_323 = arith.index_cast %parallel_loop3A_150 : i32 to index
        %parallel_loop3A_324 = arith.constant 80 : index
        %parallel_loop3A_325 = tpu.vector_load %arg23[%parallel_loop3A_323, %parallel_loop3A_324] {strides = array<i32>} : memref<32x128xf32, #tpu.memory_space<vmem>>, vector<16xf32>,
        tpu.vector_store %arg23[%parallel_loop3A_323, %parallel_loop3A_324], %parallel_loop3A_322 {strides = array<i32>} : memref<32x128xf32, #tpu.memory_space<vmem>>, vector<16xf32>,
        %parallel_loop3A_326 = arith.constant 1 : i32
        %parallel_loop3A_327 = vector.broadcast %parallel_loop3A_326 : i32 to vector<16xi32>
        %parallel_loop3A_328 = arith.addi %parallel_loop3A_327, %parallel_loop3A_175 : vector<16xi32>
        %parallel_loop3A_329 = arith.cmpi eq, %iota3A, %parallel_loop3A_328 : vector<16xi32>
        %parallel_loop3A_330 = arith.select %parallel_loop3A_329, %parallel_loop3A_317, %parallel_loop3A_257 : vector<16xi1>, vector<16xf32>
        %parallel_loop3A_331 = arith.index_cast %parallel_loop3A_150 : i32 to index
        %parallel_loop3A_332 = arith.constant 32 : index
        %parallel_loop3A_333 = tpu.vector_load %arg21[%parallel_loop3A_331, %parallel_loop3A_332] {strides = array<i32>} : memref<32x128xf32, #tpu.memory_space<vmem>>, vector<16xf32>,
        %parallel_loop3A_334 = arith.index_cast %parallel_loop3A_150 : i32 to index
        %parallel_loop3A_335 = arith.constant 96 : index
        %parallel_loop3A_336 = tpu.vector_load %arg21[%parallel_loop3A_334, %parallel_loop3A_335] {strides = array<i32>} : memref<32x128xf32, #tpu.memory_space<vmem>>, vector<16xf32>,
        %parallel_loop3A_337 = arith.index_cast %parallel_loop3A_150 : i32 to index
        %parallel_loop3A_338 = arith.constant 32 : index
        %parallel_loop3A_339 = tpu.vector_load %arg23[%parallel_loop3A_337, %parallel_loop3A_338] {strides = array<i32>} : memref<32x128xf32, #tpu.memory_space<vmem>>, vector<16xf32>,
        %parallel_loop3A_340 = arith.index_cast %parallel_loop3A_150 : i32 to index
        %parallel_loop3A_341 = arith.constant 96 : index
        %parallel_loop3A_342 = tpu.vector_load %arg23[%parallel_loop3A_340, %parallel_loop3A_341] {strides = array<i32>} : memref<32x128xf32, #tpu.memory_space<vmem>>, vector<16xf32>,
        %parallel_loop3A_343 = arith.mulf %parallel_loop3A_333, %parallel_loop3A_339 : vector<16xf32>
        %parallel_loop3A_344 = arith.mulf %parallel_loop3A_336, %parallel_loop3A_153 : vector<16xf32>
        %parallel_loop3A_345 = arith.addf %parallel_loop3A_343, %parallel_loop3A_344 : vector<16xf32>
        %parallel_loop3A_346 = arith.constant 0 : i32
        %parallel_loop3A_347 = vector.broadcast %parallel_loop3A_346 : i32 to vector<16xi32>
        %parallel_loop3A_348 = arith.cmpi slt, %xor3A_56, %parallel_loop3A_347 : vector<16xi32>
        %parallel_loop3A_349 = arith.constant 16 : i32
        %parallel_loop3A_350 = vector.broadcast %parallel_loop3A_349 : i32 to vector<16xi32>
        %parallel_loop3A_351 = arith.addi %xor3A_56, %parallel_loop3A_350 : vector<16xi32>
        %parallel_loop3A_352 = arith.select %parallel_loop3A_348, %parallel_loop3A_351, %xor3A_56 : vector<16xi1>, vector<16xi32>
        %parallel_loop3A_353 = vector.shape_cast %parallel_loop3A_352 : vector<16xi32> to vector<16x1xi32>
        %parallel_loop3A_354 = vector.shape_cast %parallel_loop3A_353 : vector<16x1xi32> to vector<16xi32>
        %parallel_loop3A_355 = tpu.dynamic_gather %parallel_loop3A_345[%parallel_loop3A_354] in [0] : vector<16xf32>, vector<16xi32> -> vector<16xf32>
        %parallel_loop3A_356 = arith.addf %parallel_loop3A_345, %parallel_loop3A_355 : vector<16xf32>
        %parallel_loop3A_357 = arith.constant 0 : i32
        %parallel_loop3A_358 = vector.broadcast %parallel_loop3A_357 : i32 to vector<16xi32>
        %parallel_loop3A_359 = arith.cmpi slt, %xor3A_59, %parallel_loop3A_358 : vector<16xi32>
        %parallel_loop3A_360 = arith.constant 16 : i32
        %parallel_loop3A_361 = vector.broadcast %parallel_loop3A_360 : i32 to vector<16xi32>
        %parallel_loop3A_362 = arith.addi %xor3A_59, %parallel_loop3A_361 : vector<16xi32>
        %parallel_loop3A_363 = arith.select %parallel_loop3A_359, %parallel_loop3A_362, %xor3A_59 : vector<16xi1>, vector<16xi32>
        %parallel_loop3A_364 = vector.shape_cast %parallel_loop3A_363 : vector<16xi32> to vector<16x1xi32>
        %parallel_loop3A_365 = vector.shape_cast %parallel_loop3A_364 : vector<16x1xi32> to vector<16xi32>
        %parallel_loop3A_366 = tpu.dynamic_gather %parallel_loop3A_356[%parallel_loop3A_365] in [0] : vector<16xf32>, vector<16xi32> -> vector<16xf32>
        %parallel_loop3A_367 = arith.addf %parallel_loop3A_356, %parallel_loop3A_366 : vector<16xf32>
        %parallel_loop3A_368 = arith.constant 0 : i32
        %parallel_loop3A_369 = vector.broadcast %parallel_loop3A_368 : i32 to vector<16xi32>
        %parallel_loop3A_370 = arith.cmpi slt, %xor3A_62, %parallel_loop3A_369 : vector<16xi32>
        %parallel_loop3A_371 = arith.constant 16 : i32
        %parallel_loop3A_372 = vector.broadcast %parallel_loop3A_371 : i32 to vector<16xi32>
        %parallel_loop3A_373 = arith.addi %xor3A_62, %parallel_loop3A_372 : vector<16xi32>
        %parallel_loop3A_374 = arith.select %parallel_loop3A_370, %parallel_loop3A_373, %xor3A_62 : vector<16xi1>, vector<16xi32>
        %parallel_loop3A_375 = vector.shape_cast %parallel_loop3A_374 : vector<16xi32> to vector<16x1xi32>
        %parallel_loop3A_376 = vector.shape_cast %parallel_loop3A_375 : vector<16x1xi32> to vector<16xi32>
        %parallel_loop3A_377 = tpu.dynamic_gather %parallel_loop3A_367[%parallel_loop3A_376] in [0] : vector<16xf32>, vector<16xi32> -> vector<16xf32>
        %parallel_loop3A_378 = arith.addf %parallel_loop3A_367, %parallel_loop3A_377 : vector<16xf32>
        %parallel_loop3A_379 = arith.constant 0 : i32
        %parallel_loop3A_380 = vector.broadcast %parallel_loop3A_379 : i32 to vector<16xi32>
        %parallel_loop3A_381 = arith.cmpi slt, %xor3A_65, %parallel_loop3A_380 : vector<16xi32>
        %parallel_loop3A_382 = arith.constant 16 : i32
        %parallel_loop3A_383 = vector.broadcast %parallel_loop3A_382 : i32 to vector<16xi32>
        %parallel_loop3A_384 = arith.addi %xor3A_65, %parallel_loop3A_383 : vector<16xi32>
        %parallel_loop3A_385 = arith.select %parallel_loop3A_381, %parallel_loop3A_384, %xor3A_65 : vector<16xi1>, vector<16xi32>
        %parallel_loop3A_386 = vector.shape_cast %parallel_loop3A_385 : vector<16xi32> to vector<16x1xi32>
        %parallel_loop3A_387 = vector.shape_cast %parallel_loop3A_386 : vector<16x1xi32> to vector<16xi32>
        %parallel_loop3A_388 = tpu.dynamic_gather %parallel_loop3A_378[%parallel_loop3A_387] in [0] : vector<16xf32>, vector<16xi32> -> vector<16xf32>
        %parallel_loop3A_389 = arith.addf %parallel_loop3A_378, %parallel_loop3A_388 : vector<16xf32>
        %parallel_loop3A_390 = math.exp %parallel_loop3A_389 : vector<16xf32>
        %parallel_loop3A_391 = arith.mulf %parallel_loop3A_390, %parallel_loop3A_342 : vector<16xf32>
        %parallel_loop3A_392 = arith.index_cast %parallel_loop3A_150 : i32 to index
        %parallel_loop3A_393 = arith.constant 32 : index
        %parallel_loop3A_394 = tpu.vector_load %arg23[%parallel_loop3A_392, %parallel_loop3A_393] {strides = array<i32>} : memref<32x128xf32, #tpu.memory_space<vmem>>, vector<16xf32>,
        tpu.vector_store %arg23[%parallel_loop3A_392, %parallel_loop3A_393], %parallel_loop3A_391 {strides = array<i32>} : memref<32x128xf32, #tpu.memory_space<vmem>>, vector<16xf32>,
        %parallel_loop3A_395 = arith.mulf %parallel_loop3A_390, %parallel_loop3A_153 : vector<16xf32>
        %parallel_loop3A_396 = arith.index_cast %parallel_loop3A_150 : i32 to index
        %parallel_loop3A_397 = arith.constant 96 : index
        %parallel_loop3A_398 = tpu.vector_load %arg23[%parallel_loop3A_396, %parallel_loop3A_397] {strides = array<i32>} : memref<32x128xf32, #tpu.memory_space<vmem>>, vector<16xf32>,
        tpu.vector_store %arg23[%parallel_loop3A_396, %parallel_loop3A_397], %parallel_loop3A_395 {strides = array<i32>} : memref<32x128xf32, #tpu.memory_space<vmem>>, vector<16xf32>,
        %parallel_loop3A_399 = arith.constant 2 : i32
        %parallel_loop3A_400 = vector.broadcast %parallel_loop3A_399 : i32 to vector<16xi32>
        %parallel_loop3A_401 = arith.addi %parallel_loop3A_400, %parallel_loop3A_175 : vector<16xi32>
        %parallel_loop3A_402 = arith.cmpi eq, %iota3A, %parallel_loop3A_401 : vector<16xi32>
        %parallel_loop3A_403 = arith.select %parallel_loop3A_402, %parallel_loop3A_390, %parallel_loop3A_330 : vector<16xi1>, vector<16xf32>
        %parallel_loop3A_404 = arith.index_cast %parallel_loop3A_150 : i32 to index
        %parallel_loop3A_405 = arith.constant 48 : index
        %parallel_loop3A_406 = tpu.vector_load %arg21[%parallel_loop3A_404, %parallel_loop3A_405] {strides = array<i32>} : memref<32x128xf32, #tpu.memory_space<vmem>>, vector<16xf32>,
        %parallel_loop3A_407 = arith.index_cast %parallel_loop3A_150 : i32 to index
        %parallel_loop3A_408 = arith.constant 112 : index
        %parallel_loop3A_409 = tpu.vector_load %arg21[%parallel_loop3A_407, %parallel_loop3A_408] {strides = array<i32>} : memref<32x128xf32, #tpu.memory_space<vmem>>, vector<16xf32>,
        %parallel_loop3A_410 = arith.index_cast %parallel_loop3A_150 : i32 to index
        %parallel_loop3A_411 = arith.constant 48 : index
        %parallel_loop3A_412 = tpu.vector_load %arg23[%parallel_loop3A_410, %parallel_loop3A_411] {strides = array<i32>} : memref<32x128xf32, #tpu.memory_space<vmem>>, vector<16xf32>,
        %parallel_loop3A_413 = arith.index_cast %parallel_loop3A_150 : i32 to index
        %parallel_loop3A_414 = arith.constant 112 : index
        %parallel_loop3A_415 = tpu.vector_load %arg23[%parallel_loop3A_413, %parallel_loop3A_414] {strides = array<i32>} : memref<32x128xf32, #tpu.memory_space<vmem>>, vector<16xf32>,
        %parallel_loop3A_416 = arith.mulf %parallel_loop3A_406, %parallel_loop3A_412 : vector<16xf32>
        %parallel_loop3A_417 = arith.mulf %parallel_loop3A_409, %parallel_loop3A_153 : vector<16xf32>
        %parallel_loop3A_418 = arith.addf %parallel_loop3A_416, %parallel_loop3A_417 : vector<16xf32>
        %parallel_loop3A_419 = arith.constant 0 : i32
        %parallel_loop3A_420 = vector.broadcast %parallel_loop3A_419 : i32 to vector<16xi32>
        %parallel_loop3A_421 = arith.cmpi slt, %xor3A_56, %parallel_loop3A_420 : vector<16xi32>
        %parallel_loop3A_422 = arith.constant 16 : i32
        %parallel_loop3A_423 = vector.broadcast %parallel_loop3A_422 : i32 to vector<16xi32>
        %parallel_loop3A_424 = arith.addi %xor3A_56, %parallel_loop3A_423 : vector<16xi32>
        %parallel_loop3A_425 = arith.select %parallel_loop3A_421, %parallel_loop3A_424, %xor3A_56 : vector<16xi1>, vector<16xi32>
        %parallel_loop3A_426 = vector.shape_cast %parallel_loop3A_425 : vector<16xi32> to vector<16x1xi32>
        %parallel_loop3A_427 = vector.shape_cast %parallel_loop3A_426 : vector<16x1xi32> to vector<16xi32>
        %parallel_loop3A_428 = tpu.dynamic_gather %parallel_loop3A_418[%parallel_loop3A_427] in [0] : vector<16xf32>, vector<16xi32> -> vector<16xf32>
        %parallel_loop3A_429 = arith.addf %parallel_loop3A_418, %parallel_loop3A_428 : vector<16xf32>
        %parallel_loop3A_430 = arith.constant 0 : i32
        %parallel_loop3A_431 = vector.broadcast %parallel_loop3A_430 : i32 to vector<16xi32>
        %parallel_loop3A_432 = arith.cmpi slt, %xor3A_59, %parallel_loop3A_431 : vector<16xi32>
        %parallel_loop3A_433 = arith.constant 16 : i32
        %parallel_loop3A_434 = vector.broadcast %parallel_loop3A_433 : i32 to vector<16xi32>
        %parallel_loop3A_435 = arith.addi %xor3A_59, %parallel_loop3A_434 : vector<16xi32>
        %parallel_loop3A_436 = arith.select %parallel_loop3A_432, %parallel_loop3A_435, %xor3A_59 : vector<16xi1>, vector<16xi32>
        %parallel_loop3A_437 = vector.shape_cast %parallel_loop3A_436 : vector<16xi32> to vector<16x1xi32>
        %parallel_loop3A_438 = vector.shape_cast %parallel_loop3A_437 : vector<16x1xi32> to vector<16xi32>
        %parallel_loop3A_439 = tpu.dynamic_gather %parallel_loop3A_429[%parallel_loop3A_438] in [0] : vector<16xf32>, vector<16xi32> -> vector<16xf32>
        %parallel_loop3A_440 = arith.addf %parallel_loop3A_429, %parallel_loop3A_439 : vector<16xf32>
        %parallel_loop3A_441 = arith.constant 0 : i32
        %parallel_loop3A_442 = vector.broadcast %parallel_loop3A_441 : i32 to vector<16xi32>
        %parallel_loop3A_443 = arith.cmpi slt, %xor3A_62, %parallel_loop3A_442 : vector<16xi32>
        %parallel_loop3A_444 = arith.constant 16 : i32
        %parallel_loop3A_445 = vector.broadcast %parallel_loop3A_444 : i32 to vector<16xi32>
        %parallel_loop3A_446 = arith.addi %xor3A_62, %parallel_loop3A_445 : vector<16xi32>
        %parallel_loop3A_447 = arith.select %parallel_loop3A_443, %parallel_loop3A_446, %xor3A_62 : vector<16xi1>, vector<16xi32>
        %parallel_loop3A_448 = vector.shape_cast %parallel_loop3A_447 : vector<16xi32> to vector<16x1xi32>
        %parallel_loop3A_449 = vector.shape_cast %parallel_loop3A_448 : vector<16x1xi32> to vector<16xi32>
        %parallel_loop3A_450 = tpu.dynamic_gather %parallel_loop3A_440[%parallel_loop3A_449] in [0] : vector<16xf32>, vector<16xi32> -> vector<16xf32>
        %parallel_loop3A_451 = arith.addf %parallel_loop3A_440, %parallel_loop3A_450 : vector<16xf32>
        %parallel_loop3A_452 = arith.constant 0 : i32
        %parallel_loop3A_453 = vector.broadcast %parallel_loop3A_452 : i32 to vector<16xi32>
        %parallel_loop3A_454 = arith.cmpi slt, %xor3A_65, %parallel_loop3A_453 : vector<16xi32>
        %parallel_loop3A_455 = arith.constant 16 : i32
        %parallel_loop3A_456 = vector.broadcast %parallel_loop3A_455 : i32 to vector<16xi32>
        %parallel_loop3A_457 = arith.addi %xor3A_65, %parallel_loop3A_456 : vector<16xi32>
        %parallel_loop3A_458 = arith.select %parallel_loop3A_454, %parallel_loop3A_457, %xor3A_65 : vector<16xi1>, vector<16xi32>
        %parallel_loop3A_459 = vector.shape_cast %parallel_loop3A_458 : vector<16xi32> to vector<16x1xi32>
        %parallel_loop3A_460 = vector.shape_cast %parallel_loop3A_459 : vector<16x1xi32> to vector<16xi32>
        %parallel_loop3A_461 = tpu.dynamic_gather %parallel_loop3A_451[%parallel_loop3A_460] in [0] : vector<16xf32>, vector<16xi32> -> vector<16xf32>
        %parallel_loop3A_462 = arith.addf %parallel_loop3A_451, %parallel_loop3A_461 : vector<16xf32>
        %parallel_loop3A_463 = math.exp %parallel_loop3A_462 : vector<16xf32>
        %parallel_loop3A_464 = arith.mulf %parallel_loop3A_463, %parallel_loop3A_415 : vector<16xf32>
        %parallel_loop3A_465 = arith.index_cast %parallel_loop3A_150 : i32 to index
        %parallel_loop3A_466 = arith.constant 48 : index
        %parallel_loop3A_467 = tpu.vector_load %arg23[%parallel_loop3A_465, %parallel_loop3A_466] {strides = array<i32>} : memref<32x128xf32, #tpu.memory_space<vmem>>, vector<16xf32>,
        tpu.vector_store %arg23[%parallel_loop3A_465, %parallel_loop3A_466], %parallel_loop3A_464 {strides = array<i32>} : memref<32x128xf32, #tpu.memory_space<vmem>>, vector<16xf32>,
        %parallel_loop3A_468 = arith.mulf %parallel_loop3A_463, %parallel_loop3A_153 : vector<16xf32>
        %parallel_loop3A_469 = arith.index_cast %parallel_loop3A_150 : i32 to index
        %parallel_loop3A_470 = arith.constant 112 : index
        %parallel_loop3A_471 = tpu.vector_load %arg23[%parallel_loop3A_469, %parallel_loop3A_470] {strides = array<i32>} : memref<32x128xf32, #tpu.memory_space<vmem>>, vector<16xf32>,
        tpu.vector_store %arg23[%parallel_loop3A_469, %parallel_loop3A_470], %parallel_loop3A_468 {strides = array<i32>} : memref<32x128xf32, #tpu.memory_space<vmem>>, vector<16xf32>,
        %parallel_loop3A_472 = arith.constant 3 : i32
        %parallel_loop3A_473 = vector.broadcast %parallel_loop3A_472 : i32 to vector<16xi32>
        %parallel_loop3A_474 = arith.addi %parallel_loop3A_473, %parallel_loop3A_175 : vector<16xi32>
        %parallel_loop3A_475 = arith.cmpi eq, %iota3A, %parallel_loop3A_474 : vector<16xi32>
        %parallel_loop3A_476 = arith.select %parallel_loop3A_475, %parallel_loop3A_463, %parallel_loop3A_403 : vector<16xi1>, vector<16xf32>
        %parallel_loop3A_477 = vector.broadcast %parallel_loop3A_150 : i32 to vector<16xi32>
        %parallel_loop3A_478 = arith.addi %parallel_loop3A_184, %iota3A : vector<16xi32>
        tpu.vector_store_idx %arg25[%parallel_loop3A_477, %parallel_loop3A_478], %parallel_loop3A_476 : memref<32x128xf32, #tpu.memory_space<vmem>>[vector<16xi32>, vector<16xi32>], vector<16xf32>,
      } {sc.loop_unroll_factor = 1 : i64, sc.parallel_access}
      %parallel_loop3A_127 = arith.constant 0 : i32
      %parallel_loop3A_128 = arith.constant 1 : i32
      %parallel_loop3A_129 = arith.constant 1 : i32
      scf.for %parallel_loop3A_150 = %parallel_loop3A_127 to %parallel_loop3A_128 step %parallel_loop3A_129  : i32 {
        %parallel_loop3A_151 = arith.constant 16 : i32
        %parallel_loop3A_152 = arith.cmpi slt, %parallel_loop3A_150, %parallel_loop3A_151 : i32
        %parallel_loop3A_153 = arith.select %parallel_loop3A_152, %get3A_122, %get3A_124 : vector<16xi32>
        %parallel_loop3A_154 = arith.constant 15 : i32
        %parallel_loop3A_155 = arith.andi %parallel_loop3A_150, %parallel_loop3A_154 : i32
        %parallel_loop3A_156 = vector.broadcast %parallel_loop3A_155 : i32 to vector<16xi32>
        %parallel_loop3A_157 = arith.constant 0 : i32
        %parallel_loop3A_158 = vector.broadcast %parallel_loop3A_157 : i32 to vector<16xi32>
        %parallel_loop3A_159 = arith.cmpi slt, %parallel_loop3A_156, %parallel_loop3A_158 : vector<16xi32>
        %parallel_loop3A_160 = arith.constant 16 : i32
        %parallel_loop3A_161 = vector.broadcast %parallel_loop3A_160 : i32 to vector<16xi32>
        %parallel_loop3A_162 = arith.addi %parallel_loop3A_156, %parallel_loop3A_161 : vector<16xi32>
        %parallel_loop3A_163 = arith.select %parallel_loop3A_159, %parallel_loop3A_162, %parallel_loop3A_156 : vector<16xi1>, vector<16xi32>
        %parallel_loop3A_164 = vector.shape_cast %parallel_loop3A_163 : vector<16xi32> to vector<16x1xi32>
        %parallel_loop3A_165 = vector.shape_cast %parallel_loop3A_164 : vector<16x1xi32> to vector<16xi32>
        %parallel_loop3A_166 = tpu.dynamic_gather %parallel_loop3A_153[%parallel_loop3A_165] in [0] : vector<16xi32>, vector<16xi32> -> vector<16xi32>
        %parallel_loop3A_167 = arith.constant 1 : i32
        %parallel_loop3A_168 = vector.broadcast %parallel_loop3A_167 : i32 to vector<16xi32>
        %parallel_loop3A_169 = arith.shrui %parallel_loop3A_166, %parallel_loop3A_168 : vector<16xi32>
        %parallel_loop3A_170 = arith.constant 7 : i32
        %parallel_loop3A_171 = vector.broadcast %parallel_loop3A_170 : i32 to vector<16xi32>
        %parallel_loop3A_172 = arith.andi %parallel_loop3A_169, %parallel_loop3A_171 : vector<16xi32>
        %parallel_loop3A_173 = arith.constant 16 : i32
        %parallel_loop3A_174 = vector.broadcast %parallel_loop3A_173 : i32 to vector<16xi32>
        %parallel_loop3A_175 = arith.muli %parallel_loop3A_172, %parallel_loop3A_174 : vector<16xi32>
        %parallel_loop3A_176 = vector.broadcast %parallel_loop3A_150 : i32 to vector<16xi32>
        %parallel_loop3A_177 = arith.addi %parallel_loop3A_175, %iota3A : vector<16xi32>
        tpu.vector_store_idx %arg25[%parallel_loop3A_176, %parallel_loop3A_177], %broadcast_in_dim3A_1 : memref<32x128xf32, #tpu.memory_space<vmem>>[vector<16xi32>, vector<16xi32>], vector<16xf32>,
      } {sc.loop_unroll_factor = 1 : i64, sc.parallel_access}
      %add3A_130 = arith.constant 1 : i32
      %add3A_131 = arith.addi %add3A_118, %add3A_130 : i32
      %lt3A_132 = arith.constant 625 : i32
      %lt3A_133 = arith.cmpi slt, %add3A_131, %lt3A_132 : i32
      %convert_element_type3A_134 = arith.extui %lt3A_133 : i1 to i32
      %cond3A_135 = arith.constant 0 : i32
      %cond3A_136 = arith.cmpi ne, %convert_element_type3A_134, %cond3A_135 : i32
      scf.if %cond3A_136 {
        %add3A_150 = arith.constant 1 : i32
        %add3A_151 = arith.addi %add3A_118, %add3A_150 : i32
        %add3A_152 = arith.constant 1 : i32
        %add3A_153 = arith.addi %add3A_118, %add3A_152 : i32
        %mul3A_154 = arith.constant 32 : i32
        %mul3A_155 = arith.muli %add3A_153, %mul3A_154 : i32
        %add3A_156 = arith.addi %mul3A_54, %mul3A_155 : i32
        %get3A_157 = arith.constant 0 : index
        %get3A_158 = tpu.vector_load %arg9[%get3A_157] {strides = array<i32>} : memref<32xi32, #tpu.memory_space<vmem>>, vector<16xi32>,
        %add3A_159 = vector.broadcast %mul3A_0 : i32 to vector<16xi32>
        %add3A_160 = arith.addi %get3A_158, %add3A_159 : vector<16xi32>
        %swap3A_161 = arith.constant 0 : index
        %swap3A_162 = tpu.vector_load %arg11[%swap3A_161] {strides = array<i32>} : memref<32xi32, #tpu.memory_space<vmem>>, vector<16xi32>,
        tpu.vector_store %arg11[%swap3A_161], %add3A_160 {strides = array<i32>} : memref<32xi32, #tpu.memory_space<vmem>>, vector<16xi32>,
        %get3A_163 = arith.constant 0 : index
        %get3A_164 = tpu.vector_load %arg10[%get3A_163] {strides = array<i32>} : memref<32xi32, #tpu.memory_space<vmem>>, vector<16xi32>,
        %add3A_165 = vector.broadcast %mul3A_0 : i32 to vector<16xi32>
        %add3A_166 = arith.addi %get3A_164, %add3A_165 : vector<16xi32>
        %swap3A_167 = arith.constant 0 : index
        %swap3A_168 = tpu.vector_load %arg12[%swap3A_167] {strides = array<i32>} : memref<32xi32, #tpu.memory_space<vmem>>, vector<16xi32>,
        tpu.vector_store %arg12[%swap3A_167], %add3A_166 {strides = array<i32>} : memref<32xi32, #tpu.memory_space<vmem>>, vector<16xi32>,
        %get3A_169 = arith.constant 0 : index
        %get3A_170 = tpu.vector_load %arg9[%get3A_169] {strides = array<i32>} : memref<32xi32, #tpu.memory_space<vmem>>, vector<16xi32>,
        %shift_right_logical3A_171 = arith.constant 4 : i32
        %shift_right_logical3A_172 = vector.broadcast %shift_right_logical3A_171 : i32 to vector<16xi32>
        %shift_right_logical3A_173 = arith.shrui %get3A_170, %shift_right_logical3A_172 : vector<16xi32>
        %swap3A_174 = arith.constant 0 : index
        %swap3A_175 = tpu.vector_load %arg13[%swap3A_174] {strides = array<i32>} : memref<32xi32, #tpu.memory_space<vmem>>, vector<16xi32>,
        tpu.vector_store %arg13[%swap3A_174], %shift_right_logical3A_173 {strides = array<i32>} : memref<32xi32, #tpu.memory_space<vmem>>, vector<16xi32>,
        %get3A_176 = arith.constant 16 : index
        %get3A_177 = tpu.vector_load %arg9[%get3A_176] {strides = array<i32>} : memref<32xi32, #tpu.memory_space<vmem>>, vector<16xi32>,
        %add3A_178 = vector.broadcast %mul3A_0 : i32 to vector<16xi32>
        %add3A_179 = arith.addi %get3A_177, %add3A_178 : vector<16xi32>
        %swap3A_180 = arith.constant 16 : index
        %swap3A_181 = tpu.vector_load %arg11[%swap3A_180] {strides = array<i32>} : memref<32xi32, #tpu.memory_space<vmem>>, vector<16xi32>,
        tpu.vector_store %arg11[%swap3A_180], %add3A_179 {strides = array<i32>} : memref<32xi32, #tpu.memory_space<vmem>>, vector<16xi32>,
        %get3A_182 = arith.constant 16 : index
        %get3A_183 = tpu.vector_load %arg10[%get3A_182] {strides = array<i32>} : memref<32xi32, #tpu.memory_space<vmem>>, vector<16xi32>,
        %add3A_184 = vector.broadcast %mul3A_0 : i32 to vector<16xi32>
        %add3A_185 = arith.addi %get3A_183, %add3A_184 : vector<16xi32>
        %swap3A_186 = arith.constant 16 : index
        %swap3A_187 = tpu.vector_load %arg12[%swap3A_186] {strides = array<i32>} : memref<32xi32, #tpu.memory_space<vmem>>, vector<16xi32>,
        tpu.vector_store %arg12[%swap3A_186], %add3A_185 {strides = array<i32>} : memref<32xi32, #tpu.memory_space<vmem>>, vector<16xi32>,
        %get3A_188 = arith.constant 16 : index
        %get3A_189 = tpu.vector_load %arg9[%get3A_188] {strides = array<i32>} : memref<32xi32, #tpu.memory_space<vmem>>, vector<16xi32>,
        %shift_right_logical3A_190 = arith.constant 4 : i32
        %shift_right_logical3A_191 = vector.broadcast %shift_right_logical3A_190 : i32 to vector<16xi32>
        %shift_right_logical3A_192 = arith.shrui %get3A_189, %shift_right_logical3A_191 : vector<16xi32>
        %swap3A_193 = arith.constant 16 : index
        %swap3A_194 = tpu.vector_load %arg13[%swap3A_193] {strides = array<i32>} : memref<32xi32, #tpu.memory_space<vmem>>, vector<16xi32>,
        tpu.vector_store %arg13[%swap3A_193], %shift_right_logical3A_192 {strides = array<i32>} : memref<32xi32, #tpu.memory_space<vmem>>, vector<16xi32>,
      } else {
      }
      %lt3A_137 = arith.constant 625 : i32
      %lt3A_138 = arith.cmpi slt, %add3A_118, %lt3A_137 : i32
      %convert_element_type3A_139 = arith.extui %lt3A_138 : i1 to i32
      %cond3A_140 = arith.constant 0 : i32
      %cond3A_141 = arith.cmpi ne, %convert_element_type3A_139, %cond3A_140 : i32
      scf.if %cond3A_141 {
        %get3A_150 = arith.constant 0 : index
        %get3A_151 = tpu.vector_load %arg14[%get3A_150] {strides = array<i32>} : memref<32xi32, #tpu.memory_space<vmem>>, vector<16xi32>,
        %get3A_152 = arith.constant 16 : index
        %get3A_153 = tpu.vector_load %arg14[%get3A_152] {strides = array<i32>} : memref<32xi32, #tpu.memory_space<vmem>>, vector<16xi32>,
        %parallel_loop3A_154 = arith.constant 0 : i32
        %parallel_loop3A_155 = arith.constant 1 : i32
        %parallel_loop3A_156 = arith.constant 1 : i32
        scf.for %parallel_loop3A_160 = %parallel_loop3A_154 to %parallel_loop3A_155 step %parallel_loop3A_156  : i32 {
          %parallel_loop3A_161 = arith.index_cast %parallel_loop3A_160 : i32 to index
          %parallel_loop3A_162 = arith.constant 0 : index
          %parallel_loop3A_163 = tpu.vector_load %arg20[%parallel_loop3A_161, %parallel_loop3A_162] {strides = array<i32>} : memref<32x16xf32, #tpu.memory_space<vmem>>, vector<16xf32>,
          %parallel_loop3A_164 = arith.constant 16 : i32
          %parallel_loop3A_165 = arith.cmpi slt, %parallel_loop3A_160, %parallel_loop3A_164 : i32
          %parallel_loop3A_166 = arith.select %parallel_loop3A_165, %get3A_151, %get3A_153 : vector<16xi32>
          %parallel_loop3A_167 = arith.constant 15 : i32
          %parallel_loop3A_168 = arith.andi %parallel_loop3A_160, %parallel_loop3A_167 : i32
          %parallel_loop3A_169 = vector.broadcast %parallel_loop3A_168 : i32 to vector<16xi32>
          %parallel_loop3A_170 = arith.constant 0 : i32
          %parallel_loop3A_171 = vector.broadcast %parallel_loop3A_170 : i32 to vector<16xi32>
          %parallel_loop3A_172 = arith.cmpi slt, %parallel_loop3A_169, %parallel_loop3A_171 : vector<16xi32>
          %parallel_loop3A_173 = arith.constant 16 : i32
          %parallel_loop3A_174 = vector.broadcast %parallel_loop3A_173 : i32 to vector<16xi32>
          %parallel_loop3A_175 = arith.addi %parallel_loop3A_169, %parallel_loop3A_174 : vector<16xi32>
          %parallel_loop3A_176 = arith.select %parallel_loop3A_172, %parallel_loop3A_175, %parallel_loop3A_169 : vector<16xi1>, vector<16xi32>
          %parallel_loop3A_177 = vector.shape_cast %parallel_loop3A_176 : vector<16xi32> to vector<16x1xi32>
          %parallel_loop3A_178 = vector.shape_cast %parallel_loop3A_177 : vector<16x1xi32> to vector<16xi32>
          %parallel_loop3A_179 = tpu.dynamic_gather %parallel_loop3A_166[%parallel_loop3A_178] in [0] : vector<16xi32>, vector<16xi32> -> vector<16xi32>
          %parallel_loop3A_180 = arith.constant 1 : i32
          %parallel_loop3A_181 = vector.broadcast %parallel_loop3A_180 : i32 to vector<16xi32>
          %parallel_loop3A_182 = arith.andi %parallel_loop3A_179, %parallel_loop3A_181 : vector<16xi32>
          %parallel_loop3A_183 = arith.constant 8 : i32
          %parallel_loop3A_184 = vector.broadcast %parallel_loop3A_183 : i32 to vector<16xi32>
          %parallel_loop3A_185 = arith.muli %parallel_loop3A_182, %parallel_loop3A_184 : vector<16xi32>
          %parallel_loop3A_186 = arith.constant 1 : i32
          %parallel_loop3A_187 = vector.broadcast %parallel_loop3A_186 : i32 to vector<16xi32>
          %parallel_loop3A_188 = arith.shrui %parallel_loop3A_179, %parallel_loop3A_187 : vector<16xi32>
          %parallel_loop3A_189 = arith.constant 7 : i32
          %parallel_loop3A_190 = vector.broadcast %parallel_loop3A_189 : i32 to vector<16xi32>
          %parallel_loop3A_191 = arith.andi %parallel_loop3A_188, %parallel_loop3A_190 : vector<16xi32>
          %parallel_loop3A_192 = arith.constant 16 : i32
          %parallel_loop3A_193 = vector.broadcast %parallel_loop3A_192 : i32 to vector<16xi32>
          %parallel_loop3A_194 = arith.muli %parallel_loop3A_191, %parallel_loop3A_193 : vector<16xi32>
          %parallel_loop3A_195 = arith.index_cast %parallel_loop3A_160 : i32 to index
          %parallel_loop3A_196 = arith.constant 0 : index
          %parallel_loop3A_197 = tpu.vector_load %arg22[%parallel_loop3A_195, %parallel_loop3A_196] {strides = array<i32>} : memref<32x128xf32, #tpu.memory_space<vmem>>, vector<16xf32>,
          %parallel_loop3A_198 = arith.index_cast %parallel_loop3A_160 : i32 to index
          %parallel_loop3A_199 = arith.constant 64 : index
          %parallel_loop3A_200 = tpu.vector_load %arg22[%parallel_loop3A_198, %parallel_loop3A_199] {strides = array<i32>} : memref<32x128xf32, #tpu.memory_space<vmem>>, vector<16xf32>,
          %parallel_loop3A_201 = arith.index_cast %parallel_loop3A_160 : i32 to index
          %parallel_loop3A_202 = arith.constant 0 : index
          %parallel_loop3A_203 = tpu.vector_load %arg24[%parallel_loop3A_201, %parallel_loop3A_202] {strides = array<i32>} : memref<32x128xf32, #tpu.memory_space<vmem>>, vector<16xf32>,
          %parallel_loop3A_204 = arith.index_cast %parallel_loop3A_160 : i32 to index
          %parallel_loop3A_205 = arith.constant 64 : index
          %parallel_loop3A_206 = tpu.vector_load %arg24[%parallel_loop3A_204, %parallel_loop3A_205] {strides = array<i32>} : memref<32x128xf32, #tpu.memory_space<vmem>>, vector<16xf32>,
          %parallel_loop3A_207 = arith.mulf %parallel_loop3A_197, %parallel_loop3A_203 : vector<16xf32>
          %parallel_loop3A_208 = arith.mulf %parallel_loop3A_200, %parallel_loop3A_163 : vector<16xf32>
          %parallel_loop3A_209 = arith.addf %parallel_loop3A_207, %parallel_loop3A_208 : vector<16xf32>
          %parallel_loop3A_210 = arith.constant 0 : i32
          %parallel_loop3A_211 = vector.broadcast %parallel_loop3A_210 : i32 to vector<16xi32>
          %parallel_loop3A_212 = arith.cmpi slt, %xor3A_56, %parallel_loop3A_211 : vector<16xi32>
          %parallel_loop3A_213 = arith.constant 16 : i32
          %parallel_loop3A_214 = vector.broadcast %parallel_loop3A_213 : i32 to vector<16xi32>
          %parallel_loop3A_215 = arith.addi %xor3A_56, %parallel_loop3A_214 : vector<16xi32>
          %parallel_loop3A_216 = arith.select %parallel_loop3A_212, %parallel_loop3A_215, %xor3A_56 : vector<16xi1>, vector<16xi32>
          %parallel_loop3A_217 = vector.shape_cast %parallel_loop3A_216 : vector<16xi32> to vector<16x1xi32>
          %parallel_loop3A_218 = vector.shape_cast %parallel_loop3A_217 : vector<16x1xi32> to vector<16xi32>
          %parallel_loop3A_219 = tpu.dynamic_gather %parallel_loop3A_209[%parallel_loop3A_218] in [0] : vector<16xf32>, vector<16xi32> -> vector<16xf32>
          %parallel_loop3A_220 = arith.addf %parallel_loop3A_209, %parallel_loop3A_219 : vector<16xf32>
          %parallel_loop3A_221 = arith.constant 0 : i32
          %parallel_loop3A_222 = vector.broadcast %parallel_loop3A_221 : i32 to vector<16xi32>
          %parallel_loop3A_223 = arith.cmpi slt, %xor3A_59, %parallel_loop3A_222 : vector<16xi32>
          %parallel_loop3A_224 = arith.constant 16 : i32
          %parallel_loop3A_225 = vector.broadcast %parallel_loop3A_224 : i32 to vector<16xi32>
          %parallel_loop3A_226 = arith.addi %xor3A_59, %parallel_loop3A_225 : vector<16xi32>
          %parallel_loop3A_227 = arith.select %parallel_loop3A_223, %parallel_loop3A_226, %xor3A_59 : vector<16xi1>, vector<16xi32>
          %parallel_loop3A_228 = vector.shape_cast %parallel_loop3A_227 : vector<16xi32> to vector<16x1xi32>
          %parallel_loop3A_229 = vector.shape_cast %parallel_loop3A_228 : vector<16x1xi32> to vector<16xi32>
          %parallel_loop3A_230 = tpu.dynamic_gather %parallel_loop3A_220[%parallel_loop3A_229] in [0] : vector<16xf32>, vector<16xi32> -> vector<16xf32>
          %parallel_loop3A_231 = arith.addf %parallel_loop3A_220, %parallel_loop3A_230 : vector<16xf32>
          %parallel_loop3A_232 = arith.constant 0 : i32
          %parallel_loop3A_233 = vector.broadcast %parallel_loop3A_232 : i32 to vector<16xi32>
          %parallel_loop3A_234 = arith.cmpi slt, %xor3A_62, %parallel_loop3A_233 : vector<16xi32>
          %parallel_loop3A_235 = arith.constant 16 : i32
          %parallel_loop3A_236 = vector.broadcast %parallel_loop3A_235 : i32 to vector<16xi32>
          %parallel_loop3A_237 = arith.addi %xor3A_62, %parallel_loop3A_236 : vector<16xi32>
          %parallel_loop3A_238 = arith.select %parallel_loop3A_234, %parallel_loop3A_237, %xor3A_62 : vector<16xi1>, vector<16xi32>
          %parallel_loop3A_239 = vector.shape_cast %parallel_loop3A_238 : vector<16xi32> to vector<16x1xi32>
          %parallel_loop3A_240 = vector.shape_cast %parallel_loop3A_239 : vector<16x1xi32> to vector<16xi32>
          %parallel_loop3A_241 = tpu.dynamic_gather %parallel_loop3A_231[%parallel_loop3A_240] in [0] : vector<16xf32>, vector<16xi32> -> vector<16xf32>
          %parallel_loop3A_242 = arith.addf %parallel_loop3A_231, %parallel_loop3A_241 : vector<16xf32>
          %parallel_loop3A_243 = arith.constant 0 : i32
          %parallel_loop3A_244 = vector.broadcast %parallel_loop3A_243 : i32 to vector<16xi32>
          %parallel_loop3A_245 = arith.cmpi slt, %xor3A_65, %parallel_loop3A_244 : vector<16xi32>
          %parallel_loop3A_246 = arith.constant 16 : i32
          %parallel_loop3A_247 = vector.broadcast %parallel_loop3A_246 : i32 to vector<16xi32>
          %parallel_loop3A_248 = arith.addi %xor3A_65, %parallel_loop3A_247 : vector<16xi32>
          %parallel_loop3A_249 = arith.select %parallel_loop3A_245, %parallel_loop3A_248, %xor3A_65 : vector<16xi1>, vector<16xi32>
          %parallel_loop3A_250 = vector.shape_cast %parallel_loop3A_249 : vector<16xi32> to vector<16x1xi32>
          %parallel_loop3A_251 = vector.shape_cast %parallel_loop3A_250 : vector<16x1xi32> to vector<16xi32>
          %parallel_loop3A_252 = tpu.dynamic_gather %parallel_loop3A_242[%parallel_loop3A_251] in [0] : vector<16xf32>, vector<16xi32> -> vector<16xf32>
          %parallel_loop3A_253 = arith.addf %parallel_loop3A_242, %parallel_loop3A_252 : vector<16xf32>
          %parallel_loop3A_254 = math.exp %parallel_loop3A_253 : vector<16xf32>
          %parallel_loop3A_255 = arith.mulf %parallel_loop3A_254, %parallel_loop3A_206 : vector<16xf32>
          %parallel_loop3A_256 = arith.index_cast %parallel_loop3A_160 : i32 to index
          %parallel_loop3A_257 = arith.constant 0 : index
          %parallel_loop3A_258 = tpu.vector_load %arg24[%parallel_loop3A_256, %parallel_loop3A_257] {strides = array<i32>} : memref<32x128xf32, #tpu.memory_space<vmem>>, vector<16xf32>,
          tpu.vector_store %arg24[%parallel_loop3A_256, %parallel_loop3A_257], %parallel_loop3A_255 {strides = array<i32>} : memref<32x128xf32, #tpu.memory_space<vmem>>, vector<16xf32>,
          %parallel_loop3A_259 = arith.mulf %parallel_loop3A_254, %parallel_loop3A_163 : vector<16xf32>
          %parallel_loop3A_260 = arith.index_cast %parallel_loop3A_160 : i32 to index
          %parallel_loop3A_261 = arith.constant 64 : index
          %parallel_loop3A_262 = tpu.vector_load %arg24[%parallel_loop3A_260, %parallel_loop3A_261] {strides = array<i32>} : memref<32x128xf32, #tpu.memory_space<vmem>>, vector<16xf32>,
          tpu.vector_store %arg24[%parallel_loop3A_260, %parallel_loop3A_261], %parallel_loop3A_259 {strides = array<i32>} : memref<32x128xf32, #tpu.memory_space<vmem>>, vector<16xf32>,
          %parallel_loop3A_263 = arith.constant 0 : i32
          %parallel_loop3A_264 = vector.broadcast %parallel_loop3A_263 : i32 to vector<16xi32>
          %parallel_loop3A_265 = arith.addi %parallel_loop3A_264, %parallel_loop3A_185 : vector<16xi32>
          %parallel_loop3A_266 = arith.cmpi eq, %iota3A, %parallel_loop3A_265 : vector<16xi32>
          %parallel_loop3A_267 = arith.select %parallel_loop3A_266, %parallel_loop3A_254, %broadcast_in_dim3A_1 : vector<16xi1>, vector<16xf32>
          %parallel_loop3A_268 = arith.index_cast %parallel_loop3A_160 : i32 to index
          %parallel_loop3A_269 = arith.constant 16 : index
          %parallel_loop3A_270 = tpu.vector_load %arg22[%parallel_loop3A_268, %parallel_loop3A_269] {strides = array<i32>} : memref<32x128xf32, #tpu.memory_space<vmem>>, vector<16xf32>,
          %parallel_loop3A_271 = arith.index_cast %parallel_loop3A_160 : i32 to index
          %parallel_loop3A_272 = arith.constant 80 : index
          %parallel_loop3A_273 = tpu.vector_load %arg22[%parallel_loop3A_271, %parallel_loop3A_272] {strides = array<i32>} : memref<32x128xf32, #tpu.memory_space<vmem>>, vector<16xf32>,
          %parallel_loop3A_274 = arith.index_cast %parallel_loop3A_160 : i32 to index
          %parallel_loop3A_275 = arith.constant 16 : index
          %parallel_loop3A_276 = tpu.vector_load %arg24[%parallel_loop3A_274, %parallel_loop3A_275] {strides = array<i32>} : memref<32x128xf32, #tpu.memory_space<vmem>>, vector<16xf32>,
          %parallel_loop3A_277 = arith.index_cast %parallel_loop3A_160 : i32 to index
          %parallel_loop3A_278 = arith.constant 80 : index
          %parallel_loop3A_279 = tpu.vector_load %arg24[%parallel_loop3A_277, %parallel_loop3A_278] {strides = array<i32>} : memref<32x128xf32, #tpu.memory_space<vmem>>, vector<16xf32>,
          %parallel_loop3A_280 = arith.mulf %parallel_loop3A_270, %parallel_loop3A_276 : vector<16xf32>
          %parallel_loop3A_281 = arith.mulf %parallel_loop3A_273, %parallel_loop3A_163 : vector<16xf32>
          %parallel_loop3A_282 = arith.addf %parallel_loop3A_280, %parallel_loop3A_281 : vector<16xf32>
          %parallel_loop3A_283 = arith.constant 0 : i32
          %parallel_loop3A_284 = vector.broadcast %parallel_loop3A_283 : i32 to vector<16xi32>
          %parallel_loop3A_285 = arith.cmpi slt, %xor3A_56, %parallel_loop3A_284 : vector<16xi32>
          %parallel_loop3A_286 = arith.constant 16 : i32
          %parallel_loop3A_287 = vector.broadcast %parallel_loop3A_286 : i32 to vector<16xi32>
          %parallel_loop3A_288 = arith.addi %xor3A_56, %parallel_loop3A_287 : vector<16xi32>
          %parallel_loop3A_289 = arith.select %parallel_loop3A_285, %parallel_loop3A_288, %xor3A_56 : vector<16xi1>, vector<16xi32>
          %parallel_loop3A_290 = vector.shape_cast %parallel_loop3A_289 : vector<16xi32> to vector<16x1xi32>
          %parallel_loop3A_291 = vector.shape_cast %parallel_loop3A_290 : vector<16x1xi32> to vector<16xi32>
          %parallel_loop3A_292 = tpu.dynamic_gather %parallel_loop3A_282[%parallel_loop3A_291] in [0] : vector<16xf32>, vector<16xi32> -> vector<16xf32>
          %parallel_loop3A_293 = arith.addf %parallel_loop3A_282, %parallel_loop3A_292 : vector<16xf32>
          %parallel_loop3A_294 = arith.constant 0 : i32
          %parallel_loop3A_295 = vector.broadcast %parallel_loop3A_294 : i32 to vector<16xi32>
          %parallel_loop3A_296 = arith.cmpi slt, %xor3A_59, %parallel_loop3A_295 : vector<16xi32>
          %parallel_loop3A_297 = arith.constant 16 : i32
          %parallel_loop3A_298 = vector.broadcast %parallel_loop3A_297 : i32 to vector<16xi32>
          %parallel_loop3A_299 = arith.addi %xor3A_59, %parallel_loop3A_298 : vector<16xi32>
          %parallel_loop3A_300 = arith.select %parallel_loop3A_296, %parallel_loop3A_299, %xor3A_59 : vector<16xi1>, vector<16xi32>
          %parallel_loop3A_301 = vector.shape_cast %parallel_loop3A_300 : vector<16xi32> to vector<16x1xi32>
          %parallel_loop3A_302 = vector.shape_cast %parallel_loop3A_301 : vector<16x1xi32> to vector<16xi32>
          %parallel_loop3A_303 = tpu.dynamic_gather %parallel_loop3A_293[%parallel_loop3A_302] in [0] : vector<16xf32>, vector<16xi32> -> vector<16xf32>
          %parallel_loop3A_304 = arith.addf %parallel_loop3A_293, %parallel_loop3A_303 : vector<16xf32>
          %parallel_loop3A_305 = arith.constant 0 : i32
          %parallel_loop3A_306 = vector.broadcast %parallel_loop3A_305 : i32 to vector<16xi32>
          %parallel_loop3A_307 = arith.cmpi slt, %xor3A_62, %parallel_loop3A_306 : vector<16xi32>
          %parallel_loop3A_308 = arith.constant 16 : i32
          %parallel_loop3A_309 = vector.broadcast %parallel_loop3A_308 : i32 to vector<16xi32>
          %parallel_loop3A_310 = arith.addi %xor3A_62, %parallel_loop3A_309 : vector<16xi32>
          %parallel_loop3A_311 = arith.select %parallel_loop3A_307, %parallel_loop3A_310, %xor3A_62 : vector<16xi1>, vector<16xi32>
          %parallel_loop3A_312 = vector.shape_cast %parallel_loop3A_311 : vector<16xi32> to vector<16x1xi32>
          %parallel_loop3A_313 = vector.shape_cast %parallel_loop3A_312 : vector<16x1xi32> to vector<16xi32>
          %parallel_loop3A_314 = tpu.dynamic_gather %parallel_loop3A_304[%parallel_loop3A_313] in [0] : vector<16xf32>, vector<16xi32> -> vector<16xf32>
          %parallel_loop3A_315 = arith.addf %parallel_loop3A_304, %parallel_loop3A_314 : vector<16xf32>
          %parallel_loop3A_316 = arith.constant 0 : i32
          %parallel_loop3A_317 = vector.broadcast %parallel_loop3A_316 : i32 to vector<16xi32>
          %parallel_loop3A_318 = arith.cmpi slt, %xor3A_65, %parallel_loop3A_317 : vector<16xi32>
          %parallel_loop3A_319 = arith.constant 16 : i32
          %parallel_loop3A_320 = vector.broadcast %parallel_loop3A_319 : i32 to vector<16xi32>
          %parallel_loop3A_321 = arith.addi %xor3A_65, %parallel_loop3A_320 : vector<16xi32>
          %parallel_loop3A_322 = arith.select %parallel_loop3A_318, %parallel_loop3A_321, %xor3A_65 : vector<16xi1>, vector<16xi32>
          %parallel_loop3A_323 = vector.shape_cast %parallel_loop3A_322 : vector<16xi32> to vector<16x1xi32>
          %parallel_loop3A_324 = vector.shape_cast %parallel_loop3A_323 : vector<16x1xi32> to vector<16xi32>
          %parallel_loop3A_325 = tpu.dynamic_gather %parallel_loop3A_315[%parallel_loop3A_324] in [0] : vector<16xf32>, vector<16xi32> -> vector<16xf32>
          %parallel_loop3A_326 = arith.addf %parallel_loop3A_315, %parallel_loop3A_325 : vector<16xf32>
          %parallel_loop3A_327 = math.exp %parallel_loop3A_326 : vector<16xf32>
          %parallel_loop3A_328 = arith.mulf %parallel_loop3A_327, %parallel_loop3A_279 : vector<16xf32>
          %parallel_loop3A_329 = arith.index_cast %parallel_loop3A_160 : i32 to index
          %parallel_loop3A_330 = arith.constant 16 : index
          %parallel_loop3A_331 = tpu.vector_load %arg24[%parallel_loop3A_329, %parallel_loop3A_330] {strides = array<i32>} : memref<32x128xf32, #tpu.memory_space<vmem>>, vector<16xf32>,
          tpu.vector_store %arg24[%parallel_loop3A_329, %parallel_loop3A_330], %parallel_loop3A_328 {strides = array<i32>} : memref<32x128xf32, #tpu.memory_space<vmem>>, vector<16xf32>,
          %parallel_loop3A_332 = arith.mulf %parallel_loop3A_327, %parallel_loop3A_163 : vector<16xf32>
          %parallel_loop3A_333 = arith.index_cast %parallel_loop3A_160 : i32 to index
          %parallel_loop3A_334 = arith.constant 80 : index
          %parallel_loop3A_335 = tpu.vector_load %arg24[%parallel_loop3A_333, %parallel_loop3A_334] {strides = array<i32>} : memref<32x128xf32, #tpu.memory_space<vmem>>, vector<16xf32>,
          tpu.vector_store %arg24[%parallel_loop3A_333, %parallel_loop3A_334], %parallel_loop3A_332 {strides = array<i32>} : memref<32x128xf32, #tpu.memory_space<vmem>>, vector<16xf32>,
          %parallel_loop3A_336 = arith.constant 1 : i32
          %parallel_loop3A_337 = vector.broadcast %parallel_loop3A_336 : i32 to vector<16xi32>
          %parallel_loop3A_338 = arith.addi %parallel_loop3A_337, %parallel_loop3A_185 : vector<16xi32>
          %parallel_loop3A_339 = arith.cmpi eq, %iota3A, %parallel_loop3A_338 : vector<16xi32>
          %parallel_loop3A_340 = arith.select %parallel_loop3A_339, %parallel_loop3A_327, %parallel_loop3A_267 : vector<16xi1>, vector<16xf32>
          %parallel_loop3A_341 = arith.index_cast %parallel_loop3A_160 : i32 to index
          %parallel_loop3A_342 = arith.constant 32 : index
          %parallel_loop3A_343 = tpu.vector_load %arg22[%parallel_loop3A_341, %parallel_loop3A_342] {strides = array<i32>} : memref<32x128xf32, #tpu.memory_space<vmem>>, vector<16xf32>,
          %parallel_loop3A_344 = arith.index_cast %parallel_loop3A_160 : i32 to index
          %parallel_loop3A_345 = arith.constant 96 : index
          %parallel_loop3A_346 = tpu.vector_load %arg22[%parallel_loop3A_344, %parallel_loop3A_345] {strides = array<i32>} : memref<32x128xf32, #tpu.memory_space<vmem>>, vector<16xf32>,
          %parallel_loop3A_347 = arith.index_cast %parallel_loop3A_160 : i32 to index
          %parallel_loop3A_348 = arith.constant 32 : index
          %parallel_loop3A_349 = tpu.vector_load %arg24[%parallel_loop3A_347, %parallel_loop3A_348] {strides = array<i32>} : memref<32x128xf32, #tpu.memory_space<vmem>>, vector<16xf32>,
          %parallel_loop3A_350 = arith.index_cast %parallel_loop3A_160 : i32 to index
          %parallel_loop3A_351 = arith.constant 96 : index
          %parallel_loop3A_352 = tpu.vector_load %arg24[%parallel_loop3A_350, %parallel_loop3A_351] {strides = array<i32>} : memref<32x128xf32, #tpu.memory_space<vmem>>, vector<16xf32>,
          %parallel_loop3A_353 = arith.mulf %parallel_loop3A_343, %parallel_loop3A_349 : vector<16xf32>
          %parallel_loop3A_354 = arith.mulf %parallel_loop3A_346, %parallel_loop3A_163 : vector<16xf32>
          %parallel_loop3A_355 = arith.addf %parallel_loop3A_353, %parallel_loop3A_354 : vector<16xf32>
          %parallel_loop3A_356 = arith.constant 0 : i32
          %parallel_loop3A_357 = vector.broadcast %parallel_loop3A_356 : i32 to vector<16xi32>
          %parallel_loop3A_358 = arith.cmpi slt, %xor3A_56, %parallel_loop3A_357 : vector<16xi32>
          %parallel_loop3A_359 = arith.constant 16 : i32
          %parallel_loop3A_360 = vector.broadcast %parallel_loop3A_359 : i32 to vector<16xi32>
          %parallel_loop3A_361 = arith.addi %xor3A_56, %parallel_loop3A_360 : vector<16xi32>
          %parallel_loop3A_362 = arith.select %parallel_loop3A_358, %parallel_loop3A_361, %xor3A_56 : vector<16xi1>, vector<16xi32>
          %parallel_loop3A_363 = vector.shape_cast %parallel_loop3A_362 : vector<16xi32> to vector<16x1xi32>
          %parallel_loop3A_364 = vector.shape_cast %parallel_loop3A_363 : vector<16x1xi32> to vector<16xi32>
          %parallel_loop3A_365 = tpu.dynamic_gather %parallel_loop3A_355[%parallel_loop3A_364] in [0] : vector<16xf32>, vector<16xi32> -> vector<16xf32>
          %parallel_loop3A_366 = arith.addf %parallel_loop3A_355, %parallel_loop3A_365 : vector<16xf32>
          %parallel_loop3A_367 = arith.constant 0 : i32
          %parallel_loop3A_368 = vector.broadcast %parallel_loop3A_367 : i32 to vector<16xi32>
          %parallel_loop3A_369 = arith.cmpi slt, %xor3A_59, %parallel_loop3A_368 : vector<16xi32>
          %parallel_loop3A_370 = arith.constant 16 : i32
          %parallel_loop3A_371 = vector.broadcast %parallel_loop3A_370 : i32 to vector<16xi32>
          %parallel_loop3A_372 = arith.addi %xor3A_59, %parallel_loop3A_371 : vector<16xi32>
          %parallel_loop3A_373 = arith.select %parallel_loop3A_369, %parallel_loop3A_372, %xor3A_59 : vector<16xi1>, vector<16xi32>
          %parallel_loop3A_374 = vector.shape_cast %parallel_loop3A_373 : vector<16xi32> to vector<16x1xi32>
          %parallel_loop3A_375 = vector.shape_cast %parallel_loop3A_374 : vector<16x1xi32> to vector<16xi32>
          %parallel_loop3A_376 = tpu.dynamic_gather %parallel_loop3A_366[%parallel_loop3A_375] in [0] : vector<16xf32>, vector<16xi32> -> vector<16xf32>
          %parallel_loop3A_377 = arith.addf %parallel_loop3A_366, %parallel_loop3A_376 : vector<16xf32>
          %parallel_loop3A_378 = arith.constant 0 : i32
          %parallel_loop3A_379 = vector.broadcast %parallel_loop3A_378 : i32 to vector<16xi32>
          %parallel_loop3A_380 = arith.cmpi slt, %xor3A_62, %parallel_loop3A_379 : vector<16xi32>
          %parallel_loop3A_381 = arith.constant 16 : i32
          %parallel_loop3A_382 = vector.broadcast %parallel_loop3A_381 : i32 to vector<16xi32>
          %parallel_loop3A_383 = arith.addi %xor3A_62, %parallel_loop3A_382 : vector<16xi32>
          %parallel_loop3A_384 = arith.select %parallel_loop3A_380, %parallel_loop3A_383, %xor3A_62 : vector<16xi1>, vector<16xi32>
          %parallel_loop3A_385 = vector.shape_cast %parallel_loop3A_384 : vector<16xi32> to vector<16x1xi32>
          %parallel_loop3A_386 = vector.shape_cast %parallel_loop3A_385 : vector<16x1xi32> to vector<16xi32>
          %parallel_loop3A_387 = tpu.dynamic_gather %parallel_loop3A_377[%parallel_loop3A_386] in [0] : vector<16xf32>, vector<16xi32> -> vector<16xf32>
          %parallel_loop3A_388 = arith.addf %parallel_loop3A_377, %parallel_loop3A_387 : vector<16xf32>
          %parallel_loop3A_389 = arith.constant 0 : i32
          %parallel_loop3A_390 = vector.broadcast %parallel_loop3A_389 : i32 to vector<16xi32>
          %parallel_loop3A_391 = arith.cmpi slt, %xor3A_65, %parallel_loop3A_390 : vector<16xi32>
          %parallel_loop3A_392 = arith.constant 16 : i32
          %parallel_loop3A_393 = vector.broadcast %parallel_loop3A_392 : i32 to vector<16xi32>
          %parallel_loop3A_394 = arith.addi %xor3A_65, %parallel_loop3A_393 : vector<16xi32>
          %parallel_loop3A_395 = arith.select %parallel_loop3A_391, %parallel_loop3A_394, %xor3A_65 : vector<16xi1>, vector<16xi32>
          %parallel_loop3A_396 = vector.shape_cast %parallel_loop3A_395 : vector<16xi32> to vector<16x1xi32>
          %parallel_loop3A_397 = vector.shape_cast %parallel_loop3A_396 : vector<16x1xi32> to vector<16xi32>
          %parallel_loop3A_398 = tpu.dynamic_gather %parallel_loop3A_388[%parallel_loop3A_397] in [0] : vector<16xf32>, vector<16xi32> -> vector<16xf32>
          %parallel_loop3A_399 = arith.addf %parallel_loop3A_388, %parallel_loop3A_398 : vector<16xf32>
          %parallel_loop3A_400 = math.exp %parallel_loop3A_399 : vector<16xf32>
          %parallel_loop3A_401 = arith.mulf %parallel_loop3A_400, %parallel_loop3A_352 : vector<16xf32>
          %parallel_loop3A_402 = arith.index_cast %parallel_loop3A_160 : i32 to index
          %parallel_loop3A_403 = arith.constant 32 : index
          %parallel_loop3A_404 = tpu.vector_load %arg24[%parallel_loop3A_402, %parallel_loop3A_403] {strides = array<i32>} : memref<32x128xf32, #tpu.memory_space<vmem>>, vector<16xf32>,
          tpu.vector_store %arg24[%parallel_loop3A_402, %parallel_loop3A_403], %parallel_loop3A_401 {strides = array<i32>} : memref<32x128xf32, #tpu.memory_space<vmem>>, vector<16xf32>,
          %parallel_loop3A_405 = arith.mulf %parallel_loop3A_400, %parallel_loop3A_163 : vector<16xf32>
          %parallel_loop3A_406 = arith.index_cast %parallel_loop3A_160 : i32 to index
          %parallel_loop3A_407 = arith.constant 96 : index
          %parallel_loop3A_408 = tpu.vector_load %arg24[%parallel_loop3A_406, %parallel_loop3A_407] {strides = array<i32>} : memref<32x128xf32, #tpu.memory_space<vmem>>, vector<16xf32>,
          tpu.vector_store %arg24[%parallel_loop3A_406, %parallel_loop3A_407], %parallel_loop3A_405 {strides = array<i32>} : memref<32x128xf32, #tpu.memory_space<vmem>>, vector<16xf32>,
          %parallel_loop3A_409 = arith.constant 2 : i32
          %parallel_loop3A_410 = vector.broadcast %parallel_loop3A_409 : i32 to vector<16xi32>
          %parallel_loop3A_411 = arith.addi %parallel_loop3A_410, %parallel_loop3A_185 : vector<16xi32>
          %parallel_loop3A_412 = arith.cmpi eq, %iota3A, %parallel_loop3A_411 : vector<16xi32>
          %parallel_loop3A_413 = arith.select %parallel_loop3A_412, %parallel_loop3A_400, %parallel_loop3A_340 : vector<16xi1>, vector<16xf32>
          %parallel_loop3A_414 = arith.index_cast %parallel_loop3A_160 : i32 to index
          %parallel_loop3A_415 = arith.constant 48 : index
          %parallel_loop3A_416 = tpu.vector_load %arg22[%parallel_loop3A_414, %parallel_loop3A_415] {strides = array<i32>} : memref<32x128xf32, #tpu.memory_space<vmem>>, vector<16xf32>,
          %parallel_loop3A_417 = arith.index_cast %parallel_loop3A_160 : i32 to index
          %parallel_loop3A_418 = arith.constant 112 : index
          %parallel_loop3A_419 = tpu.vector_load %arg22[%parallel_loop3A_417, %parallel_loop3A_418] {strides = array<i32>} : memref<32x128xf32, #tpu.memory_space<vmem>>, vector<16xf32>,
          %parallel_loop3A_420 = arith.index_cast %parallel_loop3A_160 : i32 to index
          %parallel_loop3A_421 = arith.constant 48 : index
          %parallel_loop3A_422 = tpu.vector_load %arg24[%parallel_loop3A_420, %parallel_loop3A_421] {strides = array<i32>} : memref<32x128xf32, #tpu.memory_space<vmem>>, vector<16xf32>,
          %parallel_loop3A_423 = arith.index_cast %parallel_loop3A_160 : i32 to index
          %parallel_loop3A_424 = arith.constant 112 : index
          %parallel_loop3A_425 = tpu.vector_load %arg24[%parallel_loop3A_423, %parallel_loop3A_424] {strides = array<i32>} : memref<32x128xf32, #tpu.memory_space<vmem>>, vector<16xf32>,
          %parallel_loop3A_426 = arith.mulf %parallel_loop3A_416, %parallel_loop3A_422 : vector<16xf32>
          %parallel_loop3A_427 = arith.mulf %parallel_loop3A_419, %parallel_loop3A_163 : vector<16xf32>
          %parallel_loop3A_428 = arith.addf %parallel_loop3A_426, %parallel_loop3A_427 : vector<16xf32>
          %parallel_loop3A_429 = arith.constant 0 : i32
          %parallel_loop3A_430 = vector.broadcast %parallel_loop3A_429 : i32 to vector<16xi32>
          %parallel_loop3A_431 = arith.cmpi slt, %xor3A_56, %parallel_loop3A_430 : vector<16xi32>
          %parallel_loop3A_432 = arith.constant 16 : i32
          %parallel_loop3A_433 = vector.broadcast %parallel_loop3A_432 : i32 to vector<16xi32>
          %parallel_loop3A_434 = arith.addi %xor3A_56, %parallel_loop3A_433 : vector<16xi32>
          %parallel_loop3A_435 = arith.select %parallel_loop3A_431, %parallel_loop3A_434, %xor3A_56 : vector<16xi1>, vector<16xi32>
          %parallel_loop3A_436 = vector.shape_cast %parallel_loop3A_435 : vector<16xi32> to vector<16x1xi32>
          %parallel_loop3A_437 = vector.shape_cast %parallel_loop3A_436 : vector<16x1xi32> to vector<16xi32>
          %parallel_loop3A_438 = tpu.dynamic_gather %parallel_loop3A_428[%parallel_loop3A_437] in [0] : vector<16xf32>, vector<16xi32> -> vector<16xf32>
          %parallel_loop3A_439 = arith.addf %parallel_loop3A_428, %parallel_loop3A_438 : vector<16xf32>
          %parallel_loop3A_440 = arith.constant 0 : i32
          %parallel_loop3A_441 = vector.broadcast %parallel_loop3A_440 : i32 to vector<16xi32>
          %parallel_loop3A_442 = arith.cmpi slt, %xor3A_59, %parallel_loop3A_441 : vector<16xi32>
          %parallel_loop3A_443 = arith.constant 16 : i32
          %parallel_loop3A_444 = vector.broadcast %parallel_loop3A_443 : i32 to vector<16xi32>
          %parallel_loop3A_445 = arith.addi %xor3A_59, %parallel_loop3A_444 : vector<16xi32>
          %parallel_loop3A_446 = arith.select %parallel_loop3A_442, %parallel_loop3A_445, %xor3A_59 : vector<16xi1>, vector<16xi32>
          %parallel_loop3A_447 = vector.shape_cast %parallel_loop3A_446 : vector<16xi32> to vector<16x1xi32>
          %parallel_loop3A_448 = vector.shape_cast %parallel_loop3A_447 : vector<16x1xi32> to vector<16xi32>
          %parallel_loop3A_449 = tpu.dynamic_gather %parallel_loop3A_439[%parallel_loop3A_448] in [0] : vector<16xf32>, vector<16xi32> -> vector<16xf32>
          %parallel_loop3A_450 = arith.addf %parallel_loop3A_439, %parallel_loop3A_449 : vector<16xf32>
          %parallel_loop3A_451 = arith.constant 0 : i32
          %parallel_loop3A_452 = vector.broadcast %parallel_loop3A_451 : i32 to vector<16xi32>
          %parallel_loop3A_453 = arith.cmpi slt, %xor3A_62, %parallel_loop3A_452 : vector<16xi32>
          %parallel_loop3A_454 = arith.constant 16 : i32
          %parallel_loop3A_455 = vector.broadcast %parallel_loop3A_454 : i32 to vector<16xi32>
          %parallel_loop3A_456 = arith.addi %xor3A_62, %parallel_loop3A_455 : vector<16xi32>
          %parallel_loop3A_457 = arith.select %parallel_loop3A_453, %parallel_loop3A_456, %xor3A_62 : vector<16xi1>, vector<16xi32>
          %parallel_loop3A_458 = vector.shape_cast %parallel_loop3A_457 : vector<16xi32> to vector<16x1xi32>
          %parallel_loop3A_459 = vector.shape_cast %parallel_loop3A_458 : vector<16x1xi32> to vector<16xi32>
          %parallel_loop3A_460 = tpu.dynamic_gather %parallel_loop3A_450[%parallel_loop3A_459] in [0] : vector<16xf32>, vector<16xi32> -> vector<16xf32>
          %parallel_loop3A_461 = arith.addf %parallel_loop3A_450, %parallel_loop3A_460 : vector<16xf32>
          %parallel_loop3A_462 = arith.constant 0 : i32
          %parallel_loop3A_463 = vector.broadcast %parallel_loop3A_462 : i32 to vector<16xi32>
          %parallel_loop3A_464 = arith.cmpi slt, %xor3A_65, %parallel_loop3A_463 : vector<16xi32>
          %parallel_loop3A_465 = arith.constant 16 : i32
          %parallel_loop3A_466 = vector.broadcast %parallel_loop3A_465 : i32 to vector<16xi32>
          %parallel_loop3A_467 = arith.addi %xor3A_65, %parallel_loop3A_466 : vector<16xi32>
          %parallel_loop3A_468 = arith.select %parallel_loop3A_464, %parallel_loop3A_467, %xor3A_65 : vector<16xi1>, vector<16xi32>
          %parallel_loop3A_469 = vector.shape_cast %parallel_loop3A_468 : vector<16xi32> to vector<16x1xi32>
          %parallel_loop3A_470 = vector.shape_cast %parallel_loop3A_469 : vector<16x1xi32> to vector<16xi32>
          %parallel_loop3A_471 = tpu.dynamic_gather %parallel_loop3A_461[%parallel_loop3A_470] in [0] : vector<16xf32>, vector<16xi32> -> vector<16xf32>
          %parallel_loop3A_472 = arith.addf %parallel_loop3A_461, %parallel_loop3A_471 : vector<16xf32>
          %parallel_loop3A_473 = math.exp %parallel_loop3A_472 : vector<16xf32>
          %parallel_loop3A_474 = arith.mulf %parallel_loop3A_473, %parallel_loop3A_425 : vector<16xf32>
          %parallel_loop3A_475 = arith.index_cast %parallel_loop3A_160 : i32 to index
          %parallel_loop3A_476 = arith.constant 48 : index
          %parallel_loop3A_477 = tpu.vector_load %arg24[%parallel_loop3A_475, %parallel_loop3A_476] {strides = array<i32>} : memref<32x128xf32, #tpu.memory_space<vmem>>, vector<16xf32>,
          tpu.vector_store %arg24[%parallel_loop3A_475, %parallel_loop3A_476], %parallel_loop3A_474 {strides = array<i32>} : memref<32x128xf32, #tpu.memory_space<vmem>>, vector<16xf32>,
          %parallel_loop3A_478 = arith.mulf %parallel_loop3A_473, %parallel_loop3A_163 : vector<16xf32>
          %parallel_loop3A_479 = arith.index_cast %parallel_loop3A_160 : i32 to index
          %parallel_loop3A_480 = arith.constant 112 : index
          %parallel_loop3A_481 = tpu.vector_load %arg24[%parallel_loop3A_479, %parallel_loop3A_480] {strides = array<i32>} : memref<32x128xf32, #tpu.memory_space<vmem>>, vector<16xf32>,
          tpu.vector_store %arg24[%parallel_loop3A_479, %parallel_loop3A_480], %parallel_loop3A_478 {strides = array<i32>} : memref<32x128xf32, #tpu.memory_space<vmem>>, vector<16xf32>,
          %parallel_loop3A_482 = arith.constant 3 : i32
          %parallel_loop3A_483 = vector.broadcast %parallel_loop3A_482 : i32 to vector<16xi32>
          %parallel_loop3A_484 = arith.addi %parallel_loop3A_483, %parallel_loop3A_185 : vector<16xi32>
          %parallel_loop3A_485 = arith.cmpi eq, %iota3A, %parallel_loop3A_484 : vector<16xi32>
          %parallel_loop3A_486 = arith.select %parallel_loop3A_485, %parallel_loop3A_473, %parallel_loop3A_413 : vector<16xi1>, vector<16xf32>
          %parallel_loop3A_487 = vector.broadcast %parallel_loop3A_160 : i32 to vector<16xi32>
          %parallel_loop3A_488 = arith.addi %parallel_loop3A_194, %iota3A : vector<16xi32>
          tpu.vector_store_idx %arg25[%parallel_loop3A_487, %parallel_loop3A_488], %parallel_loop3A_486 : memref<32x128xf32, #tpu.memory_space<vmem>>[vector<16xi32>, vector<16xi32>], vector<16xf32>,
        } {sc.loop_unroll_factor = 1 : i64, sc.parallel_access}
        %parallel_loop3A_157 = arith.constant 0 : i32
        %parallel_loop3A_158 = arith.constant 1 : i32
        %parallel_loop3A_159 = arith.constant 1 : i32
        scf.for %parallel_loop3A_160 = %parallel_loop3A_157 to %parallel_loop3A_158 step %parallel_loop3A_159  : i32 {
          %parallel_loop3A_161 = arith.constant 16 : i32
          %parallel_loop3A_162 = arith.cmpi slt, %parallel_loop3A_160, %parallel_loop3A_161 : i32
          %parallel_loop3A_163 = arith.select %parallel_loop3A_162, %get3A_151, %get3A_153 : vector<16xi32>
          %parallel_loop3A_164 = arith.constant 15 : i32
          %parallel_loop3A_165 = arith.andi %parallel_loop3A_160, %parallel_loop3A_164 : i32
          %parallel_loop3A_166 = vector.broadcast %parallel_loop3A_165 : i32 to vector<16xi32>
          %parallel_loop3A_167 = arith.constant 0 : i32
          %parallel_loop3A_168 = vector.broadcast %parallel_loop3A_167 : i32 to vector<16xi32>
          %parallel_loop3A_169 = arith.cmpi slt, %parallel_loop3A_166, %parallel_loop3A_168 : vector<16xi32>
          %parallel_loop3A_170 = arith.constant 16 : i32
          %parallel_loop3A_171 = vector.broadcast %parallel_loop3A_170 : i32 to vector<16xi32>
          %parallel_loop3A_172 = arith.addi %parallel_loop3A_166, %parallel_loop3A_171 : vector<16xi32>
          %parallel_loop3A_173 = arith.select %parallel_loop3A_169, %parallel_loop3A_172, %parallel_loop3A_166 : vector<16xi1>, vector<16xi32>
          %parallel_loop3A_174 = vector.shape_cast %parallel_loop3A_173 : vector<16xi32> to vector<16x1xi32>
          %parallel_loop3A_175 = vector.shape_cast %parallel_loop3A_174 : vector<16x1xi32> to vector<16xi32>
          %parallel_loop3A_176 = tpu.dynamic_gather %parallel_loop3A_163[%parallel_loop3A_175] in [0] : vector<16xi32>, vector<16xi32> -> vector<16xi32>
          %parallel_loop3A_177 = arith.constant 1 : i32
          %parallel_loop3A_178 = vector.broadcast %parallel_loop3A_177 : i32 to vector<16xi32>
          %parallel_loop3A_179 = arith.shrui %parallel_loop3A_176, %parallel_loop3A_178 : vector<16xi32>
          %parallel_loop3A_180 = arith.constant 7 : i32
          %parallel_loop3A_181 = vector.broadcast %parallel_loop3A_180 : i32 to vector<16xi32>
          %parallel_loop3A_182 = arith.andi %parallel_loop3A_179, %parallel_loop3A_181 : vector<16xi32>
          %parallel_loop3A_183 = arith.constant 16 : i32
          %parallel_loop3A_184 = vector.broadcast %parallel_loop3A_183 : i32 to vector<16xi32>
          %parallel_loop3A_185 = arith.muli %parallel_loop3A_182, %parallel_loop3A_184 : vector<16xi32>
          %parallel_loop3A_186 = vector.broadcast %parallel_loop3A_160 : i32 to vector<16xi32>
          %parallel_loop3A_187 = arith.addi %parallel_loop3A_185, %iota3A : vector<16xi32>
          tpu.vector_store_idx %arg25[%parallel_loop3A_186, %parallel_loop3A_187], %broadcast_in_dim3A_1 : memref<32x128xf32, #tpu.memory_space<vmem>>[vector<16xi32>, vector<16xi32>], vector<16xf32>,
        } {sc.loop_unroll_factor = 1 : i64, sc.parallel_access}
      } else {
      }
      %add3A_142 = arith.constant 2 : i32
      %add3A_143 = arith.addi %add3A_118, %add3A_142 : i32
      %lt3A_144 = arith.constant 625 : i32
      %lt3A_145 = arith.cmpi slt, %add3A_143, %lt3A_144 : i32
      %convert_element_type3A_146 = arith.extui %lt3A_145 : i1 to i32
      %cond3A_147 = arith.constant 0 : i32
      %cond3A_148 = arith.cmpi ne, %convert_element_type3A_146, %cond3A_147 : i32
      scf.if %cond3A_148 {
        %add3A_150 = arith.constant 2 : i32
        %add3A_151 = arith.addi %add3A_118, %add3A_150 : i32
      } else {
      }
      %scan3A_149 = arith.constant 0 : i32
      scf.yield %scan3A_149 : i32
    }
    %scan3A_109 = arith.constant 313 : i32
    %barrier3A_110 = arith.constant 0 : index
    tpu.barrier barrier_id(%barrier3A_110)
    "tpu.region"() ({
      %run_scoped3A = tpu.sem_alloc : memref<!tpu.dma_semaphore, #tpu.memory_space<semaphore_mem>>
      %dma_start3A = arith.constant 0 : i32
      %dma_start3A_111 = tpu.memref_slice %arg7[%arg0, %mul3A_9, %dma_start3A] : memref<2x10000x128xf32, #tpu.memory_space<hbm>> -> memref<1x640x128xf32, #tpu.memory_space<hbm>>
      %dma_start3A_112 = tpu.memref_squeeze %dma_start3A_111 : memref<1x640x128xf32, #tpu.memory_space<hbm>> -> memref<640x128xf32, #tpu.memory_space<hbm>>
      %dma_start3A_113 = arith.constant 0 : i32
      %dma_start3A_114 = tpu.memref_slice %arg26[%mul3A_9, %dma_start3A_113] : memref<10000x128xf32, #tpu.memory_space<vmem_shared>> -> memref<640x128xf32, #tpu.memory_space<vmem_shared>>
      tpu.enqueue_dma source(%dma_start3A_114 : memref<640x128xf32, #tpu.memory_space<vmem_shared>>) target(%dma_start3A_112 : memref<640x128xf32, #tpu.memory_space<hbm>>) target_semaphore(%run_scoped3A : memref<!tpu.dma_semaphore, #tpu.memory_space<semaphore_mem>>)
      %dma_wait3A = arith.constant 0 : i32
      %dma_wait3A_115 = tpu.memref_slice %arg7[%arg0, %mul3A_9, %dma_wait3A] : memref<2x10000x128xf32, #tpu.memory_space<hbm>> -> memref<1x640x128xf32, #tpu.memory_space<hbm>>
      %dma_wait3A_116 = tpu.memref_squeeze %dma_wait3A_115 : memref<1x640x128xf32, #tpu.memory_space<hbm>> -> memref<640x128xf32, #tpu.memory_space<hbm>>
      %dma_wait3A_117 = arith.constant 0 : i32
      %dma_wait3A_118 = tpu.memref_slice %arg26[%mul3A_9, %dma_wait3A_117] : memref<10000x128xf32, #tpu.memory_space<vmem_shared>> -> memref<640x128xf32, #tpu.memory_space<vmem_shared>>
      tpu.wait_dma2 semaphore(%run_scoped3A : memref<!tpu.dma_semaphore, #tpu.memory_space<semaphore_mem>>) src(%dma_wait3A_118 : memref<640x128xf32, #tpu.memory_space<vmem_shared>>) dst(%dma_wait3A_116 : memref<640x128xf32, #tpu.memory_space<hbm>>)
      tpu.yield
    }) : () -> ()
    "tpu.region"() ({
      %run_scoped3A = tpu.sem_alloc : memref<!tpu.dma_semaphore, #tpu.memory_space<semaphore_mem>>
      %dma_start3A = arith.constant 0 : i32
      %dma_start3A_111 = tpu.memref_slice %arg8[%arg0, %mul3A_50, %dma_start3A] : memref<2x640x128xf32, #tpu.memory_space<hbm>> -> memref<1x40x128xf32, #tpu.memory_space<hbm>>
      %dma_start3A_112 = tpu.memref_squeeze %dma_start3A_111 : memref<1x40x128xf32, #tpu.memory_space<hbm>> -> memref<40x128xf32, #tpu.memory_space<hbm>>
      %dma_start3A_113 = arith.constant 0 : i32
      %dma_start3A_114 = tpu.memref_slice %arg27[%mul3A_50, %dma_start3A_113] : memref<640x128xf32, #tpu.memory_space<vmem_shared>> -> memref<40x128xf32, #tpu.memory_space<vmem_shared>>
      tpu.enqueue_dma source(%dma_start3A_114 : memref<40x128xf32, #tpu.memory_space<vmem_shared>>) target(%dma_start3A_112 : memref<40x128xf32, #tpu.memory_space<hbm>>) target_semaphore(%run_scoped3A : memref<!tpu.dma_semaphore, #tpu.memory_space<semaphore_mem>>)
      %dma_wait3A = arith.constant 0 : i32
      %dma_wait3A_115 = tpu.memref_slice %arg8[%arg0, %mul3A_50, %dma_wait3A] : memref<2x640x128xf32, #tpu.memory_space<hbm>> -> memref<1x40x128xf32, #tpu.memory_space<hbm>>
      %dma_wait3A_116 = tpu.memref_squeeze %dma_wait3A_115 : memref<1x40x128xf32, #tpu.memory_space<hbm>> -> memref<40x128xf32, #tpu.memory_space<hbm>>
      %dma_wait3A_117 = arith.constant 0 : i32
      %dma_wait3A_118 = tpu.memref_slice %arg27[%mul3A_50, %dma_wait3A_117] : memref<640x128xf32, #tpu.memory_space<vmem_shared>> -> memref<40x128xf32, #tpu.memory_space<vmem_shared>>
      tpu.wait_dma2 semaphore(%run_scoped3A : memref<!tpu.dma_semaphore, #tpu.memory_space<semaphore_mem>>) src(%dma_wait3A_118 : memref<40x128xf32, #tpu.memory_space<vmem_shared>>) dst(%dma_wait3A_116 : memref<40x128xf32, #tpu.memory_space<hbm>>)
      tpu.yield
    }) : () -> ()
    return
  }
}

#map = affine_map<(d0, d1) -> (0, 0)>
#map1 = affine_map<(d0, d1) -> (0)>
#map2 = affine_map<(d0, d1) -> (0, 0, 0)>
module attributes {stable_mosaic.version = 14 : i64} {
  func.func @_edge_body(%arg0: i32, %arg1: i32, %arg2: memref<20000x128xf32, #tpu.memory_space<hbm>>, %arg3: memref<20000x128xf32, #tpu.memory_space<hbm>>, %arg4: memref<320000xi32, #tpu.memory_space<hbm>>, %arg5: memref<320000xi32, #tpu.memory_space<hbm>>, %arg6: memref<320000x16xf32, #tpu.memory_space<hbm>>, %arg7: memref<2x10000x128xf32, #tpu.memory_space<hbm>>, %arg8: memref<2x640x128xf32, #tpu.memory_space<hbm>>, %arg9: memref<32xi32, #tpu.memory_space<vmem>>, %arg10: memref<32xi32, #tpu.memory_space<vmem>>, %arg11: memref<32xi32, #tpu.memory_space<vmem>>, %arg12: memref<32xi32, #tpu.memory_space<vmem>>, %arg13: memref<32xi32, #tpu.memory_space<vmem>>, %arg14: memref<32xi32, #tpu.memory_space<vmem>>, %arg15: memref<32xi32, #tpu.memory_space<vmem>>, %arg16: memref<32xi32, #tpu.memory_space<vmem>>, %arg17: memref<32xi32, #tpu.memory_space<vmem>>, %arg18: memref<32xi32, #tpu.memory_space<vmem>>, %arg19: memref<32x16xf32, #tpu.memory_space<vmem>>, %arg20: memref<32x16xf32, #tpu.memory_space<vmem>>, %arg21: memref<32x128xf32, #tpu.memory_space<vmem>>, %arg22: memref<32x128xf32, #tpu.memory_space<vmem>>, %arg23: memref<32x128xf32, #tpu.memory_space<vmem>>, %arg24: memref<32x128xf32, #tpu.memory_space<vmem>>, %arg25: memref<32x128xf32, #tpu.memory_space<vmem>>, %arg26: memref<10000x128xf32, #tpu.memory_space<vmem_shared>>, %arg27: memref<640x128xf32, #tpu.memory_space<vmem_shared>>, %arg28: memref<!tpu.dma_semaphore, #tpu.memory_space<semaphore_mem>>, %arg29: memref<!tpu.dma_semaphore, #tpu.memory_space<semaphore_mem>>, %arg30: memref<!tpu.dma_semaphore, #tpu.memory_space<semaphore_mem>>, %arg31: memref<!tpu.dma_semaphore, #tpu.memory_space<semaphore_mem>>, %arg32: memref<!tpu.dma_semaphore, #tpu.memory_space<semaphore_mem>>, %arg33: memref<!tpu.dma_semaphore, #tpu.memory_space<semaphore_mem>>) attributes {dimension_semantics = [#tpu.dimension_semantics<core_parallel>, #tpu.dimension_semantics<subcore_parallel>], iteration_bounds = array<i64: 2, 16>, scalar_prefetch = 0 : i64, scratch_operands = 25 : i64, tpu.core_type = #tpu.core_type<sc_vector_subcore>, window_params = [{transform_indices = #map}, {transform_indices = #map}, {transform_indices = #map1}, {transform_indices = #map1}, {transform_indices = #map}, {transform_indices = #map2}, {transform_indices = #map2}]} {
    %mul3A = arith.constant 10000 : i32
    %mul3A_0 = arith.muli %arg0, %mul3A : i32
    %broadcast_in_dim3A = arith.constant 0.000000e+00 : f32
    %broadcast_in_dim3A_1 = vector.broadcast %broadcast_in_dim3A : f32 to vector<16xf32>
    %iota3A = tpu.iota {dimensions = array<i32: 0>} : vector<16xi32>
    %scan3A = arith.constant 0 : i32
    %scan3A_2 = arith.constant 0 : i32
    %scan3A_3 = arith.constant 32 : i32
    %scan3A_4 = arith.addi %scan3A_2, %scan3A_3 : i32
    %scan3A_5 = arith.constant 1 : i32
    %scan3A_6 = scf.for %scan3A_111 = %scan3A_2 to %scan3A_4 step %scan3A_5 iter_args(%scan3A_112 = %scan3A) -> (i32)  : i32 {
      %swap3A_113 = arith.index_cast %scan3A_111 : i32 to index
      %swap3A_114 = arith.constant 0 : index
      %swap3A_115 = tpu.vector_load %arg23[%swap3A_113, %swap3A_114] {strides = array<i32>} : memref<32x128xf32, #tpu.memory_space<vmem>>, vector<16xf32>,
      tpu.vector_store %arg23[%swap3A_113, %swap3A_114], %broadcast_in_dim3A_1 {strides = array<i32>} : memref<32x128xf32, #tpu.memory_space<vmem>>, vector<16xf32>,
      %swap3A_116 = arith.index_cast %scan3A_111 : i32 to index
      %swap3A_117 = arith.constant 0 : index
      %swap3A_118 = tpu.vector_load %arg25[%swap3A_116, %swap3A_117] {strides = array<i32>} : memref<32x128xf32, #tpu.memory_space<vmem>>, vector<16xf32>,
      tpu.vector_store %arg25[%swap3A_116, %swap3A_117], %broadcast_in_dim3A_1 {strides = array<i32>} : memref<32x128xf32, #tpu.memory_space<vmem>>, vector<16xf32>,
      %swap3A_119 = arith.index_cast %scan3A_111 : i32 to index
      %swap3A_120 = arith.constant 16 : index
      %swap3A_121 = tpu.vector_load %arg23[%swap3A_119, %swap3A_120] {strides = array<i32>} : memref<32x128xf32, #tpu.memory_space<vmem>>, vector<16xf32>,
      tpu.vector_store %arg23[%swap3A_119, %swap3A_120], %broadcast_in_dim3A_1 {strides = array<i32>} : memref<32x128xf32, #tpu.memory_space<vmem>>, vector<16xf32>,
      %swap3A_122 = arith.index_cast %scan3A_111 : i32 to index
      %swap3A_123 = arith.constant 16 : index
      %swap3A_124 = tpu.vector_load %arg25[%swap3A_122, %swap3A_123] {strides = array<i32>} : memref<32x128xf32, #tpu.memory_space<vmem>>, vector<16xf32>,
      tpu.vector_store %arg25[%swap3A_122, %swap3A_123], %broadcast_in_dim3A_1 {strides = array<i32>} : memref<32x128xf32, #tpu.memory_space<vmem>>, vector<16xf32>,
      %swap3A_125 = arith.index_cast %scan3A_111 : i32 to index
      %swap3A_126 = arith.constant 32 : index
      %swap3A_127 = tpu.vector_load %arg23[%swap3A_125, %swap3A_126] {strides = array<i32>} : memref<32x128xf32, #tpu.memory_space<vmem>>, vector<16xf32>,
      tpu.vector_store %arg23[%swap3A_125, %swap3A_126], %broadcast_in_dim3A_1 {strides = array<i32>} : memref<32x128xf32, #tpu.memory_space<vmem>>, vector<16xf32>,
      %swap3A_128 = arith.index_cast %scan3A_111 : i32 to index
      %swap3A_129 = arith.constant 32 : index
      %swap3A_130 = tpu.vector_load %arg25[%swap3A_128, %swap3A_129] {strides = array<i32>} : memref<32x128xf32, #tpu.memory_space<vmem>>, vector<16xf32>,
      tpu.vector_store %arg25[%swap3A_128, %swap3A_129], %broadcast_in_dim3A_1 {strides = array<i32>} : memref<32x128xf32, #tpu.memory_space<vmem>>, vector<16xf32>,
      %swap3A_131 = arith.index_cast %scan3A_111 : i32 to index
      %swap3A_132 = arith.constant 48 : index
      %swap3A_133 = tpu.vector_load %arg23[%swap3A_131, %swap3A_132] {strides = array<i32>} : memref<32x128xf32, #tpu.memory_space<vmem>>, vector<16xf32>,
      tpu.vector_store %arg23[%swap3A_131, %swap3A_132], %broadcast_in_dim3A_1 {strides = array<i32>} : memref<32x128xf32, #tpu.memory_space<vmem>>, vector<16xf32>,
      %swap3A_134 = arith.index_cast %scan3A_111 : i32 to index
      %swap3A_135 = arith.constant 48 : index
      %swap3A_136 = tpu.vector_load %arg25[%swap3A_134, %swap3A_135] {strides = array<i32>} : memref<32x128xf32, #tpu.memory_space<vmem>>, vector<16xf32>,
      tpu.vector_store %arg25[%swap3A_134, %swap3A_135], %broadcast_in_dim3A_1 {strides = array<i32>} : memref<32x128xf32, #tpu.memory_space<vmem>>, vector<16xf32>,
      %swap3A_137 = arith.index_cast %scan3A_111 : i32 to index
      %swap3A_138 = arith.constant 64 : index
      %swap3A_139 = tpu.vector_load %arg23[%swap3A_137, %swap3A_138] {strides = array<i32>} : memref<32x128xf32, #tpu.memory_space<vmem>>, vector<16xf32>,
      tpu.vector_store %arg23[%swap3A_137, %swap3A_138], %broadcast_in_dim3A_1 {strides = array<i32>} : memref<32x128xf32, #tpu.memory_space<vmem>>, vector<16xf32>,
      %swap3A_140 = arith.index_cast %scan3A_111 : i32 to index
      %swap3A_141 = arith.constant 64 : index
      %swap3A_142 = tpu.vector_load %arg25[%swap3A_140, %swap3A_141] {strides = array<i32>} : memref<32x128xf32, #tpu.memory_space<vmem>>, vector<16xf32>,
      tpu.vector_store %arg25[%swap3A_140, %swap3A_141], %broadcast_in_dim3A_1 {strides = array<i32>} : memref<32x128xf32, #tpu.memory_space<vmem>>, vector<16xf32>,
      %swap3A_143 = arith.index_cast %scan3A_111 : i32 to index
      %swap3A_144 = arith.constant 80 : index
      %swap3A_145 = tpu.vector_load %arg23[%swap3A_143, %swap3A_144] {strides = array<i32>} : memref<32x128xf32, #tpu.memory_space<vmem>>, vector<16xf32>,
      tpu.vector_store %arg23[%swap3A_143, %swap3A_144], %broadcast_in_dim3A_1 {strides = array<i32>} : memref<32x128xf32, #tpu.memory_space<vmem>>, vector<16xf32>,
      %swap3A_146 = arith.index_cast %scan3A_111 : i32 to index
      %swap3A_147 = arith.constant 80 : index
      %swap3A_148 = tpu.vector_load %arg25[%swap3A_146, %swap3A_147] {strides = array<i32>} : memref<32x128xf32, #tpu.memory_space<vmem>>, vector<16xf32>,
      tpu.vector_store %arg25[%swap3A_146, %swap3A_147], %broadcast_in_dim3A_1 {strides = array<i32>} : memref<32x128xf32, #tpu.memory_space<vmem>>, vector<16xf32>,
      %swap3A_149 = arith.index_cast %scan3A_111 : i32 to index
      %swap3A_150 = arith.constant 96 : index
      %swap3A_151 = tpu.vector_load %arg23[%swap3A_149, %swap3A_150] {strides = array<i32>} : memref<32x128xf32, #tpu.memory_space<vmem>>, vector<16xf32>,
      tpu.vector_store %arg23[%swap3A_149, %swap3A_150], %broadcast_in_dim3A_1 {strides = array<i32>} : memref<32x128xf32, #tpu.memory_space<vmem>>, vector<16xf32>,
      %swap3A_152 = arith.index_cast %scan3A_111 : i32 to index
      %swap3A_153 = arith.constant 96 : index
      %swap3A_154 = tpu.vector_load %arg25[%swap3A_152, %swap3A_153] {strides = array<i32>} : memref<32x128xf32, #tpu.memory_space<vmem>>, vector<16xf32>,
      tpu.vector_store %arg25[%swap3A_152, %swap3A_153], %broadcast_in_dim3A_1 {strides = array<i32>} : memref<32x128xf32, #tpu.memory_space<vmem>>, vector<16xf32>,
      %swap3A_155 = arith.index_cast %scan3A_111 : i32 to index
      %swap3A_156 = arith.constant 112 : index
      %swap3A_157 = tpu.vector_load %arg23[%swap3A_155, %swap3A_156] {strides = array<i32>} : memref<32x128xf32, #tpu.memory_space<vmem>>, vector<16xf32>,
      tpu.vector_store %arg23[%swap3A_155, %swap3A_156], %broadcast_in_dim3A_1 {strides = array<i32>} : memref<32x128xf32, #tpu.memory_space<vmem>>, vector<16xf32>,
      %swap3A_158 = arith.index_cast %scan3A_111 : i32 to index
      %swap3A_159 = arith.constant 112 : index
      %swap3A_160 = tpu.vector_load %arg25[%swap3A_158, %swap3A_159] {strides = array<i32>} : memref<32x128xf32, #tpu.memory_space<vmem>>, vector<16xf32>,
      tpu.vector_store %arg25[%swap3A_158, %swap3A_159], %broadcast_in_dim3A_1 {strides = array<i32>} : memref<32x128xf32, #tpu.memory_space<vmem>>, vector<16xf32>,
      %scan3A_161 = arith.constant 0 : i32
      scf.yield %scan3A_161 : i32
    }
    %scan3A_7 = arith.constant 32 : i32
    %mul3A_8 = arith.constant 624 : i32
    %mul3A_9 = arith.muli %arg1, %mul3A_8 : i32
    %add3A = arith.constant 0 : i32
    %add3A_10 = arith.addi %mul3A_9, %add3A : i32
    "tpu.region"() ({
      %run_scoped3A = tpu.sem_alloc : memref<!tpu.dma_semaphore, #tpu.memory_space<semaphore_mem>>
      %dma_start3A = arith.constant 0 : i32
      %dma_start3A_111 = tpu.memref_slice %arg26[%add3A_10, %dma_start3A] : memref<10000x128xf32, #tpu.memory_space<vmem_shared>> -> memref<32x128xf32, #tpu.memory_space<vmem_shared>>
      %dma_start3A_112 = arith.constant 0 : i32
      %dma_start3A_113 = tpu.memref_slice %arg26[%add3A_10, %dma_start3A_112] : memref<10000x128xf32, #tpu.memory_space<vmem_shared>> -> memref<32x128xf32, #tpu.memory_space<vmem_shared>>
      tpu.enqueue_dma source(%arg23 : memref<32x128xf32, #tpu.memory_space<vmem>>) target(%dma_start3A_113 : memref<32x128xf32, #tpu.memory_space<vmem_shared>>) target_semaphore(%run_scoped3A : memref<!tpu.dma_semaphore, #tpu.memory_space<semaphore_mem>>)
      %dma_wait3A = arith.constant 0 : i32
      %dma_wait3A_114 = tpu.memref_slice %arg26[%add3A_10, %dma_wait3A] : memref<10000x128xf32, #tpu.memory_space<vmem_shared>> -> memref<32x128xf32, #tpu.memory_space<vmem_shared>>
      %dma_wait3A_115 = arith.constant 0 : i32
      %dma_wait3A_116 = tpu.memref_slice %arg26[%add3A_10, %dma_wait3A_115] : memref<10000x128xf32, #tpu.memory_space<vmem_shared>> -> memref<32x128xf32, #tpu.memory_space<vmem_shared>>
      tpu.wait_dma2 semaphore(%run_scoped3A : memref<!tpu.dma_semaphore, #tpu.memory_space<semaphore_mem>>) src(%arg23 : memref<32x128xf32, #tpu.memory_space<vmem>>) dst(%dma_wait3A_116 : memref<32x128xf32, #tpu.memory_space<vmem_shared>>)
      tpu.yield
    }) : () -> ()
    %add3A_11 = arith.constant 32 : i32
    %add3A_12 = arith.addi %mul3A_9, %add3A_11 : i32
    "tpu.region"() ({
      %run_scoped3A = tpu.sem_alloc : memref<!tpu.dma_semaphore, #tpu.memory_space<semaphore_mem>>
      %dma_start3A = arith.constant 0 : i32
      %dma_start3A_111 = tpu.memref_slice %arg26[%add3A_12, %dma_start3A] : memref<10000x128xf32, #tpu.memory_space<vmem_shared>> -> memref<32x128xf32, #tpu.memory_space<vmem_shared>>
      %dma_start3A_112 = arith.constant 0 : i32
      %dma_start3A_113 = tpu.memref_slice %arg26[%add3A_12, %dma_start3A_112] : memref<10000x128xf32, #tpu.memory_space<vmem_shared>> -> memref<32x128xf32, #tpu.memory_space<vmem_shared>>
      tpu.enqueue_dma source(%arg23 : memref<32x128xf32, #tpu.memory_space<vmem>>) target(%dma_start3A_113 : memref<32x128xf32, #tpu.memory_space<vmem_shared>>) target_semaphore(%run_scoped3A : memref<!tpu.dma_semaphore, #tpu.memory_space<semaphore_mem>>)
      %dma_wait3A = arith.constant 0 : i32
      %dma_wait3A_114 = tpu.memref_slice %arg26[%add3A_12, %dma_wait3A] : memref<10000x128xf32, #tpu.memory_space<vmem_shared>> -> memref<32x128xf32, #tpu.memory_space<vmem_shared>>
      %dma_wait3A_115 = arith.constant 0 : i32
      %dma_wait3A_116 = tpu.memref_slice %arg26[%add3A_12, %dma_wait3A_115] : memref<10000x128xf32, #tpu.memory_space<vmem_shared>> -> memref<32x128xf32, #tpu.memory_space<vmem_shared>>
      tpu.wait_dma2 semaphore(%run_scoped3A : memref<!tpu.dma_semaphore, #tpu.memory_space<semaphore_mem>>) src(%arg23 : memref<32x128xf32, #tpu.memory_space<vmem>>) dst(%dma_wait3A_116 : memref<32x128xf32, #tpu.memory_space<vmem_shared>>)
      tpu.yield
    }) : () -> ()
    %add3A_13 = arith.constant 64 : i32
    %add3A_14 = arith.addi %mul3A_9, %add3A_13 : i32
    "tpu.region"() ({
      %run_scoped3A = tpu.sem_alloc : memref<!tpu.dma_semaphore, #tpu.memory_space<semaphore_mem>>
      %dma_start3A = arith.constant 0 : i32
      %dma_start3A_111 = tpu.memref_slice %arg26[%add3A_14, %dma_start3A] : memref<10000x128xf32, #tpu.memory_space<vmem_shared>> -> memref<32x128xf32, #tpu.memory_space<vmem_shared>>
      %dma_start3A_112 = arith.constant 0 : i32
      %dma_start3A_113 = tpu.memref_slice %arg26[%add3A_14, %dma_start3A_112] : memref<10000x128xf32, #tpu.memory_space<vmem_shared>> -> memref<32x128xf32, #tpu.memory_space<vmem_shared>>
      tpu.enqueue_dma source(%arg23 : memref<32x128xf32, #tpu.memory_space<vmem>>) target(%dma_start3A_113 : memref<32x128xf32, #tpu.memory_space<vmem_shared>>) target_semaphore(%run_scoped3A : memref<!tpu.dma_semaphore, #tpu.memory_space<semaphore_mem>>)
      %dma_wait3A = arith.constant 0 : i32
      %dma_wait3A_114 = tpu.memref_slice %arg26[%add3A_14, %dma_wait3A] : memref<10000x128xf32, #tpu.memory_space<vmem_shared>> -> memref<32x128xf32, #tpu.memory_space<vmem_shared>>
      %dma_wait3A_115 = arith.constant 0 : i32
      %dma_wait3A_116 = tpu.memref_slice %arg26[%add3A_14, %dma_wait3A_115] : memref<10000x128xf32, #tpu.memory_space<vmem_shared>> -> memref<32x128xf32, #tpu.memory_space<vmem_shared>>
      tpu.wait_dma2 semaphore(%run_scoped3A : memref<!tpu.dma_semaphore, #tpu.memory_space<semaphore_mem>>) src(%arg23 : memref<32x128xf32, #tpu.memory_space<vmem>>) dst(%dma_wait3A_116 : memref<32x128xf32, #tpu.memory_space<vmem_shared>>)
      tpu.yield
    }) : () -> ()
    %add3A_15 = arith.constant 96 : i32
    %add3A_16 = arith.addi %mul3A_9, %add3A_15 : i32
    "tpu.region"() ({
      %run_scoped3A = tpu.sem_alloc : memref<!tpu.dma_semaphore, #tpu.memory_space<semaphore_mem>>
      %dma_start3A = arith.constant 0 : i32
      %dma_start3A_111 = tpu.memref_slice %arg26[%add3A_16, %dma_start3A] : memref<10000x128xf32, #tpu.memory_space<vmem_shared>> -> memref<32x128xf32, #tpu.memory_space<vmem_shared>>
      %dma_start3A_112 = arith.constant 0 : i32
      %dma_start3A_113 = tpu.memref_slice %arg26[%add3A_16, %dma_start3A_112] : memref<10000x128xf32, #tpu.memory_space<vmem_shared>> -> memref<32x128xf32, #tpu.memory_space<vmem_shared>>
      tpu.enqueue_dma source(%arg23 : memref<32x128xf32, #tpu.memory_space<vmem>>) target(%dma_start3A_113 : memref<32x128xf32, #tpu.memory_space<vmem_shared>>) target_semaphore(%run_scoped3A : memref<!tpu.dma_semaphore, #tpu.memory_space<semaphore_mem>>)
      %dma_wait3A = arith.constant 0 : i32
      %dma_wait3A_114 = tpu.memref_slice %arg26[%add3A_16, %dma_wait3A] : memref<10000x128xf32, #tpu.memory_space<vmem_shared>> -> memref<32x128xf32, #tpu.memory_space<vmem_shared>>
      %dma_wait3A_115 = arith.constant 0 : i32
      %dma_wait3A_116 = tpu.memref_slice %arg26[%add3A_16, %dma_wait3A_115] : memref<10000x128xf32, #tpu.memory_space<vmem_shared>> -> memref<32x128xf32, #tpu.memory_space<vmem_shared>>
      tpu.wait_dma2 semaphore(%run_scoped3A : memref<!tpu.dma_semaphore, #tpu.memory_space<semaphore_mem>>) src(%arg23 : memref<32x128xf32, #tpu.memory_space<vmem>>) dst(%dma_wait3A_116 : memref<32x128xf32, #tpu.memory_space<vmem_shared>>)
      tpu.yield
    }) : () -> ()
    %add3A_17 = arith.constant 128 : i32
    %add3A_18 = arith.addi %mul3A_9, %add3A_17 : i32
    "tpu.region"() ({
      %run_scoped3A = tpu.sem_alloc : memref<!tpu.dma_semaphore, #tpu.memory_space<semaphore_mem>>
      %dma_start3A = arith.constant 0 : i32
      %dma_start3A_111 = tpu.memref_slice %arg26[%add3A_18, %dma_start3A] : memref<10000x128xf32, #tpu.memory_space<vmem_shared>> -> memref<32x128xf32, #tpu.memory_space<vmem_shared>>
      %dma_start3A_112 = arith.constant 0 : i32
      %dma_start3A_113 = tpu.memref_slice %arg26[%add3A_18, %dma_start3A_112] : memref<10000x128xf32, #tpu.memory_space<vmem_shared>> -> memref<32x128xf32, #tpu.memory_space<vmem_shared>>
      tpu.enqueue_dma source(%arg23 : memref<32x128xf32, #tpu.memory_space<vmem>>) target(%dma_start3A_113 : memref<32x128xf32, #tpu.memory_space<vmem_shared>>) target_semaphore(%run_scoped3A : memref<!tpu.dma_semaphore, #tpu.memory_space<semaphore_mem>>)
      %dma_wait3A = arith.constant 0 : i32
      %dma_wait3A_114 = tpu.memref_slice %arg26[%add3A_18, %dma_wait3A] : memref<10000x128xf32, #tpu.memory_space<vmem_shared>> -> memref<32x128xf32, #tpu.memory_space<vmem_shared>>
      %dma_wait3A_115 = arith.constant 0 : i32
      %dma_wait3A_116 = tpu.memref_slice %arg26[%add3A_18, %dma_wait3A_115] : memref<10000x128xf32, #tpu.memory_space<vmem_shared>> -> memref<32x128xf32, #tpu.memory_space<vmem_shared>>
      tpu.wait_dma2 semaphore(%run_scoped3A : memref<!tpu.dma_semaphore, #tpu.memory_space<semaphore_mem>>) src(%arg23 : memref<32x128xf32, #tpu.memory_space<vmem>>) dst(%dma_wait3A_116 : memref<32x128xf32, #tpu.memory_space<vmem_shared>>)
      tpu.yield
    }) : () -> ()
    %add3A_19 = arith.constant 160 : i32
    %add3A_20 = arith.addi %mul3A_9, %add3A_19 : i32
    "tpu.region"() ({
      %run_scoped3A = tpu.sem_alloc : memref<!tpu.dma_semaphore, #tpu.memory_space<semaphore_mem>>
      %dma_start3A = arith.constant 0 : i32
      %dma_start3A_111 = tpu.memref_slice %arg26[%add3A_20, %dma_start3A] : memref<10000x128xf32, #tpu.memory_space<vmem_shared>> -> memref<32x128xf32, #tpu.memory_space<vmem_shared>>
      %dma_start3A_112 = arith.constant 0 : i32
      %dma_start3A_113 = tpu.memref_slice %arg26[%add3A_20, %dma_start3A_112] : memref<10000x128xf32, #tpu.memory_space<vmem_shared>> -> memref<32x128xf32, #tpu.memory_space<vmem_shared>>
      tpu.enqueue_dma source(%arg23 : memref<32x128xf32, #tpu.memory_space<vmem>>) target(%dma_start3A_113 : memref<32x128xf32, #tpu.memory_space<vmem_shared>>) target_semaphore(%run_scoped3A : memref<!tpu.dma_semaphore, #tpu.memory_space<semaphore_mem>>)
      %dma_wait3A = arith.constant 0 : i32
      %dma_wait3A_114 = tpu.memref_slice %arg26[%add3A_20, %dma_wait3A] : memref<10000x128xf32, #tpu.memory_space<vmem_shared>> -> memref<32x128xf32, #tpu.memory_space<vmem_shared>>
      %dma_wait3A_115 = arith.constant 0 : i32
      %dma_wait3A_116 = tpu.memref_slice %arg26[%add3A_20, %dma_wait3A_115] : memref<10000x128xf32, #tpu.memory_space<vmem_shared>> -> memref<32x128xf32, #tpu.memory_space<vmem_shared>>
      tpu.wait_dma2 semaphore(%run_scoped3A : memref<!tpu.dma_semaphore, #tpu.memory_space<semaphore_mem>>) src(%arg23 : memref<32x128xf32, #tpu.memory_space<vmem>>) dst(%dma_wait3A_116 : memref<32x128xf32, #tpu.memory_space<vmem_shared>>)
      tpu.yield
    }) : () -> ()
    %add3A_21 = arith.constant 192 : i32
    %add3A_22 = arith.addi %mul3A_9, %add3A_21 : i32
    "tpu.region"() ({
      %run_scoped3A = tpu.sem_alloc : memref<!tpu.dma_semaphore, #tpu.memory_space<semaphore_mem>>
      %dma_start3A = arith.constant 0 : i32
      %dma_start3A_111 = tpu.memref_slice %arg26[%add3A_22, %dma_start3A] : memref<10000x128xf32, #tpu.memory_space<vmem_shared>> -> memref<32x128xf32, #tpu.memory_space<vmem_shared>>
      %dma_start3A_112 = arith.constant 0 : i32
      %dma_start3A_113 = tpu.memref_slice %arg26[%add3A_22, %dma_start3A_112] : memref<10000x128xf32, #tpu.memory_space<vmem_shared>> -> memref<32x128xf32, #tpu.memory_space<vmem_shared>>
      tpu.enqueue_dma source(%arg23 : memref<32x128xf32, #tpu.memory_space<vmem>>) target(%dma_start3A_113 : memref<32x128xf32, #tpu.memory_space<vmem_shared>>) target_semaphore(%run_scoped3A : memref<!tpu.dma_semaphore, #tpu.memory_space<semaphore_mem>>)
      %dma_wait3A = arith.constant 0 : i32
      %dma_wait3A_114 = tpu.memref_slice %arg26[%add3A_22, %dma_wait3A] : memref<10000x128xf32, #tpu.memory_space<vmem_shared>> -> memref<32x128xf32, #tpu.memory_space<vmem_shared>>
      %dma_wait3A_115 = arith.constant 0 : i32
      %dma_wait3A_116 = tpu.memref_slice %arg26[%add3A_22, %dma_wait3A_115] : memref<10000x128xf32, #tpu.memory_space<vmem_shared>> -> memref<32x128xf32, #tpu.memory_space<vmem_shared>>
      tpu.wait_dma2 semaphore(%run_scoped3A : memref<!tpu.dma_semaphore, #tpu.memory_space<semaphore_mem>>) src(%arg23 : memref<32x128xf32, #tpu.memory_space<vmem>>) dst(%dma_wait3A_116 : memref<32x128xf32, #tpu.memory_space<vmem_shared>>)
      tpu.yield
    }) : () -> ()
    %add3A_23 = arith.constant 224 : i32
    %add3A_24 = arith.addi %mul3A_9, %add3A_23 : i32
    "tpu.region"() ({
      %run_scoped3A = tpu.sem_alloc : memref<!tpu.dma_semaphore, #tpu.memory_space<semaphore_mem>>
      %dma_start3A = arith.constant 0 : i32
      %dma_start3A_111 = tpu.memref_slice %arg26[%add3A_24, %dma_start3A] : memref<10000x128xf32, #tpu.memory_space<vmem_shared>> -> memref<32x128xf32, #tpu.memory_space<vmem_shared>>
      %dma_start3A_112 = arith.constant 0 : i32
      %dma_start3A_113 = tpu.memref_slice %arg26[%add3A_24, %dma_start3A_112] : memref<10000x128xf32, #tpu.memory_space<vmem_shared>> -> memref<32x128xf32, #tpu.memory_space<vmem_shared>>
      tpu.enqueue_dma source(%arg23 : memref<32x128xf32, #tpu.memory_space<vmem>>) target(%dma_start3A_113 : memref<32x128xf32, #tpu.memory_space<vmem_shared>>) target_semaphore(%run_scoped3A : memref<!tpu.dma_semaphore, #tpu.memory_space<semaphore_mem>>)
      %dma_wait3A = arith.constant 0 : i32
      %dma_wait3A_114 = tpu.memref_slice %arg26[%add3A_24, %dma_wait3A] : memref<10000x128xf32, #tpu.memory_space<vmem_shared>> -> memref<32x128xf32, #tpu.memory_space<vmem_shared>>
      %dma_wait3A_115 = arith.constant 0 : i32
      %dma_wait3A_116 = tpu.memref_slice %arg26[%add3A_24, %dma_wait3A_115] : memref<10000x128xf32, #tpu.memory_space<vmem_shared>> -> memref<32x128xf32, #tpu.memory_space<vmem_shared>>
      tpu.wait_dma2 semaphore(%run_scoped3A : memref<!tpu.dma_semaphore, #tpu.memory_space<semaphore_mem>>) src(%arg23 : memref<32x128xf32, #tpu.memory_space<vmem>>) dst(%dma_wait3A_116 : memref<32x128xf32, #tpu.memory_space<vmem_shared>>)
      tpu.yield
    }) : () -> ()
    %add3A_25 = arith.constant 256 : i32
    %add3A_26 = arith.addi %mul3A_9, %add3A_25 : i32
    "tpu.region"() ({
      %run_scoped3A = tpu.sem_alloc : memref<!tpu.dma_semaphore, #tpu.memory_space<semaphore_mem>>
      %dma_start3A = arith.constant 0 : i32
      %dma_start3A_111 = tpu.memref_slice %arg26[%add3A_26, %dma_start3A] : memref<10000x128xf32, #tpu.memory_space<vmem_shared>> -> memref<32x128xf32, #tpu.memory_space<vmem_shared>>
      %dma_start3A_112 = arith.constant 0 : i32
      %dma_start3A_113 = tpu.memref_slice %arg26[%add3A_26, %dma_start3A_112] : memref<10000x128xf32, #tpu.memory_space<vmem_shared>> -> memref<32x128xf32, #tpu.memory_space<vmem_shared>>
      tpu.enqueue_dma source(%arg23 : memref<32x128xf32, #tpu.memory_space<vmem>>) target(%dma_start3A_113 : memref<32x128xf32, #tpu.memory_space<vmem_shared>>) target_semaphore(%run_scoped3A : memref<!tpu.dma_semaphore, #tpu.memory_space<semaphore_mem>>)
      %dma_wait3A = arith.constant 0 : i32
      %dma_wait3A_114 = tpu.memref_slice %arg26[%add3A_26, %dma_wait3A] : memref<10000x128xf32, #tpu.memory_space<vmem_shared>> -> memref<32x128xf32, #tpu.memory_space<vmem_shared>>
      %dma_wait3A_115 = arith.constant 0 : i32
      %dma_wait3A_116 = tpu.memref_slice %arg26[%add3A_26, %dma_wait3A_115] : memref<10000x128xf32, #tpu.memory_space<vmem_shared>> -> memref<32x128xf32, #tpu.memory_space<vmem_shared>>
      tpu.wait_dma2 semaphore(%run_scoped3A : memref<!tpu.dma_semaphore, #tpu.memory_space<semaphore_mem>>) src(%arg23 : memref<32x128xf32, #tpu.memory_space<vmem>>) dst(%dma_wait3A_116 : memref<32x128xf32, #tpu.memory_space<vmem_shared>>)
      tpu.yield
    }) : () -> ()
    %add3A_27 = arith.constant 288 : i32
    %add3A_28 = arith.addi %mul3A_9, %add3A_27 : i32
    "tpu.region"() ({
      %run_scoped3A = tpu.sem_alloc : memref<!tpu.dma_semaphore, #tpu.memory_space<semaphore_mem>>
      %dma_start3A = arith.constant 0 : i32
      %dma_start3A_111 = tpu.memref_slice %arg26[%add3A_28, %dma_start3A] : memref<10000x128xf32, #tpu.memory_space<vmem_shared>> -> memref<32x128xf32, #tpu.memory_space<vmem_shared>>
      %dma_start3A_112 = arith.constant 0 : i32
      %dma_start3A_113 = tpu.memref_slice %arg26[%add3A_28, %dma_start3A_112] : memref<10000x128xf32, #tpu.memory_space<vmem_shared>> -> memref<32x128xf32, #tpu.memory_space<vmem_shared>>
      tpu.enqueue_dma source(%arg23 : memref<32x128xf32, #tpu.memory_space<vmem>>) target(%dma_start3A_113 : memref<32x128xf32, #tpu.memory_space<vmem_shared>>) target_semaphore(%run_scoped3A : memref<!tpu.dma_semaphore, #tpu.memory_space<semaphore_mem>>)
      %dma_wait3A = arith.constant 0 : i32
      %dma_wait3A_114 = tpu.memref_slice %arg26[%add3A_28, %dma_wait3A] : memref<10000x128xf32, #tpu.memory_space<vmem_shared>> -> memref<32x128xf32, #tpu.memory_space<vmem_shared>>
      %dma_wait3A_115 = arith.constant 0 : i32
      %dma_wait3A_116 = tpu.memref_slice %arg26[%add3A_28, %dma_wait3A_115] : memref<10000x128xf32, #tpu.memory_space<vmem_shared>> -> memref<32x128xf32, #tpu.memory_space<vmem_shared>>
      tpu.wait_dma2 semaphore(%run_scoped3A : memref<!tpu.dma_semaphore, #tpu.memory_space<semaphore_mem>>) src(%arg23 : memref<32x128xf32, #tpu.memory_space<vmem>>) dst(%dma_wait3A_116 : memref<32x128xf32, #tpu.memory_space<vmem_shared>>)
      tpu.yield
    }) : () -> ()
    %add3A_29 = arith.constant 320 : i32
    %add3A_30 = arith.addi %mul3A_9, %add3A_29 : i32
    "tpu.region"() ({
      %run_scoped3A = tpu.sem_alloc : memref<!tpu.dma_semaphore, #tpu.memory_space<semaphore_mem>>
      %dma_start3A = arith.constant 0 : i32
      %dma_start3A_111 = tpu.memref_slice %arg26[%add3A_30, %dma_start3A] : memref<10000x128xf32, #tpu.memory_space<vmem_shared>> -> memref<32x128xf32, #tpu.memory_space<vmem_shared>>
      %dma_start3A_112 = arith.constant 0 : i32
      %dma_start3A_113 = tpu.memref_slice %arg26[%add3A_30, %dma_start3A_112] : memref<10000x128xf32, #tpu.memory_space<vmem_shared>> -> memref<32x128xf32, #tpu.memory_space<vmem_shared>>
      tpu.enqueue_dma source(%arg23 : memref<32x128xf32, #tpu.memory_space<vmem>>) target(%dma_start3A_113 : memref<32x128xf32, #tpu.memory_space<vmem_shared>>) target_semaphore(%run_scoped3A : memref<!tpu.dma_semaphore, #tpu.memory_space<semaphore_mem>>)
      %dma_wait3A = arith.constant 0 : i32
      %dma_wait3A_114 = tpu.memref_slice %arg26[%add3A_30, %dma_wait3A] : memref<10000x128xf32, #tpu.memory_space<vmem_shared>> -> memref<32x128xf32, #tpu.memory_space<vmem_shared>>
      %dma_wait3A_115 = arith.constant 0 : i32
      %dma_wait3A_116 = tpu.memref_slice %arg26[%add3A_30, %dma_wait3A_115] : memref<10000x128xf32, #tpu.memory_space<vmem_shared>> -> memref<32x128xf32, #tpu.memory_space<vmem_shared>>
      tpu.wait_dma2 semaphore(%run_scoped3A : memref<!tpu.dma_semaphore, #tpu.memory_space<semaphore_mem>>) src(%arg23 : memref<32x128xf32, #tpu.memory_space<vmem>>) dst(%dma_wait3A_116 : memref<32x128xf32, #tpu.memory_space<vmem_shared>>)
      tpu.yield
    }) : () -> ()
    %add3A_31 = arith.constant 352 : i32
    %add3A_32 = arith.addi %mul3A_9, %add3A_31 : i32
    "tpu.region"() ({
      %run_scoped3A = tpu.sem_alloc : memref<!tpu.dma_semaphore, #tpu.memory_space<semaphore_mem>>
      %dma_start3A = arith.constant 0 : i32
      %dma_start3A_111 = tpu.memref_slice %arg26[%add3A_32, %dma_start3A] : memref<10000x128xf32, #tpu.memory_space<vmem_shared>> -> memref<32x128xf32, #tpu.memory_space<vmem_shared>>
      %dma_start3A_112 = arith.constant 0 : i32
      %dma_start3A_113 = tpu.memref_slice %arg26[%add3A_32, %dma_start3A_112] : memref<10000x128xf32, #tpu.memory_space<vmem_shared>> -> memref<32x128xf32, #tpu.memory_space<vmem_shared>>
      tpu.enqueue_dma source(%arg23 : memref<32x128xf32, #tpu.memory_space<vmem>>) target(%dma_start3A_113 : memref<32x128xf32, #tpu.memory_space<vmem_shared>>) target_semaphore(%run_scoped3A : memref<!tpu.dma_semaphore, #tpu.memory_space<semaphore_mem>>)
      %dma_wait3A = arith.constant 0 : i32
      %dma_wait3A_114 = tpu.memref_slice %arg26[%add3A_32, %dma_wait3A] : memref<10000x128xf32, #tpu.memory_space<vmem_shared>> -> memref<32x128xf32, #tpu.memory_space<vmem_shared>>
      %dma_wait3A_115 = arith.constant 0 : i32
      %dma_wait3A_116 = tpu.memref_slice %arg26[%add3A_32, %dma_wait3A_115] : memref<10000x128xf32, #tpu.memory_space<vmem_shared>> -> memref<32x128xf32, #tpu.memory_space<vmem_shared>>
      tpu.wait_dma2 semaphore(%run_scoped3A : memref<!tpu.dma_semaphore, #tpu.memory_space<semaphore_mem>>) src(%arg23 : memref<32x128xf32, #tpu.memory_space<vmem>>) dst(%dma_wait3A_116 : memref<32x128xf32, #tpu.memory_space<vmem_shared>>)
      tpu.yield
    }) : () -> ()
    %add3A_33 = arith.constant 384 : i32
    %add3A_34 = arith.addi %mul3A_9, %add3A_33 : i32
    "tpu.region"() ({
      %run_scoped3A = tpu.sem_alloc : memref<!tpu.dma_semaphore, #tpu.memory_space<semaphore_mem>>
      %dma_start3A = arith.constant 0 : i32
      %dma_start3A_111 = tpu.memref_slice %arg26[%add3A_34, %dma_start3A] : memref<10000x128xf32, #tpu.memory_space<vmem_shared>> -> memref<32x128xf32, #tpu.memory_space<vmem_shared>>
      %dma_start3A_112 = arith.constant 0 : i32
      %dma_start3A_113 = tpu.memref_slice %arg26[%add3A_34, %dma_start3A_112] : memref<10000x128xf32, #tpu.memory_space<vmem_shared>> -> memref<32x128xf32, #tpu.memory_space<vmem_shared>>
      tpu.enqueue_dma source(%arg23 : memref<32x128xf32, #tpu.memory_space<vmem>>) target(%dma_start3A_113 : memref<32x128xf32, #tpu.memory_space<vmem_shared>>) target_semaphore(%run_scoped3A : memref<!tpu.dma_semaphore, #tpu.memory_space<semaphore_mem>>)
      %dma_wait3A = arith.constant 0 : i32
      %dma_wait3A_114 = tpu.memref_slice %arg26[%add3A_34, %dma_wait3A] : memref<10000x128xf32, #tpu.memory_space<vmem_shared>> -> memref<32x128xf32, #tpu.memory_space<vmem_shared>>
      %dma_wait3A_115 = arith.constant 0 : i32
      %dma_wait3A_116 = tpu.memref_slice %arg26[%add3A_34, %dma_wait3A_115] : memref<10000x128xf32, #tpu.memory_space<vmem_shared>> -> memref<32x128xf32, #tpu.memory_space<vmem_shared>>
      tpu.wait_dma2 semaphore(%run_scoped3A : memref<!tpu.dma_semaphore, #tpu.memory_space<semaphore_mem>>) src(%arg23 : memref<32x128xf32, #tpu.memory_space<vmem>>) dst(%dma_wait3A_116 : memref<32x128xf32, #tpu.memory_space<vmem_shared>>)
      tpu.yield
    }) : () -> ()
    %add3A_35 = arith.constant 416 : i32
    %add3A_36 = arith.addi %mul3A_9, %add3A_35 : i32
    "tpu.region"() ({
      %run_scoped3A = tpu.sem_alloc : memref<!tpu.dma_semaphore, #tpu.memory_space<semaphore_mem>>
      %dma_start3A = arith.constant 0 : i32
      %dma_start3A_111 = tpu.memref_slice %arg26[%add3A_36, %dma_start3A] : memref<10000x128xf32, #tpu.memory_space<vmem_shared>> -> memref<32x128xf32, #tpu.memory_space<vmem_shared>>
      %dma_start3A_112 = arith.constant 0 : i32
      %dma_start3A_113 = tpu.memref_slice %arg26[%add3A_36, %dma_start3A_112] : memref<10000x128xf32, #tpu.memory_space<vmem_shared>> -> memref<32x128xf32, #tpu.memory_space<vmem_shared>>
      tpu.enqueue_dma source(%arg23 : memref<32x128xf32, #tpu.memory_space<vmem>>) target(%dma_start3A_113 : memref<32x128xf32, #tpu.memory_space<vmem_shared>>) target_semaphore(%run_scoped3A : memref<!tpu.dma_semaphore, #tpu.memory_space<semaphore_mem>>)
      %dma_wait3A = arith.constant 0 : i32
      %dma_wait3A_114 = tpu.memref_slice %arg26[%add3A_36, %dma_wait3A] : memref<10000x128xf32, #tpu.memory_space<vmem_shared>> -> memref<32x128xf32, #tpu.memory_space<vmem_shared>>
      %dma_wait3A_115 = arith.constant 0 : i32
      %dma_wait3A_116 = tpu.memref_slice %arg26[%add3A_36, %dma_wait3A_115] : memref<10000x128xf32, #tpu.memory_space<vmem_shared>> -> memref<32x128xf32, #tpu.memory_space<vmem_shared>>
      tpu.wait_dma2 semaphore(%run_scoped3A : memref<!tpu.dma_semaphore, #tpu.memory_space<semaphore_mem>>) src(%arg23 : memref<32x128xf32, #tpu.memory_space<vmem>>) dst(%dma_wait3A_116 : memref<32x128xf32, #tpu.memory_space<vmem_shared>>)
      tpu.yield
    }) : () -> ()
    %add3A_37 = arith.constant 448 : i32
    %add3A_38 = arith.addi %mul3A_9, %add3A_37 : i32
    "tpu.region"() ({
      %run_scoped3A = tpu.sem_alloc : memref<!tpu.dma_semaphore, #tpu.memory_space<semaphore_mem>>
      %dma_start3A = arith.constant 0 : i32
      %dma_start3A_111 = tpu.memref_slice %arg26[%add3A_38, %dma_start3A] : memref<10000x128xf32, #tpu.memory_space<vmem_shared>> -> memref<32x128xf32, #tpu.memory_space<vmem_shared>>
      %dma_start3A_112 = arith.constant 0 : i32
      %dma_start3A_113 = tpu.memref_slice %arg26[%add3A_38, %dma_start3A_112] : memref<10000x128xf32, #tpu.memory_space<vmem_shared>> -> memref<32x128xf32, #tpu.memory_space<vmem_shared>>
      tpu.enqueue_dma source(%arg23 : memref<32x128xf32, #tpu.memory_space<vmem>>) target(%dma_start3A_113 : memref<32x128xf32, #tpu.memory_space<vmem_shared>>) target_semaphore(%run_scoped3A : memref<!tpu.dma_semaphore, #tpu.memory_space<semaphore_mem>>)
      %dma_wait3A = arith.constant 0 : i32
      %dma_wait3A_114 = tpu.memref_slice %arg26[%add3A_38, %dma_wait3A] : memref<10000x128xf32, #tpu.memory_space<vmem_shared>> -> memref<32x128xf32, #tpu.memory_space<vmem_shared>>
      %dma_wait3A_115 = arith.constant 0 : i32
      %dma_wait3A_116 = tpu.memref_slice %arg26[%add3A_38, %dma_wait3A_115] : memref<10000x128xf32, #tpu.memory_space<vmem_shared>> -> memref<32x128xf32, #tpu.memory_space<vmem_shared>>
      tpu.wait_dma2 semaphore(%run_scoped3A : memref<!tpu.dma_semaphore, #tpu.memory_space<semaphore_mem>>) src(%arg23 : memref<32x128xf32, #tpu.memory_space<vmem>>) dst(%dma_wait3A_116 : memref<32x128xf32, #tpu.memory_space<vmem_shared>>)
      tpu.yield
    }) : () -> ()
    %add3A_39 = arith.constant 480 : i32
    %add3A_40 = arith.addi %mul3A_9, %add3A_39 : i32
    "tpu.region"() ({
      %run_scoped3A = tpu.sem_alloc : memref<!tpu.dma_semaphore, #tpu.memory_space<semaphore_mem>>
      %dma_start3A = arith.constant 0 : i32
      %dma_start3A_111 = tpu.memref_slice %arg26[%add3A_40, %dma_start3A] : memref<10000x128xf32, #tpu.memory_space<vmem_shared>> -> memref<32x128xf32, #tpu.memory_space<vmem_shared>>
      %dma_start3A_112 = arith.constant 0 : i32
      %dma_start3A_113 = tpu.memref_slice %arg26[%add3A_40, %dma_start3A_112] : memref<10000x128xf32, #tpu.memory_space<vmem_shared>> -> memref<32x128xf32, #tpu.memory_space<vmem_shared>>
      tpu.enqueue_dma source(%arg23 : memref<32x128xf32, #tpu.memory_space<vmem>>) target(%dma_start3A_113 : memref<32x128xf32, #tpu.memory_space<vmem_shared>>) target_semaphore(%run_scoped3A : memref<!tpu.dma_semaphore, #tpu.memory_space<semaphore_mem>>)
      %dma_wait3A = arith.constant 0 : i32
      %dma_wait3A_114 = tpu.memref_slice %arg26[%add3A_40, %dma_wait3A] : memref<10000x128xf32, #tpu.memory_space<vmem_shared>> -> memref<32x128xf32, #tpu.memory_space<vmem_shared>>
      %dma_wait3A_115 = arith.constant 0 : i32
      %dma_wait3A_116 = tpu.memref_slice %arg26[%add3A_40, %dma_wait3A_115] : memref<10000x128xf32, #tpu.memory_space<vmem_shared>> -> memref<32x128xf32, #tpu.memory_space<vmem_shared>>
      tpu.wait_dma2 semaphore(%run_scoped3A : memref<!tpu.dma_semaphore, #tpu.memory_space<semaphore_mem>>) src(%arg23 : memref<32x128xf32, #tpu.memory_space<vmem>>) dst(%dma_wait3A_116 : memref<32x128xf32, #tpu.memory_space<vmem_shared>>)
      tpu.yield
    }) : () -> ()
    %add3A_41 = arith.constant 512 : i32
    %add3A_42 = arith.addi %mul3A_9, %add3A_41 : i32
    "tpu.region"() ({
      %run_scoped3A = tpu.sem_alloc : memref<!tpu.dma_semaphore, #tpu.memory_space<semaphore_mem>>
      %dma_start3A = arith.constant 0 : i32
      %dma_start3A_111 = tpu.memref_slice %arg26[%add3A_42, %dma_start3A] : memref<10000x128xf32, #tpu.memory_space<vmem_shared>> -> memref<32x128xf32, #tpu.memory_space<vmem_shared>>
      %dma_start3A_112 = arith.constant 0 : i32
      %dma_start3A_113 = tpu.memref_slice %arg26[%add3A_42, %dma_start3A_112] : memref<10000x128xf32, #tpu.memory_space<vmem_shared>> -> memref<32x128xf32, #tpu.memory_space<vmem_shared>>
      tpu.enqueue_dma source(%arg23 : memref<32x128xf32, #tpu.memory_space<vmem>>) target(%dma_start3A_113 : memref<32x128xf32, #tpu.memory_space<vmem_shared>>) target_semaphore(%run_scoped3A : memref<!tpu.dma_semaphore, #tpu.memory_space<semaphore_mem>>)
      %dma_wait3A = arith.constant 0 : i32
      %dma_wait3A_114 = tpu.memref_slice %arg26[%add3A_42, %dma_wait3A] : memref<10000x128xf32, #tpu.memory_space<vmem_shared>> -> memref<32x128xf32, #tpu.memory_space<vmem_shared>>
      %dma_wait3A_115 = arith.constant 0 : i32
      %dma_wait3A_116 = tpu.memref_slice %arg26[%add3A_42, %dma_wait3A_115] : memref<10000x128xf32, #tpu.memory_space<vmem_shared>> -> memref<32x128xf32, #tpu.memory_space<vmem_shared>>
      tpu.wait_dma2 semaphore(%run_scoped3A : memref<!tpu.dma_semaphore, #tpu.memory_space<semaphore_mem>>) src(%arg23 : memref<32x128xf32, #tpu.memory_space<vmem>>) dst(%dma_wait3A_116 : memref<32x128xf32, #tpu.memory_space<vmem_shared>>)
      tpu.yield
    }) : () -> ()
    %add3A_43 = arith.constant 544 : i32
    %add3A_44 = arith.addi %mul3A_9, %add3A_43 : i32
    "tpu.region"() ({
      %run_scoped3A = tpu.sem_alloc : memref<!tpu.dma_semaphore, #tpu.memory_space<semaphore_mem>>
      %dma_start3A = arith.constant 0 : i32
      %dma_start3A_111 = tpu.memref_slice %arg26[%add3A_44, %dma_start3A] : memref<10000x128xf32, #tpu.memory_space<vmem_shared>> -> memref<32x128xf32, #tpu.memory_space<vmem_shared>>
      %dma_start3A_112 = arith.constant 0 : i32
      %dma_start3A_113 = tpu.memref_slice %arg26[%add3A_44, %dma_start3A_112] : memref<10000x128xf32, #tpu.memory_space<vmem_shared>> -> memref<32x128xf32, #tpu.memory_space<vmem_shared>>
      tpu.enqueue_dma source(%arg23 : memref<32x128xf32, #tpu.memory_space<vmem>>) target(%dma_start3A_113 : memref<32x128xf32, #tpu.memory_space<vmem_shared>>) target_semaphore(%run_scoped3A : memref<!tpu.dma_semaphore, #tpu.memory_space<semaphore_mem>>)
      %dma_wait3A = arith.constant 0 : i32
      %dma_wait3A_114 = tpu.memref_slice %arg26[%add3A_44, %dma_wait3A] : memref<10000x128xf32, #tpu.memory_space<vmem_shared>> -> memref<32x128xf32, #tpu.memory_space<vmem_shared>>
      %dma_wait3A_115 = arith.constant 0 : i32
      %dma_wait3A_116 = tpu.memref_slice %arg26[%add3A_44, %dma_wait3A_115] : memref<10000x128xf32, #tpu.memory_space<vmem_shared>> -> memref<32x128xf32, #tpu.memory_space<vmem_shared>>
      tpu.wait_dma2 semaphore(%run_scoped3A : memref<!tpu.dma_semaphore, #tpu.memory_space<semaphore_mem>>) src(%arg23 : memref<32x128xf32, #tpu.memory_space<vmem>>) dst(%dma_wait3A_116 : memref<32x128xf32, #tpu.memory_space<vmem_shared>>)
      tpu.yield
    }) : () -> ()
    %add3A_45 = arith.constant 576 : i32
    %add3A_46 = arith.addi %mul3A_9, %add3A_45 : i32
    "tpu.region"() ({
      %run_scoped3A = tpu.sem_alloc : memref<!tpu.dma_semaphore, #tpu.memory_space<semaphore_mem>>
      %dma_start3A = arith.constant 0 : i32
      %dma_start3A_111 = tpu.memref_slice %arg26[%add3A_46, %dma_start3A] : memref<10000x128xf32, #tpu.memory_space<vmem_shared>> -> memref<32x128xf32, #tpu.memory_space<vmem_shared>>
      %dma_start3A_112 = arith.constant 0 : i32
      %dma_start3A_113 = tpu.memref_slice %arg26[%add3A_46, %dma_start3A_112] : memref<10000x128xf32, #tpu.memory_space<vmem_shared>> -> memref<32x128xf32, #tpu.memory_space<vmem_shared>>
      tpu.enqueue_dma source(%arg23 : memref<32x128xf32, #tpu.memory_space<vmem>>) target(%dma_start3A_113 : memref<32x128xf32, #tpu.memory_space<vmem_shared>>) target_semaphore(%run_scoped3A : memref<!tpu.dma_semaphore, #tpu.memory_space<semaphore_mem>>)
      %dma_wait3A = arith.constant 0 : i32
      %dma_wait3A_114 = tpu.memref_slice %arg26[%add3A_46, %dma_wait3A] : memref<10000x128xf32, #tpu.memory_space<vmem_shared>> -> memref<32x128xf32, #tpu.memory_space<vmem_shared>>
      %dma_wait3A_115 = arith.constant 0 : i32
      %dma_wait3A_116 = tpu.memref_slice %arg26[%add3A_46, %dma_wait3A_115] : memref<10000x128xf32, #tpu.memory_space<vmem_shared>> -> memref<32x128xf32, #tpu.memory_space<vmem_shared>>
      tpu.wait_dma2 semaphore(%run_scoped3A : memref<!tpu.dma_semaphore, #tpu.memory_space<semaphore_mem>>) src(%arg23 : memref<32x128xf32, #tpu.memory_space<vmem>>) dst(%dma_wait3A_116 : memref<32x128xf32, #tpu.memory_space<vmem_shared>>)
      tpu.yield
    }) : () -> ()
    %add3A_47 = arith.constant 608 : i32
    %add3A_48 = arith.addi %mul3A_9, %add3A_47 : i32
    "tpu.region"() ({
      %run_scoped3A = tpu.sem_alloc : memref<!tpu.dma_semaphore, #tpu.memory_space<semaphore_mem>>
      %dma_start3A = arith.constant 0 : i32
      %dma_start3A_111 = tpu.memref_slice %arg26[%add3A_48, %dma_start3A] : memref<10000x128xf32, #tpu.memory_space<vmem_shared>> -> memref<32x128xf32, #tpu.memory_space<vmem_shared>>
      %dma_start3A_112 = arith.constant 0 : i32
      %dma_start3A_113 = tpu.memref_slice %arg26[%add3A_48, %dma_start3A_112] : memref<10000x128xf32, #tpu.memory_space<vmem_shared>> -> memref<32x128xf32, #tpu.memory_space<vmem_shared>>
      tpu.enqueue_dma source(%arg23 : memref<32x128xf32, #tpu.memory_space<vmem>>) target(%dma_start3A_113 : memref<32x128xf32, #tpu.memory_space<vmem_shared>>) target_semaphore(%run_scoped3A : memref<!tpu.dma_semaphore, #tpu.memory_space<semaphore_mem>>)
      %dma_wait3A = arith.constant 0 : i32
      %dma_wait3A_114 = tpu.memref_slice %arg26[%add3A_48, %dma_wait3A] : memref<10000x128xf32, #tpu.memory_space<vmem_shared>> -> memref<32x128xf32, #tpu.memory_space<vmem_shared>>
      %dma_wait3A_115 = arith.constant 0 : i32
      %dma_wait3A_116 = tpu.memref_slice %arg26[%add3A_48, %dma_wait3A_115] : memref<10000x128xf32, #tpu.memory_space<vmem_shared>> -> memref<32x128xf32, #tpu.memory_space<vmem_shared>>
      tpu.wait_dma2 semaphore(%run_scoped3A : memref<!tpu.dma_semaphore, #tpu.memory_space<semaphore_mem>>) src(%arg23 : memref<32x128xf32, #tpu.memory_space<vmem>>) dst(%dma_wait3A_116 : memref<32x128xf32, #tpu.memory_space<vmem_shared>>)
      tpu.yield
    }) : () -> ()
    %mul3A_49 = arith.constant 40 : i32
    %mul3A_50 = arith.muli %arg1, %mul3A_49 : i32
    "tpu.region"() ({
      %run_scoped3A = tpu.sem_alloc : memref<!tpu.dma_semaphore, #tpu.memory_space<semaphore_mem>>
      %dma_start3A = arith.constant 0 : i32
      %dma_start3A_111 = tpu.memref_slice %arg27[%mul3A_50, %dma_start3A] : memref<640x128xf32, #tpu.memory_space<vmem_shared>> -> memref<32x128xf32, #tpu.memory_space<vmem_shared>>
      %dma_start3A_112 = arith.constant 0 : i32
      %dma_start3A_113 = tpu.memref_slice %arg27[%mul3A_50, %dma_start3A_112] : memref<640x128xf32, #tpu.memory_space<vmem_shared>> -> memref<32x128xf32, #tpu.memory_space<vmem_shared>>
      tpu.enqueue_dma source(%arg23 : memref<32x128xf32, #tpu.memory_space<vmem>>) target(%dma_start3A_113 : memref<32x128xf32, #tpu.memory_space<vmem_shared>>) target_semaphore(%run_scoped3A : memref<!tpu.dma_semaphore, #tpu.memory_space<semaphore_mem>>)
      %dma_wait3A = arith.constant 0 : i32
      %dma_wait3A_114 = tpu.memref_slice %arg27[%mul3A_50, %dma_wait3A] : memref<640x128xf32, #tpu.memory_space<vmem_shared>> -> memref<32x128xf32, #tpu.memory_space<vmem_shared>>
      %dma_wait3A_115 = arith.constant 0 : i32
      %dma_wait3A_116 = tpu.memref_slice %arg27[%mul3A_50, %dma_wait3A_115] : memref<640x128xf32, #tpu.memory_space<vmem_shared>> -> memref<32x128xf32, #tpu.memory_space<vmem_shared>>
      tpu.wait_dma2 semaphore(%run_scoped3A : memref<!tpu.dma_semaphore, #tpu.memory_space<semaphore_mem>>) src(%arg23 : memref<32x128xf32, #tpu.memory_space<vmem>>) dst(%dma_wait3A_116 : memref<32x128xf32, #tpu.memory_space<vmem_shared>>)
      tpu.yield
    }) : () -> ()
    %add3A_51 = arith.constant 32 : i32
    %add3A_52 = arith.addi %mul3A_50, %add3A_51 : i32
    "tpu.region"() ({
      %run_scoped3A = tpu.sem_alloc : memref<!tpu.dma_semaphore, #tpu.memory_space<semaphore_mem>>
      %dma_start3A = arith.constant 0 : i32
      %dma_start3A_111 = arith.constant 0 : i32
      %dma_start3A_112 = tpu.memref_slice %arg23[%dma_start3A, %dma_start3A_111] : memref<32x128xf32, #tpu.memory_space<vmem>> -> memref<8x128xf32, #tpu.memory_space<vmem>>
      %dma_start3A_113 = arith.constant 0 : i32
      %dma_start3A_114 = tpu.memref_slice %arg27[%add3A_52, %dma_start3A_113] : memref<640x128xf32, #tpu.memory_space<vmem_shared>> -> memref<8x128xf32, #tpu.memory_space<vmem_shared>>
      %dma_start3A_115 = arith.constant 0 : i32
      %dma_start3A_116 = tpu.memref_slice %arg27[%add3A_52, %dma_start3A_115] : memref<640x128xf32, #tpu.memory_space<vmem_shared>> -> memref<8x128xf32, #tpu.memory_space<vmem_shared>>
      %dma_start3A_117 = arith.constant 0 : i32
      %dma_start3A_118 = arith.constant 0 : i32
      %dma_start3A_119 = tpu.memref_slice %arg23[%dma_start3A_117, %dma_start3A_118] : memref<32x128xf32, #tpu.memory_space<vmem>> -> memref<8x128xf32, #tpu.memory_space<vmem>>
      tpu.enqueue_dma source(%dma_start3A_119 : memref<8x128xf32, #tpu.memory_space<vmem>>) target(%dma_start3A_116 : memref<8x128xf32, #tpu.memory_space<vmem_shared>>) target_semaphore(%run_scoped3A : memref<!tpu.dma_semaphore, #tpu.memory_space<semaphore_mem>>)
      %dma_wait3A = arith.constant 0 : i32
      %dma_wait3A_120 = arith.constant 0 : i32
      %dma_wait3A_121 = tpu.memref_slice %arg23[%dma_wait3A, %dma_wait3A_120] : memref<32x128xf32, #tpu.memory_space<vmem>> -> memref<8x128xf32, #tpu.memory_space<vmem>>
      %dma_wait3A_122 = arith.constant 0 : i32
      %dma_wait3A_123 = tpu.memref_slice %arg27[%add3A_52, %dma_wait3A_122] : memref<640x128xf32, #tpu.memory_space<vmem_shared>> -> memref<8x128xf32, #tpu.memory_space<vmem_shared>>
      %dma_wait3A_124 = arith.constant 0 : i32
      %dma_wait3A_125 = tpu.memref_slice %arg27[%add3A_52, %dma_wait3A_124] : memref<640x128xf32, #tpu.memory_space<vmem_shared>> -> memref<8x128xf32, #tpu.memory_space<vmem_shared>>
      %dma_wait3A_126 = arith.constant 0 : i32
      %dma_wait3A_127 = arith.constant 0 : i32
      %dma_wait3A_128 = tpu.memref_slice %arg23[%dma_wait3A_126, %dma_wait3A_127] : memref<32x128xf32, #tpu.memory_space<vmem>> -> memref<8x128xf32, #tpu.memory_space<vmem>>
      tpu.wait_dma2 semaphore(%run_scoped3A : memref<!tpu.dma_semaphore, #tpu.memory_space<semaphore_mem>>) src(%dma_wait3A_128 : memref<8x128xf32, #tpu.memory_space<vmem>>) dst(%dma_wait3A_125 : memref<8x128xf32, #tpu.memory_space<vmem_shared>>)
      tpu.yield
    }) : () -> ()
    %barrier3A = arith.constant 0 : index
    tpu.barrier barrier_id(%barrier3A)
    %mul3A_53 = arith.constant 20000 : i32
    %mul3A_54 = arith.muli %arg1, %mul3A_53 : i32
    %xor3A = arith.constant 1 : i32
    %xor3A_55 = vector.broadcast %xor3A : i32 to vector<16xi32>
    %xor3A_56 = arith.xori %iota3A, %xor3A_55 : vector<16xi32>
    %xor3A_57 = arith.constant 2 : i32
    %xor3A_58 = vector.broadcast %xor3A_57 : i32 to vector<16xi32>
    %xor3A_59 = arith.xori %iota3A, %xor3A_58 : vector<16xi32>
    %xor3A_60 = arith.constant 4 : i32
    %xor3A_61 = vector.broadcast %xor3A_60 : i32 to vector<16xi32>
    %xor3A_62 = arith.xori %iota3A, %xor3A_61 : vector<16xi32>
    %xor3A_63 = arith.constant 8 : i32
    %xor3A_64 = vector.broadcast %xor3A_63 : i32 to vector<16xi32>
    %xor3A_65 = arith.xori %iota3A, %xor3A_64 : vector<16xi32>
    %add3A_66 = arith.constant 0 : i32
    %add3A_67 = arith.addi %mul3A_54, %add3A_66 : i32
    %get3A = arith.constant 0 : index
    %get3A_68 = tpu.vector_load %arg9[%get3A] {strides = array<i32>} : memref<32xi32, #tpu.memory_space<vmem>>, vector<16xi32>,
    %add3A_69 = vector.broadcast %mul3A_0 : i32 to vector<16xi32>
    %add3A_70 = arith.addi %get3A_68, %add3A_69 : vector<16xi32>
    %swap3A = arith.constant 0 : index
    %swap3A_71 = tpu.vector_load %arg11[%swap3A] {strides = array<i32>} : memref<32xi32, #tpu.memory_space<vmem>>, vector<16xi32>,
    tpu.vector_store %arg11[%swap3A], %add3A_70 {strides = array<i32>} : memref<32xi32, #tpu.memory_space<vmem>>, vector<16xi32>,
    %get3A_72 = arith.constant 0 : index
    %get3A_73 = tpu.vector_load %arg10[%get3A_72] {strides = array<i32>} : memref<32xi32, #tpu.memory_space<vmem>>, vector<16xi32>,
    %add3A_74 = vector.broadcast %mul3A_0 : i32 to vector<16xi32>
    %add3A_75 = arith.addi %get3A_73, %add3A_74 : vector<16xi32>
    %swap3A_76 = arith.constant 0 : index
    %swap3A_77 = tpu.vector_load %arg12[%swap3A_76] {strides = array<i32>} : memref<32xi32, #tpu.memory_space<vmem>>, vector<16xi32>,
    tpu.vector_store %arg12[%swap3A_76], %add3A_75 {strides = array<i32>} : memref<32xi32, #tpu.memory_space<vmem>>, vector<16xi32>,
    %get3A_78 = arith.constant 0 : index
    %get3A_79 = tpu.vector_load %arg9[%get3A_78] {strides = array<i32>} : memref<32xi32, #tpu.memory_space<vmem>>, vector<16xi32>,
    %shift_right_logical3A = arith.constant 4 : i32
    %shift_right_logical3A_80 = vector.broadcast %shift_right_logical3A : i32 to vector<16xi32>
    %shift_right_logical3A_81 = arith.shrui %get3A_79, %shift_right_logical3A_80 : vector<16xi32>
    %swap3A_82 = arith.constant 0 : index
    %swap3A_83 = tpu.vector_load %arg13[%swap3A_82] {strides = array<i32>} : memref<32xi32, #tpu.memory_space<vmem>>, vector<16xi32>,
    tpu.vector_store %arg13[%swap3A_82], %shift_right_logical3A_81 {strides = array<i32>} : memref<32xi32, #tpu.memory_space<vmem>>, vector<16xi32>,
    %get3A_84 = arith.constant 16 : index
    %get3A_85 = tpu.vector_load %arg9[%get3A_84] {strides = array<i32>} : memref<32xi32, #tpu.memory_space<vmem>>, vector<16xi32>,
    %add3A_86 = vector.broadcast %mul3A_0 : i32 to vector<16xi32>
    %add3A_87 = arith.addi %get3A_85, %add3A_86 : vector<16xi32>
    %swap3A_88 = arith.constant 16 : index
    %swap3A_89 = tpu.vector_load %arg11[%swap3A_88] {strides = array<i32>} : memref<32xi32, #tpu.memory_space<vmem>>, vector<16xi32>,
    tpu.vector_store %arg11[%swap3A_88], %add3A_87 {strides = array<i32>} : memref<32xi32, #tpu.memory_space<vmem>>, vector<16xi32>,
    %get3A_90 = arith.constant 16 : index
    %get3A_91 = tpu.vector_load %arg10[%get3A_90] {strides = array<i32>} : memref<32xi32, #tpu.memory_space<vmem>>, vector<16xi32>,
    %add3A_92 = vector.broadcast %mul3A_0 : i32 to vector<16xi32>
    %add3A_93 = arith.addi %get3A_91, %add3A_92 : vector<16xi32>
    %swap3A_94 = arith.constant 16 : index
    %swap3A_95 = tpu.vector_load %arg12[%swap3A_94] {strides = array<i32>} : memref<32xi32, #tpu.memory_space<vmem>>, vector<16xi32>,
    tpu.vector_store %arg12[%swap3A_94], %add3A_93 {strides = array<i32>} : memref<32xi32, #tpu.memory_space<vmem>>, vector<16xi32>,
    %get3A_96 = arith.constant 16 : index
    %get3A_97 = tpu.vector_load %arg9[%get3A_96] {strides = array<i32>} : memref<32xi32, #tpu.memory_space<vmem>>, vector<16xi32>,
    %shift_right_logical3A_98 = arith.constant 4 : i32
    %shift_right_logical3A_99 = vector.broadcast %shift_right_logical3A_98 : i32 to vector<16xi32>
    %shift_right_logical3A_100 = arith.shrui %get3A_97, %shift_right_logical3A_99 : vector<16xi32>
    %swap3A_101 = arith.constant 16 : index
    %swap3A_102 = tpu.vector_load %arg13[%swap3A_101] {strides = array<i32>} : memref<32xi32, #tpu.memory_space<vmem>>, vector<16xi32>,
    tpu.vector_store %arg13[%swap3A_101], %shift_right_logical3A_100 {strides = array<i32>} : memref<32xi32, #tpu.memory_space<vmem>>, vector<16xi32>,
    %scan3A_103 = arith.constant 0 : i32
    %scan3A_104 = arith.constant 0 : i32
    %scan3A_105 = arith.constant 313 : i32
    %scan3A_106 = arith.addi %scan3A_104, %scan3A_105 : i32
    %scan3A_107 = arith.constant 1 : i32
    %scan3A_108 = scf.for %scan3A_111 = %scan3A_104 to %scan3A_106 step %scan3A_107 iter_args(%scan3A_112 = %scan3A_103) -> (i32)  : i32 {
      %mul3A_113 = arith.constant 2 : i32
      %mul3A_114 = arith.muli %mul3A_113, %scan3A_111 : i32
      %mul3A_115 = arith.constant 2 : i32
      %mul3A_116 = arith.muli %mul3A_115, %scan3A_111 : i32
      %add3A_117 = arith.constant 1 : i32
      %add3A_118 = arith.addi %mul3A_116, %add3A_117 : i32
      %lt3A = arith.constant 625 : i32
      %lt3A_119 = arith.cmpi slt, %add3A_118, %lt3A : i32
      %convert_element_type3A = arith.extui %lt3A_119 : i1 to i32
      %cond3A = arith.constant 0 : i32
      %cond3A_120 = arith.cmpi ne, %convert_element_type3A, %cond3A : i32
      scf.if %cond3A_120 {
        %mul3A_150 = arith.constant 32 : i32
        %mul3A_151 = arith.muli %add3A_118, %mul3A_150 : i32
        %add3A_152 = arith.addi %mul3A_54, %mul3A_151 : i32
        %get3A_153 = arith.constant 0 : index
        %get3A_154 = tpu.vector_load %arg14[%get3A_153] {strides = array<i32>} : memref<32xi32, #tpu.memory_space<vmem>>, vector<16xi32>,
        %add3A_155 = vector.broadcast %mul3A_0 : i32 to vector<16xi32>
        %add3A_156 = arith.addi %get3A_154, %add3A_155 : vector<16xi32>
        %swap3A_157 = arith.constant 0 : index
        %swap3A_158 = tpu.vector_load %arg16[%swap3A_157] {strides = array<i32>} : memref<32xi32, #tpu.memory_space<vmem>>, vector<16xi32>,
        tpu.vector_store %arg16[%swap3A_157], %add3A_156 {strides = array<i32>} : memref<32xi32, #tpu.memory_space<vmem>>, vector<16xi32>,
        %get3A_159 = arith.constant 0 : index
        %get3A_160 = tpu.vector_load %arg15[%get3A_159] {strides = array<i32>} : memref<32xi32, #tpu.memory_space<vmem>>, vector<16xi32>,
        %add3A_161 = vector.broadcast %mul3A_0 : i32 to vector<16xi32>
        %add3A_162 = arith.addi %get3A_160, %add3A_161 : vector<16xi32>
        %swap3A_163 = arith.constant 0 : index
        %swap3A_164 = tpu.vector_load %arg17[%swap3A_163] {strides = array<i32>} : memref<32xi32, #tpu.memory_space<vmem>>, vector<16xi32>,
        tpu.vector_store %arg17[%swap3A_163], %add3A_162 {strides = array<i32>} : memref<32xi32, #tpu.memory_space<vmem>>, vector<16xi32>,
        %get3A_165 = arith.constant 0 : index
        %get3A_166 = tpu.vector_load %arg14[%get3A_165] {strides = array<i32>} : memref<32xi32, #tpu.memory_space<vmem>>, vector<16xi32>,
        %shift_right_logical3A_167 = arith.constant 4 : i32
        %shift_right_logical3A_168 = vector.broadcast %shift_right_logical3A_167 : i32 to vector<16xi32>
        %shift_right_logical3A_169 = arith.shrui %get3A_166, %shift_right_logical3A_168 : vector<16xi32>
        %swap3A_170 = arith.constant 0 : index
        %swap3A_171 = tpu.vector_load %arg18[%swap3A_170] {strides = array<i32>} : memref<32xi32, #tpu.memory_space<vmem>>, vector<16xi32>,
        tpu.vector_store %arg18[%swap3A_170], %shift_right_logical3A_169 {strides = array<i32>} : memref<32xi32, #tpu.memory_space<vmem>>, vector<16xi32>,
        %get3A_172 = arith.constant 16 : index
        %get3A_173 = tpu.vector_load %arg14[%get3A_172] {strides = array<i32>} : memref<32xi32, #tpu.memory_space<vmem>>, vector<16xi32>,
        %add3A_174 = vector.broadcast %mul3A_0 : i32 to vector<16xi32>
        %add3A_175 = arith.addi %get3A_173, %add3A_174 : vector<16xi32>
        %swap3A_176 = arith.constant 16 : index
        %swap3A_177 = tpu.vector_load %arg16[%swap3A_176] {strides = array<i32>} : memref<32xi32, #tpu.memory_space<vmem>>, vector<16xi32>,
        tpu.vector_store %arg16[%swap3A_176], %add3A_175 {strides = array<i32>} : memref<32xi32, #tpu.memory_space<vmem>>, vector<16xi32>,
        %get3A_178 = arith.constant 16 : index
        %get3A_179 = tpu.vector_load %arg15[%get3A_178] {strides = array<i32>} : memref<32xi32, #tpu.memory_space<vmem>>, vector<16xi32>,
        %add3A_180 = vector.broadcast %mul3A_0 : i32 to vector<16xi32>
        %add3A_181 = arith.addi %get3A_179, %add3A_180 : vector<16xi32>
        %swap3A_182 = arith.constant 16 : index
        %swap3A_183 = tpu.vector_load %arg17[%swap3A_182] {strides = array<i32>} : memref<32xi32, #tpu.memory_space<vmem>>, vector<16xi32>,
        tpu.vector_store %arg17[%swap3A_182], %add3A_181 {strides = array<i32>} : memref<32xi32, #tpu.memory_space<vmem>>, vector<16xi32>,
        %get3A_184 = arith.constant 16 : index
        %get3A_185 = tpu.vector_load %arg14[%get3A_184] {strides = array<i32>} : memref<32xi32, #tpu.memory_space<vmem>>, vector<16xi32>,
        %shift_right_logical3A_186 = arith.constant 4 : i32
        %shift_right_logical3A_187 = vector.broadcast %shift_right_logical3A_186 : i32 to vector<16xi32>
        %shift_right_logical3A_188 = arith.shrui %get3A_185, %shift_right_logical3A_187 : vector<16xi32>
        %swap3A_189 = arith.constant 16 : index
        %swap3A_190 = tpu.vector_load %arg18[%swap3A_189] {strides = array<i32>} : memref<32xi32, #tpu.memory_space<vmem>>, vector<16xi32>,
        tpu.vector_store %arg18[%swap3A_189], %shift_right_logical3A_188 {strides = array<i32>} : memref<32xi32, #tpu.memory_space<vmem>>, vector<16xi32>,
      } else {
      }
      %get3A_121 = arith.constant 0 : index
      %get3A_122 = tpu.vector_load %arg9[%get3A_121] {strides = array<i32>} : memref<32xi32, #tpu.memory_space<vmem>>, vector<16xi32>,
      %get3A_123 = arith.constant 16 : index
      %get3A_124 = tpu.vector_load %arg9[%get3A_123] {strides = array<i32>} : memref<32xi32, #tpu.memory_space<vmem>>, vector<16xi32>,
      %parallel_loop3A = arith.constant 0 : i32
      %parallel_loop3A_125 = arith.constant 1 : i32
      %parallel_loop3A_126 = arith.constant 1 : i32
      scf.for %parallel_loop3A_150 = %parallel_loop3A to %parallel_loop3A_125 step %parallel_loop3A_126  : i32 {
        %parallel_loop3A_151 = arith.index_cast %parallel_loop3A_150 : i32 to index
        %parallel_loop3A_152 = arith.constant 0 : index
        %parallel_loop3A_153 = tpu.vector_load %arg19[%parallel_loop3A_151, %parallel_loop3A_152] {strides = array<i32>} : memref<32x16xf32, #tpu.memory_space<vmem>>, vector<16xf32>,
        %parallel_loop3A_154 = arith.constant 16 : i32
        %parallel_loop3A_155 = arith.cmpi slt, %parallel_loop3A_150, %parallel_loop3A_154 : i32
        %parallel_loop3A_156 = arith.select %parallel_loop3A_155, %get3A_122, %get3A_124 : vector<16xi32>
        %parallel_loop3A_157 = arith.constant 15 : i32
        %parallel_loop3A_158 = arith.andi %parallel_loop3A_150, %parallel_loop3A_157 : i32
        %parallel_loop3A_159 = vector.broadcast %parallel_loop3A_158 : i32 to vector<16xi32>
        %parallel_loop3A_160 = arith.constant 0 : i32
        %parallel_loop3A_161 = vector.broadcast %parallel_loop3A_160 : i32 to vector<16xi32>
        %parallel_loop3A_162 = arith.cmpi slt, %parallel_loop3A_159, %parallel_loop3A_161 : vector<16xi32>
        %parallel_loop3A_163 = arith.constant 16 : i32
        %parallel_loop3A_164 = vector.broadcast %parallel_loop3A_163 : i32 to vector<16xi32>
        %parallel_loop3A_165 = arith.addi %parallel_loop3A_159, %parallel_loop3A_164 : vector<16xi32>
        %parallel_loop3A_166 = arith.select %parallel_loop3A_162, %parallel_loop3A_165, %parallel_loop3A_159 : vector<16xi1>, vector<16xi32>
        %parallel_loop3A_167 = vector.shape_cast %parallel_loop3A_166 : vector<16xi32> to vector<16x1xi32>
        %parallel_loop3A_168 = vector.shape_cast %parallel_loop3A_167 : vector<16x1xi32> to vector<16xi32>
        %parallel_loop3A_169 = tpu.dynamic_gather %parallel_loop3A_156[%parallel_loop3A_168] in [0] : vector<16xi32>, vector<16xi32> -> vector<16xi32>
        %parallel_loop3A_170 = arith.constant 1 : i32
        %parallel_loop3A_171 = vector.broadcast %parallel_loop3A_170 : i32 to vector<16xi32>
        %parallel_loop3A_172 = arith.andi %parallel_loop3A_169, %parallel_loop3A_171 : vector<16xi32>
        %parallel_loop3A_173 = arith.constant 8 : i32
        %parallel_loop3A_174 = vector.broadcast %parallel_loop3A_173 : i32 to vector<16xi32>
        %parallel_loop3A_175 = arith.muli %parallel_loop3A_172, %parallel_loop3A_174 : vector<16xi32>
        %parallel_loop3A_176 = arith.constant 1 : i32
        %parallel_loop3A_177 = vector.broadcast %parallel_loop3A_176 : i32 to vector<16xi32>
        %parallel_loop3A_178 = arith.shrui %parallel_loop3A_169, %parallel_loop3A_177 : vector<16xi32>
        %parallel_loop3A_179 = arith.constant 7 : i32
        %parallel_loop3A_180 = vector.broadcast %parallel_loop3A_179 : i32 to vector<16xi32>
        %parallel_loop3A_181 = arith.andi %parallel_loop3A_178, %parallel_loop3A_180 : vector<16xi32>
        %parallel_loop3A_182 = arith.constant 16 : i32
        %parallel_loop3A_183 = vector.broadcast %parallel_loop3A_182 : i32 to vector<16xi32>
        %parallel_loop3A_184 = arith.muli %parallel_loop3A_181, %parallel_loop3A_183 : vector<16xi32>
        %parallel_loop3A_185 = arith.index_cast %parallel_loop3A_150 : i32 to index
        %parallel_loop3A_186 = arith.constant 0 : index
        %parallel_loop3A_187 = tpu.vector_load %arg21[%parallel_loop3A_185, %parallel_loop3A_186] {strides = array<i32>} : memref<32x128xf32, #tpu.memory_space<vmem>>, vector<16xf32>,
        %parallel_loop3A_188 = arith.index_cast %parallel_loop3A_150 : i32 to index
        %parallel_loop3A_189 = arith.constant 64 : index
        %parallel_loop3A_190 = tpu.vector_load %arg21[%parallel_loop3A_188, %parallel_loop3A_189] {strides = array<i32>} : memref<32x128xf32, #tpu.memory_space<vmem>>, vector<16xf32>,
        %parallel_loop3A_191 = arith.index_cast %parallel_loop3A_150 : i32 to index
        %parallel_loop3A_192 = arith.constant 0 : index
        %parallel_loop3A_193 = tpu.vector_load %arg23[%parallel_loop3A_191, %parallel_loop3A_192] {strides = array<i32>} : memref<32x128xf32, #tpu.memory_space<vmem>>, vector<16xf32>,
        %parallel_loop3A_194 = arith.index_cast %parallel_loop3A_150 : i32 to index
        %parallel_loop3A_195 = arith.constant 64 : index
        %parallel_loop3A_196 = tpu.vector_load %arg23[%parallel_loop3A_194, %parallel_loop3A_195] {strides = array<i32>} : memref<32x128xf32, #tpu.memory_space<vmem>>, vector<16xf32>,
        %parallel_loop3A_197 = arith.mulf %parallel_loop3A_187, %parallel_loop3A_193 : vector<16xf32>
        %parallel_loop3A_198 = arith.mulf %parallel_loop3A_190, %parallel_loop3A_153 : vector<16xf32>
        %parallel_loop3A_199 = arith.addf %parallel_loop3A_197, %parallel_loop3A_198 : vector<16xf32>
        %parallel_loop3A_200 = arith.constant 0 : i32
        %parallel_loop3A_201 = vector.broadcast %parallel_loop3A_200 : i32 to vector<16xi32>
        %parallel_loop3A_202 = arith.cmpi slt, %xor3A_56, %parallel_loop3A_201 : vector<16xi32>
        %parallel_loop3A_203 = arith.constant 16 : i32
        %parallel_loop3A_204 = vector.broadcast %parallel_loop3A_203 : i32 to vector<16xi32>
        %parallel_loop3A_205 = arith.addi %xor3A_56, %parallel_loop3A_204 : vector<16xi32>
        %parallel_loop3A_206 = arith.select %parallel_loop3A_202, %parallel_loop3A_205, %xor3A_56 : vector<16xi1>, vector<16xi32>
        %parallel_loop3A_207 = vector.shape_cast %parallel_loop3A_206 : vector<16xi32> to vector<16x1xi32>
        %parallel_loop3A_208 = vector.shape_cast %parallel_loop3A_207 : vector<16x1xi32> to vector<16xi32>
        %parallel_loop3A_209 = tpu.dynamic_gather %parallel_loop3A_199[%parallel_loop3A_208] in [0] : vector<16xf32>, vector<16xi32> -> vector<16xf32>
        %parallel_loop3A_210 = arith.addf %parallel_loop3A_199, %parallel_loop3A_209 : vector<16xf32>
        %parallel_loop3A_211 = arith.constant 0 : i32
        %parallel_loop3A_212 = vector.broadcast %parallel_loop3A_211 : i32 to vector<16xi32>
        %parallel_loop3A_213 = arith.cmpi slt, %xor3A_59, %parallel_loop3A_212 : vector<16xi32>
        %parallel_loop3A_214 = arith.constant 16 : i32
        %parallel_loop3A_215 = vector.broadcast %parallel_loop3A_214 : i32 to vector<16xi32>
        %parallel_loop3A_216 = arith.addi %xor3A_59, %parallel_loop3A_215 : vector<16xi32>
        %parallel_loop3A_217 = arith.select %parallel_loop3A_213, %parallel_loop3A_216, %xor3A_59 : vector<16xi1>, vector<16xi32>
        %parallel_loop3A_218 = vector.shape_cast %parallel_loop3A_217 : vector<16xi32> to vector<16x1xi32>
        %parallel_loop3A_219 = vector.shape_cast %parallel_loop3A_218 : vector<16x1xi32> to vector<16xi32>
        %parallel_loop3A_220 = tpu.dynamic_gather %parallel_loop3A_210[%parallel_loop3A_219] in [0] : vector<16xf32>, vector<16xi32> -> vector<16xf32>
        %parallel_loop3A_221 = arith.addf %parallel_loop3A_210, %parallel_loop3A_220 : vector<16xf32>
        %parallel_loop3A_222 = arith.constant 0 : i32
        %parallel_loop3A_223 = vector.broadcast %parallel_loop3A_222 : i32 to vector<16xi32>
        %parallel_loop3A_224 = arith.cmpi slt, %xor3A_62, %parallel_loop3A_223 : vector<16xi32>
        %parallel_loop3A_225 = arith.constant 16 : i32
        %parallel_loop3A_226 = vector.broadcast %parallel_loop3A_225 : i32 to vector<16xi32>
        %parallel_loop3A_227 = arith.addi %xor3A_62, %parallel_loop3A_226 : vector<16xi32>
        %parallel_loop3A_228 = arith.select %parallel_loop3A_224, %parallel_loop3A_227, %xor3A_62 : vector<16xi1>, vector<16xi32>
        %parallel_loop3A_229 = vector.shape_cast %parallel_loop3A_228 : vector<16xi32> to vector<16x1xi32>
        %parallel_loop3A_230 = vector.shape_cast %parallel_loop3A_229 : vector<16x1xi32> to vector<16xi32>
        %parallel_loop3A_231 = tpu.dynamic_gather %parallel_loop3A_221[%parallel_loop3A_230] in [0] : vector<16xf32>, vector<16xi32> -> vector<16xf32>
        %parallel_loop3A_232 = arith.addf %parallel_loop3A_221, %parallel_loop3A_231 : vector<16xf32>
        %parallel_loop3A_233 = arith.constant 0 : i32
        %parallel_loop3A_234 = vector.broadcast %parallel_loop3A_233 : i32 to vector<16xi32>
        %parallel_loop3A_235 = arith.cmpi slt, %xor3A_65, %parallel_loop3A_234 : vector<16xi32>
        %parallel_loop3A_236 = arith.constant 16 : i32
        %parallel_loop3A_237 = vector.broadcast %parallel_loop3A_236 : i32 to vector<16xi32>
        %parallel_loop3A_238 = arith.addi %xor3A_65, %parallel_loop3A_237 : vector<16xi32>
        %parallel_loop3A_239 = arith.select %parallel_loop3A_235, %parallel_loop3A_238, %xor3A_65 : vector<16xi1>, vector<16xi32>
        %parallel_loop3A_240 = vector.shape_cast %parallel_loop3A_239 : vector<16xi32> to vector<16x1xi32>
        %parallel_loop3A_241 = vector.shape_cast %parallel_loop3A_240 : vector<16x1xi32> to vector<16xi32>
        %parallel_loop3A_242 = tpu.dynamic_gather %parallel_loop3A_232[%parallel_loop3A_241] in [0] : vector<16xf32>, vector<16xi32> -> vector<16xf32>
        %parallel_loop3A_243 = arith.addf %parallel_loop3A_232, %parallel_loop3A_242 : vector<16xf32>
        %parallel_loop3A_244 = math.exp %parallel_loop3A_243 : vector<16xf32>
        %parallel_loop3A_245 = arith.mulf %parallel_loop3A_244, %parallel_loop3A_196 : vector<16xf32>
        %parallel_loop3A_246 = arith.index_cast %parallel_loop3A_150 : i32 to index
        %parallel_loop3A_247 = arith.constant 0 : index
        %parallel_loop3A_248 = tpu.vector_load %arg23[%parallel_loop3A_246, %parallel_loop3A_247] {strides = array<i32>} : memref<32x128xf32, #tpu.memory_space<vmem>>, vector<16xf32>,
        tpu.vector_store %arg23[%parallel_loop3A_246, %parallel_loop3A_247], %parallel_loop3A_245 {strides = array<i32>} : memref<32x128xf32, #tpu.memory_space<vmem>>, vector<16xf32>,
        %parallel_loop3A_249 = arith.mulf %parallel_loop3A_244, %parallel_loop3A_153 : vector<16xf32>
        %parallel_loop3A_250 = arith.index_cast %parallel_loop3A_150 : i32 to index
        %parallel_loop3A_251 = arith.constant 64 : index
        %parallel_loop3A_252 = tpu.vector_load %arg23[%parallel_loop3A_250, %parallel_loop3A_251] {strides = array<i32>} : memref<32x128xf32, #tpu.memory_space<vmem>>, vector<16xf32>,
        tpu.vector_store %arg23[%parallel_loop3A_250, %parallel_loop3A_251], %parallel_loop3A_249 {strides = array<i32>} : memref<32x128xf32, #tpu.memory_space<vmem>>, vector<16xf32>,
        %parallel_loop3A_253 = arith.constant 0 : i32
        %parallel_loop3A_254 = vector.broadcast %parallel_loop3A_253 : i32 to vector<16xi32>
        %parallel_loop3A_255 = arith.addi %parallel_loop3A_254, %parallel_loop3A_175 : vector<16xi32>
        %parallel_loop3A_256 = arith.cmpi eq, %iota3A, %parallel_loop3A_255 : vector<16xi32>
        %parallel_loop3A_257 = arith.select %parallel_loop3A_256, %parallel_loop3A_244, %broadcast_in_dim3A_1 : vector<16xi1>, vector<16xf32>
        %parallel_loop3A_258 = arith.index_cast %parallel_loop3A_150 : i32 to index
        %parallel_loop3A_259 = arith.constant 16 : index
        %parallel_loop3A_260 = tpu.vector_load %arg21[%parallel_loop3A_258, %parallel_loop3A_259] {strides = array<i32>} : memref<32x128xf32, #tpu.memory_space<vmem>>, vector<16xf32>,
        %parallel_loop3A_261 = arith.index_cast %parallel_loop3A_150 : i32 to index
        %parallel_loop3A_262 = arith.constant 80 : index
        %parallel_loop3A_263 = tpu.vector_load %arg21[%parallel_loop3A_261, %parallel_loop3A_262] {strides = array<i32>} : memref<32x128xf32, #tpu.memory_space<vmem>>, vector<16xf32>,
        %parallel_loop3A_264 = arith.index_cast %parallel_loop3A_150 : i32 to index
        %parallel_loop3A_265 = arith.constant 16 : index
        %parallel_loop3A_266 = tpu.vector_load %arg23[%parallel_loop3A_264, %parallel_loop3A_265] {strides = array<i32>} : memref<32x128xf32, #tpu.memory_space<vmem>>, vector<16xf32>,
        %parallel_loop3A_267 = arith.index_cast %parallel_loop3A_150 : i32 to index
        %parallel_loop3A_268 = arith.constant 80 : index
        %parallel_loop3A_269 = tpu.vector_load %arg23[%parallel_loop3A_267, %parallel_loop3A_268] {strides = array<i32>} : memref<32x128xf32, #tpu.memory_space<vmem>>, vector<16xf32>,
        %parallel_loop3A_270 = arith.mulf %parallel_loop3A_260, %parallel_loop3A_266 : vector<16xf32>
        %parallel_loop3A_271 = arith.mulf %parallel_loop3A_263, %parallel_loop3A_153 : vector<16xf32>
        %parallel_loop3A_272 = arith.addf %parallel_loop3A_270, %parallel_loop3A_271 : vector<16xf32>
        %parallel_loop3A_273 = arith.constant 0 : i32
        %parallel_loop3A_274 = vector.broadcast %parallel_loop3A_273 : i32 to vector<16xi32>
        %parallel_loop3A_275 = arith.cmpi slt, %xor3A_56, %parallel_loop3A_274 : vector<16xi32>
        %parallel_loop3A_276 = arith.constant 16 : i32
        %parallel_loop3A_277 = vector.broadcast %parallel_loop3A_276 : i32 to vector<16xi32>
        %parallel_loop3A_278 = arith.addi %xor3A_56, %parallel_loop3A_277 : vector<16xi32>
        %parallel_loop3A_279 = arith.select %parallel_loop3A_275, %parallel_loop3A_278, %xor3A_56 : vector<16xi1>, vector<16xi32>
        %parallel_loop3A_280 = vector.shape_cast %parallel_loop3A_279 : vector<16xi32> to vector<16x1xi32>
        %parallel_loop3A_281 = vector.shape_cast %parallel_loop3A_280 : vector<16x1xi32> to vector<16xi32>
        %parallel_loop3A_282 = tpu.dynamic_gather %parallel_loop3A_272[%parallel_loop3A_281] in [0] : vector<16xf32>, vector<16xi32> -> vector<16xf32>
        %parallel_loop3A_283 = arith.addf %parallel_loop3A_272, %parallel_loop3A_282 : vector<16xf32>
        %parallel_loop3A_284 = arith.constant 0 : i32
        %parallel_loop3A_285 = vector.broadcast %parallel_loop3A_284 : i32 to vector<16xi32>
        %parallel_loop3A_286 = arith.cmpi slt, %xor3A_59, %parallel_loop3A_285 : vector<16xi32>
        %parallel_loop3A_287 = arith.constant 16 : i32
        %parallel_loop3A_288 = vector.broadcast %parallel_loop3A_287 : i32 to vector<16xi32>
        %parallel_loop3A_289 = arith.addi %xor3A_59, %parallel_loop3A_288 : vector<16xi32>
        %parallel_loop3A_290 = arith.select %parallel_loop3A_286, %parallel_loop3A_289, %xor3A_59 : vector<16xi1>, vector<16xi32>
        %parallel_loop3A_291 = vector.shape_cast %parallel_loop3A_290 : vector<16xi32> to vector<16x1xi32>
        %parallel_loop3A_292 = vector.shape_cast %parallel_loop3A_291 : vector<16x1xi32> to vector<16xi32>
        %parallel_loop3A_293 = tpu.dynamic_gather %parallel_loop3A_283[%parallel_loop3A_292] in [0] : vector<16xf32>, vector<16xi32> -> vector<16xf32>
        %parallel_loop3A_294 = arith.addf %parallel_loop3A_283, %parallel_loop3A_293 : vector<16xf32>
        %parallel_loop3A_295 = arith.constant 0 : i32
        %parallel_loop3A_296 = vector.broadcast %parallel_loop3A_295 : i32 to vector<16xi32>
        %parallel_loop3A_297 = arith.cmpi slt, %xor3A_62, %parallel_loop3A_296 : vector<16xi32>
        %parallel_loop3A_298 = arith.constant 16 : i32
        %parallel_loop3A_299 = vector.broadcast %parallel_loop3A_298 : i32 to vector<16xi32>
        %parallel_loop3A_300 = arith.addi %xor3A_62, %parallel_loop3A_299 : vector<16xi32>
        %parallel_loop3A_301 = arith.select %parallel_loop3A_297, %parallel_loop3A_300, %xor3A_62 : vector<16xi1>, vector<16xi32>
        %parallel_loop3A_302 = vector.shape_cast %parallel_loop3A_301 : vector<16xi32> to vector<16x1xi32>
        %parallel_loop3A_303 = vector.shape_cast %parallel_loop3A_302 : vector<16x1xi32> to vector<16xi32>
        %parallel_loop3A_304 = tpu.dynamic_gather %parallel_loop3A_294[%parallel_loop3A_303] in [0] : vector<16xf32>, vector<16xi32> -> vector<16xf32>
        %parallel_loop3A_305 = arith.addf %parallel_loop3A_294, %parallel_loop3A_304 : vector<16xf32>
        %parallel_loop3A_306 = arith.constant 0 : i32
        %parallel_loop3A_307 = vector.broadcast %parallel_loop3A_306 : i32 to vector<16xi32>
        %parallel_loop3A_308 = arith.cmpi slt, %xor3A_65, %parallel_loop3A_307 : vector<16xi32>
        %parallel_loop3A_309 = arith.constant 16 : i32
        %parallel_loop3A_310 = vector.broadcast %parallel_loop3A_309 : i32 to vector<16xi32>
        %parallel_loop3A_311 = arith.addi %xor3A_65, %parallel_loop3A_310 : vector<16xi32>
        %parallel_loop3A_312 = arith.select %parallel_loop3A_308, %parallel_loop3A_311, %xor3A_65 : vector<16xi1>, vector<16xi32>
        %parallel_loop3A_313 = vector.shape_cast %parallel_loop3A_312 : vector<16xi32> to vector<16x1xi32>
        %parallel_loop3A_314 = vector.shape_cast %parallel_loop3A_313 : vector<16x1xi32> to vector<16xi32>
        %parallel_loop3A_315 = tpu.dynamic_gather %parallel_loop3A_305[%parallel_loop3A_314] in [0] : vector<16xf32>, vector<16xi32> -> vector<16xf32>
        %parallel_loop3A_316 = arith.addf %parallel_loop3A_305, %parallel_loop3A_315 : vector<16xf32>
        %parallel_loop3A_317 = math.exp %parallel_loop3A_316 : vector<16xf32>
        %parallel_loop3A_318 = arith.mulf %parallel_loop3A_317, %parallel_loop3A_269 : vector<16xf32>
        %parallel_loop3A_319 = arith.index_cast %parallel_loop3A_150 : i32 to index
        %parallel_loop3A_320 = arith.constant 16 : index
        %parallel_loop3A_321 = tpu.vector_load %arg23[%parallel_loop3A_319, %parallel_loop3A_320] {strides = array<i32>} : memref<32x128xf32, #tpu.memory_space<vmem>>, vector<16xf32>,
        tpu.vector_store %arg23[%parallel_loop3A_319, %parallel_loop3A_320], %parallel_loop3A_318 {strides = array<i32>} : memref<32x128xf32, #tpu.memory_space<vmem>>, vector<16xf32>,
        %parallel_loop3A_322 = arith.mulf %parallel_loop3A_317, %parallel_loop3A_153 : vector<16xf32>
        %parallel_loop3A_323 = arith.index_cast %parallel_loop3A_150 : i32 to index
        %parallel_loop3A_324 = arith.constant 80 : index
        %parallel_loop3A_325 = tpu.vector_load %arg23[%parallel_loop3A_323, %parallel_loop3A_324] {strides = array<i32>} : memref<32x128xf32, #tpu.memory_space<vmem>>, vector<16xf32>,
        tpu.vector_store %arg23[%parallel_loop3A_323, %parallel_loop3A_324], %parallel_loop3A_322 {strides = array<i32>} : memref<32x128xf32, #tpu.memory_space<vmem>>, vector<16xf32>,
        %parallel_loop3A_326 = arith.constant 1 : i32
        %parallel_loop3A_327 = vector.broadcast %parallel_loop3A_326 : i32 to vector<16xi32>
        %parallel_loop3A_328 = arith.addi %parallel_loop3A_327, %parallel_loop3A_175 : vector<16xi32>
        %parallel_loop3A_329 = arith.cmpi eq, %iota3A, %parallel_loop3A_328 : vector<16xi32>
        %parallel_loop3A_330 = arith.select %parallel_loop3A_329, %parallel_loop3A_317, %parallel_loop3A_257 : vector<16xi1>, vector<16xf32>
        %parallel_loop3A_331 = arith.index_cast %parallel_loop3A_150 : i32 to index
        %parallel_loop3A_332 = arith.constant 32 : index
        %parallel_loop3A_333 = tpu.vector_load %arg21[%parallel_loop3A_331, %parallel_loop3A_332] {strides = array<i32>} : memref<32x128xf32, #tpu.memory_space<vmem>>, vector<16xf32>,
        %parallel_loop3A_334 = arith.index_cast %parallel_loop3A_150 : i32 to index
        %parallel_loop3A_335 = arith.constant 96 : index
        %parallel_loop3A_336 = tpu.vector_load %arg21[%parallel_loop3A_334, %parallel_loop3A_335] {strides = array<i32>} : memref<32x128xf32, #tpu.memory_space<vmem>>, vector<16xf32>,
        %parallel_loop3A_337 = arith.index_cast %parallel_loop3A_150 : i32 to index
        %parallel_loop3A_338 = arith.constant 32 : index
        %parallel_loop3A_339 = tpu.vector_load %arg23[%parallel_loop3A_337, %parallel_loop3A_338] {strides = array<i32>} : memref<32x128xf32, #tpu.memory_space<vmem>>, vector<16xf32>,
        %parallel_loop3A_340 = arith.index_cast %parallel_loop3A_150 : i32 to index
        %parallel_loop3A_341 = arith.constant 96 : index
        %parallel_loop3A_342 = tpu.vector_load %arg23[%parallel_loop3A_340, %parallel_loop3A_341] {strides = array<i32>} : memref<32x128xf32, #tpu.memory_space<vmem>>, vector<16xf32>,
        %parallel_loop3A_343 = arith.mulf %parallel_loop3A_333, %parallel_loop3A_339 : vector<16xf32>
        %parallel_loop3A_344 = arith.mulf %parallel_loop3A_336, %parallel_loop3A_153 : vector<16xf32>
        %parallel_loop3A_345 = arith.addf %parallel_loop3A_343, %parallel_loop3A_344 : vector<16xf32>
        %parallel_loop3A_346 = arith.constant 0 : i32
        %parallel_loop3A_347 = vector.broadcast %parallel_loop3A_346 : i32 to vector<16xi32>
        %parallel_loop3A_348 = arith.cmpi slt, %xor3A_56, %parallel_loop3A_347 : vector<16xi32>
        %parallel_loop3A_349 = arith.constant 16 : i32
        %parallel_loop3A_350 = vector.broadcast %parallel_loop3A_349 : i32 to vector<16xi32>
        %parallel_loop3A_351 = arith.addi %xor3A_56, %parallel_loop3A_350 : vector<16xi32>
        %parallel_loop3A_352 = arith.select %parallel_loop3A_348, %parallel_loop3A_351, %xor3A_56 : vector<16xi1>, vector<16xi32>
        %parallel_loop3A_353 = vector.shape_cast %parallel_loop3A_352 : vector<16xi32> to vector<16x1xi32>
        %parallel_loop3A_354 = vector.shape_cast %parallel_loop3A_353 : vector<16x1xi32> to vector<16xi32>
        %parallel_loop3A_355 = tpu.dynamic_gather %parallel_loop3A_345[%parallel_loop3A_354] in [0] : vector<16xf32>, vector<16xi32> -> vector<16xf32>
        %parallel_loop3A_356 = arith.addf %parallel_loop3A_345, %parallel_loop3A_355 : vector<16xf32>
        %parallel_loop3A_357 = arith.constant 0 : i32
        %parallel_loop3A_358 = vector.broadcast %parallel_loop3A_357 : i32 to vector<16xi32>
        %parallel_loop3A_359 = arith.cmpi slt, %xor3A_59, %parallel_loop3A_358 : vector<16xi32>
        %parallel_loop3A_360 = arith.constant 16 : i32
        %parallel_loop3A_361 = vector.broadcast %parallel_loop3A_360 : i32 to vector<16xi32>
        %parallel_loop3A_362 = arith.addi %xor3A_59, %parallel_loop3A_361 : vector<16xi32>
        %parallel_loop3A_363 = arith.select %parallel_loop3A_359, %parallel_loop3A_362, %xor3A_59 : vector<16xi1>, vector<16xi32>
        %parallel_loop3A_364 = vector.shape_cast %parallel_loop3A_363 : vector<16xi32> to vector<16x1xi32>
        %parallel_loop3A_365 = vector.shape_cast %parallel_loop3A_364 : vector<16x1xi32> to vector<16xi32>
        %parallel_loop3A_366 = tpu.dynamic_gather %parallel_loop3A_356[%parallel_loop3A_365] in [0] : vector<16xf32>, vector<16xi32> -> vector<16xf32>
        %parallel_loop3A_367 = arith.addf %parallel_loop3A_356, %parallel_loop3A_366 : vector<16xf32>
        %parallel_loop3A_368 = arith.constant 0 : i32
        %parallel_loop3A_369 = vector.broadcast %parallel_loop3A_368 : i32 to vector<16xi32>
        %parallel_loop3A_370 = arith.cmpi slt, %xor3A_62, %parallel_loop3A_369 : vector<16xi32>
        %parallel_loop3A_371 = arith.constant 16 : i32
        %parallel_loop3A_372 = vector.broadcast %parallel_loop3A_371 : i32 to vector<16xi32>
        %parallel_loop3A_373 = arith.addi %xor3A_62, %parallel_loop3A_372 : vector<16xi32>
        %parallel_loop3A_374 = arith.select %parallel_loop3A_370, %parallel_loop3A_373, %xor3A_62 : vector<16xi1>, vector<16xi32>
        %parallel_loop3A_375 = vector.shape_cast %parallel_loop3A_374 : vector<16xi32> to vector<16x1xi32>
        %parallel_loop3A_376 = vector.shape_cast %parallel_loop3A_375 : vector<16x1xi32> to vector<16xi32>
        %parallel_loop3A_377 = tpu.dynamic_gather %parallel_loop3A_367[%parallel_loop3A_376] in [0] : vector<16xf32>, vector<16xi32> -> vector<16xf32>
        %parallel_loop3A_378 = arith.addf %parallel_loop3A_367, %parallel_loop3A_377 : vector<16xf32>
        %parallel_loop3A_379 = arith.constant 0 : i32
        %parallel_loop3A_380 = vector.broadcast %parallel_loop3A_379 : i32 to vector<16xi32>
        %parallel_loop3A_381 = arith.cmpi slt, %xor3A_65, %parallel_loop3A_380 : vector<16xi32>
        %parallel_loop3A_382 = arith.constant 16 : i32
        %parallel_loop3A_383 = vector.broadcast %parallel_loop3A_382 : i32 to vector<16xi32>
        %parallel_loop3A_384 = arith.addi %xor3A_65, %parallel_loop3A_383 : vector<16xi32>
        %parallel_loop3A_385 = arith.select %parallel_loop3A_381, %parallel_loop3A_384, %xor3A_65 : vector<16xi1>, vector<16xi32>
        %parallel_loop3A_386 = vector.shape_cast %parallel_loop3A_385 : vector<16xi32> to vector<16x1xi32>
        %parallel_loop3A_387 = vector.shape_cast %parallel_loop3A_386 : vector<16x1xi32> to vector<16xi32>
        %parallel_loop3A_388 = tpu.dynamic_gather %parallel_loop3A_378[%parallel_loop3A_387] in [0] : vector<16xf32>, vector<16xi32> -> vector<16xf32>
        %parallel_loop3A_389 = arith.addf %parallel_loop3A_378, %parallel_loop3A_388 : vector<16xf32>
        %parallel_loop3A_390 = math.exp %parallel_loop3A_389 : vector<16xf32>
        %parallel_loop3A_391 = arith.mulf %parallel_loop3A_390, %parallel_loop3A_342 : vector<16xf32>
        %parallel_loop3A_392 = arith.index_cast %parallel_loop3A_150 : i32 to index
        %parallel_loop3A_393 = arith.constant 32 : index
        %parallel_loop3A_394 = tpu.vector_load %arg23[%parallel_loop3A_392, %parallel_loop3A_393] {strides = array<i32>} : memref<32x128xf32, #tpu.memory_space<vmem>>, vector<16xf32>,
        tpu.vector_store %arg23[%parallel_loop3A_392, %parallel_loop3A_393], %parallel_loop3A_391 {strides = array<i32>} : memref<32x128xf32, #tpu.memory_space<vmem>>, vector<16xf32>,
        %parallel_loop3A_395 = arith.mulf %parallel_loop3A_390, %parallel_loop3A_153 : vector<16xf32>
        %parallel_loop3A_396 = arith.index_cast %parallel_loop3A_150 : i32 to index
        %parallel_loop3A_397 = arith.constant 96 : index
        %parallel_loop3A_398 = tpu.vector_load %arg23[%parallel_loop3A_396, %parallel_loop3A_397] {strides = array<i32>} : memref<32x128xf32, #tpu.memory_space<vmem>>, vector<16xf32>,
        tpu.vector_store %arg23[%parallel_loop3A_396, %parallel_loop3A_397], %parallel_loop3A_395 {strides = array<i32>} : memref<32x128xf32, #tpu.memory_space<vmem>>, vector<16xf32>,
        %parallel_loop3A_399 = arith.constant 2 : i32
        %parallel_loop3A_400 = vector.broadcast %parallel_loop3A_399 : i32 to vector<16xi32>
        %parallel_loop3A_401 = arith.addi %parallel_loop3A_400, %parallel_loop3A_175 : vector<16xi32>
        %parallel_loop3A_402 = arith.cmpi eq, %iota3A, %parallel_loop3A_401 : vector<16xi32>
        %parallel_loop3A_403 = arith.select %parallel_loop3A_402, %parallel_loop3A_390, %parallel_loop3A_330 : vector<16xi1>, vector<16xf32>
        %parallel_loop3A_404 = arith.index_cast %parallel_loop3A_150 : i32 to index
        %parallel_loop3A_405 = arith.constant 48 : index
        %parallel_loop3A_406 = tpu.vector_load %arg21[%parallel_loop3A_404, %parallel_loop3A_405] {strides = array<i32>} : memref<32x128xf32, #tpu.memory_space<vmem>>, vector<16xf32>,
        %parallel_loop3A_407 = arith.index_cast %parallel_loop3A_150 : i32 to index
        %parallel_loop3A_408 = arith.constant 112 : index
        %parallel_loop3A_409 = tpu.vector_load %arg21[%parallel_loop3A_407, %parallel_loop3A_408] {strides = array<i32>} : memref<32x128xf32, #tpu.memory_space<vmem>>, vector<16xf32>,
        %parallel_loop3A_410 = arith.index_cast %parallel_loop3A_150 : i32 to index
        %parallel_loop3A_411 = arith.constant 48 : index
        %parallel_loop3A_412 = tpu.vector_load %arg23[%parallel_loop3A_410, %parallel_loop3A_411] {strides = array<i32>} : memref<32x128xf32, #tpu.memory_space<vmem>>, vector<16xf32>,
        %parallel_loop3A_413 = arith.index_cast %parallel_loop3A_150 : i32 to index
        %parallel_loop3A_414 = arith.constant 112 : index
        %parallel_loop3A_415 = tpu.vector_load %arg23[%parallel_loop3A_413, %parallel_loop3A_414] {strides = array<i32>} : memref<32x128xf32, #tpu.memory_space<vmem>>, vector<16xf32>,
        %parallel_loop3A_416 = arith.mulf %parallel_loop3A_406, %parallel_loop3A_412 : vector<16xf32>
        %parallel_loop3A_417 = arith.mulf %parallel_loop3A_409, %parallel_loop3A_153 : vector<16xf32>
        %parallel_loop3A_418 = arith.addf %parallel_loop3A_416, %parallel_loop3A_417 : vector<16xf32>
        %parallel_loop3A_419 = arith.constant 0 : i32
        %parallel_loop3A_420 = vector.broadcast %parallel_loop3A_419 : i32 to vector<16xi32>
        %parallel_loop3A_421 = arith.cmpi slt, %xor3A_56, %parallel_loop3A_420 : vector<16xi32>
        %parallel_loop3A_422 = arith.constant 16 : i32
        %parallel_loop3A_423 = vector.broadcast %parallel_loop3A_422 : i32 to vector<16xi32>
        %parallel_loop3A_424 = arith.addi %xor3A_56, %parallel_loop3A_423 : vector<16xi32>
        %parallel_loop3A_425 = arith.select %parallel_loop3A_421, %parallel_loop3A_424, %xor3A_56 : vector<16xi1>, vector<16xi32>
        %parallel_loop3A_426 = vector.shape_cast %parallel_loop3A_425 : vector<16xi32> to vector<16x1xi32>
        %parallel_loop3A_427 = vector.shape_cast %parallel_loop3A_426 : vector<16x1xi32> to vector<16xi32>
        %parallel_loop3A_428 = tpu.dynamic_gather %parallel_loop3A_418[%parallel_loop3A_427] in [0] : vector<16xf32>, vector<16xi32> -> vector<16xf32>
        %parallel_loop3A_429 = arith.addf %parallel_loop3A_418, %parallel_loop3A_428 : vector<16xf32>
        %parallel_loop3A_430 = arith.constant 0 : i32
        %parallel_loop3A_431 = vector.broadcast %parallel_loop3A_430 : i32 to vector<16xi32>
        %parallel_loop3A_432 = arith.cmpi slt, %xor3A_59, %parallel_loop3A_431 : vector<16xi32>
        %parallel_loop3A_433 = arith.constant 16 : i32
        %parallel_loop3A_434 = vector.broadcast %parallel_loop3A_433 : i32 to vector<16xi32>
        %parallel_loop3A_435 = arith.addi %xor3A_59, %parallel_loop3A_434 : vector<16xi32>
        %parallel_loop3A_436 = arith.select %parallel_loop3A_432, %parallel_loop3A_435, %xor3A_59 : vector<16xi1>, vector<16xi32>
        %parallel_loop3A_437 = vector.shape_cast %parallel_loop3A_436 : vector<16xi32> to vector<16x1xi32>
        %parallel_loop3A_438 = vector.shape_cast %parallel_loop3A_437 : vector<16x1xi32> to vector<16xi32>
        %parallel_loop3A_439 = tpu.dynamic_gather %parallel_loop3A_429[%parallel_loop3A_438] in [0] : vector<16xf32>, vector<16xi32> -> vector<16xf32>
        %parallel_loop3A_440 = arith.addf %parallel_loop3A_429, %parallel_loop3A_439 : vector<16xf32>
        %parallel_loop3A_441 = arith.constant 0 : i32
        %parallel_loop3A_442 = vector.broadcast %parallel_loop3A_441 : i32 to vector<16xi32>
        %parallel_loop3A_443 = arith.cmpi slt, %xor3A_62, %parallel_loop3A_442 : vector<16xi32>
        %parallel_loop3A_444 = arith.constant 16 : i32
        %parallel_loop3A_445 = vector.broadcast %parallel_loop3A_444 : i32 to vector<16xi32>
        %parallel_loop3A_446 = arith.addi %xor3A_62, %parallel_loop3A_445 : vector<16xi32>
        %parallel_loop3A_447 = arith.select %parallel_loop3A_443, %parallel_loop3A_446, %xor3A_62 : vector<16xi1>, vector<16xi32>
        %parallel_loop3A_448 = vector.shape_cast %parallel_loop3A_447 : vector<16xi32> to vector<16x1xi32>
        %parallel_loop3A_449 = vector.shape_cast %parallel_loop3A_448 : vector<16x1xi32> to vector<16xi32>
        %parallel_loop3A_450 = tpu.dynamic_gather %parallel_loop3A_440[%parallel_loop3A_449] in [0] : vector<16xf32>, vector<16xi32> -> vector<16xf32>
        %parallel_loop3A_451 = arith.addf %parallel_loop3A_440, %parallel_loop3A_450 : vector<16xf32>
        %parallel_loop3A_452 = arith.constant 0 : i32
        %parallel_loop3A_453 = vector.broadcast %parallel_loop3A_452 : i32 to vector<16xi32>
        %parallel_loop3A_454 = arith.cmpi slt, %xor3A_65, %parallel_loop3A_453 : vector<16xi32>
        %parallel_loop3A_455 = arith.constant 16 : i32
        %parallel_loop3A_456 = vector.broadcast %parallel_loop3A_455 : i32 to vector<16xi32>
        %parallel_loop3A_457 = arith.addi %xor3A_65, %parallel_loop3A_456 : vector<16xi32>
        %parallel_loop3A_458 = arith.select %parallel_loop3A_454, %parallel_loop3A_457, %xor3A_65 : vector<16xi1>, vector<16xi32>
        %parallel_loop3A_459 = vector.shape_cast %parallel_loop3A_458 : vector<16xi32> to vector<16x1xi32>
        %parallel_loop3A_460 = vector.shape_cast %parallel_loop3A_459 : vector<16x1xi32> to vector<16xi32>
        %parallel_loop3A_461 = tpu.dynamic_gather %parallel_loop3A_451[%parallel_loop3A_460] in [0] : vector<16xf32>, vector<16xi32> -> vector<16xf32>
        %parallel_loop3A_462 = arith.addf %parallel_loop3A_451, %parallel_loop3A_461 : vector<16xf32>
        %parallel_loop3A_463 = math.exp %parallel_loop3A_462 : vector<16xf32>
        %parallel_loop3A_464 = arith.mulf %parallel_loop3A_463, %parallel_loop3A_415 : vector<16xf32>
        %parallel_loop3A_465 = arith.index_cast %parallel_loop3A_150 : i32 to index
        %parallel_loop3A_466 = arith.constant 48 : index
        %parallel_loop3A_467 = tpu.vector_load %arg23[%parallel_loop3A_465, %parallel_loop3A_466] {strides = array<i32>} : memref<32x128xf32, #tpu.memory_space<vmem>>, vector<16xf32>,
        tpu.vector_store %arg23[%parallel_loop3A_465, %parallel_loop3A_466], %parallel_loop3A_464 {strides = array<i32>} : memref<32x128xf32, #tpu.memory_space<vmem>>, vector<16xf32>,
        %parallel_loop3A_468 = arith.mulf %parallel_loop3A_463, %parallel_loop3A_153 : vector<16xf32>
        %parallel_loop3A_469 = arith.index_cast %parallel_loop3A_150 : i32 to index
        %parallel_loop3A_470 = arith.constant 112 : index
        %parallel_loop3A_471 = tpu.vector_load %arg23[%parallel_loop3A_469, %parallel_loop3A_470] {strides = array<i32>} : memref<32x128xf32, #tpu.memory_space<vmem>>, vector<16xf32>,
        tpu.vector_store %arg23[%parallel_loop3A_469, %parallel_loop3A_470], %parallel_loop3A_468 {strides = array<i32>} : memref<32x128xf32, #tpu.memory_space<vmem>>, vector<16xf32>,
        %parallel_loop3A_472 = arith.constant 3 : i32
        %parallel_loop3A_473 = vector.broadcast %parallel_loop3A_472 : i32 to vector<16xi32>
        %parallel_loop3A_474 = arith.addi %parallel_loop3A_473, %parallel_loop3A_175 : vector<16xi32>
        %parallel_loop3A_475 = arith.cmpi eq, %iota3A, %parallel_loop3A_474 : vector<16xi32>
        %parallel_loop3A_476 = arith.select %parallel_loop3A_475, %parallel_loop3A_463, %parallel_loop3A_403 : vector<16xi1>, vector<16xf32>
        %parallel_loop3A_477 = vector.broadcast %parallel_loop3A_150 : i32 to vector<16xi32>
        %parallel_loop3A_478 = arith.addi %parallel_loop3A_184, %iota3A : vector<16xi32>
        tpu.vector_store_idx %arg25[%parallel_loop3A_477, %parallel_loop3A_478], %parallel_loop3A_476 : memref<32x128xf32, #tpu.memory_space<vmem>>[vector<16xi32>, vector<16xi32>], vector<16xf32>,
      } {sc.loop_unroll_factor = 1 : i64, sc.parallel_access}
      %parallel_loop3A_127 = arith.constant 0 : i32
      %parallel_loop3A_128 = arith.constant 1 : i32
      %parallel_loop3A_129 = arith.constant 1 : i32
      scf.for %parallel_loop3A_150 = %parallel_loop3A_127 to %parallel_loop3A_128 step %parallel_loop3A_129  : i32 {
        %parallel_loop3A_151 = arith.constant 16 : i32
        %parallel_loop3A_152 = arith.cmpi slt, %parallel_loop3A_150, %parallel_loop3A_151 : i32
        %parallel_loop3A_153 = arith.select %parallel_loop3A_152, %get3A_122, %get3A_124 : vector<16xi32>
        %parallel_loop3A_154 = arith.constant 15 : i32
        %parallel_loop3A_155 = arith.andi %parallel_loop3A_150, %parallel_loop3A_154 : i32
        %parallel_loop3A_156 = vector.broadcast %parallel_loop3A_155 : i32 to vector<16xi32>
        %parallel_loop3A_157 = arith.constant 0 : i32
        %parallel_loop3A_158 = vector.broadcast %parallel_loop3A_157 : i32 to vector<16xi32>
        %parallel_loop3A_159 = arith.cmpi slt, %parallel_loop3A_156, %parallel_loop3A_158 : vector<16xi32>
        %parallel_loop3A_160 = arith.constant 16 : i32
        %parallel_loop3A_161 = vector.broadcast %parallel_loop3A_160 : i32 to vector<16xi32>
        %parallel_loop3A_162 = arith.addi %parallel_loop3A_156, %parallel_loop3A_161 : vector<16xi32>
        %parallel_loop3A_163 = arith.select %parallel_loop3A_159, %parallel_loop3A_162, %parallel_loop3A_156 : vector<16xi1>, vector<16xi32>
        %parallel_loop3A_164 = vector.shape_cast %parallel_loop3A_163 : vector<16xi32> to vector<16x1xi32>
        %parallel_loop3A_165 = vector.shape_cast %parallel_loop3A_164 : vector<16x1xi32> to vector<16xi32>
        %parallel_loop3A_166 = tpu.dynamic_gather %parallel_loop3A_153[%parallel_loop3A_165] in [0] : vector<16xi32>, vector<16xi32> -> vector<16xi32>
        %parallel_loop3A_167 = arith.constant 1 : i32
        %parallel_loop3A_168 = vector.broadcast %parallel_loop3A_167 : i32 to vector<16xi32>
        %parallel_loop3A_169 = arith.shrui %parallel_loop3A_166, %parallel_loop3A_168 : vector<16xi32>
        %parallel_loop3A_170 = arith.constant 7 : i32
        %parallel_loop3A_171 = vector.broadcast %parallel_loop3A_170 : i32 to vector<16xi32>
        %parallel_loop3A_172 = arith.andi %parallel_loop3A_169, %parallel_loop3A_171 : vector<16xi32>
        %parallel_loop3A_173 = arith.constant 16 : i32
        %parallel_loop3A_174 = vector.broadcast %parallel_loop3A_173 : i32 to vector<16xi32>
        %parallel_loop3A_175 = arith.muli %parallel_loop3A_172, %parallel_loop3A_174 : vector<16xi32>
        %parallel_loop3A_176 = vector.broadcast %parallel_loop3A_150 : i32 to vector<16xi32>
        %parallel_loop3A_177 = arith.addi %parallel_loop3A_175, %iota3A : vector<16xi32>
        tpu.vector_store_idx %arg25[%parallel_loop3A_176, %parallel_loop3A_177], %broadcast_in_dim3A_1 : memref<32x128xf32, #tpu.memory_space<vmem>>[vector<16xi32>, vector<16xi32>], vector<16xf32>,
      } {sc.loop_unroll_factor = 1 : i64, sc.parallel_access}
      %add3A_130 = arith.constant 1 : i32
      %add3A_131 = arith.addi %add3A_118, %add3A_130 : i32
      %lt3A_132 = arith.constant 625 : i32
      %lt3A_133 = arith.cmpi slt, %add3A_131, %lt3A_132 : i32
      %convert_element_type3A_134 = arith.extui %lt3A_133 : i1 to i32
      %cond3A_135 = arith.constant 0 : i32
      %cond3A_136 = arith.cmpi ne, %convert_element_type3A_134, %cond3A_135 : i32
      scf.if %cond3A_136 {
        %add3A_150 = arith.constant 1 : i32
        %add3A_151 = arith.addi %add3A_118, %add3A_150 : i32
        %add3A_152 = arith.constant 1 : i32
        %add3A_153 = arith.addi %add3A_118, %add3A_152 : i32
        %mul3A_154 = arith.constant 32 : i32
        %mul3A_155 = arith.muli %add3A_153, %mul3A_154 : i32
        %add3A_156 = arith.addi %mul3A_54, %mul3A_155 : i32
        %get3A_157 = arith.constant 0 : index
        %get3A_158 = tpu.vector_load %arg9[%get3A_157] {strides = array<i32>} : memref<32xi32, #tpu.memory_space<vmem>>, vector<16xi32>,
        %add3A_159 = vector.broadcast %mul3A_0 : i32 to vector<16xi32>
        %add3A_160 = arith.addi %get3A_158, %add3A_159 : vector<16xi32>
        %swap3A_161 = arith.constant 0 : index
        %swap3A_162 = tpu.vector_load %arg11[%swap3A_161] {strides = array<i32>} : memref<32xi32, #tpu.memory_space<vmem>>, vector<16xi32>,
        tpu.vector_store %arg11[%swap3A_161], %add3A_160 {strides = array<i32>} : memref<32xi32, #tpu.memory_space<vmem>>, vector<16xi32>,
        %get3A_163 = arith.constant 0 : index
        %get3A_164 = tpu.vector_load %arg10[%get3A_163] {strides = array<i32>} : memref<32xi32, #tpu.memory_space<vmem>>, vector<16xi32>,
        %add3A_165 = vector.broadcast %mul3A_0 : i32 to vector<16xi32>
        %add3A_166 = arith.addi %get3A_164, %add3A_165 : vector<16xi32>
        %swap3A_167 = arith.constant 0 : index
        %swap3A_168 = tpu.vector_load %arg12[%swap3A_167] {strides = array<i32>} : memref<32xi32, #tpu.memory_space<vmem>>, vector<16xi32>,
        tpu.vector_store %arg12[%swap3A_167], %add3A_166 {strides = array<i32>} : memref<32xi32, #tpu.memory_space<vmem>>, vector<16xi32>,
        %get3A_169 = arith.constant 0 : index
        %get3A_170 = tpu.vector_load %arg9[%get3A_169] {strides = array<i32>} : memref<32xi32, #tpu.memory_space<vmem>>, vector<16xi32>,
        %shift_right_logical3A_171 = arith.constant 4 : i32
        %shift_right_logical3A_172 = vector.broadcast %shift_right_logical3A_171 : i32 to vector<16xi32>
        %shift_right_logical3A_173 = arith.shrui %get3A_170, %shift_right_logical3A_172 : vector<16xi32>
        %swap3A_174 = arith.constant 0 : index
        %swap3A_175 = tpu.vector_load %arg13[%swap3A_174] {strides = array<i32>} : memref<32xi32, #tpu.memory_space<vmem>>, vector<16xi32>,
        tpu.vector_store %arg13[%swap3A_174], %shift_right_logical3A_173 {strides = array<i32>} : memref<32xi32, #tpu.memory_space<vmem>>, vector<16xi32>,
        %get3A_176 = arith.constant 16 : index
        %get3A_177 = tpu.vector_load %arg9[%get3A_176] {strides = array<i32>} : memref<32xi32, #tpu.memory_space<vmem>>, vector<16xi32>,
        %add3A_178 = vector.broadcast %mul3A_0 : i32 to vector<16xi32>
        %add3A_179 = arith.addi %get3A_177, %add3A_178 : vector<16xi32>
        %swap3A_180 = arith.constant 16 : index
        %swap3A_181 = tpu.vector_load %arg11[%swap3A_180] {strides = array<i32>} : memref<32xi32, #tpu.memory_space<vmem>>, vector<16xi32>,
        tpu.vector_store %arg11[%swap3A_180], %add3A_179 {strides = array<i32>} : memref<32xi32, #tpu.memory_space<vmem>>, vector<16xi32>,
        %get3A_182 = arith.constant 16 : index
        %get3A_183 = tpu.vector_load %arg10[%get3A_182] {strides = array<i32>} : memref<32xi32, #tpu.memory_space<vmem>>, vector<16xi32>,
        %add3A_184 = vector.broadcast %mul3A_0 : i32 to vector<16xi32>
        %add3A_185 = arith.addi %get3A_183, %add3A_184 : vector<16xi32>
        %swap3A_186 = arith.constant 16 : index
        %swap3A_187 = tpu.vector_load %arg12[%swap3A_186] {strides = array<i32>} : memref<32xi32, #tpu.memory_space<vmem>>, vector<16xi32>,
        tpu.vector_store %arg12[%swap3A_186], %add3A_185 {strides = array<i32>} : memref<32xi32, #tpu.memory_space<vmem>>, vector<16xi32>,
        %get3A_188 = arith.constant 16 : index
        %get3A_189 = tpu.vector_load %arg9[%get3A_188] {strides = array<i32>} : memref<32xi32, #tpu.memory_space<vmem>>, vector<16xi32>,
        %shift_right_logical3A_190 = arith.constant 4 : i32
        %shift_right_logical3A_191 = vector.broadcast %shift_right_logical3A_190 : i32 to vector<16xi32>
        %shift_right_logical3A_192 = arith.shrui %get3A_189, %shift_right_logical3A_191 : vector<16xi32>
        %swap3A_193 = arith.constant 16 : index
        %swap3A_194 = tpu.vector_load %arg13[%swap3A_193] {strides = array<i32>} : memref<32xi32, #tpu.memory_space<vmem>>, vector<16xi32>,
        tpu.vector_store %arg13[%swap3A_193], %shift_right_logical3A_192 {strides = array<i32>} : memref<32xi32, #tpu.memory_space<vmem>>, vector<16xi32>,
      } else {
      }
      %lt3A_137 = arith.constant 625 : i32
      %lt3A_138 = arith.cmpi slt, %add3A_118, %lt3A_137 : i32
      %convert_element_type3A_139 = arith.extui %lt3A_138 : i1 to i32
      %cond3A_140 = arith.constant 0 : i32
      %cond3A_141 = arith.cmpi ne, %convert_element_type3A_139, %cond3A_140 : i32
      scf.if %cond3A_141 {
        %get3A_150 = arith.constant 0 : index
        %get3A_151 = tpu.vector_load %arg14[%get3A_150] {strides = array<i32>} : memref<32xi32, #tpu.memory_space<vmem>>, vector<16xi32>,
        %get3A_152 = arith.constant 16 : index
        %get3A_153 = tpu.vector_load %arg14[%get3A_152] {strides = array<i32>} : memref<32xi32, #tpu.memory_space<vmem>>, vector<16xi32>,
        %parallel_loop3A_154 = arith.constant 0 : i32
        %parallel_loop3A_155 = arith.constant 1 : i32
        %parallel_loop3A_156 = arith.constant 1 : i32
        scf.for %parallel_loop3A_160 = %parallel_loop3A_154 to %parallel_loop3A_155 step %parallel_loop3A_156  : i32 {
          %parallel_loop3A_161 = arith.index_cast %parallel_loop3A_160 : i32 to index
          %parallel_loop3A_162 = arith.constant 0 : index
          %parallel_loop3A_163 = tpu.vector_load %arg20[%parallel_loop3A_161, %parallel_loop3A_162] {strides = array<i32>} : memref<32x16xf32, #tpu.memory_space<vmem>>, vector<16xf32>,
          %parallel_loop3A_164 = arith.constant 16 : i32
          %parallel_loop3A_165 = arith.cmpi slt, %parallel_loop3A_160, %parallel_loop3A_164 : i32
          %parallel_loop3A_166 = arith.select %parallel_loop3A_165, %get3A_151, %get3A_153 : vector<16xi32>
          %parallel_loop3A_167 = arith.constant 15 : i32
          %parallel_loop3A_168 = arith.andi %parallel_loop3A_160, %parallel_loop3A_167 : i32
          %parallel_loop3A_169 = vector.broadcast %parallel_loop3A_168 : i32 to vector<16xi32>
          %parallel_loop3A_170 = arith.constant 0 : i32
          %parallel_loop3A_171 = vector.broadcast %parallel_loop3A_170 : i32 to vector<16xi32>
          %parallel_loop3A_172 = arith.cmpi slt, %parallel_loop3A_169, %parallel_loop3A_171 : vector<16xi32>
          %parallel_loop3A_173 = arith.constant 16 : i32
          %parallel_loop3A_174 = vector.broadcast %parallel_loop3A_173 : i32 to vector<16xi32>
          %parallel_loop3A_175 = arith.addi %parallel_loop3A_169, %parallel_loop3A_174 : vector<16xi32>
          %parallel_loop3A_176 = arith.select %parallel_loop3A_172, %parallel_loop3A_175, %parallel_loop3A_169 : vector<16xi1>, vector<16xi32>
          %parallel_loop3A_177 = vector.shape_cast %parallel_loop3A_176 : vector<16xi32> to vector<16x1xi32>
          %parallel_loop3A_178 = vector.shape_cast %parallel_loop3A_177 : vector<16x1xi32> to vector<16xi32>
          %parallel_loop3A_179 = tpu.dynamic_gather %parallel_loop3A_166[%parallel_loop3A_178] in [0] : vector<16xi32>, vector<16xi32> -> vector<16xi32>
          %parallel_loop3A_180 = arith.constant 1 : i32
          %parallel_loop3A_181 = vector.broadcast %parallel_loop3A_180 : i32 to vector<16xi32>
          %parallel_loop3A_182 = arith.andi %parallel_loop3A_179, %parallel_loop3A_181 : vector<16xi32>
          %parallel_loop3A_183 = arith.constant 8 : i32
          %parallel_loop3A_184 = vector.broadcast %parallel_loop3A_183 : i32 to vector<16xi32>
          %parallel_loop3A_185 = arith.muli %parallel_loop3A_182, %parallel_loop3A_184 : vector<16xi32>
          %parallel_loop3A_186 = arith.constant 1 : i32
          %parallel_loop3A_187 = vector.broadcast %parallel_loop3A_186 : i32 to vector<16xi32>
          %parallel_loop3A_188 = arith.shrui %parallel_loop3A_179, %parallel_loop3A_187 : vector<16xi32>
          %parallel_loop3A_189 = arith.constant 7 : i32
          %parallel_loop3A_190 = vector.broadcast %parallel_loop3A_189 : i32 to vector<16xi32>
          %parallel_loop3A_191 = arith.andi %parallel_loop3A_188, %parallel_loop3A_190 : vector<16xi32>
          %parallel_loop3A_192 = arith.constant 16 : i32
          %parallel_loop3A_193 = vector.broadcast %parallel_loop3A_192 : i32 to vector<16xi32>
          %parallel_loop3A_194 = arith.muli %parallel_loop3A_191, %parallel_loop3A_193 : vector<16xi32>
          %parallel_loop3A_195 = arith.index_cast %parallel_loop3A_160 : i32 to index
          %parallel_loop3A_196 = arith.constant 0 : index
          %parallel_loop3A_197 = tpu.vector_load %arg22[%parallel_loop3A_195, %parallel_loop3A_196] {strides = array<i32>} : memref<32x128xf32, #tpu.memory_space<vmem>>, vector<16xf32>,
          %parallel_loop3A_198 = arith.index_cast %parallel_loop3A_160 : i32 to index
          %parallel_loop3A_199 = arith.constant 64 : index
          %parallel_loop3A_200 = tpu.vector_load %arg22[%parallel_loop3A_198, %parallel_loop3A_199] {strides = array<i32>} : memref<32x128xf32, #tpu.memory_space<vmem>>, vector<16xf32>,
          %parallel_loop3A_201 = arith.index_cast %parallel_loop3A_160 : i32 to index
          %parallel_loop3A_202 = arith.constant 0 : index
          %parallel_loop3A_203 = tpu.vector_load %arg24[%parallel_loop3A_201, %parallel_loop3A_202] {strides = array<i32>} : memref<32x128xf32, #tpu.memory_space<vmem>>, vector<16xf32>,
          %parallel_loop3A_204 = arith.index_cast %parallel_loop3A_160 : i32 to index
          %parallel_loop3A_205 = arith.constant 64 : index
          %parallel_loop3A_206 = tpu.vector_load %arg24[%parallel_loop3A_204, %parallel_loop3A_205] {strides = array<i32>} : memref<32x128xf32, #tpu.memory_space<vmem>>, vector<16xf32>,
          %parallel_loop3A_207 = arith.mulf %parallel_loop3A_197, %parallel_loop3A_203 : vector<16xf32>
          %parallel_loop3A_208 = arith.mulf %parallel_loop3A_200, %parallel_loop3A_163 : vector<16xf32>
          %parallel_loop3A_209 = arith.addf %parallel_loop3A_207, %parallel_loop3A_208 : vector<16xf32>
          %parallel_loop3A_210 = arith.constant 0 : i32
          %parallel_loop3A_211 = vector.broadcast %parallel_loop3A_210 : i32 to vector<16xi32>
          %parallel_loop3A_212 = arith.cmpi slt, %xor3A_56, %parallel_loop3A_211 : vector<16xi32>
          %parallel_loop3A_213 = arith.constant 16 : i32
          %parallel_loop3A_214 = vector.broadcast %parallel_loop3A_213 : i32 to vector<16xi32>
          %parallel_loop3A_215 = arith.addi %xor3A_56, %parallel_loop3A_214 : vector<16xi32>
          %parallel_loop3A_216 = arith.select %parallel_loop3A_212, %parallel_loop3A_215, %xor3A_56 : vector<16xi1>, vector<16xi32>
          %parallel_loop3A_217 = vector.shape_cast %parallel_loop3A_216 : vector<16xi32> to vector<16x1xi32>
          %parallel_loop3A_218 = vector.shape_cast %parallel_loop3A_217 : vector<16x1xi32> to vector<16xi32>
          %parallel_loop3A_219 = tpu.dynamic_gather %parallel_loop3A_209[%parallel_loop3A_218] in [0] : vector<16xf32>, vector<16xi32> -> vector<16xf32>
          %parallel_loop3A_220 = arith.addf %parallel_loop3A_209, %parallel_loop3A_219 : vector<16xf32>
          %parallel_loop3A_221 = arith.constant 0 : i32
          %parallel_loop3A_222 = vector.broadcast %parallel_loop3A_221 : i32 to vector<16xi32>
          %parallel_loop3A_223 = arith.cmpi slt, %xor3A_59, %parallel_loop3A_222 : vector<16xi32>
          %parallel_loop3A_224 = arith.constant 16 : i32
          %parallel_loop3A_225 = vector.broadcast %parallel_loop3A_224 : i32 to vector<16xi32>
          %parallel_loop3A_226 = arith.addi %xor3A_59, %parallel_loop3A_225 : vector<16xi32>
          %parallel_loop3A_227 = arith.select %parallel_loop3A_223, %parallel_loop3A_226, %xor3A_59 : vector<16xi1>, vector<16xi32>
          %parallel_loop3A_228 = vector.shape_cast %parallel_loop3A_227 : vector<16xi32> to vector<16x1xi32>
          %parallel_loop3A_229 = vector.shape_cast %parallel_loop3A_228 : vector<16x1xi32> to vector<16xi32>
          %parallel_loop3A_230 = tpu.dynamic_gather %parallel_loop3A_220[%parallel_loop3A_229] in [0] : vector<16xf32>, vector<16xi32> -> vector<16xf32>
          %parallel_loop3A_231 = arith.addf %parallel_loop3A_220, %parallel_loop3A_230 : vector<16xf32>
          %parallel_loop3A_232 = arith.constant 0 : i32
          %parallel_loop3A_233 = vector.broadcast %parallel_loop3A_232 : i32 to vector<16xi32>
          %parallel_loop3A_234 = arith.cmpi slt, %xor3A_62, %parallel_loop3A_233 : vector<16xi32>
          %parallel_loop3A_235 = arith.constant 16 : i32
          %parallel_loop3A_236 = vector.broadcast %parallel_loop3A_235 : i32 to vector<16xi32>
          %parallel_loop3A_237 = arith.addi %xor3A_62, %parallel_loop3A_236 : vector<16xi32>
          %parallel_loop3A_238 = arith.select %parallel_loop3A_234, %parallel_loop3A_237, %xor3A_62 : vector<16xi1>, vector<16xi32>
          %parallel_loop3A_239 = vector.shape_cast %parallel_loop3A_238 : vector<16xi32> to vector<16x1xi32>
          %parallel_loop3A_240 = vector.shape_cast %parallel_loop3A_239 : vector<16x1xi32> to vector<16xi32>
          %parallel_loop3A_241 = tpu.dynamic_gather %parallel_loop3A_231[%parallel_loop3A_240] in [0] : vector<16xf32>, vector<16xi32> -> vector<16xf32>
          %parallel_loop3A_242 = arith.addf %parallel_loop3A_231, %parallel_loop3A_241 : vector<16xf32>
          %parallel_loop3A_243 = arith.constant 0 : i32
          %parallel_loop3A_244 = vector.broadcast %parallel_loop3A_243 : i32 to vector<16xi32>
          %parallel_loop3A_245 = arith.cmpi slt, %xor3A_65, %parallel_loop3A_244 : vector<16xi32>
          %parallel_loop3A_246 = arith.constant 16 : i32
          %parallel_loop3A_247 = vector.broadcast %parallel_loop3A_246 : i32 to vector<16xi32>
          %parallel_loop3A_248 = arith.addi %xor3A_65, %parallel_loop3A_247 : vector<16xi32>
          %parallel_loop3A_249 = arith.select %parallel_loop3A_245, %parallel_loop3A_248, %xor3A_65 : vector<16xi1>, vector<16xi32>
          %parallel_loop3A_250 = vector.shape_cast %parallel_loop3A_249 : vector<16xi32> to vector<16x1xi32>
          %parallel_loop3A_251 = vector.shape_cast %parallel_loop3A_250 : vector<16x1xi32> to vector<16xi32>
          %parallel_loop3A_252 = tpu.dynamic_gather %parallel_loop3A_242[%parallel_loop3A_251] in [0] : vector<16xf32>, vector<16xi32> -> vector<16xf32>
          %parallel_loop3A_253 = arith.addf %parallel_loop3A_242, %parallel_loop3A_252 : vector<16xf32>
          %parallel_loop3A_254 = math.exp %parallel_loop3A_253 : vector<16xf32>
          %parallel_loop3A_255 = arith.mulf %parallel_loop3A_254, %parallel_loop3A_206 : vector<16xf32>
          %parallel_loop3A_256 = arith.index_cast %parallel_loop3A_160 : i32 to index
          %parallel_loop3A_257 = arith.constant 0 : index
          %parallel_loop3A_258 = tpu.vector_load %arg24[%parallel_loop3A_256, %parallel_loop3A_257] {strides = array<i32>} : memref<32x128xf32, #tpu.memory_space<vmem>>, vector<16xf32>,
          tpu.vector_store %arg24[%parallel_loop3A_256, %parallel_loop3A_257], %parallel_loop3A_255 {strides = array<i32>} : memref<32x128xf32, #tpu.memory_space<vmem>>, vector<16xf32>,
          %parallel_loop3A_259 = arith.mulf %parallel_loop3A_254, %parallel_loop3A_163 : vector<16xf32>
          %parallel_loop3A_260 = arith.index_cast %parallel_loop3A_160 : i32 to index
          %parallel_loop3A_261 = arith.constant 64 : index
          %parallel_loop3A_262 = tpu.vector_load %arg24[%parallel_loop3A_260, %parallel_loop3A_261] {strides = array<i32>} : memref<32x128xf32, #tpu.memory_space<vmem>>, vector<16xf32>,
          tpu.vector_store %arg24[%parallel_loop3A_260, %parallel_loop3A_261], %parallel_loop3A_259 {strides = array<i32>} : memref<32x128xf32, #tpu.memory_space<vmem>>, vector<16xf32>,
          %parallel_loop3A_263 = arith.constant 0 : i32
          %parallel_loop3A_264 = vector.broadcast %parallel_loop3A_263 : i32 to vector<16xi32>
          %parallel_loop3A_265 = arith.addi %parallel_loop3A_264, %parallel_loop3A_185 : vector<16xi32>
          %parallel_loop3A_266 = arith.cmpi eq, %iota3A, %parallel_loop3A_265 : vector<16xi32>
          %parallel_loop3A_267 = arith.select %parallel_loop3A_266, %parallel_loop3A_254, %broadcast_in_dim3A_1 : vector<16xi1>, vector<16xf32>
          %parallel_loop3A_268 = arith.index_cast %parallel_loop3A_160 : i32 to index
          %parallel_loop3A_269 = arith.constant 16 : index
          %parallel_loop3A_270 = tpu.vector_load %arg22[%parallel_loop3A_268, %parallel_loop3A_269] {strides = array<i32>} : memref<32x128xf32, #tpu.memory_space<vmem>>, vector<16xf32>,
          %parallel_loop3A_271 = arith.index_cast %parallel_loop3A_160 : i32 to index
          %parallel_loop3A_272 = arith.constant 80 : index
          %parallel_loop3A_273 = tpu.vector_load %arg22[%parallel_loop3A_271, %parallel_loop3A_272] {strides = array<i32>} : memref<32x128xf32, #tpu.memory_space<vmem>>, vector<16xf32>,
          %parallel_loop3A_274 = arith.index_cast %parallel_loop3A_160 : i32 to index
          %parallel_loop3A_275 = arith.constant 16 : index
          %parallel_loop3A_276 = tpu.vector_load %arg24[%parallel_loop3A_274, %parallel_loop3A_275] {strides = array<i32>} : memref<32x128xf32, #tpu.memory_space<vmem>>, vector<16xf32>,
          %parallel_loop3A_277 = arith.index_cast %parallel_loop3A_160 : i32 to index
          %parallel_loop3A_278 = arith.constant 80 : index
          %parallel_loop3A_279 = tpu.vector_load %arg24[%parallel_loop3A_277, %parallel_loop3A_278] {strides = array<i32>} : memref<32x128xf32, #tpu.memory_space<vmem>>, vector<16xf32>,
          %parallel_loop3A_280 = arith.mulf %parallel_loop3A_270, %parallel_loop3A_276 : vector<16xf32>
          %parallel_loop3A_281 = arith.mulf %parallel_loop3A_273, %parallel_loop3A_163 : vector<16xf32>
          %parallel_loop3A_282 = arith.addf %parallel_loop3A_280, %parallel_loop3A_281 : vector<16xf32>
          %parallel_loop3A_283 = arith.constant 0 : i32
          %parallel_loop3A_284 = vector.broadcast %parallel_loop3A_283 : i32 to vector<16xi32>
          %parallel_loop3A_285 = arith.cmpi slt, %xor3A_56, %parallel_loop3A_284 : vector<16xi32>
          %parallel_loop3A_286 = arith.constant 16 : i32
          %parallel_loop3A_287 = vector.broadcast %parallel_loop3A_286 : i32 to vector<16xi32>
          %parallel_loop3A_288 = arith.addi %xor3A_56, %parallel_loop3A_287 : vector<16xi32>
          %parallel_loop3A_289 = arith.select %parallel_loop3A_285, %parallel_loop3A_288, %xor3A_56 : vector<16xi1>, vector<16xi32>
          %parallel_loop3A_290 = vector.shape_cast %parallel_loop3A_289 : vector<16xi32> to vector<16x1xi32>
          %parallel_loop3A_291 = vector.shape_cast %parallel_loop3A_290 : vector<16x1xi32> to vector<16xi32>
          %parallel_loop3A_292 = tpu.dynamic_gather %parallel_loop3A_282[%parallel_loop3A_291] in [0] : vector<16xf32>, vector<16xi32> -> vector<16xf32>
          %parallel_loop3A_293 = arith.addf %parallel_loop3A_282, %parallel_loop3A_292 : vector<16xf32>
          %parallel_loop3A_294 = arith.constant 0 : i32
          %parallel_loop3A_295 = vector.broadcast %parallel_loop3A_294 : i32 to vector<16xi32>
          %parallel_loop3A_296 = arith.cmpi slt, %xor3A_59, %parallel_loop3A_295 : vector<16xi32>
          %parallel_loop3A_297 = arith.constant 16 : i32
          %parallel_loop3A_298 = vector.broadcast %parallel_loop3A_297 : i32 to vector<16xi32>
          %parallel_loop3A_299 = arith.addi %xor3A_59, %parallel_loop3A_298 : vector<16xi32>
          %parallel_loop3A_300 = arith.select %parallel_loop3A_296, %parallel_loop3A_299, %xor3A_59 : vector<16xi1>, vector<16xi32>
          %parallel_loop3A_301 = vector.shape_cast %parallel_loop3A_300 : vector<16xi32> to vector<16x1xi32>
          %parallel_loop3A_302 = vector.shape_cast %parallel_loop3A_301 : vector<16x1xi32> to vector<16xi32>
          %parallel_loop3A_303 = tpu.dynamic_gather %parallel_loop3A_293[%parallel_loop3A_302] in [0] : vector<16xf32>, vector<16xi32> -> vector<16xf32>
          %parallel_loop3A_304 = arith.addf %parallel_loop3A_293, %parallel_loop3A_303 : vector<16xf32>
          %parallel_loop3A_305 = arith.constant 0 : i32
          %parallel_loop3A_306 = vector.broadcast %parallel_loop3A_305 : i32 to vector<16xi32>
          %parallel_loop3A_307 = arith.cmpi slt, %xor3A_62, %parallel_loop3A_306 : vector<16xi32>
          %parallel_loop3A_308 = arith.constant 16 : i32
          %parallel_loop3A_309 = vector.broadcast %parallel_loop3A_308 : i32 to vector<16xi32>
          %parallel_loop3A_310 = arith.addi %xor3A_62, %parallel_loop3A_309 : vector<16xi32>
          %parallel_loop3A_311 = arith.select %parallel_loop3A_307, %parallel_loop3A_310, %xor3A_62 : vector<16xi1>, vector<16xi32>
          %parallel_loop3A_312 = vector.shape_cast %parallel_loop3A_311 : vector<16xi32> to vector<16x1xi32>
          %parallel_loop3A_313 = vector.shape_cast %parallel_loop3A_312 : vector<16x1xi32> to vector<16xi32>
          %parallel_loop3A_314 = tpu.dynamic_gather %parallel_loop3A_304[%parallel_loop3A_313] in [0] : vector<16xf32>, vector<16xi32> -> vector<16xf32>
          %parallel_loop3A_315 = arith.addf %parallel_loop3A_304, %parallel_loop3A_314 : vector<16xf32>
          %parallel_loop3A_316 = arith.constant 0 : i32
          %parallel_loop3A_317 = vector.broadcast %parallel_loop3A_316 : i32 to vector<16xi32>
          %parallel_loop3A_318 = arith.cmpi slt, %xor3A_65, %parallel_loop3A_317 : vector<16xi32>
          %parallel_loop3A_319 = arith.constant 16 : i32
          %parallel_loop3A_320 = vector.broadcast %parallel_loop3A_319 : i32 to vector<16xi32>
          %parallel_loop3A_321 = arith.addi %xor3A_65, %parallel_loop3A_320 : vector<16xi32>
          %parallel_loop3A_322 = arith.select %parallel_loop3A_318, %parallel_loop3A_321, %xor3A_65 : vector<16xi1>, vector<16xi32>
          %parallel_loop3A_323 = vector.shape_cast %parallel_loop3A_322 : vector<16xi32> to vector<16x1xi32>
          %parallel_loop3A_324 = vector.shape_cast %parallel_loop3A_323 : vector<16x1xi32> to vector<16xi32>
          %parallel_loop3A_325 = tpu.dynamic_gather %parallel_loop3A_315[%parallel_loop3A_324] in [0] : vector<16xf32>, vector<16xi32> -> vector<16xf32>
          %parallel_loop3A_326 = arith.addf %parallel_loop3A_315, %parallel_loop3A_325 : vector<16xf32>
          %parallel_loop3A_327 = math.exp %parallel_loop3A_326 : vector<16xf32>
          %parallel_loop3A_328 = arith.mulf %parallel_loop3A_327, %parallel_loop3A_279 : vector<16xf32>
          %parallel_loop3A_329 = arith.index_cast %parallel_loop3A_160 : i32 to index
          %parallel_loop3A_330 = arith.constant 16 : index
          %parallel_loop3A_331 = tpu.vector_load %arg24[%parallel_loop3A_329, %parallel_loop3A_330] {strides = array<i32>} : memref<32x128xf32, #tpu.memory_space<vmem>>, vector<16xf32>,
          tpu.vector_store %arg24[%parallel_loop3A_329, %parallel_loop3A_330], %parallel_loop3A_328 {strides = array<i32>} : memref<32x128xf32, #tpu.memory_space<vmem>>, vector<16xf32>,
          %parallel_loop3A_332 = arith.mulf %parallel_loop3A_327, %parallel_loop3A_163 : vector<16xf32>
          %parallel_loop3A_333 = arith.index_cast %parallel_loop3A_160 : i32 to index
          %parallel_loop3A_334 = arith.constant 80 : index
          %parallel_loop3A_335 = tpu.vector_load %arg24[%parallel_loop3A_333, %parallel_loop3A_334] {strides = array<i32>} : memref<32x128xf32, #tpu.memory_space<vmem>>, vector<16xf32>,
          tpu.vector_store %arg24[%parallel_loop3A_333, %parallel_loop3A_334], %parallel_loop3A_332 {strides = array<i32>} : memref<32x128xf32, #tpu.memory_space<vmem>>, vector<16xf32>,
          %parallel_loop3A_336 = arith.constant 1 : i32
          %parallel_loop3A_337 = vector.broadcast %parallel_loop3A_336 : i32 to vector<16xi32>
          %parallel_loop3A_338 = arith.addi %parallel_loop3A_337, %parallel_loop3A_185 : vector<16xi32>
          %parallel_loop3A_339 = arith.cmpi eq, %iota3A, %parallel_loop3A_338 : vector<16xi32>
          %parallel_loop3A_340 = arith.select %parallel_loop3A_339, %parallel_loop3A_327, %parallel_loop3A_267 : vector<16xi1>, vector<16xf32>
          %parallel_loop3A_341 = arith.index_cast %parallel_loop3A_160 : i32 to index
          %parallel_loop3A_342 = arith.constant 32 : index
          %parallel_loop3A_343 = tpu.vector_load %arg22[%parallel_loop3A_341, %parallel_loop3A_342] {strides = array<i32>} : memref<32x128xf32, #tpu.memory_space<vmem>>, vector<16xf32>,
          %parallel_loop3A_344 = arith.index_cast %parallel_loop3A_160 : i32 to index
          %parallel_loop3A_345 = arith.constant 96 : index
          %parallel_loop3A_346 = tpu.vector_load %arg22[%parallel_loop3A_344, %parallel_loop3A_345] {strides = array<i32>} : memref<32x128xf32, #tpu.memory_space<vmem>>, vector<16xf32>,
          %parallel_loop3A_347 = arith.index_cast %parallel_loop3A_160 : i32 to index
          %parallel_loop3A_348 = arith.constant 32 : index
          %parallel_loop3A_349 = tpu.vector_load %arg24[%parallel_loop3A_347, %parallel_loop3A_348] {strides = array<i32>} : memref<32x128xf32, #tpu.memory_space<vmem>>, vector<16xf32>,
          %parallel_loop3A_350 = arith.index_cast %parallel_loop3A_160 : i32 to index
          %parallel_loop3A_351 = arith.constant 96 : index
          %parallel_loop3A_352 = tpu.vector_load %arg24[%parallel_loop3A_350, %parallel_loop3A_351] {strides = array<i32>} : memref<32x128xf32, #tpu.memory_space<vmem>>, vector<16xf32>,
          %parallel_loop3A_353 = arith.mulf %parallel_loop3A_343, %parallel_loop3A_349 : vector<16xf32>
          %parallel_loop3A_354 = arith.mulf %parallel_loop3A_346, %parallel_loop3A_163 : vector<16xf32>
          %parallel_loop3A_355 = arith.addf %parallel_loop3A_353, %parallel_loop3A_354 : vector<16xf32>
          %parallel_loop3A_356 = arith.constant 0 : i32
          %parallel_loop3A_357 = vector.broadcast %parallel_loop3A_356 : i32 to vector<16xi32>
          %parallel_loop3A_358 = arith.cmpi slt, %xor3A_56, %parallel_loop3A_357 : vector<16xi32>
          %parallel_loop3A_359 = arith.constant 16 : i32
          %parallel_loop3A_360 = vector.broadcast %parallel_loop3A_359 : i32 to vector<16xi32>
          %parallel_loop3A_361 = arith.addi %xor3A_56, %parallel_loop3A_360 : vector<16xi32>
          %parallel_loop3A_362 = arith.select %parallel_loop3A_358, %parallel_loop3A_361, %xor3A_56 : vector<16xi1>, vector<16xi32>
          %parallel_loop3A_363 = vector.shape_cast %parallel_loop3A_362 : vector<16xi32> to vector<16x1xi32>
          %parallel_loop3A_364 = vector.shape_cast %parallel_loop3A_363 : vector<16x1xi32> to vector<16xi32>
          %parallel_loop3A_365 = tpu.dynamic_gather %parallel_loop3A_355[%parallel_loop3A_364] in [0] : vector<16xf32>, vector<16xi32> -> vector<16xf32>
          %parallel_loop3A_366 = arith.addf %parallel_loop3A_355, %parallel_loop3A_365 : vector<16xf32>
          %parallel_loop3A_367 = arith.constant 0 : i32
          %parallel_loop3A_368 = vector.broadcast %parallel_loop3A_367 : i32 to vector<16xi32>
          %parallel_loop3A_369 = arith.cmpi slt, %xor3A_59, %parallel_loop3A_368 : vector<16xi32>
          %parallel_loop3A_370 = arith.constant 16 : i32
          %parallel_loop3A_371 = vector.broadcast %parallel_loop3A_370 : i32 to vector<16xi32>
          %parallel_loop3A_372 = arith.addi %xor3A_59, %parallel_loop3A_371 : vector<16xi32>
          %parallel_loop3A_373 = arith.select %parallel_loop3A_369, %parallel_loop3A_372, %xor3A_59 : vector<16xi1>, vector<16xi32>
          %parallel_loop3A_374 = vector.shape_cast %parallel_loop3A_373 : vector<16xi32> to vector<16x1xi32>
          %parallel_loop3A_375 = vector.shape_cast %parallel_loop3A_374 : vector<16x1xi32> to vector<16xi32>
          %parallel_loop3A_376 = tpu.dynamic_gather %parallel_loop3A_366[%parallel_loop3A_375] in [0] : vector<16xf32>, vector<16xi32> -> vector<16xf32>
          %parallel_loop3A_377 = arith.addf %parallel_loop3A_366, %parallel_loop3A_376 : vector<16xf32>
          %parallel_loop3A_378 = arith.constant 0 : i32
          %parallel_loop3A_379 = vector.broadcast %parallel_loop3A_378 : i32 to vector<16xi32>
          %parallel_loop3A_380 = arith.cmpi slt, %xor3A_62, %parallel_loop3A_379 : vector<16xi32>
          %parallel_loop3A_381 = arith.constant 16 : i32
          %parallel_loop3A_382 = vector.broadcast %parallel_loop3A_381 : i32 to vector<16xi32>
          %parallel_loop3A_383 = arith.addi %xor3A_62, %parallel_loop3A_382 : vector<16xi32>
          %parallel_loop3A_384 = arith.select %parallel_loop3A_380, %parallel_loop3A_383, %xor3A_62 : vector<16xi1>, vector<16xi32>
          %parallel_loop3A_385 = vector.shape_cast %parallel_loop3A_384 : vector<16xi32> to vector<16x1xi32>
          %parallel_loop3A_386 = vector.shape_cast %parallel_loop3A_385 : vector<16x1xi32> to vector<16xi32>
          %parallel_loop3A_387 = tpu.dynamic_gather %parallel_loop3A_377[%parallel_loop3A_386] in [0] : vector<16xf32>, vector<16xi32> -> vector<16xf32>
          %parallel_loop3A_388 = arith.addf %parallel_loop3A_377, %parallel_loop3A_387 : vector<16xf32>
          %parallel_loop3A_389 = arith.constant 0 : i32
          %parallel_loop3A_390 = vector.broadcast %parallel_loop3A_389 : i32 to vector<16xi32>
          %parallel_loop3A_391 = arith.cmpi slt, %xor3A_65, %parallel_loop3A_390 : vector<16xi32>
          %parallel_loop3A_392 = arith.constant 16 : i32
          %parallel_loop3A_393 = vector.broadcast %parallel_loop3A_392 : i32 to vector<16xi32>
          %parallel_loop3A_394 = arith.addi %xor3A_65, %parallel_loop3A_393 : vector<16xi32>
          %parallel_loop3A_395 = arith.select %parallel_loop3A_391, %parallel_loop3A_394, %xor3A_65 : vector<16xi1>, vector<16xi32>
          %parallel_loop3A_396 = vector.shape_cast %parallel_loop3A_395 : vector<16xi32> to vector<16x1xi32>
          %parallel_loop3A_397 = vector.shape_cast %parallel_loop3A_396 : vector<16x1xi32> to vector<16xi32>
          %parallel_loop3A_398 = tpu.dynamic_gather %parallel_loop3A_388[%parallel_loop3A_397] in [0] : vector<16xf32>, vector<16xi32> -> vector<16xf32>
          %parallel_loop3A_399 = arith.addf %parallel_loop3A_388, %parallel_loop3A_398 : vector<16xf32>
          %parallel_loop3A_400 = math.exp %parallel_loop3A_399 : vector<16xf32>
          %parallel_loop3A_401 = arith.mulf %parallel_loop3A_400, %parallel_loop3A_352 : vector<16xf32>
          %parallel_loop3A_402 = arith.index_cast %parallel_loop3A_160 : i32 to index
          %parallel_loop3A_403 = arith.constant 32 : index
          %parallel_loop3A_404 = tpu.vector_load %arg24[%parallel_loop3A_402, %parallel_loop3A_403] {strides = array<i32>} : memref<32x128xf32, #tpu.memory_space<vmem>>, vector<16xf32>,
          tpu.vector_store %arg24[%parallel_loop3A_402, %parallel_loop3A_403], %parallel_loop3A_401 {strides = array<i32>} : memref<32x128xf32, #tpu.memory_space<vmem>>, vector<16xf32>,
          %parallel_loop3A_405 = arith.mulf %parallel_loop3A_400, %parallel_loop3A_163 : vector<16xf32>
          %parallel_loop3A_406 = arith.index_cast %parallel_loop3A_160 : i32 to index
          %parallel_loop3A_407 = arith.constant 96 : index
          %parallel_loop3A_408 = tpu.vector_load %arg24[%parallel_loop3A_406, %parallel_loop3A_407] {strides = array<i32>} : memref<32x128xf32, #tpu.memory_space<vmem>>, vector<16xf32>,
          tpu.vector_store %arg24[%parallel_loop3A_406, %parallel_loop3A_407], %parallel_loop3A_405 {strides = array<i32>} : memref<32x128xf32, #tpu.memory_space<vmem>>, vector<16xf32>,
          %parallel_loop3A_409 = arith.constant 2 : i32
          %parallel_loop3A_410 = vector.broadcast %parallel_loop3A_409 : i32 to vector<16xi32>
          %parallel_loop3A_411 = arith.addi %parallel_loop3A_410, %parallel_loop3A_185 : vector<16xi32>
          %parallel_loop3A_412 = arith.cmpi eq, %iota3A, %parallel_loop3A_411 : vector<16xi32>
          %parallel_loop3A_413 = arith.select %parallel_loop3A_412, %parallel_loop3A_400, %parallel_loop3A_340 : vector<16xi1>, vector<16xf32>
          %parallel_loop3A_414 = arith.index_cast %parallel_loop3A_160 : i32 to index
          %parallel_loop3A_415 = arith.constant 48 : index
          %parallel_loop3A_416 = tpu.vector_load %arg22[%parallel_loop3A_414, %parallel_loop3A_415] {strides = array<i32>} : memref<32x128xf32, #tpu.memory_space<vmem>>, vector<16xf32>,
          %parallel_loop3A_417 = arith.index_cast %parallel_loop3A_160 : i32 to index
          %parallel_loop3A_418 = arith.constant 112 : index
          %parallel_loop3A_419 = tpu.vector_load %arg22[%parallel_loop3A_417, %parallel_loop3A_418] {strides = array<i32>} : memref<32x128xf32, #tpu.memory_space<vmem>>, vector<16xf32>,
          %parallel_loop3A_420 = arith.index_cast %parallel_loop3A_160 : i32 to index
          %parallel_loop3A_421 = arith.constant 48 : index
          %parallel_loop3A_422 = tpu.vector_load %arg24[%parallel_loop3A_420, %parallel_loop3A_421] {strides = array<i32>} : memref<32x128xf32, #tpu.memory_space<vmem>>, vector<16xf32>,
          %parallel_loop3A_423 = arith.index_cast %parallel_loop3A_160 : i32 to index
          %parallel_loop3A_424 = arith.constant 112 : index
          %parallel_loop3A_425 = tpu.vector_load %arg24[%parallel_loop3A_423, %parallel_loop3A_424] {strides = array<i32>} : memref<32x128xf32, #tpu.memory_space<vmem>>, vector<16xf32>,
          %parallel_loop3A_426 = arith.mulf %parallel_loop3A_416, %parallel_loop3A_422 : vector<16xf32>
          %parallel_loop3A_427 = arith.mulf %parallel_loop3A_419, %parallel_loop3A_163 : vector<16xf32>
          %parallel_loop3A_428 = arith.addf %parallel_loop3A_426, %parallel_loop3A_427 : vector<16xf32>
          %parallel_loop3A_429 = arith.constant 0 : i32
          %parallel_loop3A_430 = vector.broadcast %parallel_loop3A_429 : i32 to vector<16xi32>
          %parallel_loop3A_431 = arith.cmpi slt, %xor3A_56, %parallel_loop3A_430 : vector<16xi32>
          %parallel_loop3A_432 = arith.constant 16 : i32
          %parallel_loop3A_433 = vector.broadcast %parallel_loop3A_432 : i32 to vector<16xi32>
          %parallel_loop3A_434 = arith.addi %xor3A_56, %parallel_loop3A_433 : vector<16xi32>
          %parallel_loop3A_435 = arith.select %parallel_loop3A_431, %parallel_loop3A_434, %xor3A_56 : vector<16xi1>, vector<16xi32>
          %parallel_loop3A_436 = vector.shape_cast %parallel_loop3A_435 : vector<16xi32> to vector<16x1xi32>
          %parallel_loop3A_437 = vector.shape_cast %parallel_loop3A_436 : vector<16x1xi32> to vector<16xi32>
          %parallel_loop3A_438 = tpu.dynamic_gather %parallel_loop3A_428[%parallel_loop3A_437] in [0] : vector<16xf32>, vector<16xi32> -> vector<16xf32>
          %parallel_loop3A_439 = arith.addf %parallel_loop3A_428, %parallel_loop3A_438 : vector<16xf32>
          %parallel_loop3A_440 = arith.constant 0 : i32
          %parallel_loop3A_441 = vector.broadcast %parallel_loop3A_440 : i32 to vector<16xi32>
          %parallel_loop3A_442 = arith.cmpi slt, %xor3A_59, %parallel_loop3A_441 : vector<16xi32>
          %parallel_loop3A_443 = arith.constant 16 : i32
          %parallel_loop3A_444 = vector.broadcast %parallel_loop3A_443 : i32 to vector<16xi32>
          %parallel_loop3A_445 = arith.addi %xor3A_59, %parallel_loop3A_444 : vector<16xi32>
          %parallel_loop3A_446 = arith.select %parallel_loop3A_442, %parallel_loop3A_445, %xor3A_59 : vector<16xi1>, vector<16xi32>
          %parallel_loop3A_447 = vector.shape_cast %parallel_loop3A_446 : vector<16xi32> to vector<16x1xi32>
          %parallel_loop3A_448 = vector.shape_cast %parallel_loop3A_447 : vector<16x1xi32> to vector<16xi32>
          %parallel_loop3A_449 = tpu.dynamic_gather %parallel_loop3A_439[%parallel_loop3A_448] in [0] : vector<16xf32>, vector<16xi32> -> vector<16xf32>
          %parallel_loop3A_450 = arith.addf %parallel_loop3A_439, %parallel_loop3A_449 : vector<16xf32>
          %parallel_loop3A_451 = arith.constant 0 : i32
          %parallel_loop3A_452 = vector.broadcast %parallel_loop3A_451 : i32 to vector<16xi32>
          %parallel_loop3A_453 = arith.cmpi slt, %xor3A_62, %parallel_loop3A_452 : vector<16xi32>
          %parallel_loop3A_454 = arith.constant 16 : i32
          %parallel_loop3A_455 = vector.broadcast %parallel_loop3A_454 : i32 to vector<16xi32>
          %parallel_loop3A_456 = arith.addi %xor3A_62, %parallel_loop3A_455 : vector<16xi32>
          %parallel_loop3A_457 = arith.select %parallel_loop3A_453, %parallel_loop3A_456, %xor3A_62 : vector<16xi1>, vector<16xi32>
          %parallel_loop3A_458 = vector.shape_cast %parallel_loop3A_457 : vector<16xi32> to vector<16x1xi32>
          %parallel_loop3A_459 = vector.shape_cast %parallel_loop3A_458 : vector<16x1xi32> to vector<16xi32>
          %parallel_loop3A_460 = tpu.dynamic_gather %parallel_loop3A_450[%parallel_loop3A_459] in [0] : vector<16xf32>, vector<16xi32> -> vector<16xf32>
          %parallel_loop3A_461 = arith.addf %parallel_loop3A_450, %parallel_loop3A_460 : vector<16xf32>
          %parallel_loop3A_462 = arith.constant 0 : i32
          %parallel_loop3A_463 = vector.broadcast %parallel_loop3A_462 : i32 to vector<16xi32>
          %parallel_loop3A_464 = arith.cmpi slt, %xor3A_65, %parallel_loop3A_463 : vector<16xi32>
          %parallel_loop3A_465 = arith.constant 16 : i32
          %parallel_loop3A_466 = vector.broadcast %parallel_loop3A_465 : i32 to vector<16xi32>
          %parallel_loop3A_467 = arith.addi %xor3A_65, %parallel_loop3A_466 : vector<16xi32>
          %parallel_loop3A_468 = arith.select %parallel_loop3A_464, %parallel_loop3A_467, %xor3A_65 : vector<16xi1>, vector<16xi32>
          %parallel_loop3A_469 = vector.shape_cast %parallel_loop3A_468 : vector<16xi32> to vector<16x1xi32>
          %parallel_loop3A_470 = vector.shape_cast %parallel_loop3A_469 : vector<16x1xi32> to vector<16xi32>
          %parallel_loop3A_471 = tpu.dynamic_gather %parallel_loop3A_461[%parallel_loop3A_470] in [0] : vector<16xf32>, vector<16xi32> -> vector<16xf32>
          %parallel_loop3A_472 = arith.addf %parallel_loop3A_461, %parallel_loop3A_471 : vector<16xf32>
          %parallel_loop3A_473 = math.exp %parallel_loop3A_472 : vector<16xf32>
          %parallel_loop3A_474 = arith.mulf %parallel_loop3A_473, %parallel_loop3A_425 : vector<16xf32>
          %parallel_loop3A_475 = arith.index_cast %parallel_loop3A_160 : i32 to index
          %parallel_loop3A_476 = arith.constant 48 : index
          %parallel_loop3A_477 = tpu.vector_load %arg24[%parallel_loop3A_475, %parallel_loop3A_476] {strides = array<i32>} : memref<32x128xf32, #tpu.memory_space<vmem>>, vector<16xf32>,
          tpu.vector_store %arg24[%parallel_loop3A_475, %parallel_loop3A_476], %parallel_loop3A_474 {strides = array<i32>} : memref<32x128xf32, #tpu.memory_space<vmem>>, vector<16xf32>,
          %parallel_loop3A_478 = arith.mulf %parallel_loop3A_473, %parallel_loop3A_163 : vector<16xf32>
          %parallel_loop3A_479 = arith.index_cast %parallel_loop3A_160 : i32 to index
          %parallel_loop3A_480 = arith.constant 112 : index
          %parallel_loop3A_481 = tpu.vector_load %arg24[%parallel_loop3A_479, %parallel_loop3A_480] {strides = array<i32>} : memref<32x128xf32, #tpu.memory_space<vmem>>, vector<16xf32>,
          tpu.vector_store %arg24[%parallel_loop3A_479, %parallel_loop3A_480], %parallel_loop3A_478 {strides = array<i32>} : memref<32x128xf32, #tpu.memory_space<vmem>>, vector<16xf32>,
          %parallel_loop3A_482 = arith.constant 3 : i32
          %parallel_loop3A_483 = vector.broadcast %parallel_loop3A_482 : i32 to vector<16xi32>
          %parallel_loop3A_484 = arith.addi %parallel_loop3A_483, %parallel_loop3A_185 : vector<16xi32>
          %parallel_loop3A_485 = arith.cmpi eq, %iota3A, %parallel_loop3A_484 : vector<16xi32>
          %parallel_loop3A_486 = arith.select %parallel_loop3A_485, %parallel_loop3A_473, %parallel_loop3A_413 : vector<16xi1>, vector<16xf32>
          %parallel_loop3A_487 = vector.broadcast %parallel_loop3A_160 : i32 to vector<16xi32>
          %parallel_loop3A_488 = arith.addi %parallel_loop3A_194, %iota3A : vector<16xi32>
          tpu.vector_store_idx %arg25[%parallel_loop3A_487, %parallel_loop3A_488], %parallel_loop3A_486 : memref<32x128xf32, #tpu.memory_space<vmem>>[vector<16xi32>, vector<16xi32>], vector<16xf32>,
        } {sc.loop_unroll_factor = 1 : i64, sc.parallel_access}
        %parallel_loop3A_157 = arith.constant 0 : i32
        %parallel_loop3A_158 = arith.constant 1 : i32
        %parallel_loop3A_159 = arith.constant 1 : i32
        scf.for %parallel_loop3A_160 = %parallel_loop3A_157 to %parallel_loop3A_158 step %parallel_loop3A_159  : i32 {
          %parallel_loop3A_161 = arith.constant 16 : i32
          %parallel_loop3A_162 = arith.cmpi slt, %parallel_loop3A_160, %parallel_loop3A_161 : i32
          %parallel_loop3A_163 = arith.select %parallel_loop3A_162, %get3A_151, %get3A_153 : vector<16xi32>
          %parallel_loop3A_164 = arith.constant 15 : i32
          %parallel_loop3A_165 = arith.andi %parallel_loop3A_160, %parallel_loop3A_164 : i32
          %parallel_loop3A_166 = vector.broadcast %parallel_loop3A_165 : i32 to vector<16xi32>
          %parallel_loop3A_167 = arith.constant 0 : i32
          %parallel_loop3A_168 = vector.broadcast %parallel_loop3A_167 : i32 to vector<16xi32>
          %parallel_loop3A_169 = arith.cmpi slt, %parallel_loop3A_166, %parallel_loop3A_168 : vector<16xi32>
          %parallel_loop3A_170 = arith.constant 16 : i32
          %parallel_loop3A_171 = vector.broadcast %parallel_loop3A_170 : i32 to vector<16xi32>
          %parallel_loop3A_172 = arith.addi %parallel_loop3A_166, %parallel_loop3A_171 : vector<16xi32>
          %parallel_loop3A_173 = arith.select %parallel_loop3A_169, %parallel_loop3A_172, %parallel_loop3A_166 : vector<16xi1>, vector<16xi32>
          %parallel_loop3A_174 = vector.shape_cast %parallel_loop3A_173 : vector<16xi32> to vector<16x1xi32>
          %parallel_loop3A_175 = vector.shape_cast %parallel_loop3A_174 : vector<16x1xi32> to vector<16xi32>
          %parallel_loop3A_176 = tpu.dynamic_gather %parallel_loop3A_163[%parallel_loop3A_175] in [0] : vector<16xi32>, vector<16xi32> -> vector<16xi32>
          %parallel_loop3A_177 = arith.constant 1 : i32
          %parallel_loop3A_178 = vector.broadcast %parallel_loop3A_177 : i32 to vector<16xi32>
          %parallel_loop3A_179 = arith.shrui %parallel_loop3A_176, %parallel_loop3A_178 : vector<16xi32>
          %parallel_loop3A_180 = arith.constant 7 : i32
          %parallel_loop3A_181 = vector.broadcast %parallel_loop3A_180 : i32 to vector<16xi32>
          %parallel_loop3A_182 = arith.andi %parallel_loop3A_179, %parallel_loop3A_181 : vector<16xi32>
          %parallel_loop3A_183 = arith.constant 16 : i32
          %parallel_loop3A_184 = vector.broadcast %parallel_loop3A_183 : i32 to vector<16xi32>
          %parallel_loop3A_185 = arith.muli %parallel_loop3A_182, %parallel_loop3A_184 : vector<16xi32>
          %parallel_loop3A_186 = vector.broadcast %parallel_loop3A_160 : i32 to vector<16xi32>
          %parallel_loop3A_187 = arith.addi %parallel_loop3A_185, %iota3A : vector<16xi32>
          tpu.vector_store_idx %arg25[%parallel_loop3A_186, %parallel_loop3A_187], %broadcast_in_dim3A_1 : memref<32x128xf32, #tpu.memory_space<vmem>>[vector<16xi32>, vector<16xi32>], vector<16xf32>,
        } {sc.loop_unroll_factor = 1 : i64, sc.parallel_access}
      } else {
      }
      %add3A_142 = arith.constant 2 : i32
      %add3A_143 = arith.addi %add3A_118, %add3A_142 : i32
      %lt3A_144 = arith.constant 625 : i32
      %lt3A_145 = arith.cmpi slt, %add3A_143, %lt3A_144 : i32
      %convert_element_type3A_146 = arith.extui %lt3A_145 : i1 to i32
      %cond3A_147 = arith.constant 0 : i32
      %cond3A_148 = arith.cmpi ne, %convert_element_type3A_146, %cond3A_147 : i32
      scf.if %cond3A_148 {
        %add3A_150 = arith.constant 2 : i32
        %add3A_151 = arith.addi %add3A_118, %add3A_150 : i32
      } else {
      }
      %scan3A_149 = arith.constant 0 : i32
      scf.yield %scan3A_149 : i32
    }
    %scan3A_109 = arith.constant 313 : i32
    %barrier3A_110 = arith.constant 0 : index
    tpu.barrier barrier_id(%barrier3A_110)
    "tpu.region"() ({
      %run_scoped3A = tpu.sem_alloc : memref<!tpu.dma_semaphore, #tpu.memory_space<semaphore_mem>>
      %dma_start3A = arith.constant 0 : i32
      %dma_start3A_111 = tpu.memref_slice %arg7[%arg0, %mul3A_9, %dma_start3A] : memref<2x10000x128xf32, #tpu.memory_space<hbm>> -> memref<1x640x128xf32, #tpu.memory_space<hbm>>
      %dma_start3A_112 = tpu.memref_squeeze %dma_start3A_111 : memref<1x640x128xf32, #tpu.memory_space<hbm>> -> memref<640x128xf32, #tpu.memory_space<hbm>>
      %dma_start3A_113 = arith.constant 0 : i32
      %dma_start3A_114 = tpu.memref_slice %arg26[%mul3A_9, %dma_start3A_113] : memref<10000x128xf32, #tpu.memory_space<vmem_shared>> -> memref<640x128xf32, #tpu.memory_space<vmem_shared>>
      tpu.enqueue_dma source(%dma_start3A_114 : memref<640x128xf32, #tpu.memory_space<vmem_shared>>) target(%dma_start3A_112 : memref<640x128xf32, #tpu.memory_space<hbm>>) target_semaphore(%run_scoped3A : memref<!tpu.dma_semaphore, #tpu.memory_space<semaphore_mem>>)
      %dma_wait3A = arith.constant 0 : i32
      %dma_wait3A_115 = tpu.memref_slice %arg7[%arg0, %mul3A_9, %dma_wait3A] : memref<2x10000x128xf32, #tpu.memory_space<hbm>> -> memref<1x640x128xf32, #tpu.memory_space<hbm>>
      %dma_wait3A_116 = tpu.memref_squeeze %dma_wait3A_115 : memref<1x640x128xf32, #tpu.memory_space<hbm>> -> memref<640x128xf32, #tpu.memory_space<hbm>>
      %dma_wait3A_117 = arith.constant 0 : i32
      %dma_wait3A_118 = tpu.memref_slice %arg26[%mul3A_9, %dma_wait3A_117] : memref<10000x128xf32, #tpu.memory_space<vmem_shared>> -> memref<640x128xf32, #tpu.memory_space<vmem_shared>>
      tpu.wait_dma2 semaphore(%run_scoped3A : memref<!tpu.dma_semaphore, #tpu.memory_space<semaphore_mem>>) src(%dma_wait3A_118 : memref<640x128xf32, #tpu.memory_space<vmem_shared>>) dst(%dma_wait3A_116 : memref<640x128xf32, #tpu.memory_space<hbm>>)
      tpu.yield
    }) : () -> ()
    "tpu.region"() ({
      %run_scoped3A = tpu.sem_alloc : memref<!tpu.dma_semaphore, #tpu.memory_space<semaphore_mem>>
      %dma_start3A = arith.constant 0 : i32
      %dma_start3A_111 = tpu.memref_slice %arg8[%arg0, %mul3A_50, %dma_start3A] : memref<2x640x128xf32, #tpu.memory_space<hbm>> -> memref<1x40x128xf32, #tpu.memory_space<hbm>>
      %dma_start3A_112 = tpu.memref_squeeze %dma_start3A_111 : memref<1x40x128xf32, #tpu.memory_space<hbm>> -> memref<40x128xf32, #tpu.memory_space<hbm>>
      %dma_start3A_113 = arith.constant 0 : i32
      %dma_start3A_114 = tpu.memref_slice %arg27[%mul3A_50, %dma_start3A_113] : memref<640x128xf32, #tpu.memory_space<vmem_shared>> -> memref<40x128xf32, #tpu.memory_space<vmem_shared>>
      tpu.enqueue_dma source(%dma_start3A_114 : memref<40x128xf32, #tpu.memory_space<vmem_shared>>) target(%dma_start3A_112 : memref<40x128xf32, #tpu.memory_space<hbm>>) target_semaphore(%run_scoped3A : memref<!tpu.dma_semaphore, #tpu.memory_space<semaphore_mem>>)
      %dma_wait3A = arith.constant 0 : i32
      %dma_wait3A_115 = tpu.memref_slice %arg8[%arg0, %mul3A_50, %dma_wait3A] : memref<2x640x128xf32, #tpu.memory_space<hbm>> -> memref<1x40x128xf32, #tpu.memory_space<hbm>>
      %dma_wait3A_116 = tpu.memref_squeeze %dma_wait3A_115 : memref<1x40x128xf32, #tpu.memory_space<hbm>> -> memref<40x128xf32, #tpu.memory_space<hbm>>
      %dma_wait3A_117 = arith.constant 0 : i32
      %dma_wait3A_118 = tpu.memref_slice %arg27[%mul3A_50, %dma_wait3A_117] : memref<640x128xf32, #tpu.memory_space<vmem_shared>> -> memref<40x128xf32, #tpu.memory_space<vmem_shared>>
      tpu.wait_dma2 semaphore(%run_scoped3A : memref<!tpu.dma_semaphore, #tpu.memory_space<semaphore_mem>>) src(%dma_wait3A_118 : memref<40x128xf32, #tpu.memory_space<vmem_shared>>) dst(%dma_wait3A_116 : memref<40x128xf32, #tpu.memory_space<hbm>>)
      tpu.yield
    }) : () -> ()
    return
  }
}

module attributes {stable_mosaic.version = 14 : i64} {
  func.func @_proj_body(%arg0: i32, %arg1: memref<1000x128xf32, #tpu.memory_space<vmem>>, %arg2: memref<1000x128xf32, #tpu.memory_space<vmem>>, %arg3: memref<128x128xf32, #tpu.memory_space<vmem>>, %arg4: memref<128xf32, #tpu.memory_space<vmem>>, %arg5: memref<128x128xf32, #tpu.memory_space<vmem>>, %arg6: memref<128xf32, #tpu.memory_space<vmem>>, %arg7: memref<1000x128xf32, #tpu.memory_space<vmem>>, %arg8: memref<1000x128xf32, #tpu.memory_space<vmem>>) attributes {dimension_semantics = [#tpu.dimension_semantics<arbitrary>], iteration_bounds = array<i64: 10>, scalar_prefetch = 0 : i64, scratch_operands = 0 : i64, tpu.core_type = #tpu.core_type<tc>, window_params = [{transform_indices = @transform_0, window_bounds = array<i64: 1000, 128>}, {transform_indices = @transform_1, window_bounds = array<i64: 1000, 128>}, {pipeline_mode = #tpu.pipeline_mode<synchronous>, transform_indices = @transform_2, window_bounds = array<i64: 128, 128>}, {pipeline_mode = #tpu.pipeline_mode<synchronous>, transform_indices = @transform_3, window_bounds = array<i64: 128>}, {pipeline_mode = #tpu.pipeline_mode<synchronous>, transform_indices = @transform_4, window_bounds = array<i64: 128, 128>}, {pipeline_mode = #tpu.pipeline_mode<synchronous>, transform_indices = @transform_5, window_bounds = array<i64: 128>}, {transform_indices = @transform_6, window_bounds = array<i64: 1000, 128>}, {transform_indices = @transform_7, window_bounds = array<i64: 1000, 128>}]} {
    %get3A = arith.constant 0 : index
    %get3A_0 = arith.constant 0 : index
    %get3A_1 = vector.load %arg1[%get3A, %get3A_0] : memref<1000x128xf32, #tpu.memory_space<vmem>>, vector<1000x128xf32>
    %get3A_2 = arith.constant 0 : index
    %get3A_3 = arith.constant 0 : index
    %get3A_4 = vector.load %arg3[%get3A_2, %get3A_3] : memref<128x128xf32, #tpu.memory_space<vmem>>, vector<128x128xf32>
    %dot_general3A = arith.constant dense<0.000000e+00> : vector<1000x128xf32>
    %dot_general3A_5 = tpu.matmul %get3A_1, %get3A_4, %dot_general3A {dimension_numbers = #tpu.dot_dimension_numbers<[1], [0], [0], [1], [0, 0, 1, 1], [], []>, precision = #tpu.contract_precision<fp32>, transpose_lhs_hint = false} : vector<1000x128xf32>, vector<128x128xf32>, vector<1000x128xf32> -> vector<1000x128xf32>
    %get3A_6 = arith.constant 0 : index
    %get3A_7 = vector.load %arg4[%get3A_6] : memref<128xf32, #tpu.memory_space<vmem>>, vector<128xf32>
    %broadcast_in_dim3A = vector.shape_cast %get3A_7 : vector<128xf32> to vector<1x128xf32>
    %add3A = vector.broadcast %broadcast_in_dim3A : vector<1x128xf32> to vector<1000x128xf32>
    %add3A_8 = arith.addf %dot_general3A_5, %add3A : vector<1000x128xf32>
    %swap3A = arith.constant 0 : index
    %swap3A_9 = arith.constant 0 : index
    %swap3A_10 = vector.load %arg7[%swap3A, %swap3A_9] : memref<1000x128xf32, #tpu.memory_space<vmem>>, vector<1000x128xf32>
    tpu.vector_store %arg7[%swap3A, %swap3A_9], %add3A_8 {strides = array<i32>} : memref<1000x128xf32, #tpu.memory_space<vmem>>, vector<1000x128xf32>,
    %get3A_11 = arith.constant 0 : index
    %get3A_12 = arith.constant 0 : index
    %get3A_13 = vector.load %arg2[%get3A_11, %get3A_12] : memref<1000x128xf32, #tpu.memory_space<vmem>>, vector<1000x128xf32>
    %get3A_14 = arith.constant 0 : index
    %get3A_15 = arith.constant 0 : index
    %get3A_16 = vector.load %arg5[%get3A_14, %get3A_15] : memref<128x128xf32, #tpu.memory_space<vmem>>, vector<128x128xf32>
    %dot_general3A_17 = arith.constant dense<0.000000e+00> : vector<1000x128xf32>
    %dot_general3A_18 = tpu.matmul %get3A_13, %get3A_16, %dot_general3A_17 {dimension_numbers = #tpu.dot_dimension_numbers<[1], [0], [0], [1], [0, 0, 1, 1], [], []>, precision = #tpu.contract_precision<fp32>, transpose_lhs_hint = false} : vector<1000x128xf32>, vector<128x128xf32>, vector<1000x128xf32> -> vector<1000x128xf32>
    %get3A_19 = arith.constant 0 : index
    %get3A_20 = vector.load %arg6[%get3A_19] : memref<128xf32, #tpu.memory_space<vmem>>, vector<128xf32>
    %broadcast_in_dim3A_21 = vector.shape_cast %get3A_20 : vector<128xf32> to vector<1x128xf32>
    %add3A_22 = vector.broadcast %broadcast_in_dim3A_21 : vector<1x128xf32> to vector<1000x128xf32>
    %add3A_23 = arith.addf %dot_general3A_18, %add3A_22 : vector<1000x128xf32>
    %swap3A_24 = arith.constant 0 : index
    %swap3A_25 = arith.constant 0 : index
    %swap3A_26 = vector.load %arg8[%swap3A_24, %swap3A_25] : memref<1000x128xf32, #tpu.memory_space<vmem>>, vector<1000x128xf32>
    tpu.vector_store %arg8[%swap3A_24, %swap3A_25], %add3A_23 {strides = array<i32>} : memref<1000x128xf32, #tpu.memory_space<vmem>>, vector<1000x128xf32>,
    return
  }
  func.func @transform_0(%arg0: i32) -> (i32, i32) {
    %c0_i32 = arith.constant 0 : i32
    %c0_i32_0 = arith.constant 0 : i32
    return %arg0, %c0_i32 : i32, i32
  }
  func.func @transform_1(%arg0: i32) -> (i32, i32) {
    %c0_i32 = arith.constant 0 : i32
    %c0_i32_0 = arith.constant 0 : i32
    return %arg0, %c0_i32 : i32, i32
  }
  func.func @transform_2(%arg0: i32) -> (i32, i32) {
    %c0_i32 = arith.constant 0 : i32
    %c0_i32_0 = arith.constant 0 : i32
    %c0_i32_1 = arith.constant 0 : i32
    return %c0_i32, %c0_i32_0 : i32, i32
  }
  func.func @transform_3(%arg0: i32) -> i32 {
    %c0_i32 = arith.constant 0 : i32
    %c0_i32_0 = arith.constant 0 : i32
    return %c0_i32 : i32
  }
  func.func @transform_4(%arg0: i32) -> (i32, i32) {
    %c0_i32 = arith.constant 0 : i32
    %c0_i32_0 = arith.constant 0 : i32
    %c0_i32_1 = arith.constant 0 : i32
    return %c0_i32, %c0_i32_0 : i32, i32
  }
  func.func @transform_5(%arg0: i32) -> i32 {
    %c0_i32 = arith.constant 0 : i32
    %c0_i32_0 = arith.constant 0 : i32
    return %c0_i32 : i32
  }
  func.func @transform_6(%arg0: i32) -> (i32, i32) {
    %c0_i32 = arith.constant 0 : i32
    %c0_i32_0 = arith.constant 0 : i32
    return %arg0, %c0_i32 : i32, i32
  }
  func.func @transform_7(%arg0: i32) -> (i32, i32) {
    %c0_i32 = arith.constant 0 : i32
    %c0_i32_0 = arith.constant 0 : i32
    return %arg0, %c0_i32 : i32, i32
  }
}

module attributes {stable_mosaic.version = 14 : i64} {
  func.func @_tables_body(%arg0: i32, %arg1: memref<1000x128xf32, #tpu.memory_space<vmem>>, %arg2: memref<1000x128xf32, #tpu.memory_space<vmem>>, %arg3: memref<128x512xf32, #tpu.memory_space<vmem>>, %arg4: memref<512xf32, #tpu.memory_space<vmem>>, %arg5: memref<1000x128xf32, #tpu.memory_space<vmem>>, %arg6: memref<2x1000x128xf32, #tpu.memory_space<vmem>>, %arg7: memref<2x1000x128xf32, #tpu.memory_space<vmem>>) attributes {dimension_semantics = [#tpu.dimension_semantics<arbitrary>], iteration_bounds = array<i64: 10>, scalar_prefetch = 0 : i64, scratch_operands = 0 : i64, tpu.core_type = #tpu.core_type<tc>, window_params = [{transform_indices = @transform_0, window_bounds = array<i64: 1000, 128>}, {transform_indices = @transform_1, window_bounds = array<i64: 1000, 128>}, {pipeline_mode = #tpu.pipeline_mode<synchronous>, transform_indices = @transform_2, window_bounds = array<i64: 128, 512>}, {pipeline_mode = #tpu.pipeline_mode<synchronous>, transform_indices = @transform_3, window_bounds = array<i64: 512>}, {transform_indices = @transform_4, window_bounds = array<i64: 1000, 128>}, {transform_indices = @transform_5, window_bounds = array<i64: 2, 1000, 128>}, {transform_indices = @transform_6, window_bounds = array<i64: 2, 1000, 128>}]} {
    %get3A = arith.constant 0 : index
    %get3A_0 = arith.constant 0 : index
    %get3A_1 = vector.load %arg1[%get3A, %get3A_0] : memref<1000x128xf32, #tpu.memory_space<vmem>>, vector<1000x128xf32>
    %get3A_2 = arith.constant 0 : index
    %get3A_3 = arith.constant 0 : index
    %get3A_4 = vector.load %arg2[%get3A_2, %get3A_3] : memref<1000x128xf32, #tpu.memory_space<vmem>>, vector<1000x128xf32>
    %add3A = arith.addf %get3A_1, %get3A_4 : vector<1000x128xf32>
    %swap3A = arith.constant 0 : index
    %swap3A_5 = arith.constant 0 : index
    %swap3A_6 = vector.load %arg5[%swap3A, %swap3A_5] : memref<1000x128xf32, #tpu.memory_space<vmem>>, vector<1000x128xf32>
    tpu.vector_store %arg5[%swap3A, %swap3A_5], %add3A {strides = array<i32>} : memref<1000x128xf32, #tpu.memory_space<vmem>>, vector<1000x128xf32>,
    %get3A_7 = arith.constant 0 : index
    %get3A_8 = arith.constant 0 : index
    %get3A_9 = vector.load %arg3[%get3A_7, %get3A_8] : memref<128x512xf32, #tpu.memory_space<vmem>>, vector<128x512xf32>
    %dot_general3A = arith.constant dense<0.000000e+00> : vector<1000x512xf32>
    %dot_general3A_10 = tpu.matmul %add3A, %get3A_9, %dot_general3A {dimension_numbers = #tpu.dot_dimension_numbers<[1], [0], [0], [1], [0, 0, 1, 1], [], []>, precision = #tpu.contract_precision<fp32>, transpose_lhs_hint = false} : vector<1000x128xf32>, vector<128x512xf32>, vector<1000x512xf32> -> vector<1000x512xf32>
    %get3A_11 = arith.constant 0 : index
    %get3A_12 = vector.load %arg4[%get3A_11] : memref<512xf32, #tpu.memory_space<vmem>>, vector<512xf32>
    %broadcast_in_dim3A = vector.shape_cast %get3A_12 : vector<512xf32> to vector<1x512xf32>
    %add3A_13 = vector.broadcast %broadcast_in_dim3A : vector<1x512xf32> to vector<1000x512xf32>
    %add3A_14 = arith.addf %dot_general3A_10, %add3A_13 : vector<1000x512xf32>
    %slice3A = vector.extract_strided_slice %add3A_14 {offsets = [0, 0], sizes = [1000, 128], strides = [1, 1]} : vector<1000x512xf32> to vector<1000x128xf32>
    %swap3A_15 = arith.constant 0 : index
    %swap3A_16 = arith.constant 0 : index
    %swap3A_17 = arith.constant 0 : index
    %swap3A_18 = vector.load %arg6[%swap3A_15, %swap3A_16, %swap3A_17] : memref<2x1000x128xf32, #tpu.memory_space<vmem>>, vector<1x1000x128xf32>
    %swap3A_19 = vector.shape_cast %swap3A_18 : vector<1x1000x128xf32> to vector<1000x128xf32>
    %swap3A_20 = vector.shape_cast %slice3A : vector<1000x128xf32> to vector<1x1000x128xf32>
    tpu.vector_store %arg6[%swap3A_15, %swap3A_16, %swap3A_17], %swap3A_20 {strides = array<i32>} : memref<2x1000x128xf32, #tpu.memory_space<vmem>>, vector<1x1000x128xf32>,
    %slice3A_21 = vector.extract_strided_slice %add3A_14 {offsets = [0, 128], sizes = [1000, 128], strides = [1, 1]} : vector<1000x512xf32> to vector<1000x128xf32>
    %swap3A_22 = arith.constant 1 : index
    %swap3A_23 = arith.constant 0 : index
    %swap3A_24 = arith.constant 0 : index
    %swap3A_25 = vector.load %arg6[%swap3A_22, %swap3A_23, %swap3A_24] : memref<2x1000x128xf32, #tpu.memory_space<vmem>>, vector<1x1000x128xf32>
    %swap3A_26 = vector.shape_cast %swap3A_25 : vector<1x1000x128xf32> to vector<1000x128xf32>
    %swap3A_27 = vector.shape_cast %slice3A_21 : vector<1000x128xf32> to vector<1x1000x128xf32>
    tpu.vector_store %arg6[%swap3A_22, %swap3A_23, %swap3A_24], %swap3A_27 {strides = array<i32>} : memref<2x1000x128xf32, #tpu.memory_space<vmem>>, vector<1x1000x128xf32>,
    %slice3A_28 = vector.extract_strided_slice %add3A_14 {offsets = [0, 256], sizes = [1000, 128], strides = [1, 1]} : vector<1000x512xf32> to vector<1000x128xf32>
    %swap3A_29 = arith.constant 0 : index
    %swap3A_30 = arith.constant 0 : index
    %swap3A_31 = arith.constant 0 : index
    %swap3A_32 = vector.load %arg7[%swap3A_29, %swap3A_30, %swap3A_31] : memref<2x1000x128xf32, #tpu.memory_space<vmem>>, vector<1x1000x128xf32>
    %swap3A_33 = vector.shape_cast %swap3A_32 : vector<1x1000x128xf32> to vector<1000x128xf32>
    %swap3A_34 = vector.shape_cast %slice3A_28 : vector<1000x128xf32> to vector<1x1000x128xf32>
    tpu.vector_store %arg7[%swap3A_29, %swap3A_30, %swap3A_31], %swap3A_34 {strides = array<i32>} : memref<2x1000x128xf32, #tpu.memory_space<vmem>>, vector<1x1000x128xf32>,
    %slice3A_35 = vector.extract_strided_slice %add3A_14 {offsets = [0, 384], sizes = [1000, 128], strides = [1, 1]} : vector<1000x512xf32> to vector<1000x128xf32>
    %swap3A_36 = arith.constant 1 : index
    %swap3A_37 = arith.constant 0 : index
    %swap3A_38 = arith.constant 0 : index
    %swap3A_39 = vector.load %arg7[%swap3A_36, %swap3A_37, %swap3A_38] : memref<2x1000x128xf32, #tpu.memory_space<vmem>>, vector<1x1000x128xf32>
    %swap3A_40 = vector.shape_cast %swap3A_39 : vector<1x1000x128xf32> to vector<1000x128xf32>
    %swap3A_41 = vector.shape_cast %slice3A_35 : vector<1000x128xf32> to vector<1x1000x128xf32>
    tpu.vector_store %arg7[%swap3A_36, %swap3A_37, %swap3A_38], %swap3A_41 {strides = array<i32>} : memref<2x1000x128xf32, #tpu.memory_space<vmem>>, vector<1x1000x128xf32>,
    return
  }
  func.func @transform_0(%arg0: i32) -> (i32, i32) {
    %c0_i32 = arith.constant 0 : i32
    %c0_i32_0 = arith.constant 0 : i32
    return %arg0, %c0_i32 : i32, i32
  }
  func.func @transform_1(%arg0: i32) -> (i32, i32) {
    %c0_i32 = arith.constant 0 : i32
    %c0_i32_0 = arith.constant 0 : i32
    return %arg0, %c0_i32 : i32, i32
  }
  func.func @transform_2(%arg0: i32) -> (i32, i32) {
    %c0_i32 = arith.constant 0 : i32
    %c0_i32_0 = arith.constant 0 : i32
    %c0_i32_1 = arith.constant 0 : i32
    return %c0_i32, %c0_i32_0 : i32, i32
  }
  func.func @transform_3(%arg0: i32) -> i32 {
    %c0_i32 = arith.constant 0 : i32
    %c0_i32_0 = arith.constant 0 : i32
    return %c0_i32 : i32
  }
  func.func @transform_4(%arg0: i32) -> (i32, i32) {
    %c0_i32 = arith.constant 0 : i32
    %c0_i32_0 = arith.constant 0 : i32
    return %arg0, %c0_i32 : i32, i32
  }
  func.func @transform_5(%arg0: i32) -> (i32, i32, i32) {
    %c0_i32 = arith.constant 0 : i32
    %c0_i32_0 = arith.constant 0 : i32
    %c0_i32_1 = arith.constant 0 : i32
    return %c0_i32, %arg0, %c0_i32_0 : i32, i32, i32
  }
  func.func @transform_6(%arg0: i32) -> (i32, i32, i32) {
    %c0_i32 = arith.constant 0 : i32
    %c0_i32_0 = arith.constant 0 : i32
    %c0_i32_1 = arith.constant 0 : i32
    return %c0_i32, %arg0, %c0_i32_0 : i32, i32, i32
  }
}

module attributes {stable_mosaic.version = 14 : i64} {
  func.func @_post_body(%arg0: i32, %arg1: memref<2x1000x128xf32, #tpu.memory_space<vmem>>, %arg2: memref<1000x8xf32, #tpu.memory_space<vmem>>, %arg3: memref<1000x128xf32, #tpu.memory_space<vmem>>, %arg4: memref<128x128xf32, #tpu.memory_space<vmem>>, %arg5: memref<8x128xf32, #tpu.memory_space<vmem>>, %arg6: memref<128xf32, #tpu.memory_space<vmem>>, %arg7: memref<128x128xf32, #tpu.memory_space<vmem>>, %arg8: memref<128xf32, #tpu.memory_space<vmem>>, %arg9: memref<128x256xf32, #tpu.memory_space<vmem>>, %arg10: memref<256xf32, #tpu.memory_space<vmem>>, %arg11: memref<256x128xf32, #tpu.memory_space<vmem>>, %arg12: memref<128xf32, #tpu.memory_space<vmem>>, %arg13: memref<128xf32, #tpu.memory_space<vmem>>, %arg14: memref<128xf32, #tpu.memory_space<vmem>>, %arg15: memref<128xf32, #tpu.memory_space<vmem>>, %arg16: memref<128xf32, #tpu.memory_space<vmem>>, %arg17: memref<1000x128xf32, #tpu.memory_space<vmem>>) attributes {dimension_semantics = [#tpu.dimension_semantics<arbitrary>], iteration_bounds = array<i64: 10>, scalar_prefetch = 0 : i64, scratch_operands = 0 : i64, tpu.core_type = #tpu.core_type<tc>, window_params = [{transform_indices = @transform_0, window_bounds = array<i64: 2, 1000, 128>}, {transform_indices = @transform_1, window_bounds = array<i64: 1000, 8>}, {transform_indices = @transform_2, window_bounds = array<i64: 1000, 128>}, {pipeline_mode = #tpu.pipeline_mode<synchronous>, transform_indices = @transform_3, window_bounds = array<i64: 128, 128>}, {pipeline_mode = #tpu.pipeline_mode<synchronous>, transform_indices = @transform_4, window_bounds = array<i64: 8, 128>}, {pipeline_mode = #tpu.pipeline_mode<synchronous>, transform_indices = @transform_5, window_bounds = array<i64: 128>}, {pipeline_mode = #tpu.pipeline_mode<synchronous>, transform_indices = @transform_6, window_bounds = array<i64: 128, 128>}, {pipeline_mode = #tpu.pipeline_mode<synchronous>, transform_indices = @transform_7, window_bounds = array<i64: 128>}, {pipeline_mode = #tpu.pipeline_mode<synchronous>, transform_indices = @transform_8, window_bounds = array<i64: 128, 256>}, {pipeline_mode = #tpu.pipeline_mode<synchronous>, transform_indices = @transform_9, window_bounds = array<i64: 256>}, {pipeline_mode = #tpu.pipeline_mode<synchronous>, transform_indices = @transform_10, window_bounds = array<i64: 256, 128>}, {pipeline_mode = #tpu.pipeline_mode<synchronous>, transform_indices = @transform_11, window_bounds = array<i64: 128>}, {pipeline_mode = #tpu.pipeline_mode<synchronous>, transform_indices = @transform_12, window_bounds = array<i64: 128>}, {pipeline_mode = #tpu.pipeline_mode<synchronous>, transform_indices = @transform_13, window_bounds = array<i64: 128>}, {pipeline_mode = #tpu.pipeline_mode<synchronous>, transform_indices = @transform_14, window_bounds = array<i64: 128>}, {pipeline_mode = #tpu.pipeline_mode<synchronous>, transform_indices = @transform_15, window_bounds = array<i64: 128>}, {transform_indices = @transform_16, window_bounds = array<i64: 1000, 128>}]} {
    %get3A = arith.constant 0 : index
    %get3A_0 = arith.constant 0 : index
    %get3A_1 = arith.constant 0 : index
    %get3A_2 = vector.load %arg1[%get3A, %get3A_0, %get3A_1] : memref<2x1000x128xf32, #tpu.memory_space<vmem>>, vector<1x1000x128xf32>
    %get3A_3 = vector.shape_cast %get3A_2 : vector<1x1000x128xf32> to vector<1000x128xf32>
    %get3A_4 = arith.constant 1 : index
    %get3A_5 = arith.constant 0 : index
    %get3A_6 = arith.constant 0 : index
    %get3A_7 = vector.load %arg1[%get3A_4, %get3A_5, %get3A_6] : memref<2x1000x128xf32, #tpu.memory_space<vmem>>, vector<1x1000x128xf32>
    %get3A_8 = vector.shape_cast %get3A_7 : vector<1x1000x128xf32> to vector<1000x128xf32>
    %slice3A = vector.extract_strided_slice %get3A_3 {offsets = [0, 0], sizes = [1000, 64], strides = [1, 1]} : vector<1000x128xf32> to vector<1000x64xf32>
    %slice3A_9 = vector.extract_strided_slice %get3A_8 {offsets = [0, 0], sizes = [1000, 64], strides = [1, 1]} : vector<1000x128xf32> to vector<1000x64xf32>
    %concatenate3A = tpu.concatenate %slice3A, %slice3A_9 in 1 : vector<1000x64xf32>, vector<1000x64xf32> -> vector<1000x128xf32>
    %slice3A_10 = vector.extract_strided_slice %get3A_3 {offsets = [0, 64], sizes = [1000, 64], strides = [1, 1]} : vector<1000x128xf32> to vector<1000x64xf32>
    %slice3A_11 = vector.extract_strided_slice %get3A_8 {offsets = [0, 64], sizes = [1000, 64], strides = [1, 1]} : vector<1000x128xf32> to vector<1000x64xf32>
    %concatenate3A_12 = tpu.concatenate %slice3A_10, %slice3A_11 in 1 : vector<1000x64xf32>, vector<1000x64xf32> -> vector<1000x128xf32>
    %get3A_13 = arith.constant 0 : index
    %get3A_14 = arith.constant 0 : index
    %get3A_15 = vector.load %arg2[%get3A_13, %get3A_14] : memref<1000x8xf32, #tpu.memory_space<vmem>>, vector<1000x8xf32>
    %get3A_16 = arith.constant 0 : index
    %get3A_17 = arith.constant 0 : index
    %get3A_18 = vector.load %arg5[%get3A_16, %get3A_17] : memref<8x128xf32, #tpu.memory_space<vmem>>, vector<8x128xf32>
    %dot_general3A = arith.constant dense<0.000000e+00> : vector<1000x128xf32>
    %dot_general3A_19 = tpu.matmul %get3A_15, %get3A_18, %dot_general3A {dimension_numbers = #tpu.dot_dimension_numbers<[1], [0], [0], [1], [0, 0, 1, 1], [], []>, precision = #tpu.contract_precision<fp32>, transpose_lhs_hint = false} : vector<1000x8xf32>, vector<8x128xf32>, vector<1000x128xf32> -> vector<1000x128xf32>
    %get3A_20 = arith.constant 0 : index
    %get3A_21 = arith.constant 0 : index
    %get3A_22 = vector.load %arg4[%get3A_20, %get3A_21] : memref<128x128xf32, #tpu.memory_space<vmem>>, vector<128x128xf32>
    %dot_general3A_23 = arith.constant dense<0.000000e+00> : vector<1000x128xf32>
    %dot_general3A_24 = tpu.matmul %concatenate3A_12, %get3A_22, %dot_general3A_23 {dimension_numbers = #tpu.dot_dimension_numbers<[1], [0], [0], [1], [0, 0, 1, 1], [], []>, precision = #tpu.contract_precision<fp32>, transpose_lhs_hint = false} : vector<1000x128xf32>, vector<128x128xf32>, vector<1000x128xf32> -> vector<1000x128xf32>
    %add3A = arith.addf %concatenate3A, %dot_general3A_24 : vector<1000x128xf32>
    %get3A_25 = arith.constant 0 : index
    %get3A_26 = vector.load %arg6[%get3A_25] : memref<128xf32, #tpu.memory_space<vmem>>, vector<128xf32>
    %broadcast_in_dim3A = vector.shape_cast %get3A_26 : vector<128xf32> to vector<1x128xf32>
    %mul3A = vector.broadcast %broadcast_in_dim3A : vector<1x128xf32> to vector<1000x128xf32>
    %mul3A_27 = arith.mulf %dot_general3A_19, %mul3A : vector<1000x128xf32>
    %add3A_28 = arith.addf %add3A, %mul3A_27 : vector<1000x128xf32>
    %add3A_29 = arith.constant 1.000000e-16 : f32
    %add3A_30 = vector.broadcast %add3A_29 : f32 to vector<1000x128xf32>
    %add3A_31 = arith.addf %dot_general3A_19, %add3A_30 : vector<1000x128xf32>
    %div3A = arith.divf %add3A_28, %add3A_31 : vector<1000x128xf32>
    %get3A_32 = arith.constant 0 : index
    %get3A_33 = arith.constant 0 : index
    %get3A_34 = vector.load %arg3[%get3A_32, %get3A_33] : memref<1000x128xf32, #tpu.memory_space<vmem>>, vector<1000x128xf32>
    %get3A_35 = arith.constant 0 : index
    %get3A_36 = arith.constant 0 : index
    %get3A_37 = vector.load %arg7[%get3A_35, %get3A_36] : memref<128x128xf32, #tpu.memory_space<vmem>>, vector<128x128xf32>
    %dot_general3A_38 = arith.constant dense<0.000000e+00> : vector<1000x128xf32>
    %dot_general3A_39 = tpu.matmul %get3A_34, %get3A_37, %dot_general3A_38 {dimension_numbers = #tpu.dot_dimension_numbers<[1], [0], [0], [1], [0, 0, 1, 1], [], []>, precision = #tpu.contract_precision<fp32>, transpose_lhs_hint = false} : vector<1000x128xf32>, vector<128x128xf32>, vector<1000x128xf32> -> vector<1000x128xf32>
    %add3A_40 = arith.addf %div3A, %dot_general3A_39 : vector<1000x128xf32>
    %get3A_41 = arith.constant 0 : index
    %get3A_42 = vector.load %arg8[%get3A_41] : memref<128xf32, #tpu.memory_space<vmem>>, vector<128xf32>
    %broadcast_in_dim3A_43 = vector.shape_cast %get3A_42 : vector<128xf32> to vector<1x128xf32>
    %add3A_44 = vector.broadcast %broadcast_in_dim3A_43 : vector<1x128xf32> to vector<1000x128xf32>
    %add3A_45 = arith.addf %add3A_40, %add3A_44 : vector<1000x128xf32>
    %add3A_46 = arith.addf %get3A_34, %add3A_45 : vector<1000x128xf32>
    %get3A_47 = arith.constant 0 : index
    %get3A_48 = vector.load %arg13[%get3A_47] : memref<128xf32, #tpu.memory_space<vmem>>, vector<128xf32>
    %get3A_49 = arith.constant 0 : index
    %get3A_50 = vector.load %arg14[%get3A_49] : memref<128xf32, #tpu.memory_space<vmem>>, vector<128xf32>
    %reduce_sum3A = arith.constant dense<0.000000e+00> : vector<1000xf32>
    %reduce_sum3A_51 = vector.multi_reduction <add>, %add3A_46, %reduce_sum3A [1] : vector<1000x128xf32> to vector<1000xf32>
    %broadcast_in_dim3A_52 = vector.shape_cast %reduce_sum3A_51 : vector<1000xf32> to vector<1000x1xf32>
    %div3A_53 = arith.constant 1.280000e+02 : f32
    %div3A_54 = vector.broadcast %div3A_53 : f32 to vector<1000x1xf32>
    %div3A_55 = arith.divf %broadcast_in_dim3A_52, %div3A_54 : vector<1000x1xf32>
    %sub3A = vector.broadcast %div3A_55 : vector<1000x1xf32> to vector<1000x128xf32>
    %sub3A_56 = arith.subf %add3A_46, %sub3A : vector<1000x128xf32>
    %integer_pow3A = arith.mulf %sub3A_56, %sub3A_56 : vector<1000x128xf32>
    %reduce_sum3A_57 = arith.constant dense<0.000000e+00> : vector<1000xf32>
    %reduce_sum3A_58 = vector.multi_reduction <add>, %integer_pow3A, %reduce_sum3A_57 [1] : vector<1000x128xf32> to vector<1000xf32>
    %broadcast_in_dim3A_59 = vector.shape_cast %reduce_sum3A_58 : vector<1000xf32> to vector<1000x1xf32>
    %div3A_60 = arith.constant 1.280000e+02 : f32
    %div3A_61 = vector.broadcast %div3A_60 : f32 to vector<1000x1xf32>
    %div3A_62 = arith.divf %broadcast_in_dim3A_59, %div3A_61 : vector<1000x1xf32>
    %sub3A_63 = vector.broadcast %div3A_55 : vector<1000x1xf32> to vector<1000x128xf32>
    %sub3A_64 = arith.subf %add3A_46, %sub3A_63 : vector<1000x128xf32>
    %add3A_65 = arith.constant 9.99999974E-6 : f32
    %add3A_66 = vector.broadcast %add3A_65 : f32 to vector<1000x1xf32>
    %add3A_67 = arith.addf %div3A_62, %add3A_66 : vector<1000x1xf32>
    %sqrt3A = math.sqrt %add3A_67 : vector<1000x1xf32>
    %div3A_68 = vector.broadcast %sqrt3A : vector<1000x1xf32> to vector<1000x128xf32>
    %div3A_69 = arith.divf %sub3A_64, %div3A_68 : vector<1000x128xf32>
    %broadcast_in_dim3A_70 = vector.shape_cast %get3A_48 : vector<128xf32> to vector<1x128xf32>
    %mul3A_71 = vector.broadcast %broadcast_in_dim3A_70 : vector<1x128xf32> to vector<1000x128xf32>
    %mul3A_72 = arith.mulf %div3A_69, %mul3A_71 : vector<1000x128xf32>
    %broadcast_in_dim3A_73 = vector.shape_cast %get3A_50 : vector<128xf32> to vector<1x128xf32>
    %add3A_74 = vector.broadcast %broadcast_in_dim3A_73 : vector<1x128xf32> to vector<1000x128xf32>
    %add3A_75 = arith.addf %mul3A_72, %add3A_74 : vector<1000x128xf32>
    %get3A_76 = arith.constant 0 : index
    %get3A_77 = arith.constant 0 : index
    %get3A_78 = vector.load %arg9[%get3A_76, %get3A_77] : memref<128x256xf32, #tpu.memory_space<vmem>>, vector<128x256xf32>
    %dot_general3A_79 = arith.constant dense<0.000000e+00> : vector<1000x256xf32>
    %dot_general3A_80 = tpu.matmul %add3A_75, %get3A_78, %dot_general3A_79 {dimension_numbers = #tpu.dot_dimension_numbers<[1], [0], [0], [1], [0, 0, 1, 1], [], []>, precision = #tpu.contract_precision<fp32>, transpose_lhs_hint = false} : vector<1000x128xf32>, vector<128x256xf32>, vector<1000x256xf32> -> vector<1000x256xf32>
    %get3A_81 = arith.constant 0 : index
    %get3A_82 = vector.load %arg10[%get3A_81] : memref<256xf32, #tpu.memory_space<vmem>>, vector<256xf32>
    %broadcast_in_dim3A_83 = vector.shape_cast %get3A_82 : vector<256xf32> to vector<1x256xf32>
    %add3A_84 = vector.broadcast %broadcast_in_dim3A_83 : vector<1x256xf32> to vector<1000x256xf32>
    %add3A_85 = arith.addf %dot_general3A_80, %add3A_84 : vector<1000x256xf32>
    %max3A = arith.constant 0.000000e+00 : f32
    %max3A_86 = vector.broadcast %max3A : f32 to vector<1000x256xf32>
    %max3A_87 = arith.maximumf %add3A_85, %max3A_86 : vector<1000x256xf32>
    %get3A_88 = arith.constant 0 : index
    %get3A_89 = arith.constant 0 : index
    %get3A_90 = vector.load %arg11[%get3A_88, %get3A_89] : memref<256x128xf32, #tpu.memory_space<vmem>>, vector<256x128xf32>
    %dot_general3A_91 = arith.constant dense<0.000000e+00> : vector<1000x128xf32>
    %dot_general3A_92 = tpu.matmul %max3A_87, %get3A_90, %dot_general3A_91 {dimension_numbers = #tpu.dot_dimension_numbers<[1], [0], [0], [1], [0, 0, 1, 1], [], []>, precision = #tpu.contract_precision<fp32>, transpose_lhs_hint = false} : vector<1000x256xf32>, vector<256x128xf32>, vector<1000x128xf32> -> vector<1000x128xf32>
    %get3A_93 = arith.constant 0 : index
    %get3A_94 = vector.load %arg12[%get3A_93] : memref<128xf32, #tpu.memory_space<vmem>>, vector<128xf32>
    %broadcast_in_dim3A_95 = vector.shape_cast %get3A_94 : vector<128xf32> to vector<1x128xf32>
    %add3A_96 = vector.broadcast %broadcast_in_dim3A_95 : vector<1x128xf32> to vector<1000x128xf32>
    %add3A_97 = arith.addf %dot_general3A_92, %add3A_96 : vector<1000x128xf32>
    %add3A_98 = arith.addf %add3A_75, %add3A_97 : vector<1000x128xf32>
    %get3A_99 = arith.constant 0 : index
    %get3A_100 = vector.load %arg15[%get3A_99] : memref<128xf32, #tpu.memory_space<vmem>>, vector<128xf32>
    %get3A_101 = arith.constant 0 : index
    %get3A_102 = vector.load %arg16[%get3A_101] : memref<128xf32, #tpu.memory_space<vmem>>, vector<128xf32>
    %reduce_sum3A_103 = arith.constant dense<0.000000e+00> : vector<1000xf32>
    %reduce_sum3A_104 = vector.multi_reduction <add>, %add3A_98, %reduce_sum3A_103 [1] : vector<1000x128xf32> to vector<1000xf32>
    %broadcast_in_dim3A_105 = vector.shape_cast %reduce_sum3A_104 : vector<1000xf32> to vector<1000x1xf32>
    %div3A_106 = arith.constant 1.280000e+02 : f32
    %div3A_107 = vector.broadcast %div3A_106 : f32 to vector<1000x1xf32>
    %div3A_108 = arith.divf %broadcast_in_dim3A_105, %div3A_107 : vector<1000x1xf32>
    %sub3A_109 = vector.broadcast %div3A_108 : vector<1000x1xf32> to vector<1000x128xf32>
    %sub3A_110 = arith.subf %add3A_98, %sub3A_109 : vector<1000x128xf32>
    %integer_pow3A_111 = arith.mulf %sub3A_110, %sub3A_110 : vector<1000x128xf32>
    %reduce_sum3A_112 = arith.constant dense<0.000000e+00> : vector<1000xf32>
    %reduce_sum3A_113 = vector.multi_reduction <add>, %integer_pow3A_111, %reduce_sum3A_112 [1] : vector<1000x128xf32> to vector<1000xf32>
    %broadcast_in_dim3A_114 = vector.shape_cast %reduce_sum3A_113 : vector<1000xf32> to vector<1000x1xf32>
    %div3A_115 = arith.constant 1.280000e+02 : f32
    %div3A_116 = vector.broadcast %div3A_115 : f32 to vector<1000x1xf32>
    %div3A_117 = arith.divf %broadcast_in_dim3A_114, %div3A_116 : vector<1000x1xf32>
    %sub3A_118 = vector.broadcast %div3A_108 : vector<1000x1xf32> to vector<1000x128xf32>
    %sub3A_119 = arith.subf %add3A_98, %sub3A_118 : vector<1000x128xf32>
    %add3A_120 = arith.constant 9.99999974E-6 : f32
    %add3A_121 = vector.broadcast %add3A_120 : f32 to vector<1000x1xf32>
    %add3A_122 = arith.addf %div3A_117, %add3A_121 : vector<1000x1xf32>
    %sqrt3A_123 = math.sqrt %add3A_122 : vector<1000x1xf32>
    %div3A_124 = vector.broadcast %sqrt3A_123 : vector<1000x1xf32> to vector<1000x128xf32>
    %div3A_125 = arith.divf %sub3A_119, %div3A_124 : vector<1000x128xf32>
    %broadcast_in_dim3A_126 = vector.shape_cast %get3A_100 : vector<128xf32> to vector<1x128xf32>
    %mul3A_127 = vector.broadcast %broadcast_in_dim3A_126 : vector<1x128xf32> to vector<1000x128xf32>
    %mul3A_128 = arith.mulf %div3A_125, %mul3A_127 : vector<1000x128xf32>
    %broadcast_in_dim3A_129 = vector.shape_cast %get3A_102 : vector<128xf32> to vector<1x128xf32>
    %add3A_130 = vector.broadcast %broadcast_in_dim3A_129 : vector<1x128xf32> to vector<1000x128xf32>
    %add3A_131 = arith.addf %mul3A_128, %add3A_130 : vector<1000x128xf32>
    %swap3A = arith.constant 0 : index
    %swap3A_132 = arith.constant 0 : index
    %swap3A_133 = vector.load %arg17[%swap3A, %swap3A_132] : memref<1000x128xf32, #tpu.memory_space<vmem>>, vector<1000x128xf32>
    tpu.vector_store %arg17[%swap3A, %swap3A_132], %add3A_131 {strides = array<i32>} : memref<1000x128xf32, #tpu.memory_space<vmem>>, vector<1000x128xf32>,
    return
  }
  func.func @transform_0(%arg0: i32) -> (i32, i32, i32) {
    %c0_i32 = arith.constant 0 : i32
    %c0_i32_0 = arith.constant 0 : i32
    %c0_i32_1 = arith.constant 0 : i32
    return %c0_i32, %arg0, %c0_i32_0 : i32, i32, i32
  }
  func.func @transform_1(%arg0: i32) -> (i32, i32) {
    %c0_i32 = arith.constant 0 : i32
    %c0_i32_0 = arith.constant 0 : i32
    return %arg0, %c0_i32 : i32, i32
  }
  func.func @transform_2(%arg0: i32) -> (i32, i32) {
    %c0_i32 = arith.constant 0 : i32
    %c0_i32_0 = arith.constant 0 : i32
    return %arg0, %c0_i32 : i32, i32
  }
  func.func @transform_3(%arg0: i32) -> (i32, i32) {
    %c0_i32 = arith.constant 0 : i32
    %c0_i32_0 = arith.constant 0 : i32
    %c0_i32_1 = arith.constant 0 : i32
    return %c0_i32, %c0_i32_0 : i32, i32
  }
  func.func @transform_4(%arg0: i32) -> (i32, i32) {
    %c0_i32 = arith.constant 0 : i32
    %c0_i32_0 = arith.constant 0 : i32
    %c0_i32_1 = arith.constant 0 : i32
    return %c0_i32, %c0_i32_0 : i32, i32
  }
  func.func @transform_5(%arg0: i32) -> i32 {
    %c0_i32 = arith.constant 0 : i32
    %c0_i32_0 = arith.constant 0 : i32
    return %c0_i32 : i32
  }
  func.func @transform_6(%arg0: i32) -> (i32, i32) {
    %c0_i32 = arith.constant 0 : i32
    %c0_i32_0 = arith.constant 0 : i32
    %c0_i32_1 = arith.constant 0 : i32
    return %c0_i32, %c0_i32_0 : i32, i32
  }
  func.func @transform_7(%arg0: i32) -> i32 {
    %c0_i32 = arith.constant 0 : i32
    %c0_i32_0 = arith.constant 0 : i32
    return %c0_i32 : i32
  }
  func.func @transform_8(%arg0: i32) -> (i32, i32) {
    %c0_i32 = arith.constant 0 : i32
    %c0_i32_0 = arith.constant 0 : i32
    %c0_i32_1 = arith.constant 0 : i32
    return %c0_i32, %c0_i32_0 : i32, i32
  }
  func.func @transform_9(%arg0: i32) -> i32 {
    %c0_i32 = arith.constant 0 : i32
    %c0_i32_0 = arith.constant 0 : i32
    return %c0_i32 : i32
  }
  func.func @transform_10(%arg0: i32) -> (i32, i32) {
    %c0_i32 = arith.constant 0 : i32
    %c0_i32_0 = arith.constant 0 : i32
    %c0_i32_1 = arith.constant 0 : i32
    return %c0_i32, %c0_i32_0 : i32, i32
  }
  func.func @transform_11(%arg0: i32) -> i32 {
    %c0_i32 = arith.constant 0 : i32
    %c0_i32_0 = arith.constant 0 : i32
    return %c0_i32 : i32
  }
  func.func @transform_12(%arg0: i32) -> i32 {
    %c0_i32 = arith.constant 0 : i32
    %c0_i32_0 = arith.constant 0 : i32
    return %c0_i32 : i32
  }
  func.func @transform_13(%arg0: i32) -> i32 {
    %c0_i32 = arith.constant 0 : i32
    %c0_i32_0 = arith.constant 0 : i32
    return %c0_i32 : i32
  }
  func.func @transform_14(%arg0: i32) -> i32 {
    %c0_i32 = arith.constant 0 : i32
    %c0_i32_0 = arith.constant 0 : i32
    return %c0_i32 : i32
  }
  func.func @transform_15(%arg0: i32) -> i32 {
    %c0_i32 = arith.constant 0 : i32
    %c0_i32_0 = arith.constant 0 : i32
    return %c0_i32 : i32
  }
  func.func @transform_16(%arg0: i32) -> (i32, i32) {
    %c0_i32 = arith.constant 0 : i32
    %c0_i32_0 = arith.constant 0 : i32
    return %arg0, %c0_i32 : i32, i32
  }
}

module attributes {stable_mosaic.version = 14 : i64} {
  func.func @_post_body(%arg0: i32, %arg1: memref<2x1000x128xf32, #tpu.memory_space<vmem>>, %arg2: memref<1000x8xf32, #tpu.memory_space<vmem>>, %arg3: memref<1000x128xf32, #tpu.memory_space<vmem>>, %arg4: memref<128x128xf32, #tpu.memory_space<vmem>>, %arg5: memref<8x128xf32, #tpu.memory_space<vmem>>, %arg6: memref<128xf32, #tpu.memory_space<vmem>>, %arg7: memref<128x128xf32, #tpu.memory_space<vmem>>, %arg8: memref<128xf32, #tpu.memory_space<vmem>>, %arg9: memref<128x256xf32, #tpu.memory_space<vmem>>, %arg10: memref<256xf32, #tpu.memory_space<vmem>>, %arg11: memref<256x128xf32, #tpu.memory_space<vmem>>, %arg12: memref<128xf32, #tpu.memory_space<vmem>>, %arg13: memref<128xf32, #tpu.memory_space<vmem>>, %arg14: memref<128xf32, #tpu.memory_space<vmem>>, %arg15: memref<128xf32, #tpu.memory_space<vmem>>, %arg16: memref<128xf32, #tpu.memory_space<vmem>>, %arg17: memref<1000x128xf32, #tpu.memory_space<vmem>>) attributes {dimension_semantics = [#tpu.dimension_semantics<arbitrary>], iteration_bounds = array<i64: 10>, scalar_prefetch = 0 : i64, scratch_operands = 0 : i64, tpu.core_type = #tpu.core_type<tc>, window_params = [{transform_indices = @transform_0, window_bounds = array<i64: 2, 1000, 128>}, {transform_indices = @transform_1, window_bounds = array<i64: 1000, 8>}, {transform_indices = @transform_2, window_bounds = array<i64: 1000, 128>}, {pipeline_mode = #tpu.pipeline_mode<synchronous>, transform_indices = @transform_3, window_bounds = array<i64: 128, 128>}, {pipeline_mode = #tpu.pipeline_mode<synchronous>, transform_indices = @transform_4, window_bounds = array<i64: 8, 128>}, {pipeline_mode = #tpu.pipeline_mode<synchronous>, transform_indices = @transform_5, window_bounds = array<i64: 128>}, {pipeline_mode = #tpu.pipeline_mode<synchronous>, transform_indices = @transform_6, window_bounds = array<i64: 128, 128>}, {pipeline_mode = #tpu.pipeline_mode<synchronous>, transform_indices = @transform_7, window_bounds = array<i64: 128>}, {pipeline_mode = #tpu.pipeline_mode<synchronous>, transform_indices = @transform_8, window_bounds = array<i64: 128, 256>}, {pipeline_mode = #tpu.pipeline_mode<synchronous>, transform_indices = @transform_9, window_bounds = array<i64: 256>}, {pipeline_mode = #tpu.pipeline_mode<synchronous>, transform_indices = @transform_10, window_bounds = array<i64: 256, 128>}, {pipeline_mode = #tpu.pipeline_mode<synchronous>, transform_indices = @transform_11, window_bounds = array<i64: 128>}, {pipeline_mode = #tpu.pipeline_mode<synchronous>, transform_indices = @transform_12, window_bounds = array<i64: 128>}, {pipeline_mode = #tpu.pipeline_mode<synchronous>, transform_indices = @transform_13, window_bounds = array<i64: 128>}, {pipeline_mode = #tpu.pipeline_mode<synchronous>, transform_indices = @transform_14, window_bounds = array<i64: 128>}, {pipeline_mode = #tpu.pipeline_mode<synchronous>, transform_indices = @transform_15, window_bounds = array<i64: 128>}, {transform_indices = @transform_16, window_bounds = array<i64: 1000, 128>}]} {
    %get3A = arith.constant 0 : index
    %get3A_0 = arith.constant 0 : index
    %get3A_1 = arith.constant 0 : index
    %get3A_2 = vector.load %arg1[%get3A, %get3A_0, %get3A_1] : memref<2x1000x128xf32, #tpu.memory_space<vmem>>, vector<1x1000x128xf32>
    %get3A_3 = vector.shape_cast %get3A_2 : vector<1x1000x128xf32> to vector<1000x128xf32>
    %get3A_4 = arith.constant 1 : index
    %get3A_5 = arith.constant 0 : index
    %get3A_6 = arith.constant 0 : index
    %get3A_7 = vector.load %arg1[%get3A_4, %get3A_5, %get3A_6] : memref<2x1000x128xf32, #tpu.memory_space<vmem>>, vector<1x1000x128xf32>
    %get3A_8 = vector.shape_cast %get3A_7 : vector<1x1000x128xf32> to vector<1000x128xf32>
    %slice3A = vector.extract_strided_slice %get3A_3 {offsets = [0, 0], sizes = [1000, 64], strides = [1, 1]} : vector<1000x128xf32> to vector<1000x64xf32>
    %slice3A_9 = vector.extract_strided_slice %get3A_8 {offsets = [0, 0], sizes = [1000, 64], strides = [1, 1]} : vector<1000x128xf32> to vector<1000x64xf32>
    %concatenate3A = tpu.concatenate %slice3A, %slice3A_9 in 1 : vector<1000x64xf32>, vector<1000x64xf32> -> vector<1000x128xf32>
    %slice3A_10 = vector.extract_strided_slice %get3A_3 {offsets = [0, 64], sizes = [1000, 64], strides = [1, 1]} : vector<1000x128xf32> to vector<1000x64xf32>
    %slice3A_11 = vector.extract_strided_slice %get3A_8 {offsets = [0, 64], sizes = [1000, 64], strides = [1, 1]} : vector<1000x128xf32> to vector<1000x64xf32>
    %concatenate3A_12 = tpu.concatenate %slice3A_10, %slice3A_11 in 1 : vector<1000x64xf32>, vector<1000x64xf32> -> vector<1000x128xf32>
    %get3A_13 = arith.constant 0 : index
    %get3A_14 = arith.constant 0 : index
    %get3A_15 = vector.load %arg2[%get3A_13, %get3A_14] : memref<1000x8xf32, #tpu.memory_space<vmem>>, vector<1000x8xf32>
    %get3A_16 = arith.constant 0 : index
    %get3A_17 = arith.constant 0 : index
    %get3A_18 = vector.load %arg5[%get3A_16, %get3A_17] : memref<8x128xf32, #tpu.memory_space<vmem>>, vector<8x128xf32>
    %dot_general3A = arith.constant dense<0.000000e+00> : vector<1000x128xf32>
    %dot_general3A_19 = tpu.matmul %get3A_15, %get3A_18, %dot_general3A {dimension_numbers = #tpu.dot_dimension_numbers<[1], [0], [0], [1], [0, 0, 1, 1], [], []>, precision = #tpu.contract_precision<fp32>, transpose_lhs_hint = false} : vector<1000x8xf32>, vector<8x128xf32>, vector<1000x128xf32> -> vector<1000x128xf32>
    %get3A_20 = arith.constant 0 : index
    %get3A_21 = arith.constant 0 : index
    %get3A_22 = vector.load %arg4[%get3A_20, %get3A_21] : memref<128x128xf32, #tpu.memory_space<vmem>>, vector<128x128xf32>
    %dot_general3A_23 = arith.constant dense<0.000000e+00> : vector<1000x128xf32>
    %dot_general3A_24 = tpu.matmul %concatenate3A_12, %get3A_22, %dot_general3A_23 {dimension_numbers = #tpu.dot_dimension_numbers<[1], [0], [0], [1], [0, 0, 1, 1], [], []>, precision = #tpu.contract_precision<fp32>, transpose_lhs_hint = false} : vector<1000x128xf32>, vector<128x128xf32>, vector<1000x128xf32> -> vector<1000x128xf32>
    %add3A = arith.addf %concatenate3A, %dot_general3A_24 : vector<1000x128xf32>
    %get3A_25 = arith.constant 0 : index
    %get3A_26 = vector.load %arg6[%get3A_25] : memref<128xf32, #tpu.memory_space<vmem>>, vector<128xf32>
    %broadcast_in_dim3A = vector.shape_cast %get3A_26 : vector<128xf32> to vector<1x128xf32>
    %mul3A = vector.broadcast %broadcast_in_dim3A : vector<1x128xf32> to vector<1000x128xf32>
    %mul3A_27 = arith.mulf %dot_general3A_19, %mul3A : vector<1000x128xf32>
    %add3A_28 = arith.addf %add3A, %mul3A_27 : vector<1000x128xf32>
    %add3A_29 = arith.constant 1.000000e-16 : f32
    %add3A_30 = vector.broadcast %add3A_29 : f32 to vector<1000x128xf32>
    %add3A_31 = arith.addf %dot_general3A_19, %add3A_30 : vector<1000x128xf32>
    %div3A = arith.divf %add3A_28, %add3A_31 : vector<1000x128xf32>
    %get3A_32 = arith.constant 0 : index
    %get3A_33 = arith.constant 0 : index
    %get3A_34 = vector.load %arg3[%get3A_32, %get3A_33] : memref<1000x128xf32, #tpu.memory_space<vmem>>, vector<1000x128xf32>
    %get3A_35 = arith.constant 0 : index
    %get3A_36 = arith.constant 0 : index
    %get3A_37 = vector.load %arg7[%get3A_35, %get3A_36] : memref<128x128xf32, #tpu.memory_space<vmem>>, vector<128x128xf32>
    %dot_general3A_38 = arith.constant dense<0.000000e+00> : vector<1000x128xf32>
    %dot_general3A_39 = tpu.matmul %get3A_34, %get3A_37, %dot_general3A_38 {dimension_numbers = #tpu.dot_dimension_numbers<[1], [0], [0], [1], [0, 0, 1, 1], [], []>, precision = #tpu.contract_precision<fp32>, transpose_lhs_hint = false} : vector<1000x128xf32>, vector<128x128xf32>, vector<1000x128xf32> -> vector<1000x128xf32>
    %add3A_40 = arith.addf %div3A, %dot_general3A_39 : vector<1000x128xf32>
    %get3A_41 = arith.constant 0 : index
    %get3A_42 = vector.load %arg8[%get3A_41] : memref<128xf32, #tpu.memory_space<vmem>>, vector<128xf32>
    %broadcast_in_dim3A_43 = vector.shape_cast %get3A_42 : vector<128xf32> to vector<1x128xf32>
    %add3A_44 = vector.broadcast %broadcast_in_dim3A_43 : vector<1x128xf32> to vector<1000x128xf32>
    %add3A_45 = arith.addf %add3A_40, %add3A_44 : vector<1000x128xf32>
    %add3A_46 = arith.addf %get3A_34, %add3A_45 : vector<1000x128xf32>
    %get3A_47 = arith.constant 0 : index
    %get3A_48 = vector.load %arg13[%get3A_47] : memref<128xf32, #tpu.memory_space<vmem>>, vector<128xf32>
    %get3A_49 = arith.constant 0 : index
    %get3A_50 = vector.load %arg14[%get3A_49] : memref<128xf32, #tpu.memory_space<vmem>>, vector<128xf32>
    %reduce_sum3A = arith.constant dense<0.000000e+00> : vector<1000xf32>
    %reduce_sum3A_51 = vector.multi_reduction <add>, %add3A_46, %reduce_sum3A [1] : vector<1000x128xf32> to vector<1000xf32>
    %broadcast_in_dim3A_52 = vector.shape_cast %reduce_sum3A_51 : vector<1000xf32> to vector<1000x1xf32>
    %div3A_53 = arith.constant 1.280000e+02 : f32
    %div3A_54 = vector.broadcast %div3A_53 : f32 to vector<1000x1xf32>
    %div3A_55 = arith.divf %broadcast_in_dim3A_52, %div3A_54 : vector<1000x1xf32>
    %sub3A = vector.broadcast %div3A_55 : vector<1000x1xf32> to vector<1000x128xf32>
    %sub3A_56 = arith.subf %add3A_46, %sub3A : vector<1000x128xf32>
    %integer_pow3A = arith.mulf %sub3A_56, %sub3A_56 : vector<1000x128xf32>
    %reduce_sum3A_57 = arith.constant dense<0.000000e+00> : vector<1000xf32>
    %reduce_sum3A_58 = vector.multi_reduction <add>, %integer_pow3A, %reduce_sum3A_57 [1] : vector<1000x128xf32> to vector<1000xf32>
    %broadcast_in_dim3A_59 = vector.shape_cast %reduce_sum3A_58 : vector<1000xf32> to vector<1000x1xf32>
    %div3A_60 = arith.constant 1.280000e+02 : f32
    %div3A_61 = vector.broadcast %div3A_60 : f32 to vector<1000x1xf32>
    %div3A_62 = arith.divf %broadcast_in_dim3A_59, %div3A_61 : vector<1000x1xf32>
    %sub3A_63 = vector.broadcast %div3A_55 : vector<1000x1xf32> to vector<1000x128xf32>
    %sub3A_64 = arith.subf %add3A_46, %sub3A_63 : vector<1000x128xf32>
    %add3A_65 = arith.constant 9.99999974E-6 : f32
    %add3A_66 = vector.broadcast %add3A_65 : f32 to vector<1000x1xf32>
    %add3A_67 = arith.addf %div3A_62, %add3A_66 : vector<1000x1xf32>
    %sqrt3A = math.sqrt %add3A_67 : vector<1000x1xf32>
    %div3A_68 = vector.broadcast %sqrt3A : vector<1000x1xf32> to vector<1000x128xf32>
    %div3A_69 = arith.divf %sub3A_64, %div3A_68 : vector<1000x128xf32>
    %broadcast_in_dim3A_70 = vector.shape_cast %get3A_48 : vector<128xf32> to vector<1x128xf32>
    %mul3A_71 = vector.broadcast %broadcast_in_dim3A_70 : vector<1x128xf32> to vector<1000x128xf32>
    %mul3A_72 = arith.mulf %div3A_69, %mul3A_71 : vector<1000x128xf32>
    %broadcast_in_dim3A_73 = vector.shape_cast %get3A_50 : vector<128xf32> to vector<1x128xf32>
    %add3A_74 = vector.broadcast %broadcast_in_dim3A_73 : vector<1x128xf32> to vector<1000x128xf32>
    %add3A_75 = arith.addf %mul3A_72, %add3A_74 : vector<1000x128xf32>
    %get3A_76 = arith.constant 0 : index
    %get3A_77 = arith.constant 0 : index
    %get3A_78 = vector.load %arg9[%get3A_76, %get3A_77] : memref<128x256xf32, #tpu.memory_space<vmem>>, vector<128x256xf32>
    %dot_general3A_79 = arith.constant dense<0.000000e+00> : vector<1000x256xf32>
    %dot_general3A_80 = tpu.matmul %add3A_75, %get3A_78, %dot_general3A_79 {dimension_numbers = #tpu.dot_dimension_numbers<[1], [0], [0], [1], [0, 0, 1, 1], [], []>, precision = #tpu.contract_precision<fp32>, transpose_lhs_hint = false} : vector<1000x128xf32>, vector<128x256xf32>, vector<1000x256xf32> -> vector<1000x256xf32>
    %get3A_81 = arith.constant 0 : index
    %get3A_82 = vector.load %arg10[%get3A_81] : memref<256xf32, #tpu.memory_space<vmem>>, vector<256xf32>
    %broadcast_in_dim3A_83 = vector.shape_cast %get3A_82 : vector<256xf32> to vector<1x256xf32>
    %add3A_84 = vector.broadcast %broadcast_in_dim3A_83 : vector<1x256xf32> to vector<1000x256xf32>
    %add3A_85 = arith.addf %dot_general3A_80, %add3A_84 : vector<1000x256xf32>
    %max3A = arith.constant 0.000000e+00 : f32
    %max3A_86 = vector.broadcast %max3A : f32 to vector<1000x256xf32>
    %max3A_87 = arith.maximumf %add3A_85, %max3A_86 : vector<1000x256xf32>
    %get3A_88 = arith.constant 0 : index
    %get3A_89 = arith.constant 0 : index
    %get3A_90 = vector.load %arg11[%get3A_88, %get3A_89] : memref<256x128xf32, #tpu.memory_space<vmem>>, vector<256x128xf32>
    %dot_general3A_91 = arith.constant dense<0.000000e+00> : vector<1000x128xf32>
    %dot_general3A_92 = tpu.matmul %max3A_87, %get3A_90, %dot_general3A_91 {dimension_numbers = #tpu.dot_dimension_numbers<[1], [0], [0], [1], [0, 0, 1, 1], [], []>, precision = #tpu.contract_precision<fp32>, transpose_lhs_hint = false} : vector<1000x256xf32>, vector<256x128xf32>, vector<1000x128xf32> -> vector<1000x128xf32>
    %get3A_93 = arith.constant 0 : index
    %get3A_94 = vector.load %arg12[%get3A_93] : memref<128xf32, #tpu.memory_space<vmem>>, vector<128xf32>
    %broadcast_in_dim3A_95 = vector.shape_cast %get3A_94 : vector<128xf32> to vector<1x128xf32>
    %add3A_96 = vector.broadcast %broadcast_in_dim3A_95 : vector<1x128xf32> to vector<1000x128xf32>
    %add3A_97 = arith.addf %dot_general3A_92, %add3A_96 : vector<1000x128xf32>
    %add3A_98 = arith.addf %add3A_75, %add3A_97 : vector<1000x128xf32>
    %get3A_99 = arith.constant 0 : index
    %get3A_100 = vector.load %arg15[%get3A_99] : memref<128xf32, #tpu.memory_space<vmem>>, vector<128xf32>
    %get3A_101 = arith.constant 0 : index
    %get3A_102 = vector.load %arg16[%get3A_101] : memref<128xf32, #tpu.memory_space<vmem>>, vector<128xf32>
    %reduce_sum3A_103 = arith.constant dense<0.000000e+00> : vector<1000xf32>
    %reduce_sum3A_104 = vector.multi_reduction <add>, %add3A_98, %reduce_sum3A_103 [1] : vector<1000x128xf32> to vector<1000xf32>
    %broadcast_in_dim3A_105 = vector.shape_cast %reduce_sum3A_104 : vector<1000xf32> to vector<1000x1xf32>
    %div3A_106 = arith.constant 1.280000e+02 : f32
    %div3A_107 = vector.broadcast %div3A_106 : f32 to vector<1000x1xf32>
    %div3A_108 = arith.divf %broadcast_in_dim3A_105, %div3A_107 : vector<1000x1xf32>
    %sub3A_109 = vector.broadcast %div3A_108 : vector<1000x1xf32> to vector<1000x128xf32>
    %sub3A_110 = arith.subf %add3A_98, %sub3A_109 : vector<1000x128xf32>
    %integer_pow3A_111 = arith.mulf %sub3A_110, %sub3A_110 : vector<1000x128xf32>
    %reduce_sum3A_112 = arith.constant dense<0.000000e+00> : vector<1000xf32>
    %reduce_sum3A_113 = vector.multi_reduction <add>, %integer_pow3A_111, %reduce_sum3A_112 [1] : vector<1000x128xf32> to vector<1000xf32>
    %broadcast_in_dim3A_114 = vector.shape_cast %reduce_sum3A_113 : vector<1000xf32> to vector<1000x1xf32>
    %div3A_115 = arith.constant 1.280000e+02 : f32
    %div3A_116 = vector.broadcast %div3A_115 : f32 to vector<1000x1xf32>
    %div3A_117 = arith.divf %broadcast_in_dim3A_114, %div3A_116 : vector<1000x1xf32>
    %sub3A_118 = vector.broadcast %div3A_108 : vector<1000x1xf32> to vector<1000x128xf32>
    %sub3A_119 = arith.subf %add3A_98, %sub3A_118 : vector<1000x128xf32>
    %add3A_120 = arith.constant 9.99999974E-6 : f32
    %add3A_121 = vector.broadcast %add3A_120 : f32 to vector<1000x1xf32>
    %add3A_122 = arith.addf %div3A_117, %add3A_121 : vector<1000x1xf32>
    %sqrt3A_123 = math.sqrt %add3A_122 : vector<1000x1xf32>
    %div3A_124 = vector.broadcast %sqrt3A_123 : vector<1000x1xf32> to vector<1000x128xf32>
    %div3A_125 = arith.divf %sub3A_119, %div3A_124 : vector<1000x128xf32>
    %broadcast_in_dim3A_126 = vector.shape_cast %get3A_100 : vector<128xf32> to vector<1x128xf32>
    %mul3A_127 = vector.broadcast %broadcast_in_dim3A_126 : vector<1x128xf32> to vector<1000x128xf32>
    %mul3A_128 = arith.mulf %div3A_125, %mul3A_127 : vector<1000x128xf32>
    %broadcast_in_dim3A_129 = vector.shape_cast %get3A_102 : vector<128xf32> to vector<1x128xf32>
    %add3A_130 = vector.broadcast %broadcast_in_dim3A_129 : vector<1x128xf32> to vector<1000x128xf32>
    %add3A_131 = arith.addf %mul3A_128, %add3A_130 : vector<1000x128xf32>
    %swap3A = arith.constant 0 : index
    %swap3A_132 = arith.constant 0 : index
    %swap3A_133 = vector.load %arg17[%swap3A, %swap3A_132] : memref<1000x128xf32, #tpu.memory_space<vmem>>, vector<1000x128xf32>
    tpu.vector_store %arg17[%swap3A, %swap3A_132], %add3A_131 {strides = array<i32>} : memref<1000x128xf32, #tpu.memory_space<vmem>>, vector<1000x128xf32>,
    return
  }
  func.func @transform_0(%arg0: i32) -> (i32, i32, i32) {
    %c0_i32 = arith.constant 0 : i32
    %c0_i32_0 = arith.constant 0 : i32
    %c0_i32_1 = arith.constant 0 : i32
    return %c0_i32, %arg0, %c0_i32_0 : i32, i32, i32
  }
  func.func @transform_1(%arg0: i32) -> (i32, i32) {
    %c0_i32 = arith.constant 0 : i32
    %c0_i32_0 = arith.constant 0 : i32
    return %arg0, %c0_i32 : i32, i32
  }
  func.func @transform_2(%arg0: i32) -> (i32, i32) {
    %c0_i32 = arith.constant 0 : i32
    %c0_i32_0 = arith.constant 0 : i32
    return %arg0, %c0_i32 : i32, i32
  }
  func.func @transform_3(%arg0: i32) -> (i32, i32) {
    %c0_i32 = arith.constant 0 : i32
    %c0_i32_0 = arith.constant 0 : i32
    %c0_i32_1 = arith.constant 0 : i32
    return %c0_i32, %c0_i32_0 : i32, i32
  }
  func.func @transform_4(%arg0: i32) -> (i32, i32) {
    %c0_i32 = arith.constant 0 : i32
    %c0_i32_0 = arith.constant 0 : i32
    %c0_i32_1 = arith.constant 0 : i32
    return %c0_i32, %c0_i32_0 : i32, i32
  }
  func.func @transform_5(%arg0: i32) -> i32 {
    %c0_i32 = arith.constant 0 : i32
    %c0_i32_0 = arith.constant 0 : i32
    return %c0_i32 : i32
  }
  func.func @transform_6(%arg0: i32) -> (i32, i32) {
    %c0_i32 = arith.constant 0 : i32
    %c0_i32_0 = arith.constant 0 : i32
    %c0_i32_1 = arith.constant 0 : i32
    return %c0_i32, %c0_i32_0 : i32, i32
  }
  func.func @transform_7(%arg0: i32) -> i32 {
    %c0_i32 = arith.constant 0 : i32
    %c0_i32_0 = arith.constant 0 : i32
    return %c0_i32 : i32
  }
  func.func @transform_8(%arg0: i32) -> (i32, i32) {
    %c0_i32 = arith.constant 0 : i32
    %c0_i32_0 = arith.constant 0 : i32
    %c0_i32_1 = arith.constant 0 : i32
    return %c0_i32, %c0_i32_0 : i32, i32
  }
  func.func @transform_9(%arg0: i32) -> i32 {
    %c0_i32 = arith.constant 0 : i32
    %c0_i32_0 = arith.constant 0 : i32
    return %c0_i32 : i32
  }
  func.func @transform_10(%arg0: i32) -> (i32, i32) {
    %c0_i32 = arith.constant 0 : i32
    %c0_i32_0 = arith.constant 0 : i32
    %c0_i32_1 = arith.constant 0 : i32
    return %c0_i32, %c0_i32_0 : i32, i32
  }
  func.func @transform_11(%arg0: i32) -> i32 {
    %c0_i32 = arith.constant 0 : i32
    %c0_i32_0 = arith.constant 0 : i32
    return %c0_i32 : i32
  }
  func.func @transform_12(%arg0: i32) -> i32 {
    %c0_i32 = arith.constant 0 : i32
    %c0_i32_0 = arith.constant 0 : i32
    return %c0_i32 : i32
  }
  func.func @transform_13(%arg0: i32) -> i32 {
    %c0_i32 = arith.constant 0 : i32
    %c0_i32_0 = arith.constant 0 : i32
    return %c0_i32 : i32
  }
  func.func @transform_14(%arg0: i32) -> i32 {
    %c0_i32 = arith.constant 0 : i32
    %c0_i32_0 = arith.constant 0 : i32
    return %c0_i32 : i32
  }
  func.func @transform_15(%arg0: i32) -> i32 {
    %c0_i32 = arith.constant 0 : i32
    %c0_i32_0 = arith.constant 0 : i32
    return %c0_i32 : i32
  }
  func.func @transform_16(%arg0: i32) -> (i32, i32) {
    %c0_i32 = arith.constant 0 : i32
    %c0_i32_0 = arith.constant 0 : i32
    return %arg0, %c0_i32 : i32, i32
  }
}

</mosaic_0001>

<sc_bundles>
// kernel: kernel.12.cloned.1.call-start
scs
__scs_entry_jumppad:
0x0: {  	(pc) =	sbr.rel $0x88, $3  }
0x1: {  	(tag) =	ssettag $0x0;
	lr =	simm.s32 $0x1  }
0x2: {  	[smem:$0x3F87] =	sst lr;
	_ =	strace $0xD0000000  }
0x3: {  	_ = 	snop  }
0x4: {  	_ = 	snop  }
0x5: {  	_ = 	snop  }
0x6: {  	_ = 	snop  }
0x7: {  	_ = 	snop  }
__scs_overlays_trampoline_lowered:
0x8: {  	[smem:$0x3F96] =	sst s0  }
0x9: {  	[smem:$0x3F97] =	sst s1  }
0xa: {  	[smem:$0x3F98] =	sst s2  }
0xb: {  	[smem:$0x3F99] =	sst s3  }
0xc: {  	[smem:$0x3F9A] =	sst s4  }
0xd: {  	[smem:$0x3F9B] =	sst s5  }
0xe: {  	[smem:$0x3F9C] =	sst s6  }
0xf: {  	[smem:$0x3F9D] =	sst s7  }
0x10: {  	[smem:$0x3F9E] =	sst s8  }
0x11: {  	[smem:$0x3F9F] =	sst s9;
	s0 =	simm.s32 @!p0 $0x0  }
0x12: {  	s1 =	sld [smem:$0x3F85];
	s0 =	simm.s32 @p0 $0x1  }
0x13: {  	[smem:$0x3FA0] =	sst s0;
	s0 =	simm.s32 @!p1 $0x0  }
0x14: {  	s2 =	sld [smem:$0x3F84];
	s0 =	simm.s32 @p1 $0x1  }
0x15: {  	[smem:$0x3FA1] =	sst s0;
	s0 =	simm.s32 @!p2 $0x0  }
0x16: {  	s3 =	sld [smem:$0x3FDB];
	s0 =	simm.s32 @p2 $0x1  }
0x17: {  	s4 =	simm.s32 $0x1BF5;
	[smem:$0x3FA3] =	sst s0  }
0x18: {  	s0 =	sld [smem:$0x3F86];
	_ =	swait.ge [sflag:s4], $0x0  }
0x19: {  	s7 =	sld [smem:$0x3F87]  }
0x1a: {  	s8 =	sadd.s32 $0xFFFFE003, lr  }
0x1b: {  	s9 =	sadd.s32 $0xFFFFFEF7, lr;
	s5 =	simm.s32 $0xFFFFFFFF;
	p2 =	slt.u32 s8, $0xFFFFF086  }
0x1c: {  	p1 =	slt.u32 s9, $0xF7A;
	s5 =	simm.s32 @!p2 $0x0  }
0x1d: {  	s5 =	simm.s32 @p1 $0x1;
	p0 =	seq.s32 s7, s2  }
0x1e: {  	s7 =	smul.u32 @!p0 $0xF7A, s2;
	p2 =	seq.s32 @!p0 s5, $0x0  }
0x1f: {  	s9 =	smul.u32 $0xF7A, s1;
	s8 =	simm.s32 @!p0 $0x1BF5;
	p2 =	por !p2, p0  }
0x20: {  	[sflag:s8] =	ssyncset.s32 @!p0 $0xFFFFF086;
	s6 =	sadd.s32 @!p0 s3, s7;
	s7 =	simm.s32 @!p0 $0x108  }
0x21: {  	s3 =	sadd.s32 s3, s9;
	s6 =	sadd.s32 @!p0 $0x88, s6;
	s7 =	simm.s32 @p2 $0x1082  }
0x22: {  	[simem:s7], [sflag:s8] =	dma.local @!p0 [hbm:s6], $0xF7A  }
0x23: {  	s9 =	sor.u32 $0xD0000000, s2;
	s6 =	simm.s32 $0x108;
	_ =	swait.ge @!p0 [sflag:s8], $0x0  }
0x24: {  	s3 =	sadd.s32 $0x88, s3;
	s6 =	simm.s32 @!p1 $0x1082;
	[sflag:s4] =	ssyncset.s32 $0xFFFFF086  }
0x25: {  	[simem:s6], [sflag:s4] =	dma.local [hbm:s3], $0xF7A  }
0x26: {  	[smem:$0x3F87] =	sst s1;
	(tag) =	ssettag s2;
	_ =	strace s9  }
0x27: {  	s1 =	sld [smem:$0x3F97]  }
0x28: {  	s2 =	sld [smem:$0x3F98]  }
0x29: {  	s4 =	sld [smem:$0x3F9A]  }
0x2a: {  	p0 =	seq.s32 s5, $0x0;
	s5 =	sld [smem:$0x3F9B]  }
0x2b: {  	s6 =	sld [smem:$0x3F9C]  }
0x2c: {  	s7 =	sld [smem:$0x3F9D]  }
0x2d: {  	s3 =	simm.s32 $0x108;
	s8 =	sld [smem:$0x3F9E]  }
0x2e: {  	s3 =	simm.s32 @!p0 $0x1082;
	s9 =	sld [smem:$0x3F9F]  }
0x2f: {  	lr =	sadd.s32 s0, s3;
	s0 =	sld [smem:$0x3F96]  }
0x30: {  	s3 =	sld [smem:$0x3F99]  }
0x31: {  	[smem:$0x3FA2] =	sst s10  }
0x32: {  	s10 =	sld [smem:$0x3FA0];
	_ =	sdelay $0x3  }
0x33: {  	p0 =	seq.s32 s10, $0x1;
	s10 =	sld [smem:$0x3FA2];
	_ =	sdelay $0x3  }
0x34: {  	[smem:$0x3FA2] =	sst s10  }
0x35: {  	s10 =	sld [smem:$0x3FA1];
	_ =	sdelay $0x3  }
0x36: {  	p1 =	seq.s32 s10, $0x1;
	s10 =	sld [smem:$0x3FA2];
	_ =	sdelay $0x3  }
0x37: {  	[smem:$0x3FA2] =	sst s10  }
0x38: {  	s10 =	sld [smem:$0x3FA3]  }
0x39: {  	_ = 	snop;
	(pc) =	sbr.ind lr, $3  }
0x3a: {  	_ = 	snop  }
0x3b: {  	_ = 	snop  }
0x3c: {  	p2 =	seq.s32 s10, $0x1;
	s10 =	sld [smem:$0x3FA2]  }
0x3d: {  	_ =	shalt  }
0x3e: {  	_ =	shalt  }
0x3f: {  	_ =	shalt  }
0x40: {  	_ =	shalt  }
0x41: {  	_ =	shalt  }
0x42: {  	_ =	shalt  }
0x43: {  	_ =	shalt  }
0x44: {  	_ =	shalt  }
0x45: {  	_ =	shalt  }
0x46: {  	_ =	shalt  }
0x47: {  	_ =	shalt  }
0x48: {  	_ =	shalt  }
0x49: {  	_ =	shalt  }
0x4a: {  	_ =	shalt  }
0x4b: {  	_ =	shalt  }
0x4c: {  	_ =	shalt  }
0x4d: {  	_ =	shalt  }
0x4e: {  	_ =	shalt  }
0x4f: {  	_ =	shalt  }
0x50: {  	_ =	shalt  }
0x51: {  	_ =	shalt  }
0x52: {  	_ =	shalt  }
0x53: {  	_ =	shalt  }
0x54: {  	_ =	shalt  }
0x55: {  	_ =	shalt  }
0x56: {  	_ =	shalt  }
0x57: {  	_ =	shalt  }
0x58: {  	_ =	shalt  }
0x59: {  	_ =	shalt  }
0x5a: {  	_ =	shalt  }
0x5b: {  	_ =	shalt  }
0x5c: {  	_ =	shalt  }
0x5d: {  	_ =	shalt  }
0x5e: {  	_ =	shalt  }
0x5f: {  	_ =	shalt  }
0x60: {  	_ =	shalt  }
0x61: {  	_ =	shalt  }
0x62: {  	_ =	shalt  }
0x63: {  	_ =	shalt  }
0x64: {  	_ =	shalt  }
0x65: {  	_ =	shalt  }
0x66: {  	_ =	shalt  }
0x67: {  	_ =	shalt  }
0x68: {  	_ =	shalt  }
0x69: {  	_ =	shalt  }
0x6a: {  	_ =	shalt  }
0x6b: {  	_ =	shalt  }
0x6c: {  	_ =	shalt  }
0x6d: {  	_ =	shalt  }
0x6e: {  	_ =	shalt  }
0x6f: {  	_ =	shalt  }
0x70: {  	_ =	shalt  }
0x71: {  	_ =	shalt  }
0x72: {  	_ =	shalt  }
0x73: {  	_ =	shalt  }
0x74: {  	_ =	shalt  }
0x75: {  	_ =	shalt  }
0x76: {  	_ =	shalt  }
0x77: {  	_ =	shalt  }
0x78: {  	_ =	shalt  }
0x79: {  	_ =	shalt  }
0x7a: {  	_ =	shalt  }
0x7b: {  	_ =	shalt  }
0x7c: {  	_ =	shalt  }
0x7d: {  	_ =	shalt  }
0x7e: {  	_ =	shalt  }
0x7f: {  	_ =	shalt  }
0x80: {  	_ =	shalt  }
0x81: {  	_ =	shalt  }
0x82: {  	_ =	shalt  }
0x83: {  	_ =	shalt  }
0x84: {  	_ =	shalt  }
0x85: {  	_ =	shalt  }
0x86: {  	_ =	shalt  }
0x87: {  	_ =	shalt  }
.Lfunc_end0:
.L_simem_size_0:
called_computation.1_lowered:
.L_overlay_start_0:
0x88: {  	s2 =	sld [smem:$0x3FD9]  }
0x89: {  	s3 =	sld [smem:$0x3FFE];
	_ =	sdelay $0x1  }
0x8a: {  	s1 =	srdreg.scid  }
0x8b: {  	s0 =	sand.u32 $0x1, s1  }
0x8c: {  	s16 =	sshll.u32 s0, $0xA;
	s2 =	sadd.s32 s3, s2  }
0x8d: {  	s2 =	sadd.s32 s2, s16  }
0x8e: {  	[smem:$0x3FAE] =	sst s2  }
0x8f: {  	_ = 	snop  }
0x90: {  	(tm) =	ssettm $0x1  }
0x91: {  	s17 =	sld [smem:$0x3FFB];
	_ =	sdelay $0x3  }
0x92: {  	_ =	strace s17  }
0x93: {  	s2 =	sld [smem:$0x3FFC];
	_ =	sdelay $0x3  }
0x94: {  	_ =	strace s2  }
0x95: {  	s2 =	sld [smem:$0x3FFD];
	_ =	sdelay $0x3  }
0x96: {  	_ =	strace s2  }
0x97: {  	_ =	strace $0x8FFFFFFF  }
0x98: {  	s18 =	sld [smem:$0x3FDB];
	_ =	sdelay $0x1  }
0x99: {  	s19 =	simm.s32 $_scs_section_size  }
0x9a: {  	s4 =	simm.s32 $_size__tile_overlayer_lowered;
	s5 =	simm.s32 $_tile_overlayer_lowered  }
0x9b: {  	s22 =	simm.s32 $0x1BFF;
	s21 =	sshll.u32 s5, $0x1;
	s2 =	sadd.s32 s19, s18  }
0x9c: {  	s6 =	simm.s32 $0x0;
	s20 =	sshll.u32 s4, $0x1;
	s4 =	sadd.s32 s21, s2  }
0x9d: {  	[timem:s6], [sflag:s22] =	dma.local [hbm:s4], s20  }
0x9e: {  	_ =	swait.ge [sflag:s22], s20  }
0x9f: {  	s3 =	ssub.s32 $0x0, s20;
	[sflag:s22] =	ssyncset.done $0x0  }
0xa0: {  	[sflag:s22] =	ssyncadd.s32 s3;
	_ =	sdelay $0x1  }
0xa1: {  	s23 =	simm.s32 $0x1B8B  }
0xa2: {  	_ =	swait.ge [sflag:s23], $0x1  }
0xa3: {  	[sflag:s23] =	ssyncset.done $0x0  }
0xa4: {  	s25 =	simm.s32 $0x1B8E;
	s24 =	sld [smem:$0x3FFE];
	[sflag:s23] =	ssyncadd.s32 $0xFFFFFFFF  }
0xa5: {  	s26 =	simm.s32 $execute0_lowered;
	[smem:$0x3FD2] =	sst s25  }
0xa6: {  	s4 =	sshll.u32 s26, $0x1;
	_ =	strace $0x80000049;
	[dreg:$0x1] =	wrdreg $0xFFFFFFFF  }
0xa7: {  	s28 =	simm.s32 $_size_execute0_lowered;
	s2 =	sadd.s32 s2, s4;
	[dreg:$0x0] =	wrdreg $0x0  }
0xa8: {  	s4 =	sshll.u32 s28, $0x1;
	[dreg:$0x2] =	wrdreg s2  }
0xa9: {  	[dreg:$0x3] =	wrdreg s4  }
0xaa: {  	[dreg:$0x4] =	wrdreg $0xC0  }
0xab: {  	_ =	task [dreg:s6], $0x5FFFF  }
0xac: {  	[dreg:$0x1] =	wrdreg $0xFFFFFFFF  }
0xad: {  	[dreg:$0x0] =	wrdreg $0x60  }
0xae: {  	[dreg:$0x2] =	wrdreg s24  }
0xaf: {  	[dreg:$0x3] =	wrdreg $0x75000  }
0xb0: {  	[dreg:$0x4] =	wrdreg $0x1AD800  }
0xb1: {  	[dreg:$0x5] =	wrdreg $0x9  }
0xb2: {  	_ =	task.clear_ibuf [dreg:s6], $0x6FFFF;
	_ =	strace $0x90000049  }
0xb3: {  	s29 =	simm.s32 $0x9;
	_ =	strace $0x8000004B  }
0xb4: {  	_ =	swait.ge [sflag:s29], $0x1  }
0xb5: {  	[sflag:s29] =	ssyncadd.s32 $0xFFFFFFFF  }
0xb6: {  	_ =	strace $0x9000004B  }
0xb7: {  	_ =	sfence  }
0xb8: {  	s30 =	sld [smem:$0x0];
	_ =	sdelay $0x2  }
0xb9: {  	s31 =	sshll.u32 s1, $0xD;
	s1 =	sshrl.u32 s1, $0x2  }
0xba: {  	s3 =	sand.u32 $0x4000, s31;
	s1 =	sadd.s32 s1, s30  }
0xbb: {  	s0 =	sor.u32 s3, s0;
	s1 =	sshll.u32 s1, $0x11  }
0xbc: {  	s0 =	sor.u32 s1, s0  }
0xbd: {  	s0 =	sadd.s32 $0x8F2B, s0  }
0xbe: {  	[sflag:s0] =	ssyncadd.remote.s32 $0x1  }
0xbf: {  	_ =	sfence.sel $0xFFFF  }
0xc0: {  	[dreg:$0x0] =	wrdreg $0xFFFFFFFF;
	(pc) =	sbr.abs _section_cstart, $3  }
0xc1: {  	[dreg:$0x1] =	wrdreg $0xFFFFFFFF  }
0xc2: {  	_ =	task.clear_ibuf [dreg:s6], $0x2FFFF;
	_ =	strace $0x9FFFFFFF  }
0xc3: {  	(tm) =	ssettm $0x7FFFFFFF  }
tec
execute0_lowered:
.L_overlay_start_1:
0x0: {  	(tag) =	ssettag $0x1  }
0x1: {  	s0 =	srdreg.scid  }
0x2: {  	s3 =	rddreg [dreg:$0x0];
	s17 =	stileid.u32  }
0x3: {  	s5 =	rddreg [dreg:$0x1];
	s6 =	smul.u32 $0x13800, s17  }
0x4: {  	s1 =	rddreg [dreg:$0x2];
	s2 =	simm.s32 $0x0;
	s8 =	smul.u32 $0x1400, s17  }
0x5: {  	s29 =	simm.s32 $0x4500;
	s0 =	sand.u32 $0x1, s0;
	s22 =	smul.u32 $0x4E000, s17  }
0x6: {  	s30 =	simm.s32 $0x1;
	[smem:$0x7FF] =	sst s2;
	s4 =	smul.u32 $0x138800, s0  }
0x7: {  	v0 =	vimm.s32 $0xEFCDAB89;
	s31 =	simm.s32 $0x6500;
	s7 =	smul.u32 $0x14000, s0;
	_ =	strace $0x8000004A  }
0x8: {  	v1 =	vimm.s32 $0x67452301;
	v2 =	vimm.s32 $0xDCFE98BA;
	s10 =	ssub.s32 $0x2, s0;
	s0 =	smul.u32 $0x2710, s0;
	s25 =	sshrl.u32 s22, $0x2  }
0x9: {  	v4 =	vimm.s32 $0xBA98FEDC;
	v0 =	vunpack.c.l.s4.s8 v0;
	v1 =	vunpack.c.l.s4.s8 v1;
	s11 =	sshrl.u32 s10, $0x1;
	s4 =	sadd.s32 s6, s4;
	s21 =	sadd.s32 s8, s7  }
0xa: {  	v5 =	vimm.s32 $0x32107654;
	v6 =	vimm.s32 $0xFEDCBA98;
	v7 =	vimm.s32 $0x76543210;
	s26 =	ssub.s32 s10, s11;
	s4 =	sshrl.u32 s4, $0x3;
	s24 =	sshrl.u32 s21, $0x3  }
0xb: {  	v2 =	vunpack.c.l.s4.s8 v2;
	v3 =	vunpack.c.0.s8.s32 v0;
	v1 =	vunpack.c.0.s8.s32 v1;
	s23 =	sadd.s32 s4, s3;
	s24 =	sadd.s32 s24, s3;
	s3 =	sadd.s32 s25, s5  }
0xc: {  	v4 =	vunpack.c.l.s4.s8 v4;
	v5 =	vunpack.c.l.s4.s8 v5;
	v6 =	vunpack.c.l.s4.s8 v6;
	s21 =	smul.u32 $0x5000, s17;
	s25 =	smax.u32 s26, $0x1;
	s4 =	sadd.s32 $0x1000, s3  }
0xd: {  	v3 =	vcombine.low v1, v3;
	v1 =	vunpack.c.0.s8.s32 v2;
	v2 =	vimm.s32 $0x54761032;
	s5 =	sadd.s32 $0x2000, s3;
	s6 =	sadd.s32 $0x3000, s3;
	s7 =	sadd.s32 $0x4000, s3  }
0xe: {  	v7 =	vunpack.c.l.s4.s8 v7;
	v2 =	vunpack.c.l.s4.s8 v2;
	s8 =	sadd.s32 $0x5000, s3;
	s9 =	sadd.s32 $0x6000, s3;
	s10 =	sadd.s32 $0x7000, s3  }
0xf: {  	v4 =	vunpack.c.0.s8.s32 v4;
	v5 =	vunpack.c.0.s8.s32 v5;
	v6 =	vunpack.c.0.s8.s32 v6;
	s11 =	sadd.s32 $0x8000, s3;
	s12 =	sadd.s32 $0x9000, s3;
	s13 =	sadd.s32 $0xA000, s3  }
.Ltmp0:
0x10: {  	v7 =	vunpack.c.0.s8.s32 v7;
	s14 =	sadd.s32 $0xB000, s3;
	s15 =	sadd.s32 $0xC000, s3;
	v2 =	vunpack.c.0.s8.s32 v2;
	(pc) =	sbr.rel .LBB2_1-.Ltmp0, $4  }
0x11: {  	v5 =	vcombine.low v5, v4;
	v6 =	vand.u32 $0xF, v6;
	s16 =	sadd.s32 $0xD000, s3;
	s17 =	sadd.s32 $0xE000, s3;
	s18 =	sadd.s32 $0xF000, s3  }
0x12: {  	v0 =	vmov s0;
	v6 =	vcombine.low v6, v7;
	s19 =	sadd.s32 $0x10000, s3;
	s20 =	sadd.s32 $0x11000, s3;
	s22 =	sshrl.u32 s21, $0x2;
	v8 =	vcombine.low v2, v1  }
0x13: {  	v7 =	vlaneseq.u32;
	s21 =	sadd.s32 $0x12000, s3;
	s23 =	sadd.s32 $0x5A4E00, s23;
	v3 =	vand.u32 $0xF, v3;
	v5 =	vand.u32 $0xF, v5;
	s22 =	sadd.s32 s22, s1  }
0x14: {  	s24 =	sadd.s32 $0x59FE00, s24;
	s26 =	sadd.s32 $0x13000, s3;
	s28 =	sadd.s32 $0x1000, s22;
	v1 =	vimm.f32 $0.0e+00;
	v2 =	vimm.s32 $0x0;
	v4 =	vand.u32 $0xF, v8  }
.LBB2_8:
0x15: {  	s0 =	stileid.u32  }
0x16: {  	s0 =	sshll.u32 s0, $0x6  }
0x17: {  	[bflag:$0x0] =	sbarrier.arrive $0xFFFF;
	s1 =	sshrl.u32 s3, $0x3;
	s0 =	sor.u32 $0x1C01, s0  }
0x18: {  	[hbm:s23], [sflag:s0] =	dma.local [spmem:s1], $0x2800  }
0x19: {  	s2 =	sadd.s32 $0x1, s2;
	_ =	swait.ge [sflag:s30], $0x2800  }
0x1a: {  	p0 =	sne.s32 s2, s25;
	[sflag:s30] =	ssyncset.done $0x0  }
.Ltmp1:
0x1b: {  	s1 =	sshrl.u32 s22, $0x3;
	[sflag:s30] =	ssyncadd.s32 $0xFFFFD800;
	(pc) =	sbr.rel @!p0 .LBB2_9-.Ltmp1, $4  }
0x1c: {  	[hbm:s24], [sflag:s0] =	dma.local [spmem:s1], $0x280  }
0x1d: {  	_ =	swait.ge [sflag:s30], $0x280  }
0x1e: {  	[sflag:s30] =	ssyncset.done $0x0  }
0x1f: {  	[sflag:s30] =	ssyncadd.s32 $0xFFFFFD80  }
.LBB2_1:
0x20: {  	s1 =	simm.s32 $0x0;
	s0 =	simm.s32 $0x200  }
.LBB2_2:
0x21: {  	p0 =	sne.s32 s0, $0x3E00;
	[tilespmem:s1+$0x6570] =	vst v1  }
0x22: {  	[tilespmem:s1+$0x4500] =	vst v1  }
0x23: {  	[tilespmem:s1+$0x6500] =	vst v1  }
0x24: {  	[tilespmem:s1+$0x4510] =	vst v1  }
0x25: {  	[tilespmem:s1+$0x6510] =	vst v1  }
0x26: {  	[tilespmem:s1+$0x4520] =	vst v1  }
0x27: {  	[tilespmem:s1+$0x6520] =	vst v1  }
0x28: {  	[tilespmem:s1+$0x4530] =	vst v1  }
0x29: {  	[tilespmem:s1+$0x6530] =	vst v1  }
0x2a: {  	[tilespmem:s1+$0x4540] =	vst v1  }
0x2b: {  	[tilespmem:s1+$0x6540] =	vst v1  }
.Ltmp2:
0x2c: {  	[tilespmem:s1+$0x4550] =	vst v1;
	(pc) =	sbr.rel @p0 .LBB2_2-.Ltmp2, $4  }
0x2d: {  	[tilespmem:s1+$0x6550] =	vst v1  }
0x2e: {  	[tilespmem:s1+$0x4560] =	vst v1  }
0x2f: {  	[tilespmem:s1+$0x6560] =	vst v1  }
0x30: {  	[tilespmem:s1+$0x4570] =	vst v1;
	s1 =	sshra.s32 s0, $0x2;
	s0 =	sadd.s32 $0x200, s0  }
0x31: {  	[tilespmem:s1+$0x6570] =	vst v1  }
0x32: {  	[tilespmem:s1+$0x4500] =	vst v1  }
0x33: {  	[tilespmem:s1+$0x6500] =	vst v1  }
0x34: {  	[tilespmem:s1+$0x4510] =	vst v1  }
0x35: {  	[tilespmem:s1+$0x6510] =	vst v1  }
0x36: {  	[tilespmem:s1+$0x4520] =	vst v1  }
0x37: {  	[tilespmem:s1+$0x6520] =	vst v1  }
0x38: {  	[tilespmem:s1+$0x4530] =	vst v1  }
0x39: {  	[tilespmem:s1+$0x6530] =	vst v1  }
0x3a: {  	[tilespmem:s1+$0x4540] =	vst v1  }
0x3b: {  	[tilespmem:s1+$0x6540] =	vst v1  }
0x3c: {  	[tilespmem:s1+$0x4550] =	vst v1  }
0x3d: {  	[tilespmem:s1+$0x6550] =	vst v1  }
0x3e: {  	[tilespmem:s1+$0x4560] =	vst v1  }
0x3f: {  	[tilespmem:s1+$0x6560] =	vst v1  }
0x40: {  	[tilespmem:s1+$0x4570] =	vst v1  }
0x41: {  	[spmem:s3] =	stream.linear.scatter [tilespmem:s29], [sflag:$0x1], $0x1000, $0x38;
	[tilespmem:$0x1C180] =	vst v63  }
0x42: {  	_ =	swait.ge [sflag:s30], $0x1000  }
0x43: {  	[sflag:s30] =	ssyncset.done $0x0  }
0x44: {  	[sflag:s30] =	ssyncadd.s32 $0xFFFFF000  }
0x45: {  	[spmem:s4] =	stream.linear.scatter [tilespmem:s29], [sflag:$0x1], $0x1000, $0x38;
	[tilespmem:$0x1C180] =	vst v63  }
0x46: {  	_ =	swait.ge [sflag:s30], $0x1000  }
0x47: {  	[sflag:s30] =	ssyncset.done $0x0  }
0x48: {  	[sflag:s30] =	ssyncadd.s32 $0xFFFFF000  }
0x49: {  	[spmem:s5] =	stream.linear.scatter [tilespmem:s29], [sflag:$0x1], $0x1000, $0x38;
	[tilespmem:$0x1C180] =	vst v63  }
0x4a: {  	_ =	swait.ge [sflag:s30], $0x1000  }
0x4b: {  	[sflag:s30] =	ssyncset.done $0x0  }
0x4c: {  	[sflag:s30] =	ssyncadd.s32 $0xFFFFF000  }
0x4d: {  	[spmem:s6] =	stream.linear.scatter [tilespmem:s29], [sflag:$0x1], $0x1000, $0x38;
	[tilespmem:$0x1C180] =	vst v63  }
0x4e: {  	_ =	swait.ge [sflag:s30], $0x1000  }
0x4f: {  	[sflag:s30] =	ssyncset.done $0x0  }
0x50: {  	[sflag:s30] =	ssyncadd.s32 $0xFFFFF000  }
0x51: {  	[spmem:s7] =	stream.linear.scatter [tilespmem:s29], [sflag:$0x1], $0x1000, $0x38;
	[tilespmem:$0x1C180] =	vst v63  }
0x52: {  	_ =	swait.ge [sflag:s30], $0x1000  }
0x53: {  	[sflag:s30] =	ssyncset.done $0x0  }
0x54: {  	[sflag:s30] =	ssyncadd.s32 $0xFFFFF000  }
0x55: {  	[spmem:s8] =	stream.linear.scatter [tilespmem:s29], [sflag:$0x1], $0x1000, $0x38;
	[tilespmem:$0x1C180] =	vst v63  }
0x56: {  	_ =	swait.ge [sflag:s30], $0x1000  }
0x57: {  	[sflag:s30] =	ssyncset.done $0x0  }
0x58: {  	[sflag:s30] =	ssyncadd.s32 $0xFFFFF000  }
0x59: {  	[spmem:s9] =	stream.linear.scatter [tilespmem:s29], [sflag:$0x1], $0x1000, $0x38;
	[tilespmem:$0x1C180] =	vst v63  }
0x5a: {  	_ =	swait.ge [sflag:s30], $0x1000  }
0x5b: {  	[sflag:s30] =	ssyncset.done $0x0  }
0x5c: {  	[sflag:s30] =	ssyncadd.s32 $0xFFFFF000  }
0x5d: {  	[spmem:s10] =	stream.linear.scatter [tilespmem:s29], [sflag:$0x1], $0x1000, $0x38;
	[tilespmem:$0x1C180] =	vst v63  }
0x5e: {  	_ =	swait.ge [sflag:s30], $0x1000  }
0x5f: {  	[sflag:s30] =	ssyncset.done $0x0  }
0x60: {  	[sflag:s30] =	ssyncadd.s32 $0xFFFFF000  }
0x61: {  	[spmem:s11] =	stream.linear.scatter [tilespmem:s29], [sflag:$0x1], $0x1000, $0x38;
	[tilespmem:$0x1C180] =	vst v63  }
0x62: {  	_ =	swait.ge [sflag:s30], $0x1000  }
0x63: {  	[sflag:s30] =	ssyncset.done $0x0  }
0x64: {  	[sflag:s30] =	ssyncadd.s32 $0xFFFFF000  }
0x65: {  	[spmem:s12] =	stream.linear.scatter [tilespmem:s29], [sflag:$0x1], $0x1000, $0x38;
	[tilespmem:$0x1C180] =	vst v63  }
0x66: {  	_ =	swait.ge [sflag:s30], $0x1000  }
0x67: {  	[sflag:s30] =	ssyncset.done $0x0  }
0x68: {  	[sflag:s30] =	ssyncadd.s32 $0xFFFFF000  }
0x69: {  	[spmem:s13] =	stream.linear.scatter [tilespmem:s29], [sflag:$0x1], $0x1000, $0x38;
	[tilespmem:$0x1C180] =	vst v63  }
0x6a: {  	_ =	swait.ge [sflag:s30], $0x1000  }
0x6b: {  	[sflag:s30] =	ssyncset.done $0x0  }
0x6c: {  	[sflag:s30] =	ssyncadd.s32 $0xFFFFF000  }
0x6d: {  	[spmem:s14] =	stream.linear.scatter [tilespmem:s29], [sflag:$0x1], $0x1000, $0x38;
	[tilespmem:$0x1C180] =	vst v63  }
0x6e: {  	_ =	swait.ge [sflag:s30], $0x1000  }
0x6f: {  	[sflag:s30] =	ssyncset.done $0x0  }
0x70: {  	[sflag:s30] =	ssyncadd.s32 $0xFFFFF000  }
0x71: {  	[spmem:s15] =	stream.linear.scatter [tilespmem:s29], [sflag:$0x1], $0x1000, $0x38;
	[tilespmem:$0x1C180] =	vst v63  }
0x72: {  	_ =	swait.ge [sflag:s30], $0x1000  }
0x73: {  	[sflag:s30] =	ssyncset.done $0x0  }
0x74: {  	[sflag:s30] =	ssyncadd.s32 $0xFFFFF000  }
0x75: {  	[spmem:s16] =	stream.linear.scatter [tilespmem:s29], [sflag:$0x1], $0x1000, $0x38;
	[tilespmem:$0x1C180] =	vst v63  }
0x76: {  	_ =	swait.ge [sflag:s30], $0x1000  }
0x77: {  	[sflag:s30] =	ssyncset.done $0x0  }
0x78: {  	[sflag:s30] =	ssyncadd.s32 $0xFFFFF000  }
0x79: {  	[spmem:s17] =	stream.linear.scatter [tilespmem:s29], [sflag:$0x1], $0x1000, $0x38;
	[tilespmem:$0x1C180] =	vst v63  }
0x7a: {  	_ =	swait.ge [sflag:s30], $0x1000  }
0x7b: {  	[sflag:s30] =	ssyncset.done $0x0  }
0x7c: {  	[sflag:s30] =	ssyncadd.s32 $0xFFFFF000  }
0x7d: {  	[spmem:s18] =	stream.linear.scatter [tilespmem:s29], [sflag:$0x1], $0x1000, $0x38;
	[tilespmem:$0x1C180] =	vst v63  }
0x7e: {  	_ =	swait.ge [sflag:s30], $0x1000  }
0x7f: {  	[sflag:s30] =	ssyncset.done $0x0  }
0x80: {  	[sflag:s30] =	ssyncadd.s32 $0xFFFFF000  }
0x81: {  	[spmem:s19] =	stream.linear.scatter [tilespmem:s29], [sflag:$0x1], $0x1000, $0x38;
	[tilespmem:$0x1C180] =	vst v63  }
0x82: {  	_ =	swait.ge [sflag:s30], $0x1000  }
0x83: {  	[sflag:s30] =	ssyncset.done $0x0  }
0x84: {  	[sflag:s30] =	ssyncadd.s32 $0xFFFFF000  }
0x85: {  	[spmem:s20] =	stream.linear.scatter [tilespmem:s29], [sflag:$0x1], $0x1000, $0x38;
	[tilespmem:$0x1C180] =	vst v63  }
0x86: {  	_ =	swait.ge [sflag:s30], $0x1000  }
0x87: {  	[sflag:s30] =	ssyncset.done $0x0  }
0x88: {  	[sflag:s30] =	ssyncadd.s32 $0xFFFFF000  }
0x89: {  	[spmem:s21] =	stream.linear.scatter [tilespmem:s29], [sflag:$0x1], $0x1000, $0x38;
	[tilespmem:$0x1C180] =	vst v63  }
0x8a: {  	_ =	swait.ge [sflag:s30], $0x1000  }
0x8b: {  	[sflag:s30] =	ssyncset.done $0x0  }
0x8c: {  	[sflag:s30] =	ssyncadd.s32 $0xFFFFF000  }
0x8d: {  	[spmem:s26] =	stream.linear.scatter [tilespmem:s29], [sflag:$0x1], $0x1000, $0x38;
	[tilespmem:$0x1C180] =	vst v63  }
0x8e: {  	_ =	swait.ge [sflag:s30], $0x1000  }
0x8f: {  	[sflag:s30] =	ssyncset.done $0x0  }
0x90: {  	[sflag:s30] =	ssyncadd.s32 $0xFFFFF000  }
0x91: {  	[spmem:s22] =	stream.linear.scatter [tilespmem:s29], [sflag:$0x1], $0x1000, $0x38;
	[tilespmem:$0x1C180] =	vst v63  }
0x92: {  	_ =	swait.ge [sflag:s30], $0x1000  }
0x93: {  	[sflag:s30] =	ssyncset.done $0x0  }
0x94: {  	[sflag:s30] =	ssyncadd.s32 $0xFFFFF000  }
0x95: {  	[spmem:s28] =	stream.linear.scatter [tilespmem:s29], [sflag:$0x1], $0x400, $0x38;
	[tilespmem:$0x1C180] =	vst v63  }
0x96: {  	_ =	swait.ge [sflag:s30], $0x400  }
0x97: {  	[sflag:s30] =	ssyncset.done $0x0  }
0x98: {  	[sflag:s30] =	ssyncadd.s32 $0xFFFFFC00  }
0x99: {  	[bflag:$0x0] =	sbarrier.arrive $0xFFFF  }
0x9a: {  	v8 =	vld [tilespmem:$0x0]  }
0x9b: {  	v9 =	vld [tilespmem:$0x80]  }
0x9c: {  	v10 =	vld [tilespmem:$0x0]  }
0x9d: {  	v11 =	vld [tilespmem:$0x10]  }
0x9e: {  	v12 =	vld [tilespmem:$0x90]  }
0x9f: {  	v13 =	vld [tilespmem:$0x10];
	v8 =	vadd.s32 v0, v8  }
0xa0: {  	[tilespmem:$0x100] =	vst v8;
	v8 =	vadd.s32 v0, v9  }
.Ltmp3:
0xa1: {  	[tilespmem:$0x180] =	vst v8;
	v8 =	vshrl.u32 v10, $0x4;
	(pc) =	sbr.rel .LBB2_4-.Ltmp3, $4  }
0xa2: {  	[tilespmem:$0x200] =	vst v8;
	v8 =	vadd.s32 v0, v11  }
0xa3: {  	[tilespmem:$0x110] =	vst v8;
	v8 =	vadd.s32 v0, v12  }
0xa4: {  	[tilespmem:$0x190] =	vst v8;
	v8 =	vshrl.u32 v13, $0x4  }
0xa5: {  	s1 =	simm.s32 $0x0;
	[tilespmem:$0x210] =	vst v8  }
.LBB2_7:
0xa6: {  	s1 =	sadd.s32 $0x1, s1  }
.LBB2_4:
0xa7: {  	v8 =	vld [tilespmem:$0x500]  }
0xa8: {  	v9 =	vld [tilespmem:$0x2500]  }
0xa9: {  	v10 =	vld [tilespmem:$0x2540]  }
0xaa: {  	v11 =	vld [tilespmem:$0x4500]  }
0xab: {  	v12 =	vld [tilespmem:$0x2510]  }
0xac: {  	v13 =	vld [tilespmem:$0x2550]  }
0xad: {  	v14 =	vld [tilespmem:$0x4510]  }
0xae: {  	v15 =	vld [tilespmem:$0x2520]  }
0xaf: {  	v16 =	vld [tilespmem:$0x2560]  }
0xb0: {  	v17 =	vld [tilespmem:$0x4520]  }
0xb1: {  	v22 =	vld [tilespmem:$0x2530]  }
0xb2: {  	v18 =	vld [tilespmem:$0x2570]  }
0xb3: {  	v25 =	vld [tilespmem:$0x4530];
	v9 =	vmul.f32 v11, v9;
	v10 =	vmul.f32 v10, v8;
	_ =	sdelay $0x1  }
0xb4: {  	v23 =	vmul.f32 v14, v12;
	v24 =	vmul.f32 v13, v8;
	v9 =	vadd.f32 v9, v10  }
0xb5: {  	v27 =	vmul.f32 v17, v15  }
0xb6: {  	v28 =	vmul.f32 v16, v8;
	v10 =	vadd.f32 v23, v24;
	v26 =	vperm.xlane v9, v3  }
0xb7: {  	v11 =	vmul.f32 v25, v22;
	v30 =	vmul.f32 v18, v8  }
0xb8: {  	v14 =	vadd.f32 v27, v28;
	v29 =	vperm.xlane v10, v3;
	v9 =	vadd.f32 v26, v9  }
0xb9: {  	v11 =	vadd.f32 v11, v30  }
0xba: {  	v32 =	vperm.xlane v14, v3;
	v10 =	vadd.f32 v29, v10;
	v31 =	vperm.xlane v9, v4  }
0xbb: {  	v34 =	vperm.xlane v11, v3  }
0xbc: {  	v12 =	vadd.f32 v32, v14;
	v33 =	vperm.xlane v10, v4;
	v9 =	vadd.f32 v31, v9  }
0xbd: {  	v11 =	vadd.f32 v34, v11  }
0xbe: {  	v35 =	vperm.xlane v12, v4;
	v10 =	vadd.f32 v33, v10;
	v15 =	vperm.xlane v9, v5  }
0xbf: {  	v37 =	vperm.xlane v11, v4  }
0xc0: {  	v12 =	vadd.f32 v35, v12;
	v36 =	vperm.xlane v10, v5;
	v9 =	vadd.f32 v15, v9  }
0xc1: {  	v11 =	vadd.f32 v37, v11  }
0xc2: {  	v38 =	vperm.xlane v12, v5;
	v10 =	vadd.f32 v36, v10;
	v15 =	vperm.xlane v9, v6  }
0xc3: {  	v40 =	vperm.xlane v11, v5  }
0xc4: {  	v12 =	vadd.f32 v38, v12;
	v39 =	vperm.xlane v10, v6;
	v9 =	vadd.f32 v15, v9  }
0xc5: {  	v11 =	vadd.f32 v40, v11  }
0xc6: {  	v44 =	vld [tilespmem:$0x0];
	v41 =	vperm.xlane v12, v6;
	v10 =	vadd.f32 v39, v10;
	v9 =	vmul.f32 $1.442695020e+00, v9  }
0xc7: {  	p0 =	sgt.u32 s1, $0x137;
	v46 =	vld [tilespmem:$0x4540];
	v42 =	vperm.xlane v11, v6  }
0xc8: {  	v15 =	vld @!p0 [tilespmem:$0x280];
	v12 =	vadd.f32 v41, v12;
	v10 =	vmul.f32 $1.442695020e+00, v10;
	(erf) = vpow2.f32 v9  }
0xc9: {  	v14 =	vld @!p0 [tilespmem:$0x300]  }
0xca: {  	v11 =	vadd.f32 v42, v11;
	v43 =	vmul.f32 $1.442695020e+00, v12;
	v9 =	vld @!p0 [tilespmem:$0x280];
	(erf) = vpow2.f32 v10  }
0xcb: {  	v16 =	vld @!p0 [tilespmem:$0x290]  }
0xcc: {  	v17 =	vld @!p0 [tilespmem:$0x310];
	v45 =	vmul.f32 $1.442695020e+00, v11;
	(erf) = vpow2.f32 v43  }
0xcd: {  	v12 =	vld @!p0 [tilespmem:$0x290];
	v11 =	vadd.s32 @!p0 v0, v15  }
0xce: {  	[tilespmem:$0x380] =	vst @!p0 v11;
	v11 =	vadd.s32 @!p0 v0, v14;
	(erf) = vpow2.f32 v45  }
0xcf: {  	v47 =	vld [tilespmem:$0x4550];
	[tilespmem:$0x400] =	vst @!p0 v11;
	v9 =	vshrl.u32 @!p0 v9, $0x4  }
0xd0: {  	[tilespmem:$0x480] =	vst @!p0 v9;
	v9 =	vadd.s32 @!p0 v0, v16  }
0xd1: {  	v49 =	vld [tilespmem:$0x4560];
	v13 =	vperm.xlane v44, v2;
	[tilespmem:$0x390] =	vst @!p0 v9;
	v9 =	vadd.s32 @!p0 v0, v17;
	v48 =	vpop (erf)  }
0xd2: {  	[tilespmem:$0x410] =	vst @!p0 v9;
	v9 =	vshrl.u32 @!p0 v12, $0x4;
	v50 =	vmul.f32 v48, v46  }
0xd3: {  	v54 =	vld [tilespmem:$0x4570];
	v52 =	vshll.u32 v13, $0x3;
	[tilespmem:$0x490] =	vst @!p0 v9;
	v51 =	vpop (erf);
	v53 =	vmul.f32 v48, v8  }
0xd4: {  	v55 =	vand.u32 $0x8, v52;
	v10 =	vmul.f32 v51, v47;
	[tilespmem:$0x4500] =	vst v50  }
0xd5: {  	vm0 =	veq.s32 v55, v7;
	v58 =	vor.u32 $0x1, v55;
	v56 =	vpop (erf);
	v57 =	vmul.f32 v51, v8;
	[tilespmem:$0x4540] =	vst v53  }
0xd6: {  	v61 =	vor.u32 $0x2, v55;
	v9 =	vand.u32 $0x70, v52;
	v14 =	vmul.f32 v56, v49;
	[tilespmem:$0x4510] =	vst v10  }
0xd7: {  	v63 =	vor.u32 $0x3, v55;
	v9 =	vor.u32 v7, v9;
	v59 =	vmul.f32 v56, v8;
	v60 =	vpop (erf);
	[tilespmem:$0x4550] =	vst v57  }
0xd8: {  	p1 =	seq.s32 s1, $0x138;
	vm13 =	veq.s32 v58, v7;
	v11 =	vnsel vm0, $0x0, v48;
	v62 =	vmul.f32 v60, v54;
	[tilespmem:$0x4520] =	vst v14  }
.Ltmp4:
0xd9: {  	vm14 =	veq.s32 v61, v7;
	v11 =	vsel vm13, v51, v11;
	v8 =	vmul.f32 v60, v8;
	[tilespmem:$0x4560] =	vst v59;
	(pc) =	sbr.rel @p1 .LBB2_8-.Ltmp4, $4  }
0xda: {  	vm15 =	veq.s32 v63, v7;
	v11 =	vsel vm14, v56, v11;
	[tilespmem:$0x4530] =	vst v62  }
0xdb: {  	[tilespmem:$0x4570] =	vst v8;
	v8 =	vsel vm15, v60, v11  }
0xdc: {  	[tilespmem:v9+s31+$0x0] =	vst.idx.msk $0xffff, v8  }
0xdd: {  	[tilespmem:v9+s31+$0x0] =	vst.idx.msk $0xffff, v1  }
0xde: {  	v8 =	vld [tilespmem:$0x0]  }
0xdf: {  	v9 =	vld [tilespmem:$0x80]  }
0xe0: {  	v10 =	vld [tilespmem:$0x0]  }
0xe1: {  	v11 =	vld [tilespmem:$0x10]  }
0xe2: {  	v12 =	vld [tilespmem:$0x90]  }
0xe3: {  	v13 =	vld [tilespmem:$0x10];
	v8 =	vadd.s32 v0, v8  }
0xe4: {  	[tilespmem:$0x100] =	vst v8;
	v8 =	vadd.s32 v0, v9  }
.Ltmp5:
0xe5: {  	[tilespmem:$0x180] =	vst v8;
	v8 =	vshrl.u32 v10, $0x4;
	(pc) =	sbr.rel @p0 .LBB2_7-.Ltmp5, $4  }
0xe6: {  	[tilespmem:$0x200] =	vst v8;
	v8 =	vadd.s32 v0, v11  }
0xe7: {  	[tilespmem:$0x110] =	vst v8;
	v8 =	vadd.s32 v0, v12  }
0xe8: {  	[tilespmem:$0x190] =	vst v8;
	v8 =	vshrl.u32 v13, $0x4  }
0xe9: {  	[tilespmem:$0x210] =	vst v8  }
0xea: {  	v8 =	vld [tilespmem:$0x1500]  }
0xeb: {  	v9 =	vld [tilespmem:$0x3500]  }
0xec: {  	v10 =	vld [tilespmem:$0x3540]  }
0xed: {  	v11 =	vld [tilespmem:$0x5500]  }
0xee: {  	v12 =	vld [tilespmem:$0x3510]  }
0xef: {  	v13 =	vld [tilespmem:$0x3550]  }
0xf0: {  	v14 =	vld [tilespmem:$0x5510]  }
0xf1: {  	v15 =	vld [tilespmem:$0x3520]  }
0xf2: {  	v16 =	vld [tilespmem:$0x3560]  }
0xf3: {  	v17 =	vld [tilespmem:$0x5520]  }
0xf4: {  	v21 =	vld [tilespmem:$0x3530]  }
0xf5: {  	v18 =	vld [tilespmem:$0x3570]  }
0xf6: {  	v24 =	vld [tilespmem:$0x5530];
	v9 =	vmul.f32 v11, v9;
	v10 =	vmul.f32 v10, v8;
	_ =	sdelay $0x1  }
0xf7: {  	v22 =	vmul.f32 v14, v12;
	v23 =	vmul.f32 v13, v8;
	v9 =	vadd.f32 v9, v10  }
0xf8: {  	v26 =	vmul.f32 v17, v15  }
0xf9: {  	v27 =	vmul.f32 v16, v8;
	v10 =	vadd.f32 v22, v23;
	v25 =	vperm.xlane v9, v3  }
0xfa: {  	v11 =	vmul.f32 v24, v21;
	v29 =	vmul.f32 v18, v8  }
0xfb: {  	v14 =	vadd.f32 v26, v27;
	v28 =	vperm.xlane v10, v3;
	v9 =	vadd.f32 v25, v9  }
0xfc: {  	v11 =	vadd.f32 v11, v29  }
0xfd: {  	v31 =	vperm.xlane v14, v3;
	v10 =	vadd.f32 v28, v10;
	v30 =	vperm.xlane v9, v4  }
0xfe: {  	v33 =	vperm.xlane v11, v3  }
0xff: {  	v12 =	vadd.f32 v31, v14;
	v32 =	vperm.xlane v10, v4;
	v9 =	vadd.f32 v30, v9  }
0x100: {  	v11 =	vadd.f32 v33, v11  }
0x101: {  	v34 =	vperm.xlane v12, v4;
	v10 =	vadd.f32 v32, v10;
	v15 =	vperm.xlane v9, v5  }
0x102: {  	v36 =	vperm.xlane v11, v4  }
0x103: {  	v12 =	vadd.f32 v34, v12;
	v35 =	vperm.xlane v10, v5;
	v9 =	vadd.f32 v15, v9  }
0x104: {  	v11 =	vadd.f32 v36, v11  }
0x105: {  	v37 =	vperm.xlane v12, v5;
	v10 =	vadd.f32 v35, v10;
	v15 =	vperm.xlane v9, v6  }
0x106: {  	v39 =	vperm.xlane v11, v5  }
0x107: {  	v12 =	vadd.f32 v37, v12;
	v38 =	vperm.xlane v10, v6;
	v9 =	vadd.f32 v15, v9  }
0x108: {  	v11 =	vadd.f32 v39, v11  }
0x109: {  	v40 =	vperm.xlane v12, v6;
	v10 =	vadd.f32 v38, v10;
	v9 =	vmul.f32 $1.442695020e+00, v9  }
0x10a: {  	v43 =	vperm.xlane v11, v6  }
0x10b: {  	v42 =	vadd.f32 v40, v12;
	v41 =	vmul.f32 $1.442695020e+00, v10;
	(erf) = vpow2.f32 v9;
	_ =	sdelay $0x1  }
0x10c: {  	v45 =	vadd.f32 v43, v11;
	v44 =	vmul.f32 $1.442695020e+00, v42;
	(erf) = vpow2.f32 v41;
	_ =	sdelay $0x1  }
0x10d: {  	v46 =	vld [tilespmem:$0x280];
	v47 =	vmul.f32 $1.442695020e+00, v45;
	(erf) = vpow2.f32 v44  }
0x10e: {  	v48 =	vld [tilespmem:$0x5540]  }
0x10f: {  	(erf) = vpow2.f32 v47  }
0x110: {  	v49 =	vld [tilespmem:$0x5550];
	_ =	sdelay $0x1  }
0x111: {  	v51 =	vld [tilespmem:$0x5560];
	v11 =	vperm.xlane v46, v2;
	v50 =	vpop (erf)  }
0x112: {  	v10 =	vmul.f32 v50, v48  }
0x113: {  	v54 =	vld [tilespmem:$0x5570];
	v11 =	vshll.u32 v11, $0x3;
	v52 =	vpop (erf);
	v53 =	vmul.f32 v50, v8  }
0x114: {  	v55 =	vand.u32 $0x8, v11;
	v9 =	vmul.f32 v52, v49;
	[tilespmem:$0x5500] =	vst v10  }
0x115: {  	v11 =	vand.u32 $0x70, v11;
	vm0 =	veq.s32 v55, v7;
	v56 =	vpop (erf);
	v57 =	vmul.f32 v52, v8;
	[tilespmem:$0x5540] =	vst v53  }
0x116: {  	v58 =	vor.u32 $0x1, v55;
	v11 =	vor.u32 v7, v11;
	v13 =	vmul.f32 v56, v51;
	[tilespmem:$0x5510] =	vst v9  }
0x117: {  	v61 =	vor.u32 $0x2, v55;
	v63 =	vor.u32 $0x3, v55;
	v59 =	vmul.f32 v56, v8;
	v60 =	vpop (erf);
	[tilespmem:$0x5550] =	vst v57  }
0x118: {  	vm13 =	veq.s32 v58, v7;
	v12 =	vnsel vm0, $0x0, v50;
	v62 =	vmul.f32 v60, v54;
	[tilespmem:$0x5520] =	vst v13  }
.Ltmp6:
0x119: {  	vm14 =	veq.s32 v61, v7;
	v12 =	vsel vm13, v52, v12;
	v8 =	vmul.f32 v60, v8;
	[tilespmem:$0x5560] =	vst v59;
	(pc) =	sbr.rel .LBB2_7-.Ltmp6, $4  }
0x11a: {  	vm15 =	veq.s32 v63, v7;
	v10 =	vsel vm14, v56, v12;
	[tilespmem:$0x5530] =	vst v62  }
0x11b: {  	[tilespmem:$0x5570] =	vst v8;
	v8 =	vsel vm15, v60, v10  }
0x11c: {  	[tilespmem:v11+s31+$0x0] =	vst.idx.msk $0xffff, v8  }
0x11d: {  	[tilespmem:v11+s31+$0x0] =	vst.idx.msk $0xffff, v1  }
.LBB2_9:
0x11e: {  	_ =	sfence.sel $0x180000  }
0x11f: {  	[bflag:$0x0] =	sbarrier.arrive $0xFFFF  }
0x120: {  	_ =	strace $0x9000004A  }
0x121: {  	s0 =	stileid.u32;
	[bflag:$0x2] =	sbarrier.arrive $0xFFFF  }
0x122: {  	p0 =	sne.s32 s0, $0x0;
	s0 =	rddreg [dreg:$0x3]  }
0x123: {  	s0 =	sadd.s32 @!p0 $0x100000, s0  }
0x124: {  	[sflag:s0] =	ssyncadd.tile.s32 @!p0 $0x1;
	_ =	shalt  }
.Lfunc_end2:
_tile_overlayer_lowered:
.L_overlay_start_2:
0x125: {  	(tag) =	ssettag $0x2  }
0x126: {  	s0 =	rddreg [dreg:$0x0];
	s2 =	stileid.u32  }
0x127: {  	s1 =	rddreg [dreg:$0x1];
	p0 =	sne.s32 s2, $0x0  }
0x128: {  	s3 =	rddreg [dreg:$0x2];
	[bflag:$0x3] =	sbarrier.arrive $0xFFFF;
	s2 =	simm.s32 @!p0 $0x1C01  }
0x129: {  	[timem:s3], [sflag:s2] =	dma.local @!p0 [hbm:s0], s1  }
0x12a: {  	s0 =	simm.s32 @!p0 $0x1  }
0x12b: {  	_ =	swait.ge @!p0 [sflag:s0], s1  }
0x12c: {  	s1 =	ssub.s32 @!p0 $0x0, s1;
	[sflag:s0] =	ssyncset.done @!p0 $0x0  }
0x12d: {  	[sflag:s0] =	ssyncadd.s32 @!p0 s1  }
0x12e: {  	[bflag:$0x3] =	sbarrier.arrive $0xFFFF  }
0x12f: {  	_ =	shalt  }

// kernel: kernel.9.cloned.1.call-start
scs
__scs_entry_jumppad:
0x0: {  	(pc) =	sbr.rel $0x88, $3  }
0x1: {  	(tag) =	ssettag $0x0;
	lr =	simm.s32 $0x1  }
0x2: {  	[smem:$0x3F87] =	sst lr;
	_ =	strace $0xD0000000  }
0x3: {  	_ = 	snop  }
0x4: {  	_ = 	snop  }
0x5: {  	_ = 	snop  }
0x6: {  	_ = 	snop  }
0x7: {  	_ = 	snop  }
__scs_overlays_trampoline_lowered:
0x8: {  	[smem:$0x3F96] =	sst s0  }
0x9: {  	[smem:$0x3F97] =	sst s1  }
0xa: {  	[smem:$0x3F98] =	sst s2  }
0xb: {  	[smem:$0x3F99] =	sst s3  }
0xc: {  	[smem:$0x3F9A] =	sst s4  }
0xd: {  	[smem:$0x3F9B] =	sst s5  }
0xe: {  	[smem:$0x3F9C] =	sst s6  }
0xf: {  	[smem:$0x3F9D] =	sst s7  }
0x10: {  	[smem:$0x3F9E] =	sst s8  }
0x11: {  	[smem:$0x3F9F] =	sst s9;
	s0 =	simm.s32 @!p0 $0x0  }
0x12: {  	s1 =	sld [smem:$0x3F85];
	s0 =	simm.s32 @p0 $0x1  }
0x13: {  	[smem:$0x3FA0] =	sst s0;
	s0 =	simm.s32 @!p1 $0x0  }
0x14: {  	s2 =	sld [smem:$0x3F84];
	s0 =	simm.s32 @p1 $0x1  }
0x15: {  	[smem:$0x3FA1] =	sst s0;
	s0 =	simm.s32 @!p2 $0x0  }
0x16: {  	s3 =	sld [smem:$0x3FDB];
	s0 =	simm.s32 @p2 $0x1  }
0x17: {  	s4 =	simm.s32 $0x1BF5;
	[smem:$0x3FA3] =	sst s0  }
0x18: {  	s0 =	sld [smem:$0x3F86];
	_ =	swait.ge [sflag:s4], $0x0  }
0x19: {  	s7 =	sld [smem:$0x3F87]  }
0x1a: {  	s8 =	sadd.s32 $0xFFFFE003, lr  }
0x1b: {  	s9 =	sadd.s32 $0xFFFFFEF7, lr;
	s5 =	simm.s32 $0xFFFFFFFF;
	p2 =	slt.u32 s8, $0xFFFFF086  }
0x1c: {  	p1 =	slt.u32 s9, $0xF7A;
	s5 =	simm.s32 @!p2 $0x0  }
0x1d: {  	s5 =	simm.s32 @p1 $0x1;
	p0 =	seq.s32 s7, s2  }
0x1e: {  	s7 =	smul.u32 @!p0 $0xF7A, s2;
	p2 =	seq.s32 @!p0 s5, $0x0  }
0x1f: {  	s9 =	smul.u32 $0xF7A, s1;
	s8 =	simm.s32 @!p0 $0x1BF5;
	p2 =	por !p2, p0  }
0x20: {  	[sflag:s8] =	ssyncset.s32 @!p0 $0xFFFFF086;
	s6 =	sadd.s32 @!p0 s3, s7;
	s7 =	simm.s32 @!p0 $0x108  }
0x21: {  	s3 =	sadd.s32 s3, s9;
	s6 =	sadd.s32 @!p0 $0x88, s6;
	s7 =	simm.s32 @p2 $0x1082  }
0x22: {  	[simem:s7], [sflag:s8] =	dma.local @!p0 [hbm:s6], $0xF7A  }
0x23: {  	s9 =	sor.u32 $0xD0000000, s2;
	s6 =	simm.s32 $0x108;
	_ =	swait.ge @!p0 [sflag:s8], $0x0  }
0x24: {  	s3 =	sadd.s32 $0x88, s3;
	s6 =	simm.s32 @!p1 $0x1082;
	[sflag:s4] =	ssyncset.s32 $0xFFFFF086  }
0x25: {  	[simem:s6], [sflag:s4] =	dma.local [hbm:s3], $0xF7A  }
0x26: {  	[smem:$0x3F87] =	sst s1;
	(tag) =	ssettag s2;
	_ =	strace s9  }
0x27: {  	s1 =	sld [smem:$0x3F97]  }
0x28: {  	s2 =	sld [smem:$0x3F98]  }
0x29: {  	s4 =	sld [smem:$0x3F9A]  }
0x2a: {  	p0 =	seq.s32 s5, $0x0;
	s5 =	sld [smem:$0x3F9B]  }
0x2b: {  	s6 =	sld [smem:$0x3F9C]  }
0x2c: {  	s7 =	sld [smem:$0x3F9D]  }
0x2d: {  	s3 =	simm.s32 $0x108;
	s8 =	sld [smem:$0x3F9E]  }
0x2e: {  	s3 =	simm.s32 @!p0 $0x1082;
	s9 =	sld [smem:$0x3F9F]  }
0x2f: {  	lr =	sadd.s32 s0, s3;
	s0 =	sld [smem:$0x3F96]  }
0x30: {  	s3 =	sld [smem:$0x3F99]  }
0x31: {  	[smem:$0x3FA2] =	sst s10  }
0x32: {  	s10 =	sld [smem:$0x3FA0];
	_ =	sdelay $0x3  }
0x33: {  	p0 =	seq.s32 s10, $0x1;
	s10 =	sld [smem:$0x3FA2];
	_ =	sdelay $0x3  }
0x34: {  	[smem:$0x3FA2] =	sst s10  }
0x35: {  	s10 =	sld [smem:$0x3FA1];
	_ =	sdelay $0x3  }
0x36: {  	p1 =	seq.s32 s10, $0x1;
	s10 =	sld [smem:$0x3FA2];
	_ =	sdelay $0x3  }
0x37: {  	[smem:$0x3FA2] =	sst s10  }
0x38: {  	s10 =	sld [smem:$0x3FA3]  }
0x39: {  	_ = 	snop;
	(pc) =	sbr.ind lr, $3  }
0x3a: {  	_ = 	snop  }
0x3b: {  	_ = 	snop  }
0x3c: {  	p2 =	seq.s32 s10, $0x1;
	s10 =	sld [smem:$0x3FA2]  }
0x3d: {  	_ =	shalt  }
0x3e: {  	_ =	shalt  }
0x3f: {  	_ =	shalt  }
0x40: {  	_ =	shalt  }
0x41: {  	_ =	shalt  }
0x42: {  	_ =	shalt  }
0x43: {  	_ =	shalt  }
0x44: {  	_ =	shalt  }
0x45: {  	_ =	shalt  }
0x46: {  	_ =	shalt  }
0x47: {  	_ =	shalt  }
0x48: {  	_ =	shalt  }
0x49: {  	_ =	shalt  }
0x4a: {  	_ =	shalt  }
0x4b: {  	_ =	shalt  }
0x4c: {  	_ =	shalt  }
0x4d: {  	_ =	shalt  }
0x4e: {  	_ =	shalt  }
0x4f: {  	_ =	shalt  }
0x50: {  	_ =	shalt  }
0x51: {  	_ =	shalt  }
0x52: {  	_ =	shalt  }
0x53: {  	_ =	shalt  }
0x54: {  	_ =	shalt  }
0x55: {  	_ =	shalt  }
0x56: {  	_ =	shalt  }
0x57: {  	_ =	shalt  }
0x58: {  	_ =	shalt  }
0x59: {  	_ =	shalt  }
0x5a: {  	_ =	shalt  }
0x5b: {  	_ =	shalt  }
0x5c: {  	_ =	shalt  }
0x5d: {  	_ =	shalt  }
0x5e: {  	_ =	shalt  }
0x5f: {  	_ =	shalt  }
0x60: {  	_ =	shalt  }
0x61: {  	_ =	shalt  }
0x62: {  	_ =	shalt  }
0x63: {  	_ =	shalt  }
0x64: {  	_ =	shalt  }
0x65: {  	_ =	shalt  }
0x66: {  	_ =	shalt  }
0x67: {  	_ =	shalt  }
0x68: {  	_ =	shalt  }
0x69: {  	_ =	shalt  }
0x6a: {  	_ =	shalt  }
0x6b: {  	_ =	shalt  }
0x6c: {  	_ =	shalt  }
0x6d: {  	_ =	shalt  }
0x6e: {  	_ =	shalt  }
0x6f: {  	_ =	shalt  }
0x70: {  	_ =	shalt  }
0x71: {  	_ =	shalt  }
0x72: {  	_ =	shalt  }
0x73: {  	_ =	shalt  }
0x74: {  	_ =	shalt  }
0x75: {  	_ =	shalt  }
0x76: {  	_ =	shalt  }
0x77: {  	_ =	shalt  }
0x78: {  	_ =	shalt  }
0x79: {  	_ =	shalt  }
0x7a: {  	_ =	shalt  }
0x7b: {  	_ =	shalt  }
0x7c: {  	_ =	shalt  }
0x7d: {  	_ =	shalt  }
0x7e: {  	_ =	shalt  }
0x7f: {  	_ =	shalt  }
0x80: {  	_ =	shalt  }
0x81: {  	_ =	shalt  }
0x82: {  	_ =	shalt  }
0x83: {  	_ =	shalt  }
0x84: {  	_ =	shalt  }
0x85: {  	_ =	shalt  }
0x86: {  	_ =	shalt  }
0x87: {  	_ =	shalt  }
.Lfunc_end0:
.L_simem_size_0:
called_computation_lowered:
.L_overlay_start_0:
0x88: {  	s2 =	sld [smem:$0x3FD9]  }
0x89: {  	s3 =	sld [smem:$0x3FFE];
	_ =	sdelay $0x1  }
0x8a: {  	s1 =	srdreg.scid  }
0x8b: {  	s0 =	sand.u32 $0x1, s1  }
0x8c: {  	s16 =	sshll.u32 s0, $0xA;
	s2 =	sadd.s32 s3, s2  }
0x8d: {  	s2 =	sadd.s32 s2, s16  }
0x8e: {  	[smem:$0x3FAE] =	sst s2  }
0x8f: {  	_ = 	snop  }
0x90: {  	(tm) =	ssettm $0x1  }
0x91: {  	s17 =	sld [smem:$0x3FFB];
	_ =	sdelay $0x3  }
0x92: {  	_ =	strace s17  }
0x93: {  	s2 =	sld [smem:$0x3FFC];
	_ =	sdelay $0x3  }
0x94: {  	_ =	strace s2  }
0x95: {  	s2 =	sld [smem:$0x3FFD];
	_ =	sdelay $0x3  }
0x96: {  	_ =	strace s2  }
0x97: {  	_ =	strace $0x8FFFFFFF  }
0x98: {  	s18 =	sld [smem:$0x3FDB];
	_ =	sdelay $0x1  }
0x99: {  	s19 =	simm.s32 $_scs_section_size  }
0x9a: {  	s4 =	simm.s32 $_size__tile_overlayer_lowered;
	s5 =	simm.s32 $_tile_overlayer_lowered  }
0x9b: {  	s22 =	simm.s32 $0x1BFF;
	s21 =	sshll.u32 s5, $0x1;
	s2 =	sadd.s32 s19, s18  }
0x9c: {  	s6 =	simm.s32 $0x0;
	s20 =	sshll.u32 s4, $0x1;
	s4 =	sadd.s32 s21, s2  }
0x9d: {  	[timem:s6], [sflag:s22] =	dma.local [hbm:s4], s20  }
0x9e: {  	_ =	swait.ge [sflag:s22], s20  }
0x9f: {  	s3 =	ssub.s32 $0x0, s20;
	[sflag:s22] =	ssyncset.done $0x0  }
0xa0: {  	[sflag:s22] =	ssyncadd.s32 s3;
	_ =	sdelay $0x1  }
0xa1: {  	s23 =	simm.s32 $0x1B8B  }
0xa2: {  	_ =	swait.ge [sflag:s23], $0x1  }
0xa3: {  	[sflag:s23] =	ssyncset.done $0x0  }
0xa4: {  	s25 =	simm.s32 $0x1B8E;
	s24 =	sld [smem:$0x3FFE];
	[sflag:s23] =	ssyncadd.s32 $0xFFFFFFFF  }
0xa5: {  	s26 =	simm.s32 $execute0_lowered;
	[smem:$0x3FD2] =	sst s25  }
0xa6: {  	s4 =	sshll.u32 s26, $0x1;
	_ =	strace $0x80000046;
	[dreg:$0x1] =	wrdreg $0xFFFFFFFF  }
0xa7: {  	s28 =	simm.s32 $_size_execute0_lowered;
	s2 =	sadd.s32 s2, s4;
	[dreg:$0x0] =	wrdreg $0x0  }
0xa8: {  	s4 =	sshll.u32 s28, $0x1;
	[dreg:$0x2] =	wrdreg s2  }
0xa9: {  	[dreg:$0x3] =	wrdreg s4  }
0xaa: {  	[dreg:$0x4] =	wrdreg $0xC0  }
0xab: {  	_ =	task [dreg:s6], $0x5FFFF  }
0xac: {  	[dreg:$0x1] =	wrdreg $0xFFFFFFFF  }
0xad: {  	[dreg:$0x0] =	wrdreg $0x60  }
0xae: {  	[dreg:$0x2] =	wrdreg s24  }
0xaf: {  	[dreg:$0x3] =	wrdreg $0x75000  }
0xb0: {  	[dreg:$0x4] =	wrdreg $0x1AD800  }
0xb1: {  	[dreg:$0x5] =	wrdreg $0x9  }
0xb2: {  	_ =	task.clear_ibuf [dreg:s6], $0x6FFFF;
	_ =	strace $0x90000046  }
0xb3: {  	s29 =	simm.s32 $0x9;
	_ =	strace $0x80000048  }
0xb4: {  	_ =	swait.ge [sflag:s29], $0x1  }
0xb5: {  	[sflag:s29] =	ssyncadd.s32 $0xFFFFFFFF  }
0xb6: {  	_ =	strace $0x90000048  }
0xb7: {  	_ =	sfence  }
0xb8: {  	s30 =	sld [smem:$0x0];
	_ =	sdelay $0x2  }
0xb9: {  	s31 =	sshll.u32 s1, $0xD;
	s1 =	sshrl.u32 s1, $0x2  }
0xba: {  	s3 =	sand.u32 $0x4000, s31;
	s1 =	sadd.s32 s1, s30  }
0xbb: {  	s0 =	sor.u32 s3, s0;
	s1 =	sshll.u32 s1, $0x11  }
0xbc: {  	s0 =	sor.u32 s1, s0  }
0xbd: {  	s0 =	sadd.s32 $0x8F2B, s0  }
0xbe: {  	[sflag:s0] =	ssyncadd.remote.s32 $0x1  }
0xbf: {  	_ =	sfence.sel $0xFFFF  }
0xc0: {  	[dreg:$0x0] =	wrdreg $0xFFFFFFFF;
	(pc) =	sbr.abs _section_cstart, $3  }
0xc1: {  	[dreg:$0x1] =	wrdreg $0xFFFFFFFF  }
0xc2: {  	_ =	task.clear_ibuf [dreg:s6], $0x2FFFF;
	_ =	strace $0x9FFFFFFF  }
0xc3: {  	(tm) =	ssettm $0x7FFFFFFF  }
tec
execute0_lowered:
.L_overlay_start_1:
0x0: {  	(tag) =	ssettag $0x1  }
0x1: {  	s0 =	srdreg.scid;
	s14 =	stileid.u32  }
0x2: {  	s3 =	rddreg [dreg:$0x0];
	s6 =	smul.u32 $0x13800, s14  }
0x3: {  	s5 =	rddreg [dreg:$0x1];
	s8 =	smul.u32 $0x1400, s14  }
0x4: {  	s1 =	rddreg [dreg:$0x2];
	s22 =	smul.u32 $0x4E000, s14  }
0x5: {  	s2 =	simm.s32 $0x0;
	s0 =	sand.u32 $0x1, s0;
	s19 =	smul.u32 $0x5000, s14  }
0x6: {  	v0 =	vimm.s32 $0xEFCDAB89;
	s29 =	simm.s32 $0x4500;
	s30 =	simm.s32 $0x1;
	s4 =	smul.u32 $0x138800, s0  }
0x7: {  	v1 =	vimm.s32 $0x67452301;
	s31 =	simm.s32 $0x6500;
	[smem:$0x7FF] =	sst s2;
	s7 =	smul.u32 $0x14000, s0  }
0x8: {  	v2 =	vimm.s32 $0xDCFE98BA;
	_ =	strace $0x80000047;
	s10 =	ssub.s32 $0x2, s0;
	s0 =	smul.u32 $0x2710, s0  }
0x9: {  	v4 =	vimm.s32 $0xBA98FEDC;
	v0 =	vunpack.c.l.s4.s8 v0;
	v1 =	vunpack.c.l.s4.s8 v1;
	s25 =	sshrl.u32 s22, $0x2;
	s11 =	sshrl.u32 s10, $0x1;
	s4 =	sadd.s32 s6, s4  }
0xa: {  	v5 =	vimm.s32 $0x32107654;
	v6 =	vimm.s32 $0xFEDCBA98;
	v7 =	vimm.s32 $0x76543210;
	s21 =	sadd.s32 s8, s7;
	s26 =	ssub.s32 s10, s11;
	s4 =	sshrl.u32 s4, $0x3  }
0xb: {  	v2 =	vunpack.c.l.s4.s8 v2;
	v3 =	vunpack.c.0.s8.s32 v0;
	v1 =	vunpack.c.0.s8.s32 v1;
	s24 =	sshrl.u32 s21, $0x3;
	s21 =	sshrl.u32 s19, $0x2;
	s23 =	sadd.s32 s4, s3  }
0xc: {  	v4 =	vunpack.c.l.s4.s8 v4;
	v5 =	vunpack.c.l.s4.s8 v5;
	v6 =	vunpack.c.l.s4.s8 v6;
	s24 =	sadd.s32 s24, s3;
	s3 =	sadd.s32 s25, s5;
	s21 =	sadd.s32 s21, s1  }
0xd: {  	v3 =	vcombine.low v1, v3;
	v1 =	vunpack.c.0.s8.s32 v2;
	v2 =	vimm.s32 $0x54761032;
	s25 =	smax.u32 s26, $0x1;
	s4 =	sadd.s32 $0x1000, s3;
	s5 =	sadd.s32 $0x2000, s3  }
0xe: {  	v7 =	vunpack.c.l.s4.s8 v7;
	v2 =	vunpack.c.l.s4.s8 v2;
	s6 =	sadd.s32 $0x3000, s3;
	s7 =	sadd.s32 $0x4000, s3;
	s8 =	sadd.s32 $0x5000, s3  }
0xf: {  	v4 =	vunpack.c.0.s8.s32 v4;
	v5 =	vunpack.c.0.s8.s32 v5;
	v6 =	vunpack.c.0.s8.s32 v6;
	s9 =	sadd.s32 $0x6000, s3;
	s10 =	sadd.s32 $0x7000, s3;
	s11 =	sadd.s32 $0x8000, s3  }
.Ltmp0:
0x10: {  	v7 =	vunpack.c.0.s8.s32 v7;
	s12 =	sadd.s32 $0x9000, s3;
	s13 =	sadd.s32 $0xA000, s3;
	v2 =	vunpack.c.0.s8.s32 v2;
	(pc) =	sbr.rel .LBB2_1-.Ltmp0, $4  }
0x11: {  	v5 =	vcombine.low v5, v4;
	v6 =	vand.u32 $0xF, v6;
	s14 =	sadd.s32 $0xB000, s3;
	s15 =	sadd.s32 $0xC000, s3;
	s16 =	sadd.s32 $0xD000, s3  }
0x12: {  	v0 =	vmov s0;
	v6 =	vcombine.low v6, v7;
	s17 =	sadd.s32 $0xE000, s3;
	s18 =	sadd.s32 $0xF000, s3;
	s19 =	sadd.s32 $0x10000, s3;
	v8 =	vcombine.low v2, v1  }
0x13: {  	v7 =	vlaneseq.u32;
	s20 =	sadd.s32 $0x11000, s3;
	s22 =	sadd.s32 $0x12000, s3;
	s23 =	sadd.s32 $0x5CC000, s23;
	v3 =	vand.u32 $0xF, v3;
	v5 =	vand.u32 $0xF, v5  }
0x14: {  	s24 =	sadd.s32 $0x5C7000, s24;
	s26 =	sadd.s32 $0x13000, s3;
	s28 =	sadd.s32 $0x1000, s21;
	v1 =	vimm.f32 $0.0e+00;
	v2 =	vimm.s32 $0x0;
	v4 =	vand.u32 $0xF, v8  }
.LBB2_8:
0x15: {  	s0 =	stileid.u32  }
0x16: {  	s0 =	sshll.u32 s0, $0x6  }
0x17: {  	[bflag:$0x0] =	sbarrier.arrive $0xFFFF;
	s1 =	sshrl.u32 s3, $0x3;
	s0 =	sor.u32 $0x1C01, s0  }
0x18: {  	[hbm:s23], [sflag:s0] =	dma.local [spmem:s1], $0x2800  }
0x19: {  	s2 =	sadd.s32 $0x1, s2;
	_ =	swait.ge [sflag:s30], $0x2800  }
0x1a: {  	p0 =	sne.s32 s2, s25;
	[sflag:s30] =	ssyncset.done $0x0  }
.Ltmp1:
0x1b: {  	s1 =	sshrl.u32 s21, $0x3;
	[sflag:s30] =	ssyncadd.s32 $0xFFFFD800;
	(pc) =	sbr.rel @!p0 .LBB2_9-.Ltmp1, $4  }
0x1c: {  	[hbm:s24], [sflag:s0] =	dma.local [spmem:s1], $0x280  }
0x1d: {  	_ =	swait.ge [sflag:s30], $0x280  }
0x1e: {  	[sflag:s30] =	ssyncset.done $0x0  }
0x1f: {  	[sflag:s30] =	ssyncadd.s32 $0xFFFFFD80  }
.LBB2_1:
0x20: {  	s1 =	simm.s32 $0x0;
	s0 =	simm.s32 $0x200  }
.LBB2_2:
0x21: {  	p0 =	sne.s32 s0, $0x3E00;
	[tilespmem:s1+$0x6570] =	vst v1  }
0x22: {  	[tilespmem:s1+$0x4500] =	vst v1  }
0x23: {  	[tilespmem:s1+$0x6500] =	vst v1  }
0x24: {  	[tilespmem:s1+$0x4510] =	vst v1  }
0x25: {  	[tilespmem:s1+$0x6510] =	vst v1  }
0x26: {  	[tilespmem:s1+$0x4520] =	vst v1  }
0x27: {  	[tilespmem:s1+$0x6520] =	vst v1  }
0x28: {  	[tilespmem:s1+$0x4530] =	vst v1  }
0x29: {  	[tilespmem:s1+$0x6530] =	vst v1  }
0x2a: {  	[tilespmem:s1+$0x4540] =	vst v1  }
0x2b: {  	[tilespmem:s1+$0x6540] =	vst v1  }
.Ltmp2:
0x2c: {  	[tilespmem:s1+$0x4550] =	vst v1;
	(pc) =	sbr.rel @p0 .LBB2_2-.Ltmp2, $4  }
0x2d: {  	[tilespmem:s1+$0x6550] =	vst v1  }
0x2e: {  	[tilespmem:s1+$0x4560] =	vst v1  }
0x2f: {  	[tilespmem:s1+$0x6560] =	vst v1  }
0x30: {  	[tilespmem:s1+$0x4570] =	vst v1;
	s1 =	sshra.s32 s0, $0x2;
	s0 =	sadd.s32 $0x200, s0  }
0x31: {  	[tilespmem:s1+$0x6570] =	vst v1  }
0x32: {  	[tilespmem:s1+$0x4500] =	vst v1  }
0x33: {  	[tilespmem:s1+$0x6500] =	vst v1  }
0x34: {  	[tilespmem:s1+$0x4510] =	vst v1  }
0x35: {  	[tilespmem:s1+$0x6510] =	vst v1  }
0x36: {  	[tilespmem:s1+$0x4520] =	vst v1  }
0x37: {  	[tilespmem:s1+$0x6520] =	vst v1  }
0x38: {  	[tilespmem:s1+$0x4530] =	vst v1  }
0x39: {  	[tilespmem:s1+$0x6530] =	vst v1  }
0x3a: {  	[tilespmem:s1+$0x4540] =	vst v1  }
0x3b: {  	[tilespmem:s1+$0x6540] =	vst v1  }
0x3c: {  	[tilespmem:s1+$0x4550] =	vst v1  }
0x3d: {  	[tilespmem:s1+$0x6550] =	vst v1  }
0x3e: {  	[tilespmem:s1+$0x4560] =	vst v1  }
0x3f: {  	[tilespmem:s1+$0x6560] =	vst v1  }
0x40: {  	[tilespmem:s1+$0x4570] =	vst v1  }
0x41: {  	[spmem:s3] =	stream.linear.scatter [tilespmem:s29], [sflag:$0x1], $0x1000, $0x38;
	[tilespmem:$0x1C180] =	vst v63  }
0x42: {  	_ =	swait.ge [sflag:s30], $0x1000  }
0x43: {  	[sflag:s30] =	ssyncset.done $0x0  }
0x44: {  	[sflag:s30] =	ssyncadd.s32 $0xFFFFF000  }
0x45: {  	[spmem:s4] =	stream.linear.scatter [tilespmem:s29], [sflag:$0x1], $0x1000, $0x38;
	[tilespmem:$0x1C180] =	vst v63  }
0x46: {  	_ =	swait.ge [sflag:s30], $0x1000  }
0x47: {  	[sflag:s30] =	ssyncset.done $0x0  }
0x48: {  	[sflag:s30] =	ssyncadd.s32 $0xFFFFF000  }
0x49: {  	[spmem:s5] =	stream.linear.scatter [tilespmem:s29], [sflag:$0x1], $0x1000, $0x38;
	[tilespmem:$0x1C180] =	vst v63  }
0x4a: {  	_ =	swait.ge [sflag:s30], $0x1000  }
0x4b: {  	[sflag:s30] =	ssyncset.done $0x0  }
0x4c: {  	[sflag:s30] =	ssyncadd.s32 $0xFFFFF000  }
0x4d: {  	[spmem:s6] =	stream.linear.scatter [tilespmem:s29], [sflag:$0x1], $0x1000, $0x38;
	[tilespmem:$0x1C180] =	vst v63  }
0x4e: {  	_ =	swait.ge [sflag:s30], $0x1000  }
0x4f: {  	[sflag:s30] =	ssyncset.done $0x0  }
0x50: {  	[sflag:s30] =	ssyncadd.s32 $0xFFFFF000  }
0x51: {  	[spmem:s7] =	stream.linear.scatter [tilespmem:s29], [sflag:$0x1], $0x1000, $0x38;
	[tilespmem:$0x1C180] =	vst v63  }
0x52: {  	_ =	swait.ge [sflag:s30], $0x1000  }
0x53: {  	[sflag:s30] =	ssyncset.done $0x0  }
0x54: {  	[sflag:s30] =	ssyncadd.s32 $0xFFFFF000  }
0x55: {  	[spmem:s8] =	stream.linear.scatter [tilespmem:s29], [sflag:$0x1], $0x1000, $0x38;
	[tilespmem:$0x1C180] =	vst v63  }
0x56: {  	_ =	swait.ge [sflag:s30], $0x1000  }
0x57: {  	[sflag:s30] =	ssyncset.done $0x0  }
0x58: {  	[sflag:s30] =	ssyncadd.s32 $0xFFFFF000  }
0x59: {  	[spmem:s9] =	stream.linear.scatter [tilespmem:s29], [sflag:$0x1], $0x1000, $0x38;
	[tilespmem:$0x1C180] =	vst v63  }
0x5a: {  	_ =	swait.ge [sflag:s30], $0x1000  }
0x5b: {  	[sflag:s30] =	ssyncset.done $0x0  }
0x5c: {  	[sflag:s30] =	ssyncadd.s32 $0xFFFFF000  }
0x5d: {  	[spmem:s10] =	stream.linear.scatter [tilespmem:s29], [sflag:$0x1], $0x1000, $0x38;
	[tilespmem:$0x1C180] =	vst v63  }
0x5e: {  	_ =	swait.ge [sflag:s30], $0x1000  }
0x5f: {  	[sflag:s30] =	ssyncset.done $0x0  }
0x60: {  	[sflag:s30] =	ssyncadd.s32 $0xFFFFF000  }
0x61: {  	[spmem:s11] =	stream.linear.scatter [tilespmem:s29], [sflag:$0x1], $0x1000, $0x38;
	[tilespmem:$0x1C180] =	vst v63  }
0x62: {  	_ =	swait.ge [sflag:s30], $0x1000  }
0x63: {  	[sflag:s30] =	ssyncset.done $0x0  }
0x64: {  	[sflag:s30] =	ssyncadd.s32 $0xFFFFF000  }
0x65: {  	[spmem:s12] =	stream.linear.scatter [tilespmem:s29], [sflag:$0x1], $0x1000, $0x38;
	[tilespmem:$0x1C180] =	vst v63  }
0x66: {  	_ =	swait.ge [sflag:s30], $0x1000  }
0x67: {  	[sflag:s30] =	ssyncset.done $0x0  }
0x68: {  	[sflag:s30] =	ssyncadd.s32 $0xFFFFF000  }
0x69: {  	[spmem:s13] =	stream.linear.scatter [tilespmem:s29], [sflag:$0x1], $0x1000, $0x38;
	[tilespmem:$0x1C180] =	vst v63  }
0x6a: {  	_ =	swait.ge [sflag:s30], $0x1000  }
0x6b: {  	[sflag:s30] =	ssyncset.done $0x0  }
0x6c: {  	[sflag:s30] =	ssyncadd.s32 $0xFFFFF000  }
0x6d: {  	[spmem:s14] =	stream.linear.scatter [tilespmem:s29], [sflag:$0x1], $0x1000, $0x38;
	[tilespmem:$0x1C180] =	vst v63  }
0x6e: {  	_ =	swait.ge [sflag:s30], $0x1000  }
0x6f: {  	[sflag:s30] =	ssyncset.done $0x0  }
0x70: {  	[sflag:s30] =	ssyncadd.s32 $0xFFFFF000  }
0x71: {  	[spmem:s15] =	stream.linear.scatter [tilespmem:s29], [sflag:$0x1], $0x1000, $0x38;
	[tilespmem:$0x1C180] =	vst v63  }
0x72: {  	_ =	swait.ge [sflag:s30], $0x1000  }
0x73: {  	[sflag:s30] =	ssyncset.done $0x0  }
0x74: {  	[sflag:s30] =	ssyncadd.s32 $0xFFFFF000  }
0x75: {  	[spmem:s16] =	stream.linear.scatter [tilespmem:s29], [sflag:$0x1], $0x1000, $0x38;
	[tilespmem:$0x1C180] =	vst v63  }
0x76: {  	_ =	swait.ge [sflag:s30], $0x1000  }
0x77: {  	[sflag:s30] =	ssyncset.done $0x0  }
0x78: {  	[sflag:s30] =	ssyncadd.s32 $0xFFFFF000  }
0x79: {  	[spmem:s17] =	stream.linear.scatter [tilespmem:s29], [sflag:$0x1], $0x1000, $0x38;
	[tilespmem:$0x1C180] =	vst v63  }
0x7a: {  	_ =	swait.ge [sflag:s30], $0x1000  }
0x7b: {  	[sflag:s30] =	ssyncset.done $0x0  }
0x7c: {  	[sflag:s30] =	ssyncadd.s32 $0xFFFFF000  }
0x7d: {  	[spmem:s18] =	stream.linear.scatter [tilespmem:s29], [sflag:$0x1], $0x1000, $0x38;
	[tilespmem:$0x1C180] =	vst v63  }
0x7e: {  	_ =	swait.ge [sflag:s30], $0x1000  }
0x7f: {  	[sflag:s30] =	ssyncset.done $0x0  }
0x80: {  	[sflag:s30] =	ssyncadd.s32 $0xFFFFF000  }
0x81: {  	[spmem:s19] =	stream.linear.scatter [tilespmem:s29], [sflag:$0x1], $0x1000, $0x38;
	[tilespmem:$0x1C180] =	vst v63  }
0x82: {  	_ =	swait.ge [sflag:s30], $0x1000  }
0x83: {  	[sflag:s30] =	ssyncset.done $0x0  }
0x84: {  	[sflag:s30] =	ssyncadd.s32 $0xFFFFF000  }
0x85: {  	[spmem:s20] =	stream.linear.scatter [tilespmem:s29], [sflag:$0x1], $0x1000, $0x38;
	[tilespmem:$0x1C180] =	vst v63  }
0x86: {  	_ =	swait.ge [sflag:s30], $0x1000  }
0x87: {  	[sflag:s30] =	ssyncset.done $0x0  }
0x88: {  	[sflag:s30] =	ssyncadd.s32 $0xFFFFF000  }
0x89: {  	[spmem:s22] =	stream.linear.scatter [tilespmem:s29], [sflag:$0x1], $0x1000, $0x38;
	[tilespmem:$0x1C180] =	vst v63  }
0x8a: {  	_ =	swait.ge [sflag:s30], $0x1000  }
0x8b: {  	[sflag:s30] =	ssyncset.done $0x0  }
0x8c: {  	[sflag:s30] =	ssyncadd.s32 $0xFFFFF000  }
0x8d: {  	[spmem:s26] =	stream.linear.scatter [tilespmem:s29], [sflag:$0x1], $0x1000, $0x38;
	[tilespmem:$0x1C180] =	vst v63  }
0x8e: {  	_ =	swait.ge [sflag:s30], $0x1000  }
0x8f: {  	[sflag:s30] =	ssyncset.done $0x0  }
0x90: {  	[sflag:s30] =	ssyncadd.s32 $0xFFFFF000  }
0x91: {  	[spmem:s21] =	stream.linear.scatter [tilespmem:s29], [sflag:$0x1], $0x1000, $0x38;
	[tilespmem:$0x1C180] =	vst v63  }
0x92: {  	_ =	swait.ge [sflag:s30], $0x1000  }
0x93: {  	[sflag:s30] =	ssyncset.done $0x0  }
0x94: {  	[sflag:s30] =	ssyncadd.s32 $0xFFFFF000  }
0x95: {  	[spmem:s28] =	stream.linear.scatter [tilespmem:s29], [sflag:$0x1], $0x400, $0x38;
	[tilespmem:$0x1C180] =	vst v63  }
0x96: {  	_ =	swait.ge [sflag:s30], $0x400  }
0x97: {  	[sflag:s30] =	ssyncset.done $0x0  }
0x98: {  	[sflag:s30] =	ssyncadd.s32 $0xFFFFFC00  }
0x99: {  	[bflag:$0x0] =	sbarrier.arrive $0xFFFF  }
0x9a: {  	v8 =	vld [tilespmem:$0x0]  }
0x9b: {  	v9 =	vld [tilespmem:$0x80]  }
0x9c: {  	v10 =	vld [tilespmem:$0x0]  }
0x9d: {  	v11 =	vld [tilespmem:$0x10]  }
0x9e: {  	v12 =	vld [tilespmem:$0x90]  }
0x9f: {  	v13 =	vld [tilespmem:$0x10];
	v8 =	vadd.s32 v0, v8  }
0xa0: {  	[tilespmem:$0x100] =	vst v8;
	v8 =	vadd.s32 v0, v9  }
.Ltmp3:
0xa1: {  	[tilespmem:$0x180] =	vst v8;
	v8 =	vshrl.u32 v10, $0x4;
	(pc) =	sbr.rel .LBB2_4-.Ltmp3, $4  }
0xa2: {  	[tilespmem:$0x200] =	vst v8;
	v8 =	vadd.s32 v0, v11  }
0xa3: {  	[tilespmem:$0x110] =	vst v8;
	v8 =	vadd.s32 v0, v12  }
0xa4: {  	[tilespmem:$0x190] =	vst v8;
	v8 =	vshrl.u32 v13, $0x4  }
0xa5: {  	s1 =	simm.s32 $0x0;
	[tilespmem:$0x210] =	vst v8  }
.LBB2_7:
0xa6: {  	s1 =	sadd.s32 $0x1, s1  }
.LBB2_4:
0xa7: {  	v8 =	vld [tilespmem:$0x500]  }
0xa8: {  	v9 =	vld [tilespmem:$0x2500]  }
0xa9: {  	v10 =	vld [tilespmem:$0x2540]  }
0xaa: {  	v11 =	vld [tilespmem:$0x4500]  }
0xab: {  	v12 =	vld [tilespmem:$0x2510]  }
0xac: {  	v13 =	vld [tilespmem:$0x2550]  }
0xad: {  	v14 =	vld [tilespmem:$0x4510]  }
0xae: {  	v15 =	vld [tilespmem:$0x2520]  }
0xaf: {  	v16 =	vld [tilespmem:$0x2560]  }
0xb0: {  	v17 =	vld [tilespmem:$0x4520]  }
0xb1: {  	v22 =	vld [tilespmem:$0x2530]  }
0xb2: {  	v18 =	vld [tilespmem:$0x2570]  }
0xb3: {  	v25 =	vld [tilespmem:$0x4530];
	v9 =	vmul.f32 v11, v9;
	v10 =	vmul.f32 v10, v8;
	_ =	sdelay $0x1  }
0xb4: {  	v23 =	vmul.f32 v14, v12;
	v24 =	vmul.f32 v13, v8;
	v9 =	vadd.f32 v9, v10  }
0xb5: {  	v27 =	vmul.f32 v17, v15  }
0xb6: {  	v28 =	vmul.f32 v16, v8;
	v10 =	vadd.f32 v23, v24;
	v26 =	vperm.xlane v9, v3  }
0xb7: {  	v11 =	vmul.f32 v25, v22;
	v30 =	vmul.f32 v18, v8  }
0xb8: {  	v14 =	vadd.f32 v27, v28;
	v29 =	vperm.xlane v10, v3;
	v9 =	vadd.f32 v26, v9  }
0xb9: {  	v11 =	vadd.f32 v11, v30  }
0xba: {  	v32 =	vperm.xlane v14, v3;
	v10 =	vadd.f32 v29, v10;
	v31 =	vperm.xlane v9, v4  }
0xbb: {  	v34 =	vperm.xlane v11, v3  }
0xbc: {  	v12 =	vadd.f32 v32, v14;
	v33 =	vperm.xlane v10, v4;
	v9 =	vadd.f32 v31, v9  }
0xbd: {  	v11 =	vadd.f32 v34, v11  }
0xbe: {  	v35 =	vperm.xlane v12, v4;
	v10 =	vadd.f32 v33, v10;
	v15 =	vperm.xlane v9, v5  }
0xbf: {  	v37 =	vperm.xlane v11, v4  }
0xc0: {  	v12 =	vadd.f32 v35, v12;
	v36 =	vperm.xlane v10, v5;
	v9 =	vadd.f32 v15, v9  }
0xc1: {  	v11 =	vadd.f32 v37, v11  }
0xc2: {  	v38 =	vperm.xlane v12, v5;
	v10 =	vadd.f32 v36, v10;
	v15 =	vperm.xlane v9, v6  }
0xc3: {  	v40 =	vperm.xlane v11, v5  }
0xc4: {  	v12 =	vadd.f32 v38, v12;
	v39 =	vperm.xlane v10, v6;
	v9 =	vadd.f32 v15, v9  }
0xc5: {  	v11 =	vadd.f32 v40, v11  }
0xc6: {  	v44 =	vld [tilespmem:$0x0];
	v41 =	vperm.xlane v12, v6;
	v10 =	vadd.f32 v39, v10;
	v9 =	vmul.f32 $1.442695020e+00, v9  }
0xc7: {  	p0 =	sgt.u32 s1, $0x137;
	v46 =	vld [tilespmem:$0x4540];
	v42 =	vperm.xlane v11, v6  }
0xc8: {  	v15 =	vld @!p0 [tilespmem:$0x280];
	v12 =	vadd.f32 v41, v12;
	v10 =	vmul.f32 $1.442695020e+00, v10;
	(erf) = vpow2.f32 v9  }
0xc9: {  	v14 =	vld @!p0 [tilespmem:$0x300]  }
0xca: {  	v11 =	vadd.f32 v42, v11;
	v43 =	vmul.f32 $1.442695020e+00, v12;
	v9 =	vld @!p0 [tilespmem:$0x280];
	(erf) = vpow2.f32 v10  }
0xcb: {  	v16 =	vld @!p0 [tilespmem:$0x290]  }
0xcc: {  	v17 =	vld @!p0 [tilespmem:$0x310];
	v45 =	vmul.f32 $1.442695020e+00, v11;
	(erf) = vpow2.f32 v43  }
0xcd: {  	v12 =	vld @!p0 [tilespmem:$0x290];
	v11 =	vadd.s32 @!p0 v0, v15  }
0xce: {  	[tilespmem:$0x380] =	vst @!p0 v11;
	v11 =	vadd.s32 @!p0 v0, v14;
	(erf) = vpow2.f32 v45  }
0xcf: {  	v47 =	vld [tilespmem:$0x4550];
	[tilespmem:$0x400] =	vst @!p0 v11;
	v9 =	vshrl.u32 @!p0 v9, $0x4  }
0xd0: {  	[tilespmem:$0x480] =	vst @!p0 v9;
	v9 =	vadd.s32 @!p0 v0, v16  }
0xd1: {  	v49 =	vld [tilespmem:$0x4560];
	v13 =	vperm.xlane v44, v2;
	[tilespmem:$0x390] =	vst @!p0 v9;
	v9 =	vadd.s32 @!p0 v0, v17;
	v48 =	vpop (erf)  }
0xd2: {  	[tilespmem:$0x410] =	vst @!p0 v9;
	v9 =	vshrl.u32 @!p0 v12, $0x4;
	v50 =	vmul.f32 v48, v46  }
0xd3: {  	v54 =	vld [tilespmem:$0x4570];
	v52 =	vshll.u32 v13, $0x3;
	[tilespmem:$0x490] =	vst @!p0 v9;
	v51 =	vpop (erf);
	v53 =	vmul.f32 v48, v8  }
0xd4: {  	v55 =	vand.u32 $0x8, v52;
	v10 =	vmul.f32 v51, v47;
	[tilespmem:$0x4500] =	vst v50  }
0xd5: {  	vm0 =	veq.s32 v55, v7;
	v58 =	vor.u32 $0x1, v55;
	v56 =	vpop (erf);
	v57 =	vmul.f32 v51, v8;
	[tilespmem:$0x4540] =	vst v53  }
0xd6: {  	v61 =	vor.u32 $0x2, v55;
	v9 =	vand.u32 $0x70, v52;
	v14 =	vmul.f32 v56, v49;
	[tilespmem:$0x4510] =	vst v10  }
0xd7: {  	v63 =	vor.u32 $0x3, v55;
	v9 =	vor.u32 v7, v9;
	v59 =	vmul.f32 v56, v8;
	v60 =	vpop (erf);
	[tilespmem:$0x4550] =	vst v57  }
0xd8: {  	p1 =	seq.s32 s1, $0x138;
	vm13 =	veq.s32 v58, v7;
	v11 =	vnsel vm0, $0x0, v48;
	v62 =	vmul.f32 v60, v54;
	[tilespmem:$0x4520] =	vst v14  }
.Ltmp4:
0xd9: {  	vm14 =	veq.s32 v61, v7;
	v11 =	vsel vm13, v51, v11;
	v8 =	vmul.f32 v60, v8;
	[tilespmem:$0x4560] =	vst v59;
	(pc) =	sbr.rel @p1 .LBB2_8-.Ltmp4, $4  }
0xda: {  	vm15 =	veq.s32 v63, v7;
	v11 =	vsel vm14, v56, v11;
	[tilespmem:$0x4530] =	vst v62  }
0xdb: {  	[tilespmem:$0x4570] =	vst v8;
	v8 =	vsel vm15, v60, v11  }
0xdc: {  	[tilespmem:v9+s31+$0x0] =	vst.idx.msk $0xffff, v8  }
0xdd: {  	[tilespmem:v9+s31+$0x0] =	vst.idx.msk $0xffff, v1  }
0xde: {  	v8 =	vld [tilespmem:$0x0]  }
0xdf: {  	v9 =	vld [tilespmem:$0x80]  }
0xe0: {  	v10 =	vld [tilespmem:$0x0]  }
0xe1: {  	v11 =	vld [tilespmem:$0x10]  }
0xe2: {  	v12 =	vld [tilespmem:$0x90]  }
0xe3: {  	v13 =	vld [tilespmem:$0x10];
	v8 =	vadd.s32 v0, v8  }
0xe4: {  	[tilespmem:$0x100] =	vst v8;
	v8 =	vadd.s32 v0, v9  }
.Ltmp5:
0xe5: {  	[tilespmem:$0x180] =	vst v8;
	v8 =	vshrl.u32 v10, $0x4;
	(pc) =	sbr.rel @p0 .LBB2_7-.Ltmp5, $4  }
0xe6: {  	[tilespmem:$0x200] =	vst v8;
	v8 =	vadd.s32 v0, v11  }
0xe7: {  	[tilespmem:$0x110] =	vst v8;
	v8 =	vadd.s32 v0, v12  }
0xe8: {  	[tilespmem:$0x190] =	vst v8;
	v8 =	vshrl.u32 v13, $0x4  }
0xe9: {  	[tilespmem:$0x210] =	vst v8  }
0xea: {  	v8 =	vld [tilespmem:$0x1500]  }
0xeb: {  	v9 =	vld [tilespmem:$0x3500]  }
0xec: {  	v10 =	vld [tilespmem:$0x3540]  }
0xed: {  	v11 =	vld [tilespmem:$0x5500]  }
0xee: {  	v12 =	vld [tilespmem:$0x3510]  }
0xef: {  	v13 =	vld [tilespmem:$0x3550]  }
0xf0: {  	v14 =	vld [tilespmem:$0x5510]  }
0xf1: {  	v15 =	vld [tilespmem:$0x3520]  }
0xf2: {  	v16 =	vld [tilespmem:$0x3560]  }
0xf3: {  	v17 =	vld [tilespmem:$0x5520]  }
0xf4: {  	v21 =	vld [tilespmem:$0x3530]  }
0xf5: {  	v18 =	vld [tilespmem:$0x3570]  }
0xf6: {  	v24 =	vld [tilespmem:$0x5530];
	v9 =	vmul.f32 v11, v9;
	v10 =	vmul.f32 v10, v8;
	_ =	sdelay $0x1  }
0xf7: {  	v22 =	vmul.f32 v14, v12;
	v23 =	vmul.f32 v13, v8;
	v9 =	vadd.f32 v9, v10  }
0xf8: {  	v26 =	vmul.f32 v17, v15  }
0xf9: {  	v27 =	vmul.f32 v16, v8;
	v10 =	vadd.f32 v22, v23;
	v25 =	vperm.xlane v9, v3  }
0xfa: {  	v11 =	vmul.f32 v24, v21;
	v29 =	vmul.f32 v18, v8  }
0xfb: {  	v14 =	vadd.f32 v26, v27;
	v28 =	vperm.xlane v10, v3;
	v9 =	vadd.f32 v25, v9  }
0xfc: {  	v11 =	vadd.f32 v11, v29  }
0xfd: {  	v31 =	vperm.xlane v14, v3;
	v10 =	vadd.f32 v28, v10;
	v30 =	vperm.xlane v9, v4  }
0xfe: {  	v33 =	vperm.xlane v11, v3  }
0xff: {  	v12 =	vadd.f32 v31, v14;
	v32 =	vperm.xlane v10, v4;
	v9 =	vadd.f32 v30, v9  }
0x100: {  	v11 =	vadd.f32 v33, v11  }
0x101: {  	v34 =	vperm.xlane v12, v4;
	v10 =	vadd.f32 v32, v10;
	v15 =	vperm.xlane v9, v5  }
0x102: {  	v36 =	vperm.xlane v11, v4  }
0x103: {  	v12 =	vadd.f32 v34, v12;
	v35 =	vperm.xlane v10, v5;
	v9 =	vadd.f32 v15, v9  }
0x104: {  	v11 =	vadd.f32 v36, v11  }
0x105: {  	v37 =	vperm.xlane v12, v5;
	v10 =	vadd.f32 v35, v10;
	v15 =	vperm.xlane v9, v6  }
0x106: {  	v39 =	vperm.xlane v11, v5  }
0x107: {  	v12 =	vadd.f32 v37, v12;
	v38 =	vperm.xlane v10, v6;
	v9 =	vadd.f32 v15, v9  }
0x108: {  	v11 =	vadd.f32 v39, v11  }
0x109: {  	v40 =	vperm.xlane v12, v6;
	v10 =	vadd.f32 v38, v10;
	v9 =	vmul.f32 $1.442695020e+00, v9  }
0x10a: {  	v43 =	vperm.xlane v11, v6  }
0x10b: {  	v42 =	vadd.f32 v40, v12;
	v41 =	vmul.f32 $1.442695020e+00, v10;
	(erf) = vpow2.f32 v9;
	_ =	sdelay $0x1  }
0x10c: {  	v45 =	vadd.f32 v43, v11;
	v44 =	vmul.f32 $1.442695020e+00, v42;
	(erf) = vpow2.f32 v41;
	_ =	sdelay $0x1  }
0x10d: {  	v46 =	vld [tilespmem:$0x280];
	v47 =	vmul.f32 $1.442695020e+00, v45;
	(erf) = vpow2.f32 v44  }
0x10e: {  	v48 =	vld [tilespmem:$0x5540]  }
0x10f: {  	(erf) = vpow2.f32 v47  }
0x110: {  	v49 =	vld [tilespmem:$0x5550];
	_ =	sdelay $0x1  }
0x111: {  	v51 =	vld [tilespmem:$0x5560];
	v11 =	vperm.xlane v46, v2;
	v50 =	vpop (erf)  }
0x112: {  	v10 =	vmul.f32 v50, v48  }
0x113: {  	v54 =	vld [tilespmem:$0x5570];
	v11 =	vshll.u32 v11, $0x3;
	v52 =	vpop (erf);
	v53 =	vmul.f32 v50, v8  }
0x114: {  	v55 =	vand.u32 $0x8, v11;
	v9 =	vmul.f32 v52, v49;
	[tilespmem:$0x5500] =	vst v10  }
0x115: {  	v11 =	vand.u32 $0x70, v11;
	vm0 =	veq.s32 v55, v7;
	v56 =	vpop (erf);
	v57 =	vmul.f32 v52, v8;
	[tilespmem:$0x5540] =	vst v53  }
0x116: {  	v58 =	vor.u32 $0x1, v55;
	v11 =	vor.u32 v7, v11;
	v13 =	vmul.f32 v56, v51;
	[tilespmem:$0x5510] =	vst v9  }
0x117: {  	v61 =	vor.u32 $0x2, v55;
	v63 =	vor.u32 $0x3, v55;
	v59 =	vmul.f32 v56, v8;
	v60 =	vpop (erf);
	[tilespmem:$0x5550] =	vst v57  }
0x118: {  	vm13 =	veq.s32 v58, v7;
	v12 =	vnsel vm0, $0x0, v50;
	v62 =	vmul.f32 v60, v54;
	[tilespmem:$0x5520] =	vst v13  }
.Ltmp6:
0x119: {  	vm14 =	veq.s32 v61, v7;
	v12 =	vsel vm13, v52, v12;
	v8 =	vmul.f32 v60, v8;
	[tilespmem:$0x5560] =	vst v59;
	(pc) =	sbr.rel .LBB2_7-.Ltmp6, $4  }
0x11a: {  	vm15 =	veq.s32 v63, v7;
	v10 =	vsel vm14, v56, v12;
	[tilespmem:$0x5530] =	vst v62  }
0x11b: {  	[tilespmem:$0x5570] =	vst v8;
	v8 =	vsel vm15, v60, v10  }
0x11c: {  	[tilespmem:v11+s31+$0x0] =	vst.idx.msk $0xffff, v8  }
0x11d: {  	[tilespmem:v11+s31+$0x0] =	vst.idx.msk $0xffff, v1  }
.LBB2_9:
0x11e: {  	_ =	sfence.sel $0x180000  }
0x11f: {  	[bflag:$0x0] =	sbarrier.arrive $0xFFFF  }
0x120: {  	_ =	strace $0x90000047  }
0x121: {  	s0 =	stileid.u32;
	[bflag:$0x2] =	sbarrier.arrive $0xFFFF  }
0x122: {  	p0 =	sne.s32 s0, $0x0;
	s0 =	rddreg [dreg:$0x3]  }
0x123: {  	s0 =	sadd.s32 @!p0 $0x100000, s0  }
0x124: {  	[sflag:s0] =	ssyncadd.tile.s32 @!p0 $0x1;
	_ =	shalt  }
.Lfunc_end2:
_tile_overlayer_lowered:
.L_overlay_start_2:
0x125: {  	(tag) =	ssettag $0x2  }
0x126: {  	s0 =	rddreg [dreg:$0x0];
	s2 =	stileid.u32  }
0x127: {  	s1 =	rddreg [dreg:$0x1];
	p0 =	sne.s32 s2, $0x0  }
0x128: {  	s3 =	rddreg [dreg:$0x2];
	[bflag:$0x3] =	sbarrier.arrive $0xFFFF;
	s2 =	simm.s32 @!p0 $0x1C01  }
0x129: {  	[timem:s3], [sflag:s2] =	dma.local @!p0 [hbm:s0], s1  }
0x12a: {  	s0 =	simm.s32 @!p0 $0x1  }
0x12b: {  	_ =	swait.ge @!p0 [sflag:s0], s1  }
0x12c: {  	s1 =	ssub.s32 @!p0 $0x0, s1;
	[sflag:s0] =	ssyncset.done @!p0 $0x0  }
0x12d: {  	[sflag:s0] =	ssyncadd.s32 @!p0 s1  }
0x12e: {  	[bflag:$0x3] =	sbarrier.arrive $0xFFFF  }
0x12f: {  	_ =	shalt  }

</sc_bundles>
